<compile_context>
chip_gen: v7x
topology: tpu7x:2x2x1
jax: 0.10.2.dev20260603
libtpu: 0.0.44.dev20260713+nightly
codegen_flags: <defaults>
</compile_context>

<pallas_src>
import functools

import jax
import jax.numpy as jnp
from jax import lax
from jax.experimental import pallas as pl
from jax.experimental.pallas import tpu as pltpu
from jax.experimental.pallas import tpu_sc as plsc

NN = 10000
NPAD = 10240
NE = 320000
DH = 16
DIN = 128

NC, NS = 2, 16
NW = NC * NS
CHUNK = 80
NCHUNK = 125
EPT = NCHUNK * CHUNK
ZCH = 128
RPT = NPAD // NS
KG = 5
NGRP = NCHUNK // KG

_mesh = plsc.VectorSubcoreMesh(core_axis_name="c", subcore_axis_name="s")


def _sc_pass_body(with_gather, g_hbm, ei_hbm, out_hbm,
                  src_v, dst_v, rows, zbuf, acc_sh, g_sh, sem_g, sem_s):
    cid = lax.axis_index("c")
    sid = lax.axis_index("s")
    wid = sid * NC + cid

    def _zrow(i, _):
        zbuf[i] = jnp.zeros((DH,), jnp.float32)
        return 0
    lax.fori_loop(0, ZCH, _zrow, 0)
    for r in range(RPT // ZCH):
        pltpu.sync_copy(zbuf, acc_sh.at[pl.ds(sid * RPT + r * ZCH, ZCH)])

    base = wid * EPT
    pltpu.sync_copy(ei_hbm.at[1, pl.ds(base, EPT)], dst_v)
    if with_gather:
        pltpu.sync_copy(ei_hbm.at[0, pl.ds(base, EPT)], src_v)
        pltpu.sync_copy(g_hbm.at[pl.ds(sid * RPT, RPT)],
                        g_sh.at[pl.ds(sid * RPT, RPT)])
    else:
        def _orow(i, _):
            rows[0, i] = jnp.ones((DH,), jnp.float32)
            return 0
        lax.fori_loop(0, CHUNK, _orow, 0)
    plsc.subcore_barrier()

    def _wait_g():
        pltpu.make_async_copy(g_hbm.at[pl.ds(0, CHUNK)], rows.at[0], sem_g).wait()

    def _wait_s():
        pltpu.make_async_copy(g_hbm.at[pl.ds(0, CHUNK)], rows.at[0], sem_s).wait()

    def _fire_gathers(g, h):
        c0 = g * KG * CHUNK
        for j in range(KG):
            pltpu.async_copy(
                g_sh.at[src_v.at[pl.ds(c0 + j * CHUNK, CHUNK)]],
                rows.at[h * KG + j], sem_g)

    def _fire_scatters(g, h):
        c0 = g * KG * CHUNK
        for j in range(KG):
            pltpu.async_copy(
                rows.at[h * KG + j],
                acc_sh.at[dst_v.at[pl.ds(c0 + j * CHUNK, CHUNK)]],
                sem_s, add=True)

    if with_gather:
        _fire_gathers(0, 0)

        def _grp(g, _):
            h = g % 2

            @pl.when(g >= 1)
            def _():
                for _j in range(KG):
                    _wait_s()

            @pl.when(g < NGRP - 1)
            def _():
                _fire_gathers(g + 1, 1 - h)
            for _j in range(KG):
                _wait_g()
            _fire_scatters(g, h)
            return 0
        lax.fori_loop(0, NGRP, _grp, 0)
        for _j in range(KG):
            _wait_s()
    else:
        def _grp(g, _):
            c0 = g * KG * CHUNK

            @pl.when(g >= 1)
            def _():
                for _j in range(KG):
                    _wait_s()
            for j in range(KG):
                pltpu.async_copy(
                    rows.at[0],
                    acc_sh.at[dst_v.at[pl.ds(c0 + j * CHUNK, CHUNK)]],
                    sem_s, add=True)
            return 0
        lax.fori_loop(0, NGRP, _grp, 0)
        for _j in range(KG):
            _wait_s()
    plsc.subcore_barrier()

    for r in range(RPT // ZCH):
        row = sid * RPT + r * ZCH
        pltpu.sync_copy(acc_sh.at[pl.ds(row, ZCH)],
                        out_hbm.at[cid, pl.ds(row, ZCH)])


def _make_sc_pass(with_gather):
    return pl.kernel(
        functools.partial(_sc_pass_body, with_gather),
        out_type=jax.ShapeDtypeStruct((NC, NPAD, DH), jnp.float32),
        mesh=_mesh,
        scratch_types=[
            pltpu.VMEM((EPT,), jnp.int32),
            pltpu.VMEM((EPT,), jnp.int32),
            pltpu.VMEM((2 * KG, CHUNK, DH), jnp.float32),
            pltpu.VMEM((ZCH, DH), jnp.float32),
            pltpu.VMEM_SHARED((NPAD, DH), jnp.float32),
            pltpu.VMEM_SHARED((NPAD, DH), jnp.float32),
            pltpu.SemaphoreType.DMA,
            pltpu.SemaphoreType.DMA,
        ],
        compiler_params=pltpu.CompilerParams(use_tc_tiling_on_sc=False),
    )


_sc_edge_pass = _make_sc_pass(True)
_sc_deg_pass = _make_sc_pass(False)


NP8 = NPAD // 8
NR8 = NN // 8


def _tc_mm0_body(x8_ref, w0b_ref, hw_ref):
    hw = jnp.dot(x8_ref[...], w0b_ref[...], preferred_element_type=jnp.float32)
    hw_ref[...] = jnp.concatenate([hw, jnp.zeros((NP8 - NR8, 128), jnp.float32)])


def _tc_scale_body(degp_ref, hw_ref, g_ref, dinv_ref):
    deg = degp_ref[0] + degp_ref[1] + 1.0
    dinv = lax.rsqrt(deg)
    dinv_ref[...] = dinv
    g_ref[...] = dinv * hw_ref[...]


def _tc_layer_body(accp_ref, hwp_ref, dinv_ref, b_ref, w_ref, hw_ref, g_ref):
    dinv = dinv_ref[...]
    h = dinv * (accp_ref[0] + accp_ref[1]) + dinv * dinv * hwp_ref[...] + b_ref[...]
    h = jnp.maximum(h, 0.0)
    hw = jnp.dot(h, w_ref[...], preferred_element_type=jnp.float32)
    hw_ref[...] = hw
    g_ref[...] = dinv * hw


def _tc_final_body(accp_ref, hwp_ref, dinv_ref, b_ref, out_ref):
    dinv = dinv_ref[...]
    out_ref[...] = (dinv * (accp_ref[0] + accp_ref[1])
                    + dinv * dinv * hwp_ref[...] + b_ref[...])


def kernel(x, edge_index, W0, b0, W1, b1, W2, b2):
    ei = edge_index.astype(jnp.int32)

    f32 = jnp.float32
    x8 = x.reshape(NR8, 8 * DIN)
    eye8 = jnp.eye(8, dtype=f32)
    W0b = jnp.kron(eye8, W0)
    Wb = [jnp.kron(eye8, W1), jnp.kron(eye8, W2), None]
    bb = [jnp.tile(b0, 8).reshape(1, 128), jnp.tile(b1, 8).reshape(1, 128),
          jnp.tile(b2, 8).reshape(1, 128)]
    g_dummy = jnp.zeros((NPAD, DH), f32)

    phys = jax.ShapeDtypeStruct((NP8, 128), f32)

    degp = _sc_deg_pass(g_dummy, ei).reshape(NC, NP8, 128)

    hw = pl.pallas_call(_tc_mm0_body, out_shape=[phys])(x8, W0b)[0]
    g, dinv = pl.pallas_call(
        _tc_scale_body,
        out_shape=[phys, phys],
    )(degp, hw)

    for i, last in ((0, False), (1, False), (2, True)):
        accp = _sc_edge_pass(g.reshape(NPAD, DH), ei).reshape(NC, NP8, 128)
        if last:
            out = pl.pallas_call(
                _tc_final_body,
                out_shape=[phys],
            )(accp, hw, dinv, bb[i])[0]
        else:
            hw, g = pl.pallas_call(
                _tc_layer_body,
                out_shape=[phys, phys],
            )(accp, hw, dinv, bb[i], Wb[i])

    return out.reshape(NPAD, DH)[:NN]

# --- scband reference (transcript-rebuilt; emitter-appended) ---
"""Pipeline reference for scband-gcn-34548716929331 (READ-ONLY COPY).

The authoritative reference and input builder live on the scoring server;
editing this copy changes nothing except your own understanding.
"""

import jax, jax.numpy as jnp
import numpy as np

N_NODES = 10000
N_EDGES = 320000
D_IN = 128
D_HID = 16


def gcn_conv(x, edge_index, W, b, num_nodes):
    # PyG GCNConv semantics: linear transform, add self-loops,
    # symmetric normalization D^{-1/2} (A+I) D^{-1/2}, scatter-add to dst, add bias.
    h = x @ W
    src = edge_index[0]
    dst = edge_index[1]
    loop = jnp.arange(num_nodes, dtype=src.dtype)
    src = jnp.concatenate([src, loop])
    dst = jnp.concatenate([dst, loop])
    deg = jnp.zeros((num_nodes,), dtype=h.dtype).at[dst].add(1.0)
    dinv = jnp.where(deg > 0, jax.lax.rsqrt(deg), 0.0)
    norm = dinv[src] * dinv[dst]
    msg = h[src] * norm[:, None]
    out = jnp.zeros((num_nodes, h.shape[1]), dtype=h.dtype).at[dst].add(msg)
    return out + b


def setup_inputs(seed: int = 0) -> dict:
    key = jax.random.key(seed)
    ks = jax.random.split(key, 8)
    x = jax.random.normal(ks[0], (N_NODES, D_IN), dtype=jnp.float32)
    edge_index = jax.random.randint(ks[1], (2, N_EDGES), 0, N_NODES, dtype=jnp.int64)
    s0 = 1.0 / np.sqrt(D_IN)
    s1 = 1.0 / np.sqrt(D_HID)
    W0 = jax.random.uniform(ks[2], (D_IN, D_HID), jnp.float32, -s0, s0)
    b0 = jnp.zeros((D_HID,), jnp.float32)
    W1 = jax.random.uniform(ks[3], (D_HID, D_HID), jnp.float32, -s1, s1)
    b1 = jnp.zeros((D_HID,), jnp.float32)
    W2 = jax.random.uniform(ks[4], (D_HID, D_HID), jnp.float32, -s1, s1)
    b2 = jnp.zeros((D_HID,), jnp.float32)
    return {"x": x, "edge_index": edge_index, "W0": W0, "b0": b0, "W1": W1, "b1": b1, "W2": W2, "b2": b2}


def reference(x, edge_index, W0, b0, W1, b1, W2, b2):
    # GCN.forward with identity=False, layers=3; dropout treated as identity (deterministic eval).
    h = jax.nn.relu(gcn_conv(x, edge_index, W0, b0, N_NODES))
    h = jax.nn.relu(gcn_conv(h, edge_index, W1, b1, N_NODES))
    out = gcn_conv(h, edge_index, W2, b2, N_NODES)
    return out

if __name__ == "__main__":
    import jax
    _d = setup_inputs()
    print(jax.jit(kernel)(*tuple(_d.values())))

</pallas_src>

<mosaic_0001>
#map = affine_map<(d0, d1) -> (0, 0)>
#map1 = affine_map<(d0, d1) -> (0, 0, 0)>
module attributes {stable_mosaic.version = 14 : i64} {
  func.func @_sc_pass_body(%arg0: i32, %arg1: i32, %arg2: memref<10240x16xf32, #tpu.memory_space<hbm>>, %arg3: memref<2x320000xi32, #tpu.memory_space<hbm>>, %arg4: memref<2x10240x16xf32, #tpu.memory_space<hbm>>, %arg5: memref<10000xi32, #tpu.memory_space<vmem>>, %arg6: memref<10000xi32, #tpu.memory_space<vmem>>, %arg7: memref<10x80x16xf32, #tpu.memory_space<vmem>>, %arg8: memref<128x16xf32, #tpu.memory_space<vmem>>, %arg9: memref<10240x16xf32, #tpu.memory_space<vmem_shared>>, %arg10: memref<10240x16xf32, #tpu.memory_space<vmem_shared>>, %arg11: memref<!tpu.dma_semaphore, #tpu.memory_space<semaphore_mem>>, %arg12: memref<!tpu.dma_semaphore, #tpu.memory_space<semaphore_mem>>) attributes {dimension_semantics = [#tpu.dimension_semantics<core_parallel>, #tpu.dimension_semantics<subcore_parallel>], iteration_bounds = array<i64: 2, 16>, scalar_prefetch = 0 : i64, scratch_operands = 8 : i64, tpu.core_type = #tpu.core_type<sc_vector_subcore>, window_params = [{transform_indices = #map}, {transform_indices = #map}, {transform_indices = #map1}]} {
    %mul3A = arith.constant 2 : i32
    %mul3A_0 = arith.muli %arg1, %mul3A : i32
    %add3A = arith.addi %mul3A_0, %arg0 : i32
    %scan3A = arith.constant 0 : i32
    %scan3A_1 = arith.constant 0 : i32
    %scan3A_2 = arith.constant 128 : i32
    %scan3A_3 = arith.addi %scan3A_1, %scan3A_2 : i32
    %scan3A_4 = arith.constant 1 : i32
    %scan3A_5 = scf.for %scan3A_138 = %scan3A_1 to %scan3A_3 step %scan3A_4 iter_args(%scan3A_139 = %scan3A) -> (i32)  : i32 {
      %broadcast_in_dim3A = arith.constant 0.000000e+00 : f32
      %broadcast_in_dim3A_140 = vector.broadcast %broadcast_in_dim3A : f32 to vector<16xf32>
      %swap3A = arith.index_cast %scan3A_138 : i32 to index
      %swap3A_141 = arith.constant 0 : index
      %swap3A_142 = tpu.vector_load %arg8[%swap3A, %swap3A_141] {strides = array<i32>} : memref<128x16xf32, #tpu.memory_space<vmem>>, vector<1x16xf32>,
      %swap3A_143 = vector.shape_cast %swap3A_142 : vector<1x16xf32> to vector<16xf32>
      %swap3A_144 = vector.shape_cast %broadcast_in_dim3A_140 : vector<16xf32> to vector<1x16xf32>
      tpu.vector_store %arg8[%swap3A, %swap3A_141], %swap3A_144 {strides = array<i32>} : memref<128x16xf32, #tpu.memory_space<vmem>>, vector<1x16xf32>,
      %scan3A_145 = arith.constant 0 : i32
      scf.yield %scan3A_145 : i32
    }
    %scan3A_6 = arith.constant 128 : i32
    %mul3A_7 = arith.constant 640 : i32
    %mul3A_8 = arith.muli %arg1, %mul3A_7 : i32
    %add3A_9 = arith.constant 0 : i32
    %add3A_10 = arith.addi %mul3A_8, %add3A_9 : i32
    "tpu.region"() ({
      %run_scoped3A_138 = tpu.sem_alloc : memref<!tpu.dma_semaphore, #tpu.memory_space<semaphore_mem>>
      %dma_start3A = arith.constant 0 : i32
      %dma_start3A_139 = tpu.memref_slice %arg9[%add3A_10, %dma_start3A] : memref<10240x16xf32, #tpu.memory_space<vmem_shared>> -> memref<128x16xf32, #tpu.memory_space<vmem_shared>>
      %dma_start3A_140 = arith.constant 0 : i32
      %dma_start3A_141 = tpu.memref_slice %arg9[%add3A_10, %dma_start3A_140] : memref<10240x16xf32, #tpu.memory_space<vmem_shared>> -> memref<128x16xf32, #tpu.memory_space<vmem_shared>>
      tpu.enqueue_dma source(%arg8 : memref<128x16xf32, #tpu.memory_space<vmem>>) target(%dma_start3A_141 : memref<128x16xf32, #tpu.memory_space<vmem_shared>>) target_semaphore(%run_scoped3A_138 : memref<!tpu.dma_semaphore, #tpu.memory_space<semaphore_mem>>)
      %dma_wait3A_142 = arith.constant 0 : i32
      %dma_wait3A_143 = tpu.memref_slice %arg9[%add3A_10, %dma_wait3A_142] : memref<10240x16xf32, #tpu.memory_space<vmem_shared>> -> memref<128x16xf32, #tpu.memory_space<vmem_shared>>
      %dma_wait3A_144 = arith.constant 0 : i32
      %dma_wait3A_145 = tpu.memref_slice %arg9[%add3A_10, %dma_wait3A_144] : memref<10240x16xf32, #tpu.memory_space<vmem_shared>> -> memref<128x16xf32, #tpu.memory_space<vmem_shared>>
      tpu.wait_dma2 semaphore(%run_scoped3A_138 : memref<!tpu.dma_semaphore, #tpu.memory_space<semaphore_mem>>) src(%arg8 : memref<128x16xf32, #tpu.memory_space<vmem>>) dst(%dma_wait3A_145 : memref<128x16xf32, #tpu.memory_space<vmem_shared>>)
      tpu.yield
    }) : () -> ()
    %mul3A_11 = arith.constant 640 : i32
    %mul3A_12 = arith.muli %arg1, %mul3A_11 : i32
    %add3A_13 = arith.constant 128 : i32
    %add3A_14 = arith.addi %mul3A_12, %add3A_13 : i32
    "tpu.region"() ({
      %run_scoped3A_138 = tpu.sem_alloc : memref<!tpu.dma_semaphore, #tpu.memory_space<semaphore_mem>>
      %dma_start3A = arith.constant 0 : i32
      %dma_start3A_139 = tpu.memref_slice %arg9[%add3A_14, %dma_start3A] : memref<10240x16xf32, #tpu.memory_space<vmem_shared>> -> memref<128x16xf32, #tpu.memory_space<vmem_shared>>
      %dma_start3A_140 = arith.constant 0 : i32
      %dma_start3A_141 = tpu.memref_slice %arg9[%add3A_14, %dma_start3A_140] : memref<10240x16xf32, #tpu.memory_space<vmem_shared>> -> memref<128x16xf32, #tpu.memory_space<vmem_shared>>
      tpu.enqueue_dma source(%arg8 : memref<128x16xf32, #tpu.memory_space<vmem>>) target(%dma_start3A_141 : memref<128x16xf32, #tpu.memory_space<vmem_shared>>) target_semaphore(%run_scoped3A_138 : memref<!tpu.dma_semaphore, #tpu.memory_space<semaphore_mem>>)
      %dma_wait3A_142 = arith.constant 0 : i32
      %dma_wait3A_143 = tpu.memref_slice %arg9[%add3A_14, %dma_wait3A_142] : memref<10240x16xf32, #tpu.memory_space<vmem_shared>> -> memref<128x16xf32, #tpu.memory_space<vmem_shared>>
      %dma_wait3A_144 = arith.constant 0 : i32
      %dma_wait3A_145 = tpu.memref_slice %arg9[%add3A_14, %dma_wait3A_144] : memref<10240x16xf32, #tpu.memory_space<vmem_shared>> -> memref<128x16xf32, #tpu.memory_space<vmem_shared>>
      tpu.wait_dma2 semaphore(%run_scoped3A_138 : memref<!tpu.dma_semaphore, #tpu.memory_space<semaphore_mem>>) src(%arg8 : memref<128x16xf32, #tpu.memory_space<vmem>>) dst(%dma_wait3A_145 : memref<128x16xf32, #tpu.memory_space<vmem_shared>>)
      tpu.yield
    }) : () -> ()
    %mul3A_15 = arith.constant 640 : i32
    %mul3A_16 = arith.muli %arg1, %mul3A_15 : i32
    %add3A_17 = arith.constant 256 : i32
    %add3A_18 = arith.addi %mul3A_16, %add3A_17 : i32
    "tpu.region"() ({
      %run_scoped3A_138 = tpu.sem_alloc : memref<!tpu.dma_semaphore, #tpu.memory_space<semaphore_mem>>
      %dma_start3A = arith.constant 0 : i32
      %dma_start3A_139 = tpu.memref_slice %arg9[%add3A_18, %dma_start3A] : memref<10240x16xf32, #tpu.memory_space<vmem_shared>> -> memref<128x16xf32, #tpu.memory_space<vmem_shared>>
      %dma_start3A_140 = arith.constant 0 : i32
      %dma_start3A_141 = tpu.memref_slice %arg9[%add3A_18, %dma_start3A_140] : memref<10240x16xf32, #tpu.memory_space<vmem_shared>> -> memref<128x16xf32, #tpu.memory_space<vmem_shared>>
      tpu.enqueue_dma source(%arg8 : memref<128x16xf32, #tpu.memory_space<vmem>>) target(%dma_start3A_141 : memref<128x16xf32, #tpu.memory_space<vmem_shared>>) target_semaphore(%run_scoped3A_138 : memref<!tpu.dma_semaphore, #tpu.memory_space<semaphore_mem>>)
      %dma_wait3A_142 = arith.constant 0 : i32
      %dma_wait3A_143 = tpu.memref_slice %arg9[%add3A_18, %dma_wait3A_142] : memref<10240x16xf32, #tpu.memory_space<vmem_shared>> -> memref<128x16xf32, #tpu.memory_space<vmem_shared>>
      %dma_wait3A_144 = arith.constant 0 : i32
      %dma_wait3A_145 = tpu.memref_slice %arg9[%add3A_18, %dma_wait3A_144] : memref<10240x16xf32, #tpu.memory_space<vmem_shared>> -> memref<128x16xf32, #tpu.memory_space<vmem_shared>>
      tpu.wait_dma2 semaphore(%run_scoped3A_138 : memref<!tpu.dma_semaphore, #tpu.memory_space<semaphore_mem>>) src(%arg8 : memref<128x16xf32, #tpu.memory_space<vmem>>) dst(%dma_wait3A_145 : memref<128x16xf32, #tpu.memory_space<vmem_shared>>)
      tpu.yield
    }) : () -> ()
    %mul3A_19 = arith.constant 640 : i32
    %mul3A_20 = arith.muli %arg1, %mul3A_19 : i32
    %add3A_21 = arith.constant 384 : i32
    %add3A_22 = arith.addi %mul3A_20, %add3A_21 : i32
    "tpu.region"() ({
      %run_scoped3A_138 = tpu.sem_alloc : memref<!tpu.dma_semaphore, #tpu.memory_space<semaphore_mem>>
      %dma_start3A = arith.constant 0 : i32
      %dma_start3A_139 = tpu.memref_slice %arg9[%add3A_22, %dma_start3A] : memref<10240x16xf32, #tpu.memory_space<vmem_shared>> -> memref<128x16xf32, #tpu.memory_space<vmem_shared>>
      %dma_start3A_140 = arith.constant 0 : i32
      %dma_start3A_141 = tpu.memref_slice %arg9[%add3A_22, %dma_start3A_140] : memref<10240x16xf32, #tpu.memory_space<vmem_shared>> -> memref<128x16xf32, #tpu.memory_space<vmem_shared>>
      tpu.enqueue_dma source(%arg8 : memref<128x16xf32, #tpu.memory_space<vmem>>) target(%dma_start3A_141 : memref<128x16xf32, #tpu.memory_space<vmem_shared>>) target_semaphore(%run_scoped3A_138 : memref<!tpu.dma_semaphore, #tpu.memory_space<semaphore_mem>>)
      %dma_wait3A_142 = arith.constant 0 : i32
      %dma_wait3A_143 = tpu.memref_slice %arg9[%add3A_22, %dma_wait3A_142] : memref<10240x16xf32, #tpu.memory_space<vmem_shared>> -> memref<128x16xf32, #tpu.memory_space<vmem_shared>>
      %dma_wait3A_144 = arith.constant 0 : i32
      %dma_wait3A_145 = tpu.memref_slice %arg9[%add3A_22, %dma_wait3A_144] : memref<10240x16xf32, #tpu.memory_space<vmem_shared>> -> memref<128x16xf32, #tpu.memory_space<vmem_shared>>
      tpu.wait_dma2 semaphore(%run_scoped3A_138 : memref<!tpu.dma_semaphore, #tpu.memory_space<semaphore_mem>>) src(%arg8 : memref<128x16xf32, #tpu.memory_space<vmem>>) dst(%dma_wait3A_145 : memref<128x16xf32, #tpu.memory_space<vmem_shared>>)
      tpu.yield
    }) : () -> ()
    %mul3A_23 = arith.constant 640 : i32
    %mul3A_24 = arith.muli %arg1, %mul3A_23 : i32
    %add3A_25 = arith.constant 512 : i32
    %add3A_26 = arith.addi %mul3A_24, %add3A_25 : i32
    "tpu.region"() ({
      %run_scoped3A_138 = tpu.sem_alloc : memref<!tpu.dma_semaphore, #tpu.memory_space<semaphore_mem>>
      %dma_start3A = arith.constant 0 : i32
      %dma_start3A_139 = tpu.memref_slice %arg9[%add3A_26, %dma_start3A] : memref<10240x16xf32, #tpu.memory_space<vmem_shared>> -> memref<128x16xf32, #tpu.memory_space<vmem_shared>>
      %dma_start3A_140 = arith.constant 0 : i32
      %dma_start3A_141 = tpu.memref_slice %arg9[%add3A_26, %dma_start3A_140] : memref<10240x16xf32, #tpu.memory_space<vmem_shared>> -> memref<128x16xf32, #tpu.memory_space<vmem_shared>>
      tpu.enqueue_dma source(%arg8 : memref<128x16xf32, #tpu.memory_space<vmem>>) target(%dma_start3A_141 : memref<128x16xf32, #tpu.memory_space<vmem_shared>>) target_semaphore(%run_scoped3A_138 : memref<!tpu.dma_semaphore, #tpu.memory_space<semaphore_mem>>)
      %dma_wait3A_142 = arith.constant 0 : i32
      %dma_wait3A_143 = tpu.memref_slice %arg9[%add3A_26, %dma_wait3A_142] : memref<10240x16xf32, #tpu.memory_space<vmem_shared>> -> memref<128x16xf32, #tpu.memory_space<vmem_shared>>
      %dma_wait3A_144 = arith.constant 0 : i32
      %dma_wait3A_145 = tpu.memref_slice %arg9[%add3A_26, %dma_wait3A_144] : memref<10240x16xf32, #tpu.memory_space<vmem_shared>> -> memref<128x16xf32, #tpu.memory_space<vmem_shared>>
      tpu.wait_dma2 semaphore(%run_scoped3A_138 : memref<!tpu.dma_semaphore, #tpu.memory_space<semaphore_mem>>) src(%arg8 : memref<128x16xf32, #tpu.memory_space<vmem>>) dst(%dma_wait3A_145 : memref<128x16xf32, #tpu.memory_space<vmem_shared>>)
      tpu.yield
    }) : () -> ()
    %mul3A_27 = arith.constant 10000 : i32
    %mul3A_28 = arith.muli %add3A, %mul3A_27 : i32
    %run_scoped3A = arith.constant 1 : i32
    "tpu.region"() ({
      %run_scoped3A_138 = tpu.sem_alloc : memref<!tpu.dma_semaphore, #tpu.memory_space<semaphore_mem>>
      %dma_start3A = tpu.memref_slice %arg3[%run_scoped3A, %mul3A_28] : memref<2x320000xi32, #tpu.memory_space<hbm>> -> memref<1x10000xi32, #tpu.memory_space<hbm>>
      %dma_start3A_139 = tpu.memref_squeeze %dma_start3A : memref<1x10000xi32, #tpu.memory_space<hbm>> -> memref<10000xi32, #tpu.memory_space<hbm>>
      %dma_start3A_140 = tpu.memref_slice %arg3[%run_scoped3A, %mul3A_28] : memref<2x320000xi32, #tpu.memory_space<hbm>> -> memref<1x10000xi32, #tpu.memory_space<hbm>>
      %dma_start3A_141 = tpu.memref_squeeze %dma_start3A_140 : memref<1x10000xi32, #tpu.memory_space<hbm>> -> memref<10000xi32, #tpu.memory_space<hbm>>
      tpu.enqueue_dma source(%dma_start3A_141 : memref<10000xi32, #tpu.memory_space<hbm>>) target(%arg6 : memref<10000xi32, #tpu.memory_space<vmem>>) target_semaphore(%run_scoped3A_138 : memref<!tpu.dma_semaphore, #tpu.memory_space<semaphore_mem>>)
      %dma_wait3A_142 = tpu.memref_slice %arg3[%run_scoped3A, %mul3A_28] : memref<2x320000xi32, #tpu.memory_space<hbm>> -> memref<1x10000xi32, #tpu.memory_space<hbm>>
      %dma_wait3A_143 = tpu.memref_squeeze %dma_wait3A_142 : memref<1x10000xi32, #tpu.memory_space<hbm>> -> memref<10000xi32, #tpu.memory_space<hbm>>
      %dma_wait3A_144 = tpu.memref_slice %arg3[%run_scoped3A, %mul3A_28] : memref<2x320000xi32, #tpu.memory_space<hbm>> -> memref<1x10000xi32, #tpu.memory_space<hbm>>
      %dma_wait3A_145 = tpu.memref_squeeze %dma_wait3A_144 : memref<1x10000xi32, #tpu.memory_space<hbm>> -> memref<10000xi32, #tpu.memory_space<hbm>>
      tpu.wait_dma2 semaphore(%run_scoped3A_138 : memref<!tpu.dma_semaphore, #tpu.memory_space<semaphore_mem>>) src(%dma_wait3A_145 : memref<10000xi32, #tpu.memory_space<hbm>>) dst(%arg6 : memref<10000xi32, #tpu.memory_space<vmem>>)
      tpu.yield
    }) : () -> ()
    %scan3A_29 = arith.constant 0 : i32
    %scan3A_30 = arith.constant 0 : i32
    %scan3A_31 = arith.constant 80 : i32
    %scan3A_32 = arith.addi %scan3A_30, %scan3A_31 : i32
    %scan3A_33 = arith.constant 1 : i32
    %scan3A_34 = scf.for %scan3A_138 = %scan3A_30 to %scan3A_32 step %scan3A_33 iter_args(%scan3A_139 = %scan3A_29) -> (i32)  : i32 {
      %broadcast_in_dim3A = arith.constant 1.000000e+00 : f32
      %broadcast_in_dim3A_140 = vector.broadcast %broadcast_in_dim3A : f32 to vector<16xf32>
      %swap3A = arith.constant 0 : i32
      %swap3A_141 = arith.index_cast %swap3A : i32 to index
      %swap3A_142 = arith.index_cast %scan3A_138 : i32 to index
      %swap3A_143 = arith.constant 0 : index
      %swap3A_144 = tpu.vector_load %arg7[%swap3A_141, %swap3A_142, %swap3A_143] {strides = array<i32>} : memref<10x80x16xf32, #tpu.memory_space<vmem>>, vector<1x1x16xf32>,
      %swap3A_145 = vector.shape_cast %swap3A_144 : vector<1x1x16xf32> to vector<16xf32>
      %swap3A_146 = vector.shape_cast %broadcast_in_dim3A_140 : vector<16xf32> to vector<1x1x16xf32>
      tpu.vector_store %arg7[%swap3A_141, %swap3A_142, %swap3A_143], %swap3A_146 {strides = array<i32>} : memref<10x80x16xf32, #tpu.memory_space<vmem>>, vector<1x1x16xf32>,
      %scan3A_147 = arith.constant 0 : i32
      scf.yield %scan3A_147 : i32
    }
    %scan3A_35 = arith.constant 80 : i32
    %barrier3A = arith.constant 0 : index
    tpu.barrier barrier_id(%barrier3A)
    %scan3A_36 = arith.constant 0 : i32
    %scan3A_37 = arith.constant 0 : i32
    %scan3A_38 = arith.constant 25 : i32
    %scan3A_39 = arith.addi %scan3A_37, %scan3A_38 : i32
    %scan3A_40 = arith.constant 1 : i32
    %scan3A_41 = scf.for %scan3A_138 = %scan3A_37 to %scan3A_39 step %scan3A_40 iter_args(%scan3A_139 = %scan3A_36) -> (i32)  : i32 {
      %mul3A_140 = arith.constant 5 : i32
      %mul3A_141 = arith.muli %scan3A_138, %mul3A_140 : i32
      %mul3A_142 = arith.constant 80 : i32
      %mul3A_143 = arith.muli %mul3A_141, %mul3A_142 : i32
      %ge3A = arith.constant 1 : i32
      %ge3A_144 = arith.cmpi sge, %scan3A_138, %ge3A : i32
      %convert_element_type3A = arith.extui %ge3A_144 : i1 to i32
      %cond3A = arith.constant 0 : i32
      %cond3A_145 = arith.cmpi ne, %convert_element_type3A, %cond3A : i32
      scf.if %cond3A_145 {
        %dma_wait3A_201 = arith.constant 0 : i32
        %dma_wait3A_202 = arith.constant 0 : i32
        %dma_wait3A_203 = arith.constant 0 : i32
        %dma_wait3A_204 = tpu.memref_slice %arg7[%dma_wait3A_201, %dma_wait3A_202, %dma_wait3A_203] : memref<10x80x16xf32, #tpu.memory_space<vmem>> -> memref<1x80x16xf32, #tpu.memory_space<vmem>>
        %dma_wait3A_205 = tpu.memref_squeeze %dma_wait3A_204 : memref<1x80x16xf32, #tpu.memory_space<vmem>> -> memref<80x16xf32, #tpu.memory_space<vmem>>
        %dma_wait3A_206 = arith.constant 0 : i32
        %dma_wait3A_207 = arith.constant 0 : i32
        %dma_wait3A_208 = tpu.memref_slice %arg2[%dma_wait3A_206, %dma_wait3A_207] : memref<10240x16xf32, #tpu.memory_space<hbm>> -> memref<80x16xf32, #tpu.memory_space<hbm>>
        %dma_wait3A_209 = arith.constant 0 : i32
        %dma_wait3A_210 = arith.constant 0 : i32
        %dma_wait3A_211 = tpu.memref_slice %arg7[%dma_wait3A_201, %dma_wait3A_209, %dma_wait3A_210] : memref<10x80x16xf32, #tpu.memory_space<vmem>> -> memref<1x80x16xf32, #tpu.memory_space<vmem>>
        %dma_wait3A_212 = tpu.memref_squeeze %dma_wait3A_211 : memref<1x80x16xf32, #tpu.memory_space<vmem>> -> memref<80x16xf32, #tpu.memory_space<vmem>>
        %dma_wait3A_213 = arith.constant 0 : i32
        %dma_wait3A_214 = arith.constant 0 : i32
        %dma_wait3A_215 = tpu.memref_slice %arg2[%dma_wait3A_213, %dma_wait3A_214] : memref<10240x16xf32, #tpu.memory_space<hbm>> -> memref<80x16xf32, #tpu.memory_space<hbm>>
        tpu.wait_dma2 semaphore(%arg12 : memref<!tpu.dma_semaphore, #tpu.memory_space<semaphore_mem>>) src(%dma_wait3A_215 : memref<80x16xf32, #tpu.memory_space<hbm>>) dst(%dma_wait3A_212 : memref<80x16xf32, #tpu.memory_space<vmem>>)
        %dma_wait3A_216 = arith.constant 0 : i32
        %dma_wait3A_217 = arith.constant 0 : i32
        %dma_wait3A_218 = arith.constant 0 : i32
        %dma_wait3A_219 = tpu.memref_slice %arg7[%dma_wait3A_216, %dma_wait3A_217, %dma_wait3A_218] : memref<10x80x16xf32, #tpu.memory_space<vmem>> -> memref<1x80x16xf32, #tpu.memory_space<vmem>>
        %dma_wait3A_220 = tpu.memref_squeeze %dma_wait3A_219 : memref<1x80x16xf32, #tpu.memory_space<vmem>> -> memref<80x16xf32, #tpu.memory_space<vmem>>
        %dma_wait3A_221 = arith.constant 0 : i32
        %dma_wait3A_222 = arith.constant 0 : i32
        %dma_wait3A_223 = tpu.memref_slice %arg2[%dma_wait3A_221, %dma_wait3A_222] : memref<10240x16xf32, #tpu.memory_space<hbm>> -> memref<80x16xf32, #tpu.memory_space<hbm>>
        %dma_wait3A_224 = arith.constant 0 : i32
        %dma_wait3A_225 = arith.constant 0 : i32
        %dma_wait3A_226 = tpu.memref_slice %arg7[%dma_wait3A_216, %dma_wait3A_224, %dma_wait3A_225] : memref<10x80x16xf32, #tpu.memory_space<vmem>> -> memref<1x80x16xf32, #tpu.memory_space<vmem>>
        %dma_wait3A_227 = tpu.memref_squeeze %dma_wait3A_226 : memref<1x80x16xf32, #tpu.memory_space<vmem>> -> memref<80x16xf32, #tpu.memory_space<vmem>>
        %dma_wait3A_228 = arith.constant 0 : i32
        %dma_wait3A_229 = arith.constant 0 : i32
        %dma_wait3A_230 = tpu.memref_slice %arg2[%dma_wait3A_228, %dma_wait3A_229] : memref<10240x16xf32, #tpu.memory_space<hbm>> -> memref<80x16xf32, #tpu.memory_space<hbm>>
        tpu.wait_dma2 semaphore(%arg12 : memref<!tpu.dma_semaphore, #tpu.memory_space<semaphore_mem>>) src(%dma_wait3A_230 : memref<80x16xf32, #tpu.memory_space<hbm>>) dst(%dma_wait3A_227 : memref<80x16xf32, #tpu.memory_space<vmem>>)
        %dma_wait3A_231 = arith.constant 0 : i32
        %dma_wait3A_232 = arith.constant 0 : i32
        %dma_wait3A_233 = arith.constant 0 : i32
        %dma_wait3A_234 = tpu.memref_slice %arg7[%dma_wait3A_231, %dma_wait3A_232, %dma_wait3A_233] : memref<10x80x16xf32, #tpu.memory_space<vmem>> -> memref<1x80x16xf32, #tpu.memory_space<vmem>>
        %dma_wait3A_235 = tpu.memref_squeeze %dma_wait3A_234 : memref<1x80x16xf32, #tpu.memory_space<vmem>> -> memref<80x16xf32, #tpu.memory_space<vmem>>
        %dma_wait3A_236 = arith.constant 0 : i32
        %dma_wait3A_237 = arith.constant 0 : i32
        %dma_wait3A_238 = tpu.memref_slice %arg2[%dma_wait3A_236, %dma_wait3A_237] : memref<10240x16xf32, #tpu.memory_space<hbm>> -> memref<80x16xf32, #tpu.memory_space<hbm>>
        %dma_wait3A_239 = arith.constant 0 : i32
        %dma_wait3A_240 = arith.constant 0 : i32
        %dma_wait3A_241 = tpu.memref_slice %arg7[%dma_wait3A_231, %dma_wait3A_239, %dma_wait3A_240] : memref<10x80x16xf32, #tpu.memory_space<vmem>> -> memref<1x80x16xf32, #tpu.memory_space<vmem>>
        %dma_wait3A_242 = tpu.memref_squeeze %dma_wait3A_241 : memref<1x80x16xf32, #tpu.memory_space<vmem>> -> memref<80x16xf32, #tpu.memory_space<vmem>>
        %dma_wait3A_243 = arith.constant 0 : i32
        %dma_wait3A_244 = arith.constant 0 : i32
        %dma_wait3A_245 = tpu.memref_slice %arg2[%dma_wait3A_243, %dma_wait3A_244] : memref<10240x16xf32, #tpu.memory_space<hbm>> -> memref<80x16xf32, #tpu.memory_space<hbm>>
        tpu.wait_dma2 semaphore(%arg12 : memref<!tpu.dma_semaphore, #tpu.memory_space<semaphore_mem>>) src(%dma_wait3A_245 : memref<80x16xf32, #tpu.memory_space<hbm>>) dst(%dma_wait3A_242 : memref<80x16xf32, #tpu.memory_space<vmem>>)
        %dma_wait3A_246 = arith.constant 0 : i32
        %dma_wait3A_247 = arith.constant 0 : i32
        %dma_wait3A_248 = arith.constant 0 : i32
        %dma_wait3A_249 = tpu.memref_slice %arg7[%dma_wait3A_246, %dma_wait3A_247, %dma_wait3A_248] : memref<10x80x16xf32, #tpu.memory_space<vmem>> -> memref<1x80x16xf32, #tpu.memory_space<vmem>>
        %dma_wait3A_250 = tpu.memref_squeeze %dma_wait3A_249 : memref<1x80x16xf32, #tpu.memory_space<vmem>> -> memref<80x16xf32, #tpu.memory_space<vmem>>
        %dma_wait3A_251 = arith.constant 0 : i32
        %dma_wait3A_252 = arith.constant 0 : i32
        %dma_wait3A_253 = tpu.memref_slice %arg2[%dma_wait3A_251, %dma_wait3A_252] : memref<10240x16xf32, #tpu.memory_space<hbm>> -> memref<80x16xf32, #tpu.memory_space<hbm>>
        %dma_wait3A_254 = arith.constant 0 : i32
        %dma_wait3A_255 = arith.constant 0 : i32
        %dma_wait3A_256 = tpu.memref_slice %arg7[%dma_wait3A_246, %dma_wait3A_254, %dma_wait3A_255] : memref<10x80x16xf32, #tpu.memory_space<vmem>> -> memref<1x80x16xf32, #tpu.memory_space<vmem>>
        %dma_wait3A_257 = tpu.memref_squeeze %dma_wait3A_256 : memref<1x80x16xf32, #tpu.memory_space<vmem>> -> memref<80x16xf32, #tpu.memory_space<vmem>>
        %dma_wait3A_258 = arith.constant 0 : i32
        %dma_wait3A_259 = arith.constant 0 : i32
        %dma_wait3A_260 = tpu.memref_slice %arg2[%dma_wait3A_258, %dma_wait3A_259] : memref<10240x16xf32, #tpu.memory_space<hbm>> -> memref<80x16xf32, #tpu.memory_space<hbm>>
        tpu.wait_dma2 semaphore(%arg12 : memref<!tpu.dma_semaphore, #tpu.memory_space<semaphore_mem>>) src(%dma_wait3A_260 : memref<80x16xf32, #tpu.memory_space<hbm>>) dst(%dma_wait3A_257 : memref<80x16xf32, #tpu.memory_space<vmem>>)
        %dma_wait3A_261 = arith.constant 0 : i32
        %dma_wait3A_262 = arith.constant 0 : i32
        %dma_wait3A_263 = arith.constant 0 : i32
        %dma_wait3A_264 = tpu.memref_slice %arg7[%dma_wait3A_261, %dma_wait3A_262, %dma_wait3A_263] : memref<10x80x16xf32, #tpu.memory_space<vmem>> -> memref<1x80x16xf32, #tpu.memory_space<vmem>>
        %dma_wait3A_265 = tpu.memref_squeeze %dma_wait3A_264 : memref<1x80x16xf32, #tpu.memory_space<vmem>> -> memref<80x16xf32, #tpu.memory_space<vmem>>
        %dma_wait3A_266 = arith.constant 0 : i32
        %dma_wait3A_267 = arith.constant 0 : i32
        %dma_wait3A_268 = tpu.memref_slice %arg2[%dma_wait3A_266, %dma_wait3A_267] : memref<10240x16xf32, #tpu.memory_space<hbm>> -> memref<80x16xf32, #tpu.memory_space<hbm>>
        %dma_wait3A_269 = arith.constant 0 : i32
        %dma_wait3A_270 = arith.constant 0 : i32
        %dma_wait3A_271 = tpu.memref_slice %arg7[%dma_wait3A_261, %dma_wait3A_269, %dma_wait3A_270] : memref<10x80x16xf32, #tpu.memory_space<vmem>> -> memref<1x80x16xf32, #tpu.memory_space<vmem>>
        %dma_wait3A_272 = tpu.memref_squeeze %dma_wait3A_271 : memref<1x80x16xf32, #tpu.memory_space<vmem>> -> memref<80x16xf32, #tpu.memory_space<vmem>>
        %dma_wait3A_273 = arith.constant 0 : i32
        %dma_wait3A_274 = arith.constant 0 : i32
        %dma_wait3A_275 = tpu.memref_slice %arg2[%dma_wait3A_273, %dma_wait3A_274] : memref<10240x16xf32, #tpu.memory_space<hbm>> -> memref<80x16xf32, #tpu.memory_space<hbm>>
        tpu.wait_dma2 semaphore(%arg12 : memref<!tpu.dma_semaphore, #tpu.memory_space<semaphore_mem>>) src(%dma_wait3A_275 : memref<80x16xf32, #tpu.memory_space<hbm>>) dst(%dma_wait3A_272 : memref<80x16xf32, #tpu.memory_space<vmem>>)
      } else {
      }
      %add3A_146 = arith.constant 0 : i32
      %add3A_147 = arith.addi %mul3A_143, %add3A_146 : i32
      %dma_start3A = arith.constant 0 : i32
      %dma_start3A_148 = arith.constant 0 : i32
      %dma_start3A_149 = arith.constant 0 : i32
      %dma_start3A_150 = tpu.memref_slice %arg7[%dma_start3A, %dma_start3A_148, %dma_start3A_149] : memref<10x80x16xf32, #tpu.memory_space<vmem>> -> memref<1x80x16xf32, #tpu.memory_space<vmem>>
      %dma_start3A_151 = tpu.memref_squeeze %dma_start3A_150 : memref<1x80x16xf32, #tpu.memory_space<vmem>> -> memref<80x16xf32, #tpu.memory_space<vmem>>
      %dma_start3A_152 = tpu.memref_slice %arg6[%add3A_147] : memref<10000xi32, #tpu.memory_space<vmem>> -> memref<80xi32, #tpu.memory_space<vmem>>
      %dma_start3A_153 = arith.constant 0 : i32
      %dma_start3A_154 = arith.constant 0 : i32
      %dma_start3A_155 = tpu.memref_slice %arg9[%dma_start3A_153, %dma_start3A_154] : memref<10240x16xf32, #tpu.memory_space<vmem_shared>> -> memref<10240x16xf32, #tpu.memory_space<vmem_shared>>
      tpu.enqueue_indirect_dma source(%dma_start3A_151 : memref<80x16xf32, #tpu.memory_space<vmem>>) target(%dma_start3A_155 : memref<10240x16xf32, #tpu.memory_space<vmem_shared>>) offsets(%dma_start3A_152 : memref<80xi32, #tpu.memory_space<vmem>>) semaphore(%arg12 : memref<!tpu.dma_semaphore, #tpu.memory_space<semaphore_mem>>) {add = true}
      %add3A_156 = arith.constant 80 : i32
      %add3A_157 = arith.addi %mul3A_143, %add3A_156 : i32
      %dma_start3A_158 = arith.constant 0 : i32
      %dma_start3A_159 = arith.constant 0 : i32
      %dma_start3A_160 = arith.constant 0 : i32
      %dma_start3A_161 = tpu.memref_slice %arg7[%dma_start3A_158, %dma_start3A_159, %dma_start3A_160] : memref<10x80x16xf32, #tpu.memory_space<vmem>> -> memref<1x80x16xf32, #tpu.memory_space<vmem>>
      %dma_start3A_162 = tpu.memref_squeeze %dma_start3A_161 : memref<1x80x16xf32, #tpu.memory_space<vmem>> -> memref<80x16xf32, #tpu.memory_space<vmem>>
      %dma_start3A_163 = tpu.memref_slice %arg6[%add3A_157] : memref<10000xi32, #tpu.memory_space<vmem>> -> memref<80xi32, #tpu.memory_space<vmem>>
      %dma_start3A_164 = arith.constant 0 : i32
      %dma_start3A_165 = arith.constant 0 : i32
      %dma_start3A_166 = tpu.memref_slice %arg9[%dma_start3A_164, %dma_start3A_165] : memref<10240x16xf32, #tpu.memory_space<vmem_shared>> -> memref<10240x16xf32, #tpu.memory_space<vmem_shared>>
      tpu.enqueue_indirect_dma source(%dma_start3A_162 : memref<80x16xf32, #tpu.memory_space<vmem>>) target(%dma_start3A_166 : memref<10240x16xf32, #tpu.memory_space<vmem_shared>>) offsets(%dma_start3A_163 : memref<80xi32, #tpu.memory_space<vmem>>) semaphore(%arg12 : memref<!tpu.dma_semaphore, #tpu.memory_space<semaphore_mem>>) {add = true}
      %add3A_167 = arith.constant 160 : i32
      %add3A_168 = arith.addi %mul3A_143, %add3A_167 : i32
      %dma_start3A_169 = arith.constant 0 : i32
      %dma_start3A_170 = arith.constant 0 : i32
      %dma_start3A_171 = arith.constant 0 : i32
      %dma_start3A_172 = tpu.memref_slice %arg7[%dma_start3A_169, %dma_start3A_170, %dma_start3A_171] : memref<10x80x16xf32, #tpu.memory_space<vmem>> -> memref<1x80x16xf32, #tpu.memory_space<vmem>>
      %dma_start3A_173 = tpu.memref_squeeze %dma_start3A_172 : memref<1x80x16xf32, #tpu.memory_space<vmem>> -> memref<80x16xf32, #tpu.memory_space<vmem>>
      %dma_start3A_174 = tpu.memref_slice %arg6[%add3A_168] : memref<10000xi32, #tpu.memory_space<vmem>> -> memref<80xi32, #tpu.memory_space<vmem>>
      %dma_start3A_175 = arith.constant 0 : i32
      %dma_start3A_176 = arith.constant 0 : i32
      %dma_start3A_177 = tpu.memref_slice %arg9[%dma_start3A_175, %dma_start3A_176] : memref<10240x16xf32, #tpu.memory_space<vmem_shared>> -> memref<10240x16xf32, #tpu.memory_space<vmem_shared>>
      tpu.enqueue_indirect_dma source(%dma_start3A_173 : memref<80x16xf32, #tpu.memory_space<vmem>>) target(%dma_start3A_177 : memref<10240x16xf32, #tpu.memory_space<vmem_shared>>) offsets(%dma_start3A_174 : memref<80xi32, #tpu.memory_space<vmem>>) semaphore(%arg12 : memref<!tpu.dma_semaphore, #tpu.memory_space<semaphore_mem>>) {add = true}
      %add3A_178 = arith.constant 240 : i32
      %add3A_179 = arith.addi %mul3A_143, %add3A_178 : i32
      %dma_start3A_180 = arith.constant 0 : i32
      %dma_start3A_181 = arith.constant 0 : i32
      %dma_start3A_182 = arith.constant 0 : i32
      %dma_start3A_183 = tpu.memref_slice %arg7[%dma_start3A_180, %dma_start3A_181, %dma_start3A_182] : memref<10x80x16xf32, #tpu.memory_space<vmem>> -> memref<1x80x16xf32, #tpu.memory_space<vmem>>
      %dma_start3A_184 = tpu.memref_squeeze %dma_start3A_183 : memref<1x80x16xf32, #tpu.memory_space<vmem>> -> memref<80x16xf32, #tpu.memory_space<vmem>>
      %dma_start3A_185 = tpu.memref_slice %arg6[%add3A_179] : memref<10000xi32, #tpu.memory_space<vmem>> -> memref<80xi32, #tpu.memory_space<vmem>>
      %dma_start3A_186 = arith.constant 0 : i32
      %dma_start3A_187 = arith.constant 0 : i32
      %dma_start3A_188 = tpu.memref_slice %arg9[%dma_start3A_186, %dma_start3A_187] : memref<10240x16xf32, #tpu.memory_space<vmem_shared>> -> memref<10240x16xf32, #tpu.memory_space<vmem_shared>>
      tpu.enqueue_indirect_dma source(%dma_start3A_184 : memref<80x16xf32, #tpu.memory_space<vmem>>) target(%dma_start3A_188 : memref<10240x16xf32, #tpu.memory_space<vmem_shared>>) offsets(%dma_start3A_185 : memref<80xi32, #tpu.memory_space<vmem>>) semaphore(%arg12 : memref<!tpu.dma_semaphore, #tpu.memory_space<semaphore_mem>>) {add = true}
      %add3A_189 = arith.constant 320 : i32
      %add3A_190 = arith.addi %mul3A_143, %add3A_189 : i32
      %dma_start3A_191 = arith.constant 0 : i32
      %dma_start3A_192 = arith.constant 0 : i32
      %dma_start3A_193 = arith.constant 0 : i32
      %dma_start3A_194 = tpu.memref_slice %arg7[%dma_start3A_191, %dma_start3A_192, %dma_start3A_193] : memref<10x80x16xf32, #tpu.memory_space<vmem>> -> memref<1x80x16xf32, #tpu.memory_space<vmem>>
      %dma_start3A_195 = tpu.memref_squeeze %dma_start3A_194 : memref<1x80x16xf32, #tpu.memory_space<vmem>> -> memref<80x16xf32, #tpu.memory_space<vmem>>
      %dma_start3A_196 = tpu.memref_slice %arg6[%add3A_190] : memref<10000xi32, #tpu.memory_space<vmem>> -> memref<80xi32, #tpu.memory_space<vmem>>
      %dma_start3A_197 = arith.constant 0 : i32
      %dma_start3A_198 = arith.constant 0 : i32
      %dma_start3A_199 = tpu.memref_slice %arg9[%dma_start3A_197, %dma_start3A_198] : memref<10240x16xf32, #tpu.memory_space<vmem_shared>> -> memref<10240x16xf32, #tpu.memory_space<vmem_shared>>
      tpu.enqueue_indirect_dma source(%dma_start3A_195 : memref<80x16xf32, #tpu.memory_space<vmem>>) target(%dma_start3A_199 : memref<10240x16xf32, #tpu.memory_space<vmem_shared>>) offsets(%dma_start3A_196 : memref<80xi32, #tpu.memory_space<vmem>>) semaphore(%arg12 : memref<!tpu.dma_semaphore, #tpu.memory_space<semaphore_mem>>) {add = true}
      %scan3A_200 = arith.constant 0 : i32
      scf.yield %scan3A_200 : i32
    }
    %scan3A_42 = arith.constant 25 : i32
    %dma_wait3A = arith.constant 0 : i32
    %dma_wait3A_43 = arith.constant 0 : i32
    %dma_wait3A_44 = arith.constant 0 : i32
    %dma_wait3A_45 = tpu.memref_slice %arg7[%dma_wait3A, %dma_wait3A_43, %dma_wait3A_44] : memref<10x80x16xf32, #tpu.memory_space<vmem>> -> memref<1x80x16xf32, #tpu.memory_space<vmem>>
    %dma_wait3A_46 = tpu.memref_squeeze %dma_wait3A_45 : memref<1x80x16xf32, #tpu.memory_space<vmem>> -> memref<80x16xf32, #tpu.memory_space<vmem>>
    %dma_wait3A_47 = arith.constant 0 : i32
    %dma_wait3A_48 = arith.constant 0 : i32
    %dma_wait3A_49 = tpu.memref_slice %arg2[%dma_wait3A_47, %dma_wait3A_48] : memref<10240x16xf32, #tpu.memory_space<hbm>> -> memref<80x16xf32, #tpu.memory_space<hbm>>
    %dma_wait3A_50 = arith.constant 0 : i32
    %dma_wait3A_51 = arith.constant 0 : i32
    %dma_wait3A_52 = tpu.memref_slice %arg7[%dma_wait3A, %dma_wait3A_50, %dma_wait3A_51] : memref<10x80x16xf32, #tpu.memory_space<vmem>> -> memref<1x80x16xf32, #tpu.memory_space<vmem>>
    %dma_wait3A_53 = tpu.memref_squeeze %dma_wait3A_52 : memref<1x80x16xf32, #tpu.memory_space<vmem>> -> memref<80x16xf32, #tpu.memory_space<vmem>>
    %dma_wait3A_54 = arith.constant 0 : i32
    %dma_wait3A_55 = arith.constant 0 : i32
    %dma_wait3A_56 = tpu.memref_slice %arg2[%dma_wait3A_54, %dma_wait3A_55] : memref<10240x16xf32, #tpu.memory_space<hbm>> -> memref<80x16xf32, #tpu.memory_space<hbm>>
    tpu.wait_dma2 semaphore(%arg12 : memref<!tpu.dma_semaphore, #tpu.memory_space<semaphore_mem>>) src(%dma_wait3A_56 : memref<80x16xf32, #tpu.memory_space<hbm>>) dst(%dma_wait3A_53 : memref<80x16xf32, #tpu.memory_space<vmem>>)
    %dma_wait3A_57 = arith.constant 0 : i32
    %dma_wait3A_58 = arith.constant 0 : i32
    %dma_wait3A_59 = arith.constant 0 : i32
    %dma_wait3A_60 = tpu.memref_slice %arg7[%dma_wait3A_57, %dma_wait3A_58, %dma_wait3A_59] : memref<10x80x16xf32, #tpu.memory_space<vmem>> -> memref<1x80x16xf32, #tpu.memory_space<vmem>>
    %dma_wait3A_61 = tpu.memref_squeeze %dma_wait3A_60 : memref<1x80x16xf32, #tpu.memory_space<vmem>> -> memref<80x16xf32, #tpu.memory_space<vmem>>
    %dma_wait3A_62 = arith.constant 0 : i32
    %dma_wait3A_63 = arith.constant 0 : i32
    %dma_wait3A_64 = tpu.memref_slice %arg2[%dma_wait3A_62, %dma_wait3A_63] : memref<10240x16xf32, #tpu.memory_space<hbm>> -> memref<80x16xf32, #tpu.memory_space<hbm>>
    %dma_wait3A_65 = arith.constant 0 : i32
    %dma_wait3A_66 = arith.constant 0 : i32
    %dma_wait3A_67 = tpu.memref_slice %arg7[%dma_wait3A_57, %dma_wait3A_65, %dma_wait3A_66] : memref<10x80x16xf32, #tpu.memory_space<vmem>> -> memref<1x80x16xf32, #tpu.memory_space<vmem>>
    %dma_wait3A_68 = tpu.memref_squeeze %dma_wait3A_67 : memref<1x80x16xf32, #tpu.memory_space<vmem>> -> memref<80x16xf32, #tpu.memory_space<vmem>>
    %dma_wait3A_69 = arith.constant 0 : i32
    %dma_wait3A_70 = arith.constant 0 : i32
    %dma_wait3A_71 = tpu.memref_slice %arg2[%dma_wait3A_69, %dma_wait3A_70] : memref<10240x16xf32, #tpu.memory_space<hbm>> -> memref<80x16xf32, #tpu.memory_space<hbm>>
    tpu.wait_dma2 semaphore(%arg12 : memref<!tpu.dma_semaphore, #tpu.memory_space<semaphore_mem>>) src(%dma_wait3A_71 : memref<80x16xf32, #tpu.memory_space<hbm>>) dst(%dma_wait3A_68 : memref<80x16xf32, #tpu.memory_space<vmem>>)
    %dma_wait3A_72 = arith.constant 0 : i32
    %dma_wait3A_73 = arith.constant 0 : i32
    %dma_wait3A_74 = arith.constant 0 : i32
    %dma_wait3A_75 = tpu.memref_slice %arg7[%dma_wait3A_72, %dma_wait3A_73, %dma_wait3A_74] : memref<10x80x16xf32, #tpu.memory_space<vmem>> -> memref<1x80x16xf32, #tpu.memory_space<vmem>>
    %dma_wait3A_76 = tpu.memref_squeeze %dma_wait3A_75 : memref<1x80x16xf32, #tpu.memory_space<vmem>> -> memref<80x16xf32, #tpu.memory_space<vmem>>
    %dma_wait3A_77 = arith.constant 0 : i32
    %dma_wait3A_78 = arith.constant 0 : i32
    %dma_wait3A_79 = tpu.memref_slice %arg2[%dma_wait3A_77, %dma_wait3A_78] : memref<10240x16xf32, #tpu.memory_space<hbm>> -> memref<80x16xf32, #tpu.memory_space<hbm>>
    %dma_wait3A_80 = arith.constant 0 : i32
    %dma_wait3A_81 = arith.constant 0 : i32
    %dma_wait3A_82 = tpu.memref_slice %arg7[%dma_wait3A_72, %dma_wait3A_80, %dma_wait3A_81] : memref<10x80x16xf32, #tpu.memory_space<vmem>> -> memref<1x80x16xf32, #tpu.memory_space<vmem>>
    %dma_wait3A_83 = tpu.memref_squeeze %dma_wait3A_82 : memref<1x80x16xf32, #tpu.memory_space<vmem>> -> memref<80x16xf32, #tpu.memory_space<vmem>>
    %dma_wait3A_84 = arith.constant 0 : i32
    %dma_wait3A_85 = arith.constant 0 : i32
    %dma_wait3A_86 = tpu.memref_slice %arg2[%dma_wait3A_84, %dma_wait3A_85] : memref<10240x16xf32, #tpu.memory_space<hbm>> -> memref<80x16xf32, #tpu.memory_space<hbm>>
    tpu.wait_dma2 semaphore(%arg12 : memref<!tpu.dma_semaphore, #tpu.memory_space<semaphore_mem>>) src(%dma_wait3A_86 : memref<80x16xf32, #tpu.memory_space<hbm>>) dst(%dma_wait3A_83 : memref<80x16xf32, #tpu.memory_space<vmem>>)
    %dma_wait3A_87 = arith.constant 0 : i32
    %dma_wait3A_88 = arith.constant 0 : i32
    %dma_wait3A_89 = arith.constant 0 : i32
    %dma_wait3A_90 = tpu.memref_slice %arg7[%dma_wait3A_87, %dma_wait3A_88, %dma_wait3A_89] : memref<10x80x16xf32, #tpu.memory_space<vmem>> -> memref<1x80x16xf32, #tpu.memory_space<vmem>>
    %dma_wait3A_91 = tpu.memref_squeeze %dma_wait3A_90 : memref<1x80x16xf32, #tpu.memory_space<vmem>> -> memref<80x16xf32, #tpu.memory_space<vmem>>
    %dma_wait3A_92 = arith.constant 0 : i32
    %dma_wait3A_93 = arith.constant 0 : i32
    %dma_wait3A_94 = tpu.memref_slice %arg2[%dma_wait3A_92, %dma_wait3A_93] : memref<10240x16xf32, #tpu.memory_space<hbm>> -> memref<80x16xf32, #tpu.memory_space<hbm>>
    %dma_wait3A_95 = arith.constant 0 : i32
    %dma_wait3A_96 = arith.constant 0 : i32
    %dma_wait3A_97 = tpu.memref_slice %arg7[%dma_wait3A_87, %dma_wait3A_95, %dma_wait3A_96] : memref<10x80x16xf32, #tpu.memory_space<vmem>> -> memref<1x80x16xf32, #tpu.memory_space<vmem>>
    %dma_wait3A_98 = tpu.memref_squeeze %dma_wait3A_97 : memref<1x80x16xf32, #tpu.memory_space<vmem>> -> memref<80x16xf32, #tpu.memory_space<vmem>>
    %dma_wait3A_99 = arith.constant 0 : i32
    %dma_wait3A_100 = arith.constant 0 : i32
    %dma_wait3A_101 = tpu.memref_slice %arg2[%dma_wait3A_99, %dma_wait3A_100] : memref<10240x16xf32, #tpu.memory_space<hbm>> -> memref<80x16xf32, #tpu.memory_space<hbm>>
    tpu.wait_dma2 semaphore(%arg12 : memref<!tpu.dma_semaphore, #tpu.memory_space<semaphore_mem>>) src(%dma_wait3A_101 : memref<80x16xf32, #tpu.memory_space<hbm>>) dst(%dma_wait3A_98 : memref<80x16xf32, #tpu.memory_space<vmem>>)
    %dma_wait3A_102 = arith.constant 0 : i32
    %dma_wait3A_103 = arith.constant 0 : i32
    %dma_wait3A_104 = arith.constant 0 : i32
    %dma_wait3A_105 = tpu.memref_slice %arg7[%dma_wait3A_102, %dma_wait3A_103, %dma_wait3A_104] : memref<10x80x16xf32, #tpu.memory_space<vmem>> -> memref<1x80x16xf32, #tpu.memory_space<vmem>>
    %dma_wait3A_106 = tpu.memref_squeeze %dma_wait3A_105 : memref<1x80x16xf32, #tpu.memory_space<vmem>> -> memref<80x16xf32, #tpu.memory_space<vmem>>
    %dma_wait3A_107 = arith.constant 0 : i32
    %dma_wait3A_108 = arith.constant 0 : i32
    %dma_wait3A_109 = tpu.memref_slice %arg2[%dma_wait3A_107, %dma_wait3A_108] : memref<10240x16xf32, #tpu.memory_space<hbm>> -> memref<80x16xf32, #tpu.memory_space<hbm>>
    %dma_wait3A_110 = arith.constant 0 : i32
    %dma_wait3A_111 = arith.constant 0 : i32
    %dma_wait3A_112 = tpu.memref_slice %arg7[%dma_wait3A_102, %dma_wait3A_110, %dma_wait3A_111] : memref<10x80x16xf32, #tpu.memory_space<vmem>> -> memref<1x80x16xf32, #tpu.memory_space<vmem>>
    %dma_wait3A_113 = tpu.memref_squeeze %dma_wait3A_112 : memref<1x80x16xf32, #tpu.memory_space<vmem>> -> memref<80x16xf32, #tpu.memory_space<vmem>>
    %dma_wait3A_114 = arith.constant 0 : i32
    %dma_wait3A_115 = arith.constant 0 : i32
    %dma_wait3A_116 = tpu.memref_slice %arg2[%dma_wait3A_114, %dma_wait3A_115] : memref<10240x16xf32, #tpu.memory_space<hbm>> -> memref<80x16xf32, #tpu.memory_space<hbm>>
    tpu.wait_dma2 semaphore(%arg12 : memref<!tpu.dma_semaphore, #tpu.memory_space<semaphore_mem>>) src(%dma_wait3A_116 : memref<80x16xf32, #tpu.memory_space<hbm>>) dst(%dma_wait3A_113 : memref<80x16xf32, #tpu.memory_space<vmem>>)
    %barrier3A_117 = arith.constant 0 : index
    tpu.barrier barrier_id(%barrier3A_117)
    %mul3A_118 = arith.constant 640 : i32
    %mul3A_119 = arith.muli %arg1, %mul3A_118 : i32
    %add3A_120 = arith.constant 0 : i32
    %add3A_121 = arith.addi %mul3A_119, %add3A_120 : i32
    "tpu.region"() ({
      %run_scoped3A_138 = tpu.sem_alloc : memref<!tpu.dma_semaphore, #tpu.memory_space<semaphore_mem>>
      %dma_start3A = arith.constant 0 : i32
      %dma_start3A_139 = tpu.memref_slice %arg4[%arg0, %add3A_121, %dma_start3A] : memref<2x10240x16xf32, #tpu.memory_space<hbm>> -> memref<1x128x16xf32, #tpu.memory_space<hbm>>
      %dma_start3A_140 = tpu.memref_squeeze %dma_start3A_139 : memref<1x128x16xf32, #tpu.memory_space<hbm>> -> memref<128x16xf32, #tpu.memory_space<hbm>>
      %dma_start3A_141 = arith.constant 0 : i32
      %dma_start3A_142 = tpu.memref_slice %arg9[%add3A_121, %dma_start3A_141] : memref<10240x16xf32, #tpu.memory_space<vmem_shared>> -> memref<128x16xf32, #tpu.memory_space<vmem_shared>>
      tpu.enqueue_dma source(%dma_start3A_142 : memref<128x16xf32, #tpu.memory_space<vmem_shared>>) target(%dma_start3A_140 : memref<128x16xf32, #tpu.memory_space<hbm>>) target_semaphore(%run_scoped3A_138 : memref<!tpu.dma_semaphore, #tpu.memory_space<semaphore_mem>>)
      %dma_wait3A_143 = arith.constant 0 : i32
      %dma_wait3A_144 = tpu.memref_slice %arg4[%arg0, %add3A_121, %dma_wait3A_143] : memref<2x10240x16xf32, #tpu.memory_space<hbm>> -> memref<1x128x16xf32, #tpu.memory_space<hbm>>
      %dma_wait3A_145 = tpu.memref_squeeze %dma_wait3A_144 : memref<1x128x16xf32, #tpu.memory_space<hbm>> -> memref<128x16xf32, #tpu.memory_space<hbm>>
      %dma_wait3A_146 = arith.constant 0 : i32
      %dma_wait3A_147 = tpu.memref_slice %arg9[%add3A_121, %dma_wait3A_146] : memref<10240x16xf32, #tpu.memory_space<vmem_shared>> -> memref<128x16xf32, #tpu.memory_space<vmem_shared>>
      tpu.wait_dma2 semaphore(%run_scoped3A_138 : memref<!tpu.dma_semaphore, #tpu.memory_space<semaphore_mem>>) src(%dma_wait3A_147 : memref<128x16xf32, #tpu.memory_space<vmem_shared>>) dst(%dma_wait3A_145 : memref<128x16xf32, #tpu.memory_space<hbm>>)
      tpu.yield
    }) : () -> ()
    %mul3A_122 = arith.constant 640 : i32
    %mul3A_123 = arith.muli %arg1, %mul3A_122 : i32
    %add3A_124 = arith.constant 128 : i32
    %add3A_125 = arith.addi %mul3A_123, %add3A_124 : i32
    "tpu.region"() ({
      %run_scoped3A_138 = tpu.sem_alloc : memref<!tpu.dma_semaphore, #tpu.memory_space<semaphore_mem>>
      %dma_start3A = arith.constant 0 : i32
      %dma_start3A_139 = tpu.memref_slice %arg4[%arg0, %add3A_125, %dma_start3A] : memref<2x10240x16xf32, #tpu.memory_space<hbm>> -> memref<1x128x16xf32, #tpu.memory_space<hbm>>
      %dma_start3A_140 = tpu.memref_squeeze %dma_start3A_139 : memref<1x128x16xf32, #tpu.memory_space<hbm>> -> memref<128x16xf32, #tpu.memory_space<hbm>>
      %dma_start3A_141 = arith.constant 0 : i32
      %dma_start3A_142 = tpu.memref_slice %arg9[%add3A_125, %dma_start3A_141] : memref<10240x16xf32, #tpu.memory_space<vmem_shared>> -> memref<128x16xf32, #tpu.memory_space<vmem_shared>>
      tpu.enqueue_dma source(%dma_start3A_142 : memref<128x16xf32, #tpu.memory_space<vmem_shared>>) target(%dma_start3A_140 : memref<128x16xf32, #tpu.memory_space<hbm>>) target_semaphore(%run_scoped3A_138 : memref<!tpu.dma_semaphore, #tpu.memory_space<semaphore_mem>>)
      %dma_wait3A_143 = arith.constant 0 : i32
      %dma_wait3A_144 = tpu.memref_slice %arg4[%arg0, %add3A_125, %dma_wait3A_143] : memref<2x10240x16xf32, #tpu.memory_space<hbm>> -> memref<1x128x16xf32, #tpu.memory_space<hbm>>
      %dma_wait3A_145 = tpu.memref_squeeze %dma_wait3A_144 : memref<1x128x16xf32, #tpu.memory_space<hbm>> -> memref<128x16xf32, #tpu.memory_space<hbm>>
      %dma_wait3A_146 = arith.constant 0 : i32
      %dma_wait3A_147 = tpu.memref_slice %arg9[%add3A_125, %dma_wait3A_146] : memref<10240x16xf32, #tpu.memory_space<vmem_shared>> -> memref<128x16xf32, #tpu.memory_space<vmem_shared>>
      tpu.wait_dma2 semaphore(%run_scoped3A_138 : memref<!tpu.dma_semaphore, #tpu.memory_space<semaphore_mem>>) src(%dma_wait3A_147 : memref<128x16xf32, #tpu.memory_space<vmem_shared>>) dst(%dma_wait3A_145 : memref<128x16xf32, #tpu.memory_space<hbm>>)
      tpu.yield
    }) : () -> ()
    %mul3A_126 = arith.constant 640 : i32
    %mul3A_127 = arith.muli %arg1, %mul3A_126 : i32
    %add3A_128 = arith.constant 256 : i32
    %add3A_129 = arith.addi %mul3A_127, %add3A_128 : i32
    "tpu.region"() ({
      %run_scoped3A_138 = tpu.sem_alloc : memref<!tpu.dma_semaphore, #tpu.memory_space<semaphore_mem>>
      %dma_start3A = arith.constant 0 : i32
      %dma_start3A_139 = tpu.memref_slice %arg4[%arg0, %add3A_129, %dma_start3A] : memref<2x10240x16xf32, #tpu.memory_space<hbm>> -> memref<1x128x16xf32, #tpu.memory_space<hbm>>
      %dma_start3A_140 = tpu.memref_squeeze %dma_start3A_139 : memref<1x128x16xf32, #tpu.memory_space<hbm>> -> memref<128x16xf32, #tpu.memory_space<hbm>>
      %dma_start3A_141 = arith.constant 0 : i32
      %dma_start3A_142 = tpu.memref_slice %arg9[%add3A_129, %dma_start3A_141] : memref<10240x16xf32, #tpu.memory_space<vmem_shared>> -> memref<128x16xf32, #tpu.memory_space<vmem_shared>>
      tpu.enqueue_dma source(%dma_start3A_142 : memref<128x16xf32, #tpu.memory_space<vmem_shared>>) target(%dma_start3A_140 : memref<128x16xf32, #tpu.memory_space<hbm>>) target_semaphore(%run_scoped3A_138 : memref<!tpu.dma_semaphore, #tpu.memory_space<semaphore_mem>>)
      %dma_wait3A_143 = arith.constant 0 : i32
      %dma_wait3A_144 = tpu.memref_slice %arg4[%arg0, %add3A_129, %dma_wait3A_143] : memref<2x10240x16xf32, #tpu.memory_space<hbm>> -> memref<1x128x16xf32, #tpu.memory_space<hbm>>
      %dma_wait3A_145 = tpu.memref_squeeze %dma_wait3A_144 : memref<1x128x16xf32, #tpu.memory_space<hbm>> -> memref<128x16xf32, #tpu.memory_space<hbm>>
      %dma_wait3A_146 = arith.constant 0 : i32
      %dma_wait3A_147 = tpu.memref_slice %arg9[%add3A_129, %dma_wait3A_146] : memref<10240x16xf32, #tpu.memory_space<vmem_shared>> -> memref<128x16xf32, #tpu.memory_space<vmem_shared>>
      tpu.wait_dma2 semaphore(%run_scoped3A_138 : memref<!tpu.dma_semaphore, #tpu.memory_space<semaphore_mem>>) src(%dma_wait3A_147 : memref<128x16xf32, #tpu.memory_space<vmem_shared>>) dst(%dma_wait3A_145 : memref<128x16xf32, #tpu.memory_space<hbm>>)
      tpu.yield
    }) : () -> ()
    %mul3A_130 = arith.constant 640 : i32
    %mul3A_131 = arith.muli %arg1, %mul3A_130 : i32
    %add3A_132 = arith.constant 384 : i32
    %add3A_133 = arith.addi %mul3A_131, %add3A_132 : i32
    "tpu.region"() ({
      %run_scoped3A_138 = tpu.sem_alloc : memref<!tpu.dma_semaphore, #tpu.memory_space<semaphore_mem>>
      %dma_start3A = arith.constant 0 : i32
      %dma_start3A_139 = tpu.memref_slice %arg4[%arg0, %add3A_133, %dma_start3A] : memref<2x10240x16xf32, #tpu.memory_space<hbm>> -> memref<1x128x16xf32, #tpu.memory_space<hbm>>
      %dma_start3A_140 = tpu.memref_squeeze %dma_start3A_139 : memref<1x128x16xf32, #tpu.memory_space<hbm>> -> memref<128x16xf32, #tpu.memory_space<hbm>>
      %dma_start3A_141 = arith.constant 0 : i32
      %dma_start3A_142 = tpu.memref_slice %arg9[%add3A_133, %dma_start3A_141] : memref<10240x16xf32, #tpu.memory_space<vmem_shared>> -> memref<128x16xf32, #tpu.memory_space<vmem_shared>>
      tpu.enqueue_dma source(%dma_start3A_142 : memref<128x16xf32, #tpu.memory_space<vmem_shared>>) target(%dma_start3A_140 : memref<128x16xf32, #tpu.memory_space<hbm>>) target_semaphore(%run_scoped3A_138 : memref<!tpu.dma_semaphore, #tpu.memory_space<semaphore_mem>>)
      %dma_wait3A_143 = arith.constant 0 : i32
      %dma_wait3A_144 = tpu.memref_slice %arg4[%arg0, %add3A_133, %dma_wait3A_143] : memref<2x10240x16xf32, #tpu.memory_space<hbm>> -> memref<1x128x16xf32, #tpu.memory_space<hbm>>
      %dma_wait3A_145 = tpu.memref_squeeze %dma_wait3A_144 : memref<1x128x16xf32, #tpu.memory_space<hbm>> -> memref<128x16xf32, #tpu.memory_space<hbm>>
      %dma_wait3A_146 = arith.constant 0 : i32
      %dma_wait3A_147 = tpu.memref_slice %arg9[%add3A_133, %dma_wait3A_146] : memref<10240x16xf32, #tpu.memory_space<vmem_shared>> -> memref<128x16xf32, #tpu.memory_space<vmem_shared>>
      tpu.wait_dma2 semaphore(%run_scoped3A_138 : memref<!tpu.dma_semaphore, #tpu.memory_space<semaphore_mem>>) src(%dma_wait3A_147 : memref<128x16xf32, #tpu.memory_space<vmem_shared>>) dst(%dma_wait3A_145 : memref<128x16xf32, #tpu.memory_space<hbm>>)
      tpu.yield
    }) : () -> ()
    %mul3A_134 = arith.constant 640 : i32
    %mul3A_135 = arith.muli %arg1, %mul3A_134 : i32
    %add3A_136 = arith.constant 512 : i32
    %add3A_137 = arith.addi %mul3A_135, %add3A_136 : i32
    "tpu.region"() ({
      %run_scoped3A_138 = tpu.sem_alloc : memref<!tpu.dma_semaphore, #tpu.memory_space<semaphore_mem>>
      %dma_start3A = arith.constant 0 : i32
      %dma_start3A_139 = tpu.memref_slice %arg4[%arg0, %add3A_137, %dma_start3A] : memref<2x10240x16xf32, #tpu.memory_space<hbm>> -> memref<1x128x16xf32, #tpu.memory_space<hbm>>
      %dma_start3A_140 = tpu.memref_squeeze %dma_start3A_139 : memref<1x128x16xf32, #tpu.memory_space<hbm>> -> memref<128x16xf32, #tpu.memory_space<hbm>>
      %dma_start3A_141 = arith.constant 0 : i32
      %dma_start3A_142 = tpu.memref_slice %arg9[%add3A_137, %dma_start3A_141] : memref<10240x16xf32, #tpu.memory_space<vmem_shared>> -> memref<128x16xf32, #tpu.memory_space<vmem_shared>>
      tpu.enqueue_dma source(%dma_start3A_142 : memref<128x16xf32, #tpu.memory_space<vmem_shared>>) target(%dma_start3A_140 : memref<128x16xf32, #tpu.memory_space<hbm>>) target_semaphore(%run_scoped3A_138 : memref<!tpu.dma_semaphore, #tpu.memory_space<semaphore_mem>>)
      %dma_wait3A_143 = arith.constant 0 : i32
      %dma_wait3A_144 = tpu.memref_slice %arg4[%arg0, %add3A_137, %dma_wait3A_143] : memref<2x10240x16xf32, #tpu.memory_space<hbm>> -> memref<1x128x16xf32, #tpu.memory_space<hbm>>
      %dma_wait3A_145 = tpu.memref_squeeze %dma_wait3A_144 : memref<1x128x16xf32, #tpu.memory_space<hbm>> -> memref<128x16xf32, #tpu.memory_space<hbm>>
      %dma_wait3A_146 = arith.constant 0 : i32
      %dma_wait3A_147 = tpu.memref_slice %arg9[%add3A_137, %dma_wait3A_146] : memref<10240x16xf32, #tpu.memory_space<vmem_shared>> -> memref<128x16xf32, #tpu.memory_space<vmem_shared>>
      tpu.wait_dma2 semaphore(%run_scoped3A_138 : memref<!tpu.dma_semaphore, #tpu.memory_space<semaphore_mem>>) src(%dma_wait3A_147 : memref<128x16xf32, #tpu.memory_space<vmem_shared>>) dst(%dma_wait3A_145 : memref<128x16xf32, #tpu.memory_space<hbm>>)
      tpu.yield
    }) : () -> ()
    return
  }
}

#map = affine_map<(d0, d1) -> (0, 0)>
#map1 = affine_map<(d0, d1) -> (0, 0, 0)>
module attributes {stable_mosaic.version = 14 : i64} {
  func.func @_sc_pass_body(%arg0: i32, %arg1: i32, %arg2: memref<10240x16xf32, #tpu.memory_space<hbm>>, %arg3: memref<2x320000xi32, #tpu.memory_space<hbm>>, %arg4: memref<2x10240x16xf32, #tpu.memory_space<hbm>>, %arg5: memref<10000xi32, #tpu.memory_space<vmem>>, %arg6: memref<10000xi32, #tpu.memory_space<vmem>>, %arg7: memref<10x80x16xf32, #tpu.memory_space<vmem>>, %arg8: memref<128x16xf32, #tpu.memory_space<vmem>>, %arg9: memref<10240x16xf32, #tpu.memory_space<vmem_shared>>, %arg10: memref<10240x16xf32, #tpu.memory_space<vmem_shared>>, %arg11: memref<!tpu.dma_semaphore, #tpu.memory_space<semaphore_mem>>, %arg12: memref<!tpu.dma_semaphore, #tpu.memory_space<semaphore_mem>>) attributes {dimension_semantics = [#tpu.dimension_semantics<core_parallel>, #tpu.dimension_semantics<subcore_parallel>], iteration_bounds = array<i64: 2, 16>, scalar_prefetch = 0 : i64, scratch_operands = 8 : i64, tpu.core_type = #tpu.core_type<sc_vector_subcore>, window_params = [{transform_indices = #map}, {transform_indices = #map}, {transform_indices = #map1}]} {
    %mul3A = arith.constant 2 : i32
    %mul3A_0 = arith.muli %arg1, %mul3A : i32
    %add3A = arith.addi %mul3A_0, %arg0 : i32
    %scan3A = arith.constant 0 : i32
    %scan3A_1 = arith.constant 0 : i32
    %scan3A_2 = arith.constant 128 : i32
    %scan3A_3 = arith.addi %scan3A_1, %scan3A_2 : i32
    %scan3A_4 = arith.constant 1 : i32
    %scan3A_5 = scf.for %scan3A_185 = %scan3A_1 to %scan3A_3 step %scan3A_4 iter_args(%scan3A_186 = %scan3A) -> (i32)  : i32 {
      %broadcast_in_dim3A = arith.constant 0.000000e+00 : f32
      %broadcast_in_dim3A_187 = vector.broadcast %broadcast_in_dim3A : f32 to vector<16xf32>
      %swap3A = arith.index_cast %scan3A_185 : i32 to index
      %swap3A_188 = arith.constant 0 : index
      %swap3A_189 = tpu.vector_load %arg8[%swap3A, %swap3A_188] {strides = array<i32>} : memref<128x16xf32, #tpu.memory_space<vmem>>, vector<1x16xf32>,
      %swap3A_190 = vector.shape_cast %swap3A_189 : vector<1x16xf32> to vector<16xf32>
      %swap3A_191 = vector.shape_cast %broadcast_in_dim3A_187 : vector<16xf32> to vector<1x16xf32>
      tpu.vector_store %arg8[%swap3A, %swap3A_188], %swap3A_191 {strides = array<i32>} : memref<128x16xf32, #tpu.memory_space<vmem>>, vector<1x16xf32>,
      %scan3A_192 = arith.constant 0 : i32
      scf.yield %scan3A_192 : i32
    }
    %scan3A_6 = arith.constant 128 : i32
    %mul3A_7 = arith.constant 640 : i32
    %mul3A_8 = arith.muli %arg1, %mul3A_7 : i32
    %add3A_9 = arith.constant 0 : i32
    %add3A_10 = arith.addi %mul3A_8, %add3A_9 : i32
    "tpu.region"() ({
      %run_scoped3A_185 = tpu.sem_alloc : memref<!tpu.dma_semaphore, #tpu.memory_space<semaphore_mem>>
      %dma_start3A_186 = arith.constant 0 : i32
      %dma_start3A_187 = tpu.memref_slice %arg9[%add3A_10, %dma_start3A_186] : memref<10240x16xf32, #tpu.memory_space<vmem_shared>> -> memref<128x16xf32, #tpu.memory_space<vmem_shared>>
      %dma_start3A_188 = arith.constant 0 : i32
      %dma_start3A_189 = tpu.memref_slice %arg9[%add3A_10, %dma_start3A_188] : memref<10240x16xf32, #tpu.memory_space<vmem_shared>> -> memref<128x16xf32, #tpu.memory_space<vmem_shared>>
      tpu.enqueue_dma source(%arg8 : memref<128x16xf32, #tpu.memory_space<vmem>>) target(%dma_start3A_189 : memref<128x16xf32, #tpu.memory_space<vmem_shared>>) target_semaphore(%run_scoped3A_185 : memref<!tpu.dma_semaphore, #tpu.memory_space<semaphore_mem>>)
      %dma_wait3A_190 = arith.constant 0 : i32
      %dma_wait3A_191 = tpu.memref_slice %arg9[%add3A_10, %dma_wait3A_190] : memref<10240x16xf32, #tpu.memory_space<vmem_shared>> -> memref<128x16xf32, #tpu.memory_space<vmem_shared>>
      %dma_wait3A_192 = arith.constant 0 : i32
      %dma_wait3A_193 = tpu.memref_slice %arg9[%add3A_10, %dma_wait3A_192] : memref<10240x16xf32, #tpu.memory_space<vmem_shared>> -> memref<128x16xf32, #tpu.memory_space<vmem_shared>>
      tpu.wait_dma2 semaphore(%run_scoped3A_185 : memref<!tpu.dma_semaphore, #tpu.memory_space<semaphore_mem>>) src(%arg8 : memref<128x16xf32, #tpu.memory_space<vmem>>) dst(%dma_wait3A_193 : memref<128x16xf32, #tpu.memory_space<vmem_shared>>)
      tpu.yield
    }) : () -> ()
    %mul3A_11 = arith.constant 640 : i32
    %mul3A_12 = arith.muli %arg1, %mul3A_11 : i32
    %add3A_13 = arith.constant 128 : i32
    %add3A_14 = arith.addi %mul3A_12, %add3A_13 : i32
    "tpu.region"() ({
      %run_scoped3A_185 = tpu.sem_alloc : memref<!tpu.dma_semaphore, #tpu.memory_space<semaphore_mem>>
      %dma_start3A_186 = arith.constant 0 : i32
      %dma_start3A_187 = tpu.memref_slice %arg9[%add3A_14, %dma_start3A_186] : memref<10240x16xf32, #tpu.memory_space<vmem_shared>> -> memref<128x16xf32, #tpu.memory_space<vmem_shared>>
      %dma_start3A_188 = arith.constant 0 : i32
      %dma_start3A_189 = tpu.memref_slice %arg9[%add3A_14, %dma_start3A_188] : memref<10240x16xf32, #tpu.memory_space<vmem_shared>> -> memref<128x16xf32, #tpu.memory_space<vmem_shared>>
      tpu.enqueue_dma source(%arg8 : memref<128x16xf32, #tpu.memory_space<vmem>>) target(%dma_start3A_189 : memref<128x16xf32, #tpu.memory_space<vmem_shared>>) target_semaphore(%run_scoped3A_185 : memref<!tpu.dma_semaphore, #tpu.memory_space<semaphore_mem>>)
      %dma_wait3A_190 = arith.constant 0 : i32
      %dma_wait3A_191 = tpu.memref_slice %arg9[%add3A_14, %dma_wait3A_190] : memref<10240x16xf32, #tpu.memory_space<vmem_shared>> -> memref<128x16xf32, #tpu.memory_space<vmem_shared>>
      %dma_wait3A_192 = arith.constant 0 : i32
      %dma_wait3A_193 = tpu.memref_slice %arg9[%add3A_14, %dma_wait3A_192] : memref<10240x16xf32, #tpu.memory_space<vmem_shared>> -> memref<128x16xf32, #tpu.memory_space<vmem_shared>>
      tpu.wait_dma2 semaphore(%run_scoped3A_185 : memref<!tpu.dma_semaphore, #tpu.memory_space<semaphore_mem>>) src(%arg8 : memref<128x16xf32, #tpu.memory_space<vmem>>) dst(%dma_wait3A_193 : memref<128x16xf32, #tpu.memory_space<vmem_shared>>)
      tpu.yield
    }) : () -> ()
    %mul3A_15 = arith.constant 640 : i32
    %mul3A_16 = arith.muli %arg1, %mul3A_15 : i32
    %add3A_17 = arith.constant 256 : i32
    %add3A_18 = arith.addi %mul3A_16, %add3A_17 : i32
    "tpu.region"() ({
      %run_scoped3A_185 = tpu.sem_alloc : memref<!tpu.dma_semaphore, #tpu.memory_space<semaphore_mem>>
      %dma_start3A_186 = arith.constant 0 : i32
      %dma_start3A_187 = tpu.memref_slice %arg9[%add3A_18, %dma_start3A_186] : memref<10240x16xf32, #tpu.memory_space<vmem_shared>> -> memref<128x16xf32, #tpu.memory_space<vmem_shared>>
      %dma_start3A_188 = arith.constant 0 : i32
      %dma_start3A_189 = tpu.memref_slice %arg9[%add3A_18, %dma_start3A_188] : memref<10240x16xf32, #tpu.memory_space<vmem_shared>> -> memref<128x16xf32, #tpu.memory_space<vmem_shared>>
      tpu.enqueue_dma source(%arg8 : memref<128x16xf32, #tpu.memory_space<vmem>>) target(%dma_start3A_189 : memref<128x16xf32, #tpu.memory_space<vmem_shared>>) target_semaphore(%run_scoped3A_185 : memref<!tpu.dma_semaphore, #tpu.memory_space<semaphore_mem>>)
      %dma_wait3A_190 = arith.constant 0 : i32
      %dma_wait3A_191 = tpu.memref_slice %arg9[%add3A_18, %dma_wait3A_190] : memref<10240x16xf32, #tpu.memory_space<vmem_shared>> -> memref<128x16xf32, #tpu.memory_space<vmem_shared>>
      %dma_wait3A_192 = arith.constant 0 : i32
      %dma_wait3A_193 = tpu.memref_slice %arg9[%add3A_18, %dma_wait3A_192] : memref<10240x16xf32, #tpu.memory_space<vmem_shared>> -> memref<128x16xf32, #tpu.memory_space<vmem_shared>>
      tpu.wait_dma2 semaphore(%run_scoped3A_185 : memref<!tpu.dma_semaphore, #tpu.memory_space<semaphore_mem>>) src(%arg8 : memref<128x16xf32, #tpu.memory_space<vmem>>) dst(%dma_wait3A_193 : memref<128x16xf32, #tpu.memory_space<vmem_shared>>)
      tpu.yield
    }) : () -> ()
    %mul3A_19 = arith.constant 640 : i32
    %mul3A_20 = arith.muli %arg1, %mul3A_19 : i32
    %add3A_21 = arith.constant 384 : i32
    %add3A_22 = arith.addi %mul3A_20, %add3A_21 : i32
    "tpu.region"() ({
      %run_scoped3A_185 = tpu.sem_alloc : memref<!tpu.dma_semaphore, #tpu.memory_space<semaphore_mem>>
      %dma_start3A_186 = arith.constant 0 : i32
      %dma_start3A_187 = tpu.memref_slice %arg9[%add3A_22, %dma_start3A_186] : memref<10240x16xf32, #tpu.memory_space<vmem_shared>> -> memref<128x16xf32, #tpu.memory_space<vmem_shared>>
      %dma_start3A_188 = arith.constant 0 : i32
      %dma_start3A_189 = tpu.memref_slice %arg9[%add3A_22, %dma_start3A_188] : memref<10240x16xf32, #tpu.memory_space<vmem_shared>> -> memref<128x16xf32, #tpu.memory_space<vmem_shared>>
      tpu.enqueue_dma source(%arg8 : memref<128x16xf32, #tpu.memory_space<vmem>>) target(%dma_start3A_189 : memref<128x16xf32, #tpu.memory_space<vmem_shared>>) target_semaphore(%run_scoped3A_185 : memref<!tpu.dma_semaphore, #tpu.memory_space<semaphore_mem>>)
      %dma_wait3A_190 = arith.constant 0 : i32
      %dma_wait3A_191 = tpu.memref_slice %arg9[%add3A_22, %dma_wait3A_190] : memref<10240x16xf32, #tpu.memory_space<vmem_shared>> -> memref<128x16xf32, #tpu.memory_space<vmem_shared>>
      %dma_wait3A_192 = arith.constant 0 : i32
      %dma_wait3A_193 = tpu.memref_slice %arg9[%add3A_22, %dma_wait3A_192] : memref<10240x16xf32, #tpu.memory_space<vmem_shared>> -> memref<128x16xf32, #tpu.memory_space<vmem_shared>>
      tpu.wait_dma2 semaphore(%run_scoped3A_185 : memref<!tpu.dma_semaphore, #tpu.memory_space<semaphore_mem>>) src(%arg8 : memref<128x16xf32, #tpu.memory_space<vmem>>) dst(%dma_wait3A_193 : memref<128x16xf32, #tpu.memory_space<vmem_shared>>)
      tpu.yield
    }) : () -> ()
    %mul3A_23 = arith.constant 640 : i32
    %mul3A_24 = arith.muli %arg1, %mul3A_23 : i32
    %add3A_25 = arith.constant 512 : i32
    %add3A_26 = arith.addi %mul3A_24, %add3A_25 : i32
    "tpu.region"() ({
      %run_scoped3A_185 = tpu.sem_alloc : memref<!tpu.dma_semaphore, #tpu.memory_space<semaphore_mem>>
      %dma_start3A_186 = arith.constant 0 : i32
      %dma_start3A_187 = tpu.memref_slice %arg9[%add3A_26, %dma_start3A_186] : memref<10240x16xf32, #tpu.memory_space<vmem_shared>> -> memref<128x16xf32, #tpu.memory_space<vmem_shared>>
      %dma_start3A_188 = arith.constant 0 : i32
      %dma_start3A_189 = tpu.memref_slice %arg9[%add3A_26, %dma_start3A_188] : memref<10240x16xf32, #tpu.memory_space<vmem_shared>> -> memref<128x16xf32, #tpu.memory_space<vmem_shared>>
      tpu.enqueue_dma source(%arg8 : memref<128x16xf32, #tpu.memory_space<vmem>>) target(%dma_start3A_189 : memref<128x16xf32, #tpu.memory_space<vmem_shared>>) target_semaphore(%run_scoped3A_185 : memref<!tpu.dma_semaphore, #tpu.memory_space<semaphore_mem>>)
      %dma_wait3A_190 = arith.constant 0 : i32
      %dma_wait3A_191 = tpu.memref_slice %arg9[%add3A_26, %dma_wait3A_190] : memref<10240x16xf32, #tpu.memory_space<vmem_shared>> -> memref<128x16xf32, #tpu.memory_space<vmem_shared>>
      %dma_wait3A_192 = arith.constant 0 : i32
      %dma_wait3A_193 = tpu.memref_slice %arg9[%add3A_26, %dma_wait3A_192] : memref<10240x16xf32, #tpu.memory_space<vmem_shared>> -> memref<128x16xf32, #tpu.memory_space<vmem_shared>>
      tpu.wait_dma2 semaphore(%run_scoped3A_185 : memref<!tpu.dma_semaphore, #tpu.memory_space<semaphore_mem>>) src(%arg8 : memref<128x16xf32, #tpu.memory_space<vmem>>) dst(%dma_wait3A_193 : memref<128x16xf32, #tpu.memory_space<vmem_shared>>)
      tpu.yield
    }) : () -> ()
    %mul3A_27 = arith.constant 10000 : i32
    %mul3A_28 = arith.muli %add3A, %mul3A_27 : i32
    %run_scoped3A = arith.constant 1 : i32
    "tpu.region"() ({
      %run_scoped3A_185 = tpu.sem_alloc : memref<!tpu.dma_semaphore, #tpu.memory_space<semaphore_mem>>
      %dma_start3A_186 = tpu.memref_slice %arg3[%run_scoped3A, %mul3A_28] : memref<2x320000xi32, #tpu.memory_space<hbm>> -> memref<1x10000xi32, #tpu.memory_space<hbm>>
      %dma_start3A_187 = tpu.memref_squeeze %dma_start3A_186 : memref<1x10000xi32, #tpu.memory_space<hbm>> -> memref<10000xi32, #tpu.memory_space<hbm>>
      %dma_start3A_188 = tpu.memref_slice %arg3[%run_scoped3A, %mul3A_28] : memref<2x320000xi32, #tpu.memory_space<hbm>> -> memref<1x10000xi32, #tpu.memory_space<hbm>>
      %dma_start3A_189 = tpu.memref_squeeze %dma_start3A_188 : memref<1x10000xi32, #tpu.memory_space<hbm>> -> memref<10000xi32, #tpu.memory_space<hbm>>
      tpu.enqueue_dma source(%dma_start3A_189 : memref<10000xi32, #tpu.memory_space<hbm>>) target(%arg6 : memref<10000xi32, #tpu.memory_space<vmem>>) target_semaphore(%run_scoped3A_185 : memref<!tpu.dma_semaphore, #tpu.memory_space<semaphore_mem>>)
      %dma_wait3A_190 = tpu.memref_slice %arg3[%run_scoped3A, %mul3A_28] : memref<2x320000xi32, #tpu.memory_space<hbm>> -> memref<1x10000xi32, #tpu.memory_space<hbm>>
      %dma_wait3A_191 = tpu.memref_squeeze %dma_wait3A_190 : memref<1x10000xi32, #tpu.memory_space<hbm>> -> memref<10000xi32, #tpu.memory_space<hbm>>
      %dma_wait3A_192 = tpu.memref_slice %arg3[%run_scoped3A, %mul3A_28] : memref<2x320000xi32, #tpu.memory_space<hbm>> -> memref<1x10000xi32, #tpu.memory_space<hbm>>
      %dma_wait3A_193 = tpu.memref_squeeze %dma_wait3A_192 : memref<1x10000xi32, #tpu.memory_space<hbm>> -> memref<10000xi32, #tpu.memory_space<hbm>>
      tpu.wait_dma2 semaphore(%run_scoped3A_185 : memref<!tpu.dma_semaphore, #tpu.memory_space<semaphore_mem>>) src(%dma_wait3A_193 : memref<10000xi32, #tpu.memory_space<hbm>>) dst(%arg6 : memref<10000xi32, #tpu.memory_space<vmem>>)
      tpu.yield
    }) : () -> ()
    %run_scoped3A_29 = arith.constant 0 : i32
    "tpu.region"() ({
      %run_scoped3A_185 = tpu.sem_alloc : memref<!tpu.dma_semaphore, #tpu.memory_space<semaphore_mem>>
      %dma_start3A_186 = tpu.memref_slice %arg3[%run_scoped3A_29, %mul3A_28] : memref<2x320000xi32, #tpu.memory_space<hbm>> -> memref<1x10000xi32, #tpu.memory_space<hbm>>
      %dma_start3A_187 = tpu.memref_squeeze %dma_start3A_186 : memref<1x10000xi32, #tpu.memory_space<hbm>> -> memref<10000xi32, #tpu.memory_space<hbm>>
      %dma_start3A_188 = tpu.memref_slice %arg3[%run_scoped3A_29, %mul3A_28] : memref<2x320000xi32, #tpu.memory_space<hbm>> -> memref<1x10000xi32, #tpu.memory_space<hbm>>
      %dma_start3A_189 = tpu.memref_squeeze %dma_start3A_188 : memref<1x10000xi32, #tpu.memory_space<hbm>> -> memref<10000xi32, #tpu.memory_space<hbm>>
      tpu.enqueue_dma source(%dma_start3A_189 : memref<10000xi32, #tpu.memory_space<hbm>>) target(%arg5 : memref<10000xi32, #tpu.memory_space<vmem>>) target_semaphore(%run_scoped3A_185 : memref<!tpu.dma_semaphore, #tpu.memory_space<semaphore_mem>>)
      %dma_wait3A_190 = tpu.memref_slice %arg3[%run_scoped3A_29, %mul3A_28] : memref<2x320000xi32, #tpu.memory_space<hbm>> -> memref<1x10000xi32, #tpu.memory_space<hbm>>
      %dma_wait3A_191 = tpu.memref_squeeze %dma_wait3A_190 : memref<1x10000xi32, #tpu.memory_space<hbm>> -> memref<10000xi32, #tpu.memory_space<hbm>>
      %dma_wait3A_192 = tpu.memref_slice %arg3[%run_scoped3A_29, %mul3A_28] : memref<2x320000xi32, #tpu.memory_space<hbm>> -> memref<1x10000xi32, #tpu.memory_space<hbm>>
      %dma_wait3A_193 = tpu.memref_squeeze %dma_wait3A_192 : memref<1x10000xi32, #tpu.memory_space<hbm>> -> memref<10000xi32, #tpu.memory_space<hbm>>
      tpu.wait_dma2 semaphore(%run_scoped3A_185 : memref<!tpu.dma_semaphore, #tpu.memory_space<semaphore_mem>>) src(%dma_wait3A_193 : memref<10000xi32, #tpu.memory_space<hbm>>) dst(%arg5 : memref<10000xi32, #tpu.memory_space<vmem>>)
      tpu.yield
    }) : () -> ()
    %mul3A_30 = arith.constant 640 : i32
    %mul3A_31 = arith.muli %arg1, %mul3A_30 : i32
    %mul3A_32 = arith.constant 640 : i32
    %mul3A_33 = arith.muli %arg1, %mul3A_32 : i32
    "tpu.region"() ({
      %run_scoped3A_185 = tpu.sem_alloc : memref<!tpu.dma_semaphore, #tpu.memory_space<semaphore_mem>>
      %dma_start3A_186 = arith.constant 0 : i32
      %dma_start3A_187 = tpu.memref_slice %arg10[%mul3A_33, %dma_start3A_186] : memref<10240x16xf32, #tpu.memory_space<vmem_shared>> -> memref<640x16xf32, #tpu.memory_space<vmem_shared>>
      %dma_start3A_188 = arith.constant 0 : i32
      %dma_start3A_189 = tpu.memref_slice %arg2[%mul3A_31, %dma_start3A_188] : memref<10240x16xf32, #tpu.memory_space<hbm>> -> memref<640x16xf32, #tpu.memory_space<hbm>>
      tpu.enqueue_dma source(%dma_start3A_189 : memref<640x16xf32, #tpu.memory_space<hbm>>) target(%dma_start3A_187 : memref<640x16xf32, #tpu.memory_space<vmem_shared>>) target_semaphore(%run_scoped3A_185 : memref<!tpu.dma_semaphore, #tpu.memory_space<semaphore_mem>>)
      %dma_wait3A_190 = arith.constant 0 : i32
      %dma_wait3A_191 = tpu.memref_slice %arg10[%mul3A_33, %dma_wait3A_190] : memref<10240x16xf32, #tpu.memory_space<vmem_shared>> -> memref<640x16xf32, #tpu.memory_space<vmem_shared>>
      %dma_wait3A_192 = arith.constant 0 : i32
      %dma_wait3A_193 = tpu.memref_slice %arg2[%mul3A_31, %dma_wait3A_192] : memref<10240x16xf32, #tpu.memory_space<hbm>> -> memref<640x16xf32, #tpu.memory_space<hbm>>
      tpu.wait_dma2 semaphore(%run_scoped3A_185 : memref<!tpu.dma_semaphore, #tpu.memory_space<semaphore_mem>>) src(%dma_wait3A_193 : memref<640x16xf32, #tpu.memory_space<hbm>>) dst(%dma_wait3A_191 : memref<640x16xf32, #tpu.memory_space<vmem_shared>>)
      tpu.yield
    }) : () -> ()
    %barrier3A = arith.constant 0 : index
    tpu.barrier barrier_id(%barrier3A)
    %dma_start3A = arith.constant 0 : i32
    %dma_start3A_34 = arith.constant 0 : i32
    %dma_start3A_35 = arith.constant 0 : i32
    %dma_start3A_36 = tpu.memref_slice %arg7[%dma_start3A, %dma_start3A_34, %dma_start3A_35] : memref<10x80x16xf32, #tpu.memory_space<vmem>> -> memref<1x80x16xf32, #tpu.memory_space<vmem>>
    %dma_start3A_37 = tpu.memref_squeeze %dma_start3A_36 : memref<1x80x16xf32, #tpu.memory_space<vmem>> -> memref<80x16xf32, #tpu.memory_space<vmem>>
    %dma_start3A_38 = arith.constant 0 : i32
    %dma_start3A_39 = tpu.memref_slice %arg5[%dma_start3A_38] : memref<10000xi32, #tpu.memory_space<vmem>> -> memref<80xi32, #tpu.memory_space<vmem>>
    %dma_start3A_40 = arith.constant 0 : i32
    %dma_start3A_41 = arith.constant 0 : i32
    %dma_start3A_42 = tpu.memref_slice %arg10[%dma_start3A_40, %dma_start3A_41] : memref<10240x16xf32, #tpu.memory_space<vmem_shared>> -> memref<10240x16xf32, #tpu.memory_space<vmem_shared>>
    tpu.enqueue_indirect_dma source(%dma_start3A_42 : memref<10240x16xf32, #tpu.memory_space<vmem_shared>>) target(%dma_start3A_37 : memref<80x16xf32, #tpu.memory_space<vmem>>) offsets(%dma_start3A_39 : memref<80xi32, #tpu.memory_space<vmem>>) semaphore(%arg11 : memref<!tpu.dma_semaphore, #tpu.memory_space<semaphore_mem>>)
    %dma_start3A_43 = arith.constant 1 : i32
    %dma_start3A_44 = arith.constant 0 : i32
    %dma_start3A_45 = arith.constant 0 : i32
    %dma_start3A_46 = tpu.memref_slice %arg7[%dma_start3A_43, %dma_start3A_44, %dma_start3A_45] : memref<10x80x16xf32, #tpu.memory_space<vmem>> -> memref<1x80x16xf32, #tpu.memory_space<vmem>>
    %dma_start3A_47 = tpu.memref_squeeze %dma_start3A_46 : memref<1x80x16xf32, #tpu.memory_space<vmem>> -> memref<80x16xf32, #tpu.memory_space<vmem>>
    %dma_start3A_48 = arith.constant 80 : i32
    %dma_start3A_49 = tpu.memref_slice %arg5[%dma_start3A_48] : memref<10000xi32, #tpu.memory_space<vmem>> -> memref<80xi32, #tpu.memory_space<vmem>>
    %dma_start3A_50 = arith.constant 0 : i32
    %dma_start3A_51 = arith.constant 0 : i32
    %dma_start3A_52 = tpu.memref_slice %arg10[%dma_start3A_50, %dma_start3A_51] : memref<10240x16xf32, #tpu.memory_space<vmem_shared>> -> memref<10240x16xf32, #tpu.memory_space<vmem_shared>>
    tpu.enqueue_indirect_dma source(%dma_start3A_52 : memref<10240x16xf32, #tpu.memory_space<vmem_shared>>) target(%dma_start3A_47 : memref<80x16xf32, #tpu.memory_space<vmem>>) offsets(%dma_start3A_49 : memref<80xi32, #tpu.memory_space<vmem>>) semaphore(%arg11 : memref<!tpu.dma_semaphore, #tpu.memory_space<semaphore_mem>>)
    %dma_start3A_53 = arith.constant 2 : i32
    %dma_start3A_54 = arith.constant 0 : i32
    %dma_start3A_55 = arith.constant 0 : i32
    %dma_start3A_56 = tpu.memref_slice %arg7[%dma_start3A_53, %dma_start3A_54, %dma_start3A_55] : memref<10x80x16xf32, #tpu.memory_space<vmem>> -> memref<1x80x16xf32, #tpu.memory_space<vmem>>
    %dma_start3A_57 = tpu.memref_squeeze %dma_start3A_56 : memref<1x80x16xf32, #tpu.memory_space<vmem>> -> memref<80x16xf32, #tpu.memory_space<vmem>>
    %dma_start3A_58 = arith.constant 160 : i32
    %dma_start3A_59 = tpu.memref_slice %arg5[%dma_start3A_58] : memref<10000xi32, #tpu.memory_space<vmem>> -> memref<80xi32, #tpu.memory_space<vmem>>
    %dma_start3A_60 = arith.constant 0 : i32
    %dma_start3A_61 = arith.constant 0 : i32
    %dma_start3A_62 = tpu.memref_slice %arg10[%dma_start3A_60, %dma_start3A_61] : memref<10240x16xf32, #tpu.memory_space<vmem_shared>> -> memref<10240x16xf32, #tpu.memory_space<vmem_shared>>
    tpu.enqueue_indirect_dma source(%dma_start3A_62 : memref<10240x16xf32, #tpu.memory_space<vmem_shared>>) target(%dma_start3A_57 : memref<80x16xf32, #tpu.memory_space<vmem>>) offsets(%dma_start3A_59 : memref<80xi32, #tpu.memory_space<vmem>>) semaphore(%arg11 : memref<!tpu.dma_semaphore, #tpu.memory_space<semaphore_mem>>)
    %dma_start3A_63 = arith.constant 3 : i32
    %dma_start3A_64 = arith.constant 0 : i32
    %dma_start3A_65 = arith.constant 0 : i32
    %dma_start3A_66 = tpu.memref_slice %arg7[%dma_start3A_63, %dma_start3A_64, %dma_start3A_65] : memref<10x80x16xf32, #tpu.memory_space<vmem>> -> memref<1x80x16xf32, #tpu.memory_space<vmem>>
    %dma_start3A_67 = tpu.memref_squeeze %dma_start3A_66 : memref<1x80x16xf32, #tpu.memory_space<vmem>> -> memref<80x16xf32, #tpu.memory_space<vmem>>
    %dma_start3A_68 = arith.constant 240 : i32
    %dma_start3A_69 = tpu.memref_slice %arg5[%dma_start3A_68] : memref<10000xi32, #tpu.memory_space<vmem>> -> memref<80xi32, #tpu.memory_space<vmem>>
    %dma_start3A_70 = arith.constant 0 : i32
    %dma_start3A_71 = arith.constant 0 : i32
    %dma_start3A_72 = tpu.memref_slice %arg10[%dma_start3A_70, %dma_start3A_71] : memref<10240x16xf32, #tpu.memory_space<vmem_shared>> -> memref<10240x16xf32, #tpu.memory_space<vmem_shared>>
    tpu.enqueue_indirect_dma source(%dma_start3A_72 : memref<10240x16xf32, #tpu.memory_space<vmem_shared>>) target(%dma_start3A_67 : memref<80x16xf32, #tpu.memory_space<vmem>>) offsets(%dma_start3A_69 : memref<80xi32, #tpu.memory_space<vmem>>) semaphore(%arg11 : memref<!tpu.dma_semaphore, #tpu.memory_space<semaphore_mem>>)
    %dma_start3A_73 = arith.constant 4 : i32
    %dma_start3A_74 = arith.constant 0 : i32
    %dma_start3A_75 = arith.constant 0 : i32
    %dma_start3A_76 = tpu.memref_slice %arg7[%dma_start3A_73, %dma_start3A_74, %dma_start3A_75] : memref<10x80x16xf32, #tpu.memory_space<vmem>> -> memref<1x80x16xf32, #tpu.memory_space<vmem>>
    %dma_start3A_77 = tpu.memref_squeeze %dma_start3A_76 : memref<1x80x16xf32, #tpu.memory_space<vmem>> -> memref<80x16xf32, #tpu.memory_space<vmem>>
    %dma_start3A_78 = arith.constant 320 : i32
    %dma_start3A_79 = tpu.memref_slice %arg5[%dma_start3A_78] : memref<10000xi32, #tpu.memory_space<vmem>> -> memref<80xi32, #tpu.memory_space<vmem>>
    %dma_start3A_80 = arith.constant 0 : i32
    %dma_start3A_81 = arith.constant 0 : i32
    %dma_start3A_82 = tpu.memref_slice %arg10[%dma_start3A_80, %dma_start3A_81] : memref<10240x16xf32, #tpu.memory_space<vmem_shared>> -> memref<10240x16xf32, #tpu.memory_space<vmem_shared>>
    tpu.enqueue_indirect_dma source(%dma_start3A_82 : memref<10240x16xf32, #tpu.memory_space<vmem_shared>>) target(%dma_start3A_77 : memref<80x16xf32, #tpu.memory_space<vmem>>) offsets(%dma_start3A_79 : memref<80xi32, #tpu.memory_space<vmem>>) semaphore(%arg11 : memref<!tpu.dma_semaphore, #tpu.memory_space<semaphore_mem>>)
    %scan3A_83 = arith.constant 0 : i32
    %scan3A_84 = arith.constant 0 : i32
    %scan3A_85 = arith.constant 25 : i32
    %scan3A_86 = arith.addi %scan3A_84, %scan3A_85 : i32
    %scan3A_87 = arith.constant 1 : i32
    %scan3A_88 = scf.for %scan3A_185 = %scan3A_84 to %scan3A_86 step %scan3A_87 iter_args(%scan3A_186 = %scan3A_83) -> (i32)  : i32 {
      %jit3A = arith.constant 2 : i32
      %eq3A = arith.constant 0 : i32
      %eq3A_187 = arith.cmpi eq, %jit3A, %eq3A : i32
      %jit3A_188 = arith.constant 1 : i32
      %select_n3A = arith.select %eq3A_187, %jit3A_188, %jit3A : i32
      %rem3A = arith.remsi %scan3A_185, %select_n3A : i32
      %ne3A = arith.constant 0 : i32
      %ne3A_189 = arith.cmpi ne, %rem3A, %ne3A : i32
      %lt3A = arith.constant 0 : i32
      %lt3A_190 = arith.cmpi slt, %rem3A, %lt3A : i32
      %lt3A_191 = arith.constant 0 : i32
      %lt3A_192 = arith.cmpi slt, %select_n3A, %lt3A_191 : i32
      %ne3A_193 = arith.xori %lt3A_190, %lt3A_192 : i1
      %and3A = arith.andi %ne3A_193, %ne3A_189 : i1
      %add3A_194 = arith.addi %rem3A, %select_n3A : i32
      %select_n3A_195 = arith.select %and3A, %add3A_194, %rem3A : i32
      %ge3A = arith.constant 1 : i32
      %ge3A_196 = arith.cmpi sge, %scan3A_185, %ge3A : i32
      %convert_element_type3A = arith.extui %ge3A_196 : i1 to i32
      %cond3A = arith.constant 0 : i32
      %cond3A_197 = arith.cmpi ne, %convert_element_type3A, %cond3A : i32
      scf.if %cond3A_197 {
        %dma_wait3A_353 = arith.constant 0 : i32
        %dma_wait3A_354 = arith.constant 0 : i32
        %dma_wait3A_355 = arith.constant 0 : i32
        %dma_wait3A_356 = tpu.memref_slice %arg7[%dma_wait3A_353, %dma_wait3A_354, %dma_wait3A_355] : memref<10x80x16xf32, #tpu.memory_space<vmem>> -> memref<1x80x16xf32, #tpu.memory_space<vmem>>
        %dma_wait3A_357 = tpu.memref_squeeze %dma_wait3A_356 : memref<1x80x16xf32, #tpu.memory_space<vmem>> -> memref<80x16xf32, #tpu.memory_space<vmem>>
        %dma_wait3A_358 = arith.constant 0 : i32
        %dma_wait3A_359 = arith.constant 0 : i32
        %dma_wait3A_360 = tpu.memref_slice %arg2[%dma_wait3A_358, %dma_wait3A_359] : memref<10240x16xf32, #tpu.memory_space<hbm>> -> memref<80x16xf32, #tpu.memory_space<hbm>>
        %dma_wait3A_361 = arith.constant 0 : i32
        %dma_wait3A_362 = arith.constant 0 : i32
        %dma_wait3A_363 = tpu.memref_slice %arg7[%dma_wait3A_353, %dma_wait3A_361, %dma_wait3A_362] : memref<10x80x16xf32, #tpu.memory_space<vmem>> -> memref<1x80x16xf32, #tpu.memory_space<vmem>>
        %dma_wait3A_364 = tpu.memref_squeeze %dma_wait3A_363 : memref<1x80x16xf32, #tpu.memory_space<vmem>> -> memref<80x16xf32, #tpu.memory_space<vmem>>
        %dma_wait3A_365 = arith.constant 0 : i32
        %dma_wait3A_366 = arith.constant 0 : i32
        %dma_wait3A_367 = tpu.memref_slice %arg2[%dma_wait3A_365, %dma_wait3A_366] : memref<10240x16xf32, #tpu.memory_space<hbm>> -> memref<80x16xf32, #tpu.memory_space<hbm>>
        tpu.wait_dma2 semaphore(%arg12 : memref<!tpu.dma_semaphore, #tpu.memory_space<semaphore_mem>>) src(%dma_wait3A_367 : memref<80x16xf32, #tpu.memory_space<hbm>>) dst(%dma_wait3A_364 : memref<80x16xf32, #tpu.memory_space<vmem>>)
        %dma_wait3A_368 = arith.constant 0 : i32
        %dma_wait3A_369 = arith.constant 0 : i32
        %dma_wait3A_370 = arith.constant 0 : i32
        %dma_wait3A_371 = tpu.memref_slice %arg7[%dma_wait3A_368, %dma_wait3A_369, %dma_wait3A_370] : memref<10x80x16xf32, #tpu.memory_space<vmem>> -> memref<1x80x16xf32, #tpu.memory_space<vmem>>
        %dma_wait3A_372 = tpu.memref_squeeze %dma_wait3A_371 : memref<1x80x16xf32, #tpu.memory_space<vmem>> -> memref<80x16xf32, #tpu.memory_space<vmem>>
        %dma_wait3A_373 = arith.constant 0 : i32
        %dma_wait3A_374 = arith.constant 0 : i32
        %dma_wait3A_375 = tpu.memref_slice %arg2[%dma_wait3A_373, %dma_wait3A_374] : memref<10240x16xf32, #tpu.memory_space<hbm>> -> memref<80x16xf32, #tpu.memory_space<hbm>>
        %dma_wait3A_376 = arith.constant 0 : i32
        %dma_wait3A_377 = arith.constant 0 : i32
        %dma_wait3A_378 = tpu.memref_slice %arg7[%dma_wait3A_368, %dma_wait3A_376, %dma_wait3A_377] : memref<10x80x16xf32, #tpu.memory_space<vmem>> -> memref<1x80x16xf32, #tpu.memory_space<vmem>>
        %dma_wait3A_379 = tpu.memref_squeeze %dma_wait3A_378 : memref<1x80x16xf32, #tpu.memory_space<vmem>> -> memref<80x16xf32, #tpu.memory_space<vmem>>
        %dma_wait3A_380 = arith.constant 0 : i32
        %dma_wait3A_381 = arith.constant 0 : i32
        %dma_wait3A_382 = tpu.memref_slice %arg2[%dma_wait3A_380, %dma_wait3A_381] : memref<10240x16xf32, #tpu.memory_space<hbm>> -> memref<80x16xf32, #tpu.memory_space<hbm>>
        tpu.wait_dma2 semaphore(%arg12 : memref<!tpu.dma_semaphore, #tpu.memory_space<semaphore_mem>>) src(%dma_wait3A_382 : memref<80x16xf32, #tpu.memory_space<hbm>>) dst(%dma_wait3A_379 : memref<80x16xf32, #tpu.memory_space<vmem>>)
        %dma_wait3A_383 = arith.constant 0 : i32
        %dma_wait3A_384 = arith.constant 0 : i32
        %dma_wait3A_385 = arith.constant 0 : i32
        %dma_wait3A_386 = tpu.memref_slice %arg7[%dma_wait3A_383, %dma_wait3A_384, %dma_wait3A_385] : memref<10x80x16xf32, #tpu.memory_space<vmem>> -> memref<1x80x16xf32, #tpu.memory_space<vmem>>
        %dma_wait3A_387 = tpu.memref_squeeze %dma_wait3A_386 : memref<1x80x16xf32, #tpu.memory_space<vmem>> -> memref<80x16xf32, #tpu.memory_space<vmem>>
        %dma_wait3A_388 = arith.constant 0 : i32
        %dma_wait3A_389 = arith.constant 0 : i32
        %dma_wait3A_390 = tpu.memref_slice %arg2[%dma_wait3A_388, %dma_wait3A_389] : memref<10240x16xf32, #tpu.memory_space<hbm>> -> memref<80x16xf32, #tpu.memory_space<hbm>>
        %dma_wait3A_391 = arith.constant 0 : i32
        %dma_wait3A_392 = arith.constant 0 : i32
        %dma_wait3A_393 = tpu.memref_slice %arg7[%dma_wait3A_383, %dma_wait3A_391, %dma_wait3A_392] : memref<10x80x16xf32, #tpu.memory_space<vmem>> -> memref<1x80x16xf32, #tpu.memory_space<vmem>>
        %dma_wait3A_394 = tpu.memref_squeeze %dma_wait3A_393 : memref<1x80x16xf32, #tpu.memory_space<vmem>> -> memref<80x16xf32, #tpu.memory_space<vmem>>
        %dma_wait3A_395 = arith.constant 0 : i32
        %dma_wait3A_396 = arith.constant 0 : i32
        %dma_wait3A_397 = tpu.memref_slice %arg2[%dma_wait3A_395, %dma_wait3A_396] : memref<10240x16xf32, #tpu.memory_space<hbm>> -> memref<80x16xf32, #tpu.memory_space<hbm>>
        tpu.wait_dma2 semaphore(%arg12 : memref<!tpu.dma_semaphore, #tpu.memory_space<semaphore_mem>>) src(%dma_wait3A_397 : memref<80x16xf32, #tpu.memory_space<hbm>>) dst(%dma_wait3A_394 : memref<80x16xf32, #tpu.memory_space<vmem>>)
        %dma_wait3A_398 = arith.constant 0 : i32
        %dma_wait3A_399 = arith.constant 0 : i32
        %dma_wait3A_400 = arith.constant 0 : i32
        %dma_wait3A_401 = tpu.memref_slice %arg7[%dma_wait3A_398, %dma_wait3A_399, %dma_wait3A_400] : memref<10x80x16xf32, #tpu.memory_space<vmem>> -> memref<1x80x16xf32, #tpu.memory_space<vmem>>
        %dma_wait3A_402 = tpu.memref_squeeze %dma_wait3A_401 : memref<1x80x16xf32, #tpu.memory_space<vmem>> -> memref<80x16xf32, #tpu.memory_space<vmem>>
        %dma_wait3A_403 = arith.constant 0 : i32
        %dma_wait3A_404 = arith.constant 0 : i32
        %dma_wait3A_405 = tpu.memref_slice %arg2[%dma_wait3A_403, %dma_wait3A_404] : memref<10240x16xf32, #tpu.memory_space<hbm>> -> memref<80x16xf32, #tpu.memory_space<hbm>>
        %dma_wait3A_406 = arith.constant 0 : i32
        %dma_wait3A_407 = arith.constant 0 : i32
        %dma_wait3A_408 = tpu.memref_slice %arg7[%dma_wait3A_398, %dma_wait3A_406, %dma_wait3A_407] : memref<10x80x16xf32, #tpu.memory_space<vmem>> -> memref<1x80x16xf32, #tpu.memory_space<vmem>>
        %dma_wait3A_409 = tpu.memref_squeeze %dma_wait3A_408 : memref<1x80x16xf32, #tpu.memory_space<vmem>> -> memref<80x16xf32, #tpu.memory_space<vmem>>
        %dma_wait3A_410 = arith.constant 0 : i32
        %dma_wait3A_411 = arith.constant 0 : i32
        %dma_wait3A_412 = tpu.memref_slice %arg2[%dma_wait3A_410, %dma_wait3A_411] : memref<10240x16xf32, #tpu.memory_space<hbm>> -> memref<80x16xf32, #tpu.memory_space<hbm>>
        tpu.wait_dma2 semaphore(%arg12 : memref<!tpu.dma_semaphore, #tpu.memory_space<semaphore_mem>>) src(%dma_wait3A_412 : memref<80x16xf32, #tpu.memory_space<hbm>>) dst(%dma_wait3A_409 : memref<80x16xf32, #tpu.memory_space<vmem>>)
        %dma_wait3A_413 = arith.constant 0 : i32
        %dma_wait3A_414 = arith.constant 0 : i32
        %dma_wait3A_415 = arith.constant 0 : i32
        %dma_wait3A_416 = tpu.memref_slice %arg7[%dma_wait3A_413, %dma_wait3A_414, %dma_wait3A_415] : memref<10x80x16xf32, #tpu.memory_space<vmem>> -> memref<1x80x16xf32, #tpu.memory_space<vmem>>
        %dma_wait3A_417 = tpu.memref_squeeze %dma_wait3A_416 : memref<1x80x16xf32, #tpu.memory_space<vmem>> -> memref<80x16xf32, #tpu.memory_space<vmem>>
        %dma_wait3A_418 = arith.constant 0 : i32
        %dma_wait3A_419 = arith.constant 0 : i32
        %dma_wait3A_420 = tpu.memref_slice %arg2[%dma_wait3A_418, %dma_wait3A_419] : memref<10240x16xf32, #tpu.memory_space<hbm>> -> memref<80x16xf32, #tpu.memory_space<hbm>>
        %dma_wait3A_421 = arith.constant 0 : i32
        %dma_wait3A_422 = arith.constant 0 : i32
        %dma_wait3A_423 = tpu.memref_slice %arg7[%dma_wait3A_413, %dma_wait3A_421, %dma_wait3A_422] : memref<10x80x16xf32, #tpu.memory_space<vmem>> -> memref<1x80x16xf32, #tpu.memory_space<vmem>>
        %dma_wait3A_424 = tpu.memref_squeeze %dma_wait3A_423 : memref<1x80x16xf32, #tpu.memory_space<vmem>> -> memref<80x16xf32, #tpu.memory_space<vmem>>
        %dma_wait3A_425 = arith.constant 0 : i32
        %dma_wait3A_426 = arith.constant 0 : i32
        %dma_wait3A_427 = tpu.memref_slice %arg2[%dma_wait3A_425, %dma_wait3A_426] : memref<10240x16xf32, #tpu.memory_space<hbm>> -> memref<80x16xf32, #tpu.memory_space<hbm>>
        tpu.wait_dma2 semaphore(%arg12 : memref<!tpu.dma_semaphore, #tpu.memory_space<semaphore_mem>>) src(%dma_wait3A_427 : memref<80x16xf32, #tpu.memory_space<hbm>>) dst(%dma_wait3A_424 : memref<80x16xf32, #tpu.memory_space<vmem>>)
      } else {
      }
      %lt3A_198 = arith.constant 24 : i32
      %lt3A_199 = arith.cmpi slt, %scan3A_185, %lt3A_198 : i32
      %convert_element_type3A_200 = arith.extui %lt3A_199 : i1 to i32
      %cond3A_201 = arith.constant 0 : i32
      %cond3A_202 = arith.cmpi ne, %convert_element_type3A_200, %cond3A_201 : i32
      scf.if %cond3A_202 {
        %add3A_353 = arith.constant 1 : i32
        %add3A_354 = arith.addi %scan3A_185, %add3A_353 : i32
        %sub3A = arith.constant 1 : i32
        %sub3A_355 = arith.subi %sub3A, %select_n3A_195 : i32
        %mul3A_356 = arith.constant 5 : i32
        %mul3A_357 = arith.muli %add3A_354, %mul3A_356 : i32
        %mul3A_358 = arith.constant 80 : i32
        %mul3A_359 = arith.muli %mul3A_357, %mul3A_358 : i32
        %add3A_360 = arith.constant 0 : i32
        %add3A_361 = arith.addi %mul3A_359, %add3A_360 : i32
        %mul3A_362 = arith.constant 5 : i32
        %mul3A_363 = arith.muli %sub3A_355, %mul3A_362 : i32
        %add3A_364 = arith.constant 0 : i32
        %add3A_365 = arith.addi %mul3A_363, %add3A_364 : i32
        %dma_start3A_366 = arith.constant 0 : i32
        %dma_start3A_367 = arith.constant 0 : i32
        %dma_start3A_368 = tpu.memref_slice %arg7[%add3A_365, %dma_start3A_366, %dma_start3A_367] : memref<10x80x16xf32, #tpu.memory_space<vmem>> -> memref<1x80x16xf32, #tpu.memory_space<vmem>>
        %dma_start3A_369 = tpu.memref_squeeze %dma_start3A_368 : memref<1x80x16xf32, #tpu.memory_space<vmem>> -> memref<80x16xf32, #tpu.memory_space<vmem>>
        %dma_start3A_370 = tpu.memref_slice %arg5[%add3A_361] : memref<10000xi32, #tpu.memory_space<vmem>> -> memref<80xi32, #tpu.memory_space<vmem>>
        %dma_start3A_371 = arith.constant 0 : i32
        %dma_start3A_372 = arith.constant 0 : i32
        %dma_start3A_373 = tpu.memref_slice %arg10[%dma_start3A_371, %dma_start3A_372] : memref<10240x16xf32, #tpu.memory_space<vmem_shared>> -> memref<10240x16xf32, #tpu.memory_space<vmem_shared>>
        tpu.enqueue_indirect_dma source(%dma_start3A_373 : memref<10240x16xf32, #tpu.memory_space<vmem_shared>>) target(%dma_start3A_369 : memref<80x16xf32, #tpu.memory_space<vmem>>) offsets(%dma_start3A_370 : memref<80xi32, #tpu.memory_space<vmem>>) semaphore(%arg11 : memref<!tpu.dma_semaphore, #tpu.memory_space<semaphore_mem>>)
        %add3A_374 = arith.constant 80 : i32
        %add3A_375 = arith.addi %mul3A_359, %add3A_374 : i32
        %mul3A_376 = arith.constant 5 : i32
        %mul3A_377 = arith.muli %sub3A_355, %mul3A_376 : i32
        %add3A_378 = arith.constant 1 : i32
        %add3A_379 = arith.addi %mul3A_377, %add3A_378 : i32
        %dma_start3A_380 = arith.constant 0 : i32
        %dma_start3A_381 = arith.constant 0 : i32
        %dma_start3A_382 = tpu.memref_slice %arg7[%add3A_379, %dma_start3A_380, %dma_start3A_381] : memref<10x80x16xf32, #tpu.memory_space<vmem>> -> memref<1x80x16xf32, #tpu.memory_space<vmem>>
        %dma_start3A_383 = tpu.memref_squeeze %dma_start3A_382 : memref<1x80x16xf32, #tpu.memory_space<vmem>> -> memref<80x16xf32, #tpu.memory_space<vmem>>
        %dma_start3A_384 = tpu.memref_slice %arg5[%add3A_375] : memref<10000xi32, #tpu.memory_space<vmem>> -> memref<80xi32, #tpu.memory_space<vmem>>
        %dma_start3A_385 = arith.constant 0 : i32
        %dma_start3A_386 = arith.constant 0 : i32
        %dma_start3A_387 = tpu.memref_slice %arg10[%dma_start3A_385, %dma_start3A_386] : memref<10240x16xf32, #tpu.memory_space<vmem_shared>> -> memref<10240x16xf32, #tpu.memory_space<vmem_shared>>
        tpu.enqueue_indirect_dma source(%dma_start3A_387 : memref<10240x16xf32, #tpu.memory_space<vmem_shared>>) target(%dma_start3A_383 : memref<80x16xf32, #tpu.memory_space<vmem>>) offsets(%dma_start3A_384 : memref<80xi32, #tpu.memory_space<vmem>>) semaphore(%arg11 : memref<!tpu.dma_semaphore, #tpu.memory_space<semaphore_mem>>)
        %add3A_388 = arith.constant 160 : i32
        %add3A_389 = arith.addi %mul3A_359, %add3A_388 : i32
        %mul3A_390 = arith.constant 5 : i32
        %mul3A_391 = arith.muli %sub3A_355, %mul3A_390 : i32
        %add3A_392 = arith.constant 2 : i32
        %add3A_393 = arith.addi %mul3A_391, %add3A_392 : i32
        %dma_start3A_394 = arith.constant 0 : i32
        %dma_start3A_395 = arith.constant 0 : i32
        %dma_start3A_396 = tpu.memref_slice %arg7[%add3A_393, %dma_start3A_394, %dma_start3A_395] : memref<10x80x16xf32, #tpu.memory_space<vmem>> -> memref<1x80x16xf32, #tpu.memory_space<vmem>>
        %dma_start3A_397 = tpu.memref_squeeze %dma_start3A_396 : memref<1x80x16xf32, #tpu.memory_space<vmem>> -> memref<80x16xf32, #tpu.memory_space<vmem>>
        %dma_start3A_398 = tpu.memref_slice %arg5[%add3A_389] : memref<10000xi32, #tpu.memory_space<vmem>> -> memref<80xi32, #tpu.memory_space<vmem>>
        %dma_start3A_399 = arith.constant 0 : i32
        %dma_start3A_400 = arith.constant 0 : i32
        %dma_start3A_401 = tpu.memref_slice %arg10[%dma_start3A_399, %dma_start3A_400] : memref<10240x16xf32, #tpu.memory_space<vmem_shared>> -> memref<10240x16xf32, #tpu.memory_space<vmem_shared>>
        tpu.enqueue_indirect_dma source(%dma_start3A_401 : memref<10240x16xf32, #tpu.memory_space<vmem_shared>>) target(%dma_start3A_397 : memref<80x16xf32, #tpu.memory_space<vmem>>) offsets(%dma_start3A_398 : memref<80xi32, #tpu.memory_space<vmem>>) semaphore(%arg11 : memref<!tpu.dma_semaphore, #tpu.memory_space<semaphore_mem>>)
        %add3A_402 = arith.constant 240 : i32
        %add3A_403 = arith.addi %mul3A_359, %add3A_402 : i32
        %mul3A_404 = arith.constant 5 : i32
        %mul3A_405 = arith.muli %sub3A_355, %mul3A_404 : i32
        %add3A_406 = arith.constant 3 : i32
        %add3A_407 = arith.addi %mul3A_405, %add3A_406 : i32
        %dma_start3A_408 = arith.constant 0 : i32
        %dma_start3A_409 = arith.constant 0 : i32
        %dma_start3A_410 = tpu.memref_slice %arg7[%add3A_407, %dma_start3A_408, %dma_start3A_409] : memref<10x80x16xf32, #tpu.memory_space<vmem>> -> memref<1x80x16xf32, #tpu.memory_space<vmem>>
        %dma_start3A_411 = tpu.memref_squeeze %dma_start3A_410 : memref<1x80x16xf32, #tpu.memory_space<vmem>> -> memref<80x16xf32, #tpu.memory_space<vmem>>
        %dma_start3A_412 = tpu.memref_slice %arg5[%add3A_403] : memref<10000xi32, #tpu.memory_space<vmem>> -> memref<80xi32, #tpu.memory_space<vmem>>
        %dma_start3A_413 = arith.constant 0 : i32
        %dma_start3A_414 = arith.constant 0 : i32
        %dma_start3A_415 = tpu.memref_slice %arg10[%dma_start3A_413, %dma_start3A_414] : memref<10240x16xf32, #tpu.memory_space<vmem_shared>> -> memref<10240x16xf32, #tpu.memory_space<vmem_shared>>
        tpu.enqueue_indirect_dma source(%dma_start3A_415 : memref<10240x16xf32, #tpu.memory_space<vmem_shared>>) target(%dma_start3A_411 : memref<80x16xf32, #tpu.memory_space<vmem>>) offsets(%dma_start3A_412 : memref<80xi32, #tpu.memory_space<vmem>>) semaphore(%arg11 : memref<!tpu.dma_semaphore, #tpu.memory_space<semaphore_mem>>)
        %add3A_416 = arith.constant 320 : i32
        %add3A_417 = arith.addi %mul3A_359, %add3A_416 : i32
        %mul3A_418 = arith.constant 5 : i32
        %mul3A_419 = arith.muli %sub3A_355, %mul3A_418 : i32
        %add3A_420 = arith.constant 4 : i32
        %add3A_421 = arith.addi %mul3A_419, %add3A_420 : i32
        %dma_start3A_422 = arith.constant 0 : i32
        %dma_start3A_423 = arith.constant 0 : i32
        %dma_start3A_424 = tpu.memref_slice %arg7[%add3A_421, %dma_start3A_422, %dma_start3A_423] : memref<10x80x16xf32, #tpu.memory_space<vmem>> -> memref<1x80x16xf32, #tpu.memory_space<vmem>>
        %dma_start3A_425 = tpu.memref_squeeze %dma_start3A_424 : memref<1x80x16xf32, #tpu.memory_space<vmem>> -> memref<80x16xf32, #tpu.memory_space<vmem>>
        %dma_start3A_426 = tpu.memref_slice %arg5[%add3A_417] : memref<10000xi32, #tpu.memory_space<vmem>> -> memref<80xi32, #tpu.memory_space<vmem>>
        %dma_start3A_427 = arith.constant 0 : i32
        %dma_start3A_428 = arith.constant 0 : i32
        %dma_start3A_429 = tpu.memref_slice %arg10[%dma_start3A_427, %dma_start3A_428] : memref<10240x16xf32, #tpu.memory_space<vmem_shared>> -> memref<10240x16xf32, #tpu.memory_space<vmem_shared>>
        tpu.enqueue_indirect_dma source(%dma_start3A_429 : memref<10240x16xf32, #tpu.memory_space<vmem_shared>>) target(%dma_start3A_425 : memref<80x16xf32, #tpu.memory_space<vmem>>) offsets(%dma_start3A_426 : memref<80xi32, #tpu.memory_space<vmem>>) semaphore(%arg11 : memref<!tpu.dma_semaphore, #tpu.memory_space<semaphore_mem>>)
      } else {
      }
      %dma_wait3A_203 = arith.constant 0 : i32
      %dma_wait3A_204 = arith.constant 0 : i32
      %dma_wait3A_205 = arith.constant 0 : i32
      %dma_wait3A_206 = tpu.memref_slice %arg7[%dma_wait3A_203, %dma_wait3A_204, %dma_wait3A_205] : memref<10x80x16xf32, #tpu.memory_space<vmem>> -> memref<1x80x16xf32, #tpu.memory_space<vmem>>
      %dma_wait3A_207 = tpu.memref_squeeze %dma_wait3A_206 : memref<1x80x16xf32, #tpu.memory_space<vmem>> -> memref<80x16xf32, #tpu.memory_space<vmem>>
      %dma_wait3A_208 = arith.constant 0 : i32
      %dma_wait3A_209 = arith.constant 0 : i32
      %dma_wait3A_210 = tpu.memref_slice %arg2[%dma_wait3A_208, %dma_wait3A_209] : memref<10240x16xf32, #tpu.memory_space<hbm>> -> memref<80x16xf32, #tpu.memory_space<hbm>>
      %dma_wait3A_211 = arith.constant 0 : i32
      %dma_wait3A_212 = arith.constant 0 : i32
      %dma_wait3A_213 = tpu.memref_slice %arg7[%dma_wait3A_203, %dma_wait3A_211, %dma_wait3A_212] : memref<10x80x16xf32, #tpu.memory_space<vmem>> -> memref<1x80x16xf32, #tpu.memory_space<vmem>>
      %dma_wait3A_214 = tpu.memref_squeeze %dma_wait3A_213 : memref<1x80x16xf32, #tpu.memory_space<vmem>> -> memref<80x16xf32, #tpu.memory_space<vmem>>
      %dma_wait3A_215 = arith.constant 0 : i32
      %dma_wait3A_216 = arith.constant 0 : i32
      %dma_wait3A_217 = tpu.memref_slice %arg2[%dma_wait3A_215, %dma_wait3A_216] : memref<10240x16xf32, #tpu.memory_space<hbm>> -> memref<80x16xf32, #tpu.memory_space<hbm>>
      tpu.wait_dma2 semaphore(%arg11 : memref<!tpu.dma_semaphore, #tpu.memory_space<semaphore_mem>>) src(%dma_wait3A_217 : memref<80x16xf32, #tpu.memory_space<hbm>>) dst(%dma_wait3A_214 : memref<80x16xf32, #tpu.memory_space<vmem>>)
      %dma_wait3A_218 = arith.constant 0 : i32
      %dma_wait3A_219 = arith.constant 0 : i32
      %dma_wait3A_220 = arith.constant 0 : i32
      %dma_wait3A_221 = tpu.memref_slice %arg7[%dma_wait3A_218, %dma_wait3A_219, %dma_wait3A_220] : memref<10x80x16xf32, #tpu.memory_space<vmem>> -> memref<1x80x16xf32, #tpu.memory_space<vmem>>
      %dma_wait3A_222 = tpu.memref_squeeze %dma_wait3A_221 : memref<1x80x16xf32, #tpu.memory_space<vmem>> -> memref<80x16xf32, #tpu.memory_space<vmem>>
      %dma_wait3A_223 = arith.constant 0 : i32
      %dma_wait3A_224 = arith.constant 0 : i32
      %dma_wait3A_225 = tpu.memref_slice %arg2[%dma_wait3A_223, %dma_wait3A_224] : memref<10240x16xf32, #tpu.memory_space<hbm>> -> memref<80x16xf32, #tpu.memory_space<hbm>>
      %dma_wait3A_226 = arith.constant 0 : i32
      %dma_wait3A_227 = arith.constant 0 : i32
      %dma_wait3A_228 = tpu.memref_slice %arg7[%dma_wait3A_218, %dma_wait3A_226, %dma_wait3A_227] : memref<10x80x16xf32, #tpu.memory_space<vmem>> -> memref<1x80x16xf32, #tpu.memory_space<vmem>>
      %dma_wait3A_229 = tpu.memref_squeeze %dma_wait3A_228 : memref<1x80x16xf32, #tpu.memory_space<vmem>> -> memref<80x16xf32, #tpu.memory_space<vmem>>
      %dma_wait3A_230 = arith.constant 0 : i32
      %dma_wait3A_231 = arith.constant 0 : i32
      %dma_wait3A_232 = tpu.memref_slice %arg2[%dma_wait3A_230, %dma_wait3A_231] : memref<10240x16xf32, #tpu.memory_space<hbm>> -> memref<80x16xf32, #tpu.memory_space<hbm>>
      tpu.wait_dma2 semaphore(%arg11 : memref<!tpu.dma_semaphore, #tpu.memory_space<semaphore_mem>>) src(%dma_wait3A_232 : memref<80x16xf32, #tpu.memory_space<hbm>>) dst(%dma_wait3A_229 : memref<80x16xf32, #tpu.memory_space<vmem>>)
      %dma_wait3A_233 = arith.constant 0 : i32
      %dma_wait3A_234 = arith.constant 0 : i32
      %dma_wait3A_235 = arith.constant 0 : i32
      %dma_wait3A_236 = tpu.memref_slice %arg7[%dma_wait3A_233, %dma_wait3A_234, %dma_wait3A_235] : memref<10x80x16xf32, #tpu.memory_space<vmem>> -> memref<1x80x16xf32, #tpu.memory_space<vmem>>
      %dma_wait3A_237 = tpu.memref_squeeze %dma_wait3A_236 : memref<1x80x16xf32, #tpu.memory_space<vmem>> -> memref<80x16xf32, #tpu.memory_space<vmem>>
      %dma_wait3A_238 = arith.constant 0 : i32
      %dma_wait3A_239 = arith.constant 0 : i32
      %dma_wait3A_240 = tpu.memref_slice %arg2[%dma_wait3A_238, %dma_wait3A_239] : memref<10240x16xf32, #tpu.memory_space<hbm>> -> memref<80x16xf32, #tpu.memory_space<hbm>>
      %dma_wait3A_241 = arith.constant 0 : i32
      %dma_wait3A_242 = arith.constant 0 : i32
      %dma_wait3A_243 = tpu.memref_slice %arg7[%dma_wait3A_233, %dma_wait3A_241, %dma_wait3A_242] : memref<10x80x16xf32, #tpu.memory_space<vmem>> -> memref<1x80x16xf32, #tpu.memory_space<vmem>>
      %dma_wait3A_244 = tpu.memref_squeeze %dma_wait3A_243 : memref<1x80x16xf32, #tpu.memory_space<vmem>> -> memref<80x16xf32, #tpu.memory_space<vmem>>
      %dma_wait3A_245 = arith.constant 0 : i32
      %dma_wait3A_246 = arith.constant 0 : i32
      %dma_wait3A_247 = tpu.memref_slice %arg2[%dma_wait3A_245, %dma_wait3A_246] : memref<10240x16xf32, #tpu.memory_space<hbm>> -> memref<80x16xf32, #tpu.memory_space<hbm>>
      tpu.wait_dma2 semaphore(%arg11 : memref<!tpu.dma_semaphore, #tpu.memory_space<semaphore_mem>>) src(%dma_wait3A_247 : memref<80x16xf32, #tpu.memory_space<hbm>>) dst(%dma_wait3A_244 : memref<80x16xf32, #tpu.memory_space<vmem>>)
      %dma_wait3A_248 = arith.constant 0 : i32
      %dma_wait3A_249 = arith.constant 0 : i32
      %dma_wait3A_250 = arith.constant 0 : i32
      %dma_wait3A_251 = tpu.memref_slice %arg7[%dma_wait3A_248, %dma_wait3A_249, %dma_wait3A_250] : memref<10x80x16xf32, #tpu.memory_space<vmem>> -> memref<1x80x16xf32, #tpu.memory_space<vmem>>
      %dma_wait3A_252 = tpu.memref_squeeze %dma_wait3A_251 : memref<1x80x16xf32, #tpu.memory_space<vmem>> -> memref<80x16xf32, #tpu.memory_space<vmem>>
      %dma_wait3A_253 = arith.constant 0 : i32
      %dma_wait3A_254 = arith.constant 0 : i32
      %dma_wait3A_255 = tpu.memref_slice %arg2[%dma_wait3A_253, %dma_wait3A_254] : memref<10240x16xf32, #tpu.memory_space<hbm>> -> memref<80x16xf32, #tpu.memory_space<hbm>>
      %dma_wait3A_256 = arith.constant 0 : i32
      %dma_wait3A_257 = arith.constant 0 : i32
      %dma_wait3A_258 = tpu.memref_slice %arg7[%dma_wait3A_248, %dma_wait3A_256, %dma_wait3A_257] : memref<10x80x16xf32, #tpu.memory_space<vmem>> -> memref<1x80x16xf32, #tpu.memory_space<vmem>>
      %dma_wait3A_259 = tpu.memref_squeeze %dma_wait3A_258 : memref<1x80x16xf32, #tpu.memory_space<vmem>> -> memref<80x16xf32, #tpu.memory_space<vmem>>
      %dma_wait3A_260 = arith.constant 0 : i32
      %dma_wait3A_261 = arith.constant 0 : i32
      %dma_wait3A_262 = tpu.memref_slice %arg2[%dma_wait3A_260, %dma_wait3A_261] : memref<10240x16xf32, #tpu.memory_space<hbm>> -> memref<80x16xf32, #tpu.memory_space<hbm>>
      tpu.wait_dma2 semaphore(%arg11 : memref<!tpu.dma_semaphore, #tpu.memory_space<semaphore_mem>>) src(%dma_wait3A_262 : memref<80x16xf32, #tpu.memory_space<hbm>>) dst(%dma_wait3A_259 : memref<80x16xf32, #tpu.memory_space<vmem>>)
      %dma_wait3A_263 = arith.constant 0 : i32
      %dma_wait3A_264 = arith.constant 0 : i32
      %dma_wait3A_265 = arith.constant 0 : i32
      %dma_wait3A_266 = tpu.memref_slice %arg7[%dma_wait3A_263, %dma_wait3A_264, %dma_wait3A_265] : memref<10x80x16xf32, #tpu.memory_space<vmem>> -> memref<1x80x16xf32, #tpu.memory_space<vmem>>
      %dma_wait3A_267 = tpu.memref_squeeze %dma_wait3A_266 : memref<1x80x16xf32, #tpu.memory_space<vmem>> -> memref<80x16xf32, #tpu.memory_space<vmem>>
      %dma_wait3A_268 = arith.constant 0 : i32
      %dma_wait3A_269 = arith.constant 0 : i32
      %dma_wait3A_270 = tpu.memref_slice %arg2[%dma_wait3A_268, %dma_wait3A_269] : memref<10240x16xf32, #tpu.memory_space<hbm>> -> memref<80x16xf32, #tpu.memory_space<hbm>>
      %dma_wait3A_271 = arith.constant 0 : i32
      %dma_wait3A_272 = arith.constant 0 : i32
      %dma_wait3A_273 = tpu.memref_slice %arg7[%dma_wait3A_263, %dma_wait3A_271, %dma_wait3A_272] : memref<10x80x16xf32, #tpu.memory_space<vmem>> -> memref<1x80x16xf32, #tpu.memory_space<vmem>>
      %dma_wait3A_274 = tpu.memref_squeeze %dma_wait3A_273 : memref<1x80x16xf32, #tpu.memory_space<vmem>> -> memref<80x16xf32, #tpu.memory_space<vmem>>
      %dma_wait3A_275 = arith.constant 0 : i32
      %dma_wait3A_276 = arith.constant 0 : i32
      %dma_wait3A_277 = tpu.memref_slice %arg2[%dma_wait3A_275, %dma_wait3A_276] : memref<10240x16xf32, #tpu.memory_space<hbm>> -> memref<80x16xf32, #tpu.memory_space<hbm>>
      tpu.wait_dma2 semaphore(%arg11 : memref<!tpu.dma_semaphore, #tpu.memory_space<semaphore_mem>>) src(%dma_wait3A_277 : memref<80x16xf32, #tpu.memory_space<hbm>>) dst(%dma_wait3A_274 : memref<80x16xf32, #tpu.memory_space<vmem>>)
      %mul3A_278 = arith.constant 5 : i32
      %mul3A_279 = arith.muli %scan3A_185, %mul3A_278 : i32
      %mul3A_280 = arith.constant 80 : i32
      %mul3A_281 = arith.muli %mul3A_279, %mul3A_280 : i32
      %mul3A_282 = arith.constant 5 : i32
      %mul3A_283 = arith.muli %select_n3A_195, %mul3A_282 : i32
      %add3A_284 = arith.constant 0 : i32
      %add3A_285 = arith.addi %mul3A_283, %add3A_284 : i32
      %add3A_286 = arith.constant 0 : i32
      %add3A_287 = arith.addi %mul3A_281, %add3A_286 : i32
      %dma_start3A_288 = arith.constant 0 : i32
      %dma_start3A_289 = arith.constant 0 : i32
      %dma_start3A_290 = tpu.memref_slice %arg7[%add3A_285, %dma_start3A_288, %dma_start3A_289] : memref<10x80x16xf32, #tpu.memory_space<vmem>> -> memref<1x80x16xf32, #tpu.memory_space<vmem>>
      %dma_start3A_291 = tpu.memref_squeeze %dma_start3A_290 : memref<1x80x16xf32, #tpu.memory_space<vmem>> -> memref<80x16xf32, #tpu.memory_space<vmem>>
      %dma_start3A_292 = tpu.memref_slice %arg6[%add3A_287] : memref<10000xi32, #tpu.memory_space<vmem>> -> memref<80xi32, #tpu.memory_space<vmem>>
      %dma_start3A_293 = arith.constant 0 : i32
      %dma_start3A_294 = arith.constant 0 : i32
      %dma_start3A_295 = tpu.memref_slice %arg9[%dma_start3A_293, %dma_start3A_294] : memref<10240x16xf32, #tpu.memory_space<vmem_shared>> -> memref<10240x16xf32, #tpu.memory_space<vmem_shared>>
      tpu.enqueue_indirect_dma source(%dma_start3A_291 : memref<80x16xf32, #tpu.memory_space<vmem>>) target(%dma_start3A_295 : memref<10240x16xf32, #tpu.memory_space<vmem_shared>>) offsets(%dma_start3A_292 : memref<80xi32, #tpu.memory_space<vmem>>) semaphore(%arg12 : memref<!tpu.dma_semaphore, #tpu.memory_space<semaphore_mem>>) {add = true}
      %mul3A_296 = arith.constant 5 : i32
      %mul3A_297 = arith.muli %select_n3A_195, %mul3A_296 : i32
      %add3A_298 = arith.constant 1 : i32
      %add3A_299 = arith.addi %mul3A_297, %add3A_298 : i32
      %add3A_300 = arith.constant 80 : i32
      %add3A_301 = arith.addi %mul3A_281, %add3A_300 : i32
      %dma_start3A_302 = arith.constant 0 : i32
      %dma_start3A_303 = arith.constant 0 : i32
      %dma_start3A_304 = tpu.memref_slice %arg7[%add3A_299, %dma_start3A_302, %dma_start3A_303] : memref<10x80x16xf32, #tpu.memory_space<vmem>> -> memref<1x80x16xf32, #tpu.memory_space<vmem>>
      %dma_start3A_305 = tpu.memref_squeeze %dma_start3A_304 : memref<1x80x16xf32, #tpu.memory_space<vmem>> -> memref<80x16xf32, #tpu.memory_space<vmem>>
      %dma_start3A_306 = tpu.memref_slice %arg6[%add3A_301] : memref<10000xi32, #tpu.memory_space<vmem>> -> memref<80xi32, #tpu.memory_space<vmem>>
      %dma_start3A_307 = arith.constant 0 : i32
      %dma_start3A_308 = arith.constant 0 : i32
      %dma_start3A_309 = tpu.memref_slice %arg9[%dma_start3A_307, %dma_start3A_308] : memref<10240x16xf32, #tpu.memory_space<vmem_shared>> -> memref<10240x16xf32, #tpu.memory_space<vmem_shared>>
      tpu.enqueue_indirect_dma source(%dma_start3A_305 : memref<80x16xf32, #tpu.memory_space<vmem>>) target(%dma_start3A_309 : memref<10240x16xf32, #tpu.memory_space<vmem_shared>>) offsets(%dma_start3A_306 : memref<80xi32, #tpu.memory_space<vmem>>) semaphore(%arg12 : memref<!tpu.dma_semaphore, #tpu.memory_space<semaphore_mem>>) {add = true}
      %mul3A_310 = arith.constant 5 : i32
      %mul3A_311 = arith.muli %select_n3A_195, %mul3A_310 : i32
      %add3A_312 = arith.constant 2 : i32
      %add3A_313 = arith.addi %mul3A_311, %add3A_312 : i32
      %add3A_314 = arith.constant 160 : i32
      %add3A_315 = arith.addi %mul3A_281, %add3A_314 : i32
      %dma_start3A_316 = arith.constant 0 : i32
      %dma_start3A_317 = arith.constant 0 : i32
      %dma_start3A_318 = tpu.memref_slice %arg7[%add3A_313, %dma_start3A_316, %dma_start3A_317] : memref<10x80x16xf32, #tpu.memory_space<vmem>> -> memref<1x80x16xf32, #tpu.memory_space<vmem>>
      %dma_start3A_319 = tpu.memref_squeeze %dma_start3A_318 : memref<1x80x16xf32, #tpu.memory_space<vmem>> -> memref<80x16xf32, #tpu.memory_space<vmem>>
      %dma_start3A_320 = tpu.memref_slice %arg6[%add3A_315] : memref<10000xi32, #tpu.memory_space<vmem>> -> memref<80xi32, #tpu.memory_space<vmem>>
      %dma_start3A_321 = arith.constant 0 : i32
      %dma_start3A_322 = arith.constant 0 : i32
      %dma_start3A_323 = tpu.memref_slice %arg9[%dma_start3A_321, %dma_start3A_322] : memref<10240x16xf32, #tpu.memory_space<vmem_shared>> -> memref<10240x16xf32, #tpu.memory_space<vmem_shared>>
      tpu.enqueue_indirect_dma source(%dma_start3A_319 : memref<80x16xf32, #tpu.memory_space<vmem>>) target(%dma_start3A_323 : memref<10240x16xf32, #tpu.memory_space<vmem_shared>>) offsets(%dma_start3A_320 : memref<80xi32, #tpu.memory_space<vmem>>) semaphore(%arg12 : memref<!tpu.dma_semaphore, #tpu.memory_space<semaphore_mem>>) {add = true}
      %mul3A_324 = arith.constant 5 : i32
      %mul3A_325 = arith.muli %select_n3A_195, %mul3A_324 : i32
      %add3A_326 = arith.constant 3 : i32
      %add3A_327 = arith.addi %mul3A_325, %add3A_326 : i32
      %add3A_328 = arith.constant 240 : i32
      %add3A_329 = arith.addi %mul3A_281, %add3A_328 : i32
      %dma_start3A_330 = arith.constant 0 : i32
      %dma_start3A_331 = arith.constant 0 : i32
      %dma_start3A_332 = tpu.memref_slice %arg7[%add3A_327, %dma_start3A_330, %dma_start3A_331] : memref<10x80x16xf32, #tpu.memory_space<vmem>> -> memref<1x80x16xf32, #tpu.memory_space<vmem>>
      %dma_start3A_333 = tpu.memref_squeeze %dma_start3A_332 : memref<1x80x16xf32, #tpu.memory_space<vmem>> -> memref<80x16xf32, #tpu.memory_space<vmem>>
      %dma_start3A_334 = tpu.memref_slice %arg6[%add3A_329] : memref<10000xi32, #tpu.memory_space<vmem>> -> memref<80xi32, #tpu.memory_space<vmem>>
      %dma_start3A_335 = arith.constant 0 : i32
      %dma_start3A_336 = arith.constant 0 : i32
      %dma_start3A_337 = tpu.memref_slice %arg9[%dma_start3A_335, %dma_start3A_336] : memref<10240x16xf32, #tpu.memory_space<vmem_shared>> -> memref<10240x16xf32, #tpu.memory_space<vmem_shared>>
      tpu.enqueue_indirect_dma source(%dma_start3A_333 : memref<80x16xf32, #tpu.memory_space<vmem>>) target(%dma_start3A_337 : memref<10240x16xf32, #tpu.memory_space<vmem_shared>>) offsets(%dma_start3A_334 : memref<80xi32, #tpu.memory_space<vmem>>) semaphore(%arg12 : memref<!tpu.dma_semaphore, #tpu.memory_space<semaphore_mem>>) {add = true}
      %mul3A_338 = arith.constant 5 : i32
      %mul3A_339 = arith.muli %select_n3A_195, %mul3A_338 : i32
      %add3A_340 = arith.constant 4 : i32
      %add3A_341 = arith.addi %mul3A_339, %add3A_340 : i32
      %add3A_342 = arith.constant 320 : i32
      %add3A_343 = arith.addi %mul3A_281, %add3A_342 : i32
      %dma_start3A_344 = arith.constant 0 : i32
      %dma_start3A_345 = arith.constant 0 : i32
      %dma_start3A_346 = tpu.memref_slice %arg7[%add3A_341, %dma_start3A_344, %dma_start3A_345] : memref<10x80x16xf32, #tpu.memory_space<vmem>> -> memref<1x80x16xf32, #tpu.memory_space<vmem>>
      %dma_start3A_347 = tpu.memref_squeeze %dma_start3A_346 : memref<1x80x16xf32, #tpu.memory_space<vmem>> -> memref<80x16xf32, #tpu.memory_space<vmem>>
      %dma_start3A_348 = tpu.memref_slice %arg6[%add3A_343] : memref<10000xi32, #tpu.memory_space<vmem>> -> memref<80xi32, #tpu.memory_space<vmem>>
      %dma_start3A_349 = arith.constant 0 : i32
      %dma_start3A_350 = arith.constant 0 : i32
      %dma_start3A_351 = tpu.memref_slice %arg9[%dma_start3A_349, %dma_start3A_350] : memref<10240x16xf32, #tpu.memory_space<vmem_shared>> -> memref<10240x16xf32, #tpu.memory_space<vmem_shared>>
      tpu.enqueue_indirect_dma source(%dma_start3A_347 : memref<80x16xf32, #tpu.memory_space<vmem>>) target(%dma_start3A_351 : memref<10240x16xf32, #tpu.memory_space<vmem_shared>>) offsets(%dma_start3A_348 : memref<80xi32, #tpu.memory_space<vmem>>) semaphore(%arg12 : memref<!tpu.dma_semaphore, #tpu.memory_space<semaphore_mem>>) {add = true}
      %scan3A_352 = arith.constant 0 : i32
      scf.yield %scan3A_352 : i32
    }
    %scan3A_89 = arith.constant 25 : i32
    %dma_wait3A = arith.constant 0 : i32
    %dma_wait3A_90 = arith.constant 0 : i32
    %dma_wait3A_91 = arith.constant 0 : i32
    %dma_wait3A_92 = tpu.memref_slice %arg7[%dma_wait3A, %dma_wait3A_90, %dma_wait3A_91] : memref<10x80x16xf32, #tpu.memory_space<vmem>> -> memref<1x80x16xf32, #tpu.memory_space<vmem>>
    %dma_wait3A_93 = tpu.memref_squeeze %dma_wait3A_92 : memref<1x80x16xf32, #tpu.memory_space<vmem>> -> memref<80x16xf32, #tpu.memory_space<vmem>>
    %dma_wait3A_94 = arith.constant 0 : i32
    %dma_wait3A_95 = arith.constant 0 : i32
    %dma_wait3A_96 = tpu.memref_slice %arg2[%dma_wait3A_94, %dma_wait3A_95] : memref<10240x16xf32, #tpu.memory_space<hbm>> -> memref<80x16xf32, #tpu.memory_space<hbm>>
    %dma_wait3A_97 = arith.constant 0 : i32
    %dma_wait3A_98 = arith.constant 0 : i32
    %dma_wait3A_99 = tpu.memref_slice %arg7[%dma_wait3A, %dma_wait3A_97, %dma_wait3A_98] : memref<10x80x16xf32, #tpu.memory_space<vmem>> -> memref<1x80x16xf32, #tpu.memory_space<vmem>>
    %dma_wait3A_100 = tpu.memref_squeeze %dma_wait3A_99 : memref<1x80x16xf32, #tpu.memory_space<vmem>> -> memref<80x16xf32, #tpu.memory_space<vmem>>
    %dma_wait3A_101 = arith.constant 0 : i32
    %dma_wait3A_102 = arith.constant 0 : i32
    %dma_wait3A_103 = tpu.memref_slice %arg2[%dma_wait3A_101, %dma_wait3A_102] : memref<10240x16xf32, #tpu.memory_space<hbm>> -> memref<80x16xf32, #tpu.memory_space<hbm>>
    tpu.wait_dma2 semaphore(%arg12 : memref<!tpu.dma_semaphore, #tpu.memory_space<semaphore_mem>>) src(%dma_wait3A_103 : memref<80x16xf32, #tpu.memory_space<hbm>>) dst(%dma_wait3A_100 : memref<80x16xf32, #tpu.memory_space<vmem>>)
    %dma_wait3A_104 = arith.constant 0 : i32
    %dma_wait3A_105 = arith.constant 0 : i32
    %dma_wait3A_106 = arith.constant 0 : i32
    %dma_wait3A_107 = tpu.memref_slice %arg7[%dma_wait3A_104, %dma_wait3A_105, %dma_wait3A_106] : memref<10x80x16xf32, #tpu.memory_space<vmem>> -> memref<1x80x16xf32, #tpu.memory_space<vmem>>
    %dma_wait3A_108 = tpu.memref_squeeze %dma_wait3A_107 : memref<1x80x16xf32, #tpu.memory_space<vmem>> -> memref<80x16xf32, #tpu.memory_space<vmem>>
    %dma_wait3A_109 = arith.constant 0 : i32
    %dma_wait3A_110 = arith.constant 0 : i32
    %dma_wait3A_111 = tpu.memref_slice %arg2[%dma_wait3A_109, %dma_wait3A_110] : memref<10240x16xf32, #tpu.memory_space<hbm>> -> memref<80x16xf32, #tpu.memory_space<hbm>>
    %dma_wait3A_112 = arith.constant 0 : i32
    %dma_wait3A_113 = arith.constant 0 : i32
    %dma_wait3A_114 = tpu.memref_slice %arg7[%dma_wait3A_104, %dma_wait3A_112, %dma_wait3A_113] : memref<10x80x16xf32, #tpu.memory_space<vmem>> -> memref<1x80x16xf32, #tpu.memory_space<vmem>>
    %dma_wait3A_115 = tpu.memref_squeeze %dma_wait3A_114 : memref<1x80x16xf32, #tpu.memory_space<vmem>> -> memref<80x16xf32, #tpu.memory_space<vmem>>
    %dma_wait3A_116 = arith.constant 0 : i32
    %dma_wait3A_117 = arith.constant 0 : i32
    %dma_wait3A_118 = tpu.memref_slice %arg2[%dma_wait3A_116, %dma_wait3A_117] : memref<10240x16xf32, #tpu.memory_space<hbm>> -> memref<80x16xf32, #tpu.memory_space<hbm>>
    tpu.wait_dma2 semaphore(%arg12 : memref<!tpu.dma_semaphore, #tpu.memory_space<semaphore_mem>>) src(%dma_wait3A_118 : memref<80x16xf32, #tpu.memory_space<hbm>>) dst(%dma_wait3A_115 : memref<80x16xf32, #tpu.memory_space<vmem>>)
    %dma_wait3A_119 = arith.constant 0 : i32
    %dma_wait3A_120 = arith.constant 0 : i32
    %dma_wait3A_121 = arith.constant 0 : i32
    %dma_wait3A_122 = tpu.memref_slice %arg7[%dma_wait3A_119, %dma_wait3A_120, %dma_wait3A_121] : memref<10x80x16xf32, #tpu.memory_space<vmem>> -> memref<1x80x16xf32, #tpu.memory_space<vmem>>
    %dma_wait3A_123 = tpu.memref_squeeze %dma_wait3A_122 : memref<1x80x16xf32, #tpu.memory_space<vmem>> -> memref<80x16xf32, #tpu.memory_space<vmem>>
    %dma_wait3A_124 = arith.constant 0 : i32
    %dma_wait3A_125 = arith.constant 0 : i32
    %dma_wait3A_126 = tpu.memref_slice %arg2[%dma_wait3A_124, %dma_wait3A_125] : memref<10240x16xf32, #tpu.memory_space<hbm>> -> memref<80x16xf32, #tpu.memory_space<hbm>>
    %dma_wait3A_127 = arith.constant 0 : i32
    %dma_wait3A_128 = arith.constant 0 : i32
    %dma_wait3A_129 = tpu.memref_slice %arg7[%dma_wait3A_119, %dma_wait3A_127, %dma_wait3A_128] : memref<10x80x16xf32, #tpu.memory_space<vmem>> -> memref<1x80x16xf32, #tpu.memory_space<vmem>>
    %dma_wait3A_130 = tpu.memref_squeeze %dma_wait3A_129 : memref<1x80x16xf32, #tpu.memory_space<vmem>> -> memref<80x16xf32, #tpu.memory_space<vmem>>
    %dma_wait3A_131 = arith.constant 0 : i32
    %dma_wait3A_132 = arith.constant 0 : i32
    %dma_wait3A_133 = tpu.memref_slice %arg2[%dma_wait3A_131, %dma_wait3A_132] : memref<10240x16xf32, #tpu.memory_space<hbm>> -> memref<80x16xf32, #tpu.memory_space<hbm>>
    tpu.wait_dma2 semaphore(%arg12 : memref<!tpu.dma_semaphore, #tpu.memory_space<semaphore_mem>>) src(%dma_wait3A_133 : memref<80x16xf32, #tpu.memory_space<hbm>>) dst(%dma_wait3A_130 : memref<80x16xf32, #tpu.memory_space<vmem>>)
    %dma_wait3A_134 = arith.constant 0 : i32
    %dma_wait3A_135 = arith.constant 0 : i32
    %dma_wait3A_136 = arith.constant 0 : i32
    %dma_wait3A_137 = tpu.memref_slice %arg7[%dma_wait3A_134, %dma_wait3A_135, %dma_wait3A_136] : memref<10x80x16xf32, #tpu.memory_space<vmem>> -> memref<1x80x16xf32, #tpu.memory_space<vmem>>
    %dma_wait3A_138 = tpu.memref_squeeze %dma_wait3A_137 : memref<1x80x16xf32, #tpu.memory_space<vmem>> -> memref<80x16xf32, #tpu.memory_space<vmem>>
    %dma_wait3A_139 = arith.constant 0 : i32
    %dma_wait3A_140 = arith.constant 0 : i32
    %dma_wait3A_141 = tpu.memref_slice %arg2[%dma_wait3A_139, %dma_wait3A_140] : memref<10240x16xf32, #tpu.memory_space<hbm>> -> memref<80x16xf32, #tpu.memory_space<hbm>>
    %dma_wait3A_142 = arith.constant 0 : i32
    %dma_wait3A_143 = arith.constant 0 : i32
    %dma_wait3A_144 = tpu.memref_slice %arg7[%dma_wait3A_134, %dma_wait3A_142, %dma_wait3A_143] : memref<10x80x16xf32, #tpu.memory_space<vmem>> -> memref<1x80x16xf32, #tpu.memory_space<vmem>>
    %dma_wait3A_145 = tpu.memref_squeeze %dma_wait3A_144 : memref<1x80x16xf32, #tpu.memory_space<vmem>> -> memref<80x16xf32, #tpu.memory_space<vmem>>
    %dma_wait3A_146 = arith.constant 0 : i32
    %dma_wait3A_147 = arith.constant 0 : i32
    %dma_wait3A_148 = tpu.memref_slice %arg2[%dma_wait3A_146, %dma_wait3A_147] : memref<10240x16xf32, #tpu.memory_space<hbm>> -> memref<80x16xf32, #tpu.memory_space<hbm>>
    tpu.wait_dma2 semaphore(%arg12 : memref<!tpu.dma_semaphore, #tpu.memory_space<semaphore_mem>>) src(%dma_wait3A_148 : memref<80x16xf32, #tpu.memory_space<hbm>>) dst(%dma_wait3A_145 : memref<80x16xf32, #tpu.memory_space<vmem>>)
    %dma_wait3A_149 = arith.constant 0 : i32
    %dma_wait3A_150 = arith.constant 0 : i32
    %dma_wait3A_151 = arith.constant 0 : i32
    %dma_wait3A_152 = tpu.memref_slice %arg7[%dma_wait3A_149, %dma_wait3A_150, %dma_wait3A_151] : memref<10x80x16xf32, #tpu.memory_space<vmem>> -> memref<1x80x16xf32, #tpu.memory_space<vmem>>
    %dma_wait3A_153 = tpu.memref_squeeze %dma_wait3A_152 : memref<1x80x16xf32, #tpu.memory_space<vmem>> -> memref<80x16xf32, #tpu.memory_space<vmem>>
    %dma_wait3A_154 = arith.constant 0 : i32
    %dma_wait3A_155 = arith.constant 0 : i32
    %dma_wait3A_156 = tpu.memref_slice %arg2[%dma_wait3A_154, %dma_wait3A_155] : memref<10240x16xf32, #tpu.memory_space<hbm>> -> memref<80x16xf32, #tpu.memory_space<hbm>>
    %dma_wait3A_157 = arith.constant 0 : i32
    %dma_wait3A_158 = arith.constant 0 : i32
    %dma_wait3A_159 = tpu.memref_slice %arg7[%dma_wait3A_149, %dma_wait3A_157, %dma_wait3A_158] : memref<10x80x16xf32, #tpu.memory_space<vmem>> -> memref<1x80x16xf32, #tpu.memory_space<vmem>>
    %dma_wait3A_160 = tpu.memref_squeeze %dma_wait3A_159 : memref<1x80x16xf32, #tpu.memory_space<vmem>> -> memref<80x16xf32, #tpu.memory_space<vmem>>
    %dma_wait3A_161 = arith.constant 0 : i32
    %dma_wait3A_162 = arith.constant 0 : i32
    %dma_wait3A_163 = tpu.memref_slice %arg2[%dma_wait3A_161, %dma_wait3A_162] : memref<10240x16xf32, #tpu.memory_space<hbm>> -> memref<80x16xf32, #tpu.memory_space<hbm>>
    tpu.wait_dma2 semaphore(%arg12 : memref<!tpu.dma_semaphore, #tpu.memory_space<semaphore_mem>>) src(%dma_wait3A_163 : memref<80x16xf32, #tpu.memory_space<hbm>>) dst(%dma_wait3A_160 : memref<80x16xf32, #tpu.memory_space<vmem>>)
    %barrier3A_164 = arith.constant 0 : index
    tpu.barrier barrier_id(%barrier3A_164)
    %mul3A_165 = arith.constant 640 : i32
    %mul3A_166 = arith.muli %arg1, %mul3A_165 : i32
    %add3A_167 = arith.constant 0 : i32
    %add3A_168 = arith.addi %mul3A_166, %add3A_167 : i32
    "tpu.region"() ({
      %run_scoped3A_185 = tpu.sem_alloc : memref<!tpu.dma_semaphore, #tpu.memory_space<semaphore_mem>>
      %dma_start3A_186 = arith.constant 0 : i32
      %dma_start3A_187 = tpu.memref_slice %arg4[%arg0, %add3A_168, %dma_start3A_186] : memref<2x10240x16xf32, #tpu.memory_space<hbm>> -> memref<1x128x16xf32, #tpu.memory_space<hbm>>
      %dma_start3A_188 = tpu.memref_squeeze %dma_start3A_187 : memref<1x128x16xf32, #tpu.memory_space<hbm>> -> memref<128x16xf32, #tpu.memory_space<hbm>>
      %dma_start3A_189 = arith.constant 0 : i32
      %dma_start3A_190 = tpu.memref_slice %arg9[%add3A_168, %dma_start3A_189] : memref<10240x16xf32, #tpu.memory_space<vmem_shared>> -> memref<128x16xf32, #tpu.memory_space<vmem_shared>>
      tpu.enqueue_dma source(%dma_start3A_190 : memref<128x16xf32, #tpu.memory_space<vmem_shared>>) target(%dma_start3A_188 : memref<128x16xf32, #tpu.memory_space<hbm>>) target_semaphore(%run_scoped3A_185 : memref<!tpu.dma_semaphore, #tpu.memory_space<semaphore_mem>>)
      %dma_wait3A_191 = arith.constant 0 : i32
      %dma_wait3A_192 = tpu.memref_slice %arg4[%arg0, %add3A_168, %dma_wait3A_191] : memref<2x10240x16xf32, #tpu.memory_space<hbm>> -> memref<1x128x16xf32, #tpu.memory_space<hbm>>
      %dma_wait3A_193 = tpu.memref_squeeze %dma_wait3A_192 : memref<1x128x16xf32, #tpu.memory_space<hbm>> -> memref<128x16xf32, #tpu.memory_space<hbm>>
      %dma_wait3A_194 = arith.constant 0 : i32
      %dma_wait3A_195 = tpu.memref_slice %arg9[%add3A_168, %dma_wait3A_194] : memref<10240x16xf32, #tpu.memory_space<vmem_shared>> -> memref<128x16xf32, #tpu.memory_space<vmem_shared>>
      tpu.wait_dma2 semaphore(%run_scoped3A_185 : memref<!tpu.dma_semaphore, #tpu.memory_space<semaphore_mem>>) src(%dma_wait3A_195 : memref<128x16xf32, #tpu.memory_space<vmem_shared>>) dst(%dma_wait3A_193 : memref<128x16xf32, #tpu.memory_space<hbm>>)
      tpu.yield
    }) : () -> ()
    %mul3A_169 = arith.constant 640 : i32
    %mul3A_170 = arith.muli %arg1, %mul3A_169 : i32
    %add3A_171 = arith.constant 128 : i32
    %add3A_172 = arith.addi %mul3A_170, %add3A_171 : i32
    "tpu.region"() ({
      %run_scoped3A_185 = tpu.sem_alloc : memref<!tpu.dma_semaphore, #tpu.memory_space<semaphore_mem>>
      %dma_start3A_186 = arith.constant 0 : i32
      %dma_start3A_187 = tpu.memref_slice %arg4[%arg0, %add3A_172, %dma_start3A_186] : memref<2x10240x16xf32, #tpu.memory_space<hbm>> -> memref<1x128x16xf32, #tpu.memory_space<hbm>>
      %dma_start3A_188 = tpu.memref_squeeze %dma_start3A_187 : memref<1x128x16xf32, #tpu.memory_space<hbm>> -> memref<128x16xf32, #tpu.memory_space<hbm>>
      %dma_start3A_189 = arith.constant 0 : i32
      %dma_start3A_190 = tpu.memref_slice %arg9[%add3A_172, %dma_start3A_189] : memref<10240x16xf32, #tpu.memory_space<vmem_shared>> -> memref<128x16xf32, #tpu.memory_space<vmem_shared>>
      tpu.enqueue_dma source(%dma_start3A_190 : memref<128x16xf32, #tpu.memory_space<vmem_shared>>) target(%dma_start3A_188 : memref<128x16xf32, #tpu.memory_space<hbm>>) target_semaphore(%run_scoped3A_185 : memref<!tpu.dma_semaphore, #tpu.memory_space<semaphore_mem>>)
      %dma_wait3A_191 = arith.constant 0 : i32
      %dma_wait3A_192 = tpu.memref_slice %arg4[%arg0, %add3A_172, %dma_wait3A_191] : memref<2x10240x16xf32, #tpu.memory_space<hbm>> -> memref<1x128x16xf32, #tpu.memory_space<hbm>>
      %dma_wait3A_193 = tpu.memref_squeeze %dma_wait3A_192 : memref<1x128x16xf32, #tpu.memory_space<hbm>> -> memref<128x16xf32, #tpu.memory_space<hbm>>
      %dma_wait3A_194 = arith.constant 0 : i32
      %dma_wait3A_195 = tpu.memref_slice %arg9[%add3A_172, %dma_wait3A_194] : memref<10240x16xf32, #tpu.memory_space<vmem_shared>> -> memref<128x16xf32, #tpu.memory_space<vmem_shared>>
      tpu.wait_dma2 semaphore(%run_scoped3A_185 : memref<!tpu.dma_semaphore, #tpu.memory_space<semaphore_mem>>) src(%dma_wait3A_195 : memref<128x16xf32, #tpu.memory_space<vmem_shared>>) dst(%dma_wait3A_193 : memref<128x16xf32, #tpu.memory_space<hbm>>)
      tpu.yield
    }) : () -> ()
    %mul3A_173 = arith.constant 640 : i32
    %mul3A_174 = arith.muli %arg1, %mul3A_173 : i32
    %add3A_175 = arith.constant 256 : i32
    %add3A_176 = arith.addi %mul3A_174, %add3A_175 : i32
    "tpu.region"() ({
      %run_scoped3A_185 = tpu.sem_alloc : memref<!tpu.dma_semaphore, #tpu.memory_space<semaphore_mem>>
      %dma_start3A_186 = arith.constant 0 : i32
      %dma_start3A_187 = tpu.memref_slice %arg4[%arg0, %add3A_176, %dma_start3A_186] : memref<2x10240x16xf32, #tpu.memory_space<hbm>> -> memref<1x128x16xf32, #tpu.memory_space<hbm>>
      %dma_start3A_188 = tpu.memref_squeeze %dma_start3A_187 : memref<1x128x16xf32, #tpu.memory_space<hbm>> -> memref<128x16xf32, #tpu.memory_space<hbm>>
      %dma_start3A_189 = arith.constant 0 : i32
      %dma_start3A_190 = tpu.memref_slice %arg9[%add3A_176, %dma_start3A_189] : memref<10240x16xf32, #tpu.memory_space<vmem_shared>> -> memref<128x16xf32, #tpu.memory_space<vmem_shared>>
      tpu.enqueue_dma source(%dma_start3A_190 : memref<128x16xf32, #tpu.memory_space<vmem_shared>>) target(%dma_start3A_188 : memref<128x16xf32, #tpu.memory_space<hbm>>) target_semaphore(%run_scoped3A_185 : memref<!tpu.dma_semaphore, #tpu.memory_space<semaphore_mem>>)
      %dma_wait3A_191 = arith.constant 0 : i32
      %dma_wait3A_192 = tpu.memref_slice %arg4[%arg0, %add3A_176, %dma_wait3A_191] : memref<2x10240x16xf32, #tpu.memory_space<hbm>> -> memref<1x128x16xf32, #tpu.memory_space<hbm>>
      %dma_wait3A_193 = tpu.memref_squeeze %dma_wait3A_192 : memref<1x128x16xf32, #tpu.memory_space<hbm>> -> memref<128x16xf32, #tpu.memory_space<hbm>>
      %dma_wait3A_194 = arith.constant 0 : i32
      %dma_wait3A_195 = tpu.memref_slice %arg9[%add3A_176, %dma_wait3A_194] : memref<10240x16xf32, #tpu.memory_space<vmem_shared>> -> memref<128x16xf32, #tpu.memory_space<vmem_shared>>
      tpu.wait_dma2 semaphore(%run_scoped3A_185 : memref<!tpu.dma_semaphore, #tpu.memory_space<semaphore_mem>>) src(%dma_wait3A_195 : memref<128x16xf32, #tpu.memory_space<vmem_shared>>) dst(%dma_wait3A_193 : memref<128x16xf32, #tpu.memory_space<hbm>>)
      tpu.yield
    }) : () -> ()
    %mul3A_177 = arith.constant 640 : i32
    %mul3A_178 = arith.muli %arg1, %mul3A_177 : i32
    %add3A_179 = arith.constant 384 : i32
    %add3A_180 = arith.addi %mul3A_178, %add3A_179 : i32
    "tpu.region"() ({
      %run_scoped3A_185 = tpu.sem_alloc : memref<!tpu.dma_semaphore, #tpu.memory_space<semaphore_mem>>
      %dma_start3A_186 = arith.constant 0 : i32
      %dma_start3A_187 = tpu.memref_slice %arg4[%arg0, %add3A_180, %dma_start3A_186] : memref<2x10240x16xf32, #tpu.memory_space<hbm>> -> memref<1x128x16xf32, #tpu.memory_space<hbm>>
      %dma_start3A_188 = tpu.memref_squeeze %dma_start3A_187 : memref<1x128x16xf32, #tpu.memory_space<hbm>> -> memref<128x16xf32, #tpu.memory_space<hbm>>
      %dma_start3A_189 = arith.constant 0 : i32
      %dma_start3A_190 = tpu.memref_slice %arg9[%add3A_180, %dma_start3A_189] : memref<10240x16xf32, #tpu.memory_space<vmem_shared>> -> memref<128x16xf32, #tpu.memory_space<vmem_shared>>
      tpu.enqueue_dma source(%dma_start3A_190 : memref<128x16xf32, #tpu.memory_space<vmem_shared>>) target(%dma_start3A_188 : memref<128x16xf32, #tpu.memory_space<hbm>>) target_semaphore(%run_scoped3A_185 : memref<!tpu.dma_semaphore, #tpu.memory_space<semaphore_mem>>)
      %dma_wait3A_191 = arith.constant 0 : i32
      %dma_wait3A_192 = tpu.memref_slice %arg4[%arg0, %add3A_180, %dma_wait3A_191] : memref<2x10240x16xf32, #tpu.memory_space<hbm>> -> memref<1x128x16xf32, #tpu.memory_space<hbm>>
      %dma_wait3A_193 = tpu.memref_squeeze %dma_wait3A_192 : memref<1x128x16xf32, #tpu.memory_space<hbm>> -> memref<128x16xf32, #tpu.memory_space<hbm>>
      %dma_wait3A_194 = arith.constant 0 : i32
      %dma_wait3A_195 = tpu.memref_slice %arg9[%add3A_180, %dma_wait3A_194] : memref<10240x16xf32, #tpu.memory_space<vmem_shared>> -> memref<128x16xf32, #tpu.memory_space<vmem_shared>>
      tpu.wait_dma2 semaphore(%run_scoped3A_185 : memref<!tpu.dma_semaphore, #tpu.memory_space<semaphore_mem>>) src(%dma_wait3A_195 : memref<128x16xf32, #tpu.memory_space<vmem_shared>>) dst(%dma_wait3A_193 : memref<128x16xf32, #tpu.memory_space<hbm>>)
      tpu.yield
    }) : () -> ()
    %mul3A_181 = arith.constant 640 : i32
    %mul3A_182 = arith.muli %arg1, %mul3A_181 : i32
    %add3A_183 = arith.constant 512 : i32
    %add3A_184 = arith.addi %mul3A_182, %add3A_183 : i32
    "tpu.region"() ({
      %run_scoped3A_185 = tpu.sem_alloc : memref<!tpu.dma_semaphore, #tpu.memory_space<semaphore_mem>>
      %dma_start3A_186 = arith.constant 0 : i32
      %dma_start3A_187 = tpu.memref_slice %arg4[%arg0, %add3A_184, %dma_start3A_186] : memref<2x10240x16xf32, #tpu.memory_space<hbm>> -> memref<1x128x16xf32, #tpu.memory_space<hbm>>
      %dma_start3A_188 = tpu.memref_squeeze %dma_start3A_187 : memref<1x128x16xf32, #tpu.memory_space<hbm>> -> memref<128x16xf32, #tpu.memory_space<hbm>>
      %dma_start3A_189 = arith.constant 0 : i32
      %dma_start3A_190 = tpu.memref_slice %arg9[%add3A_184, %dma_start3A_189] : memref<10240x16xf32, #tpu.memory_space<vmem_shared>> -> memref<128x16xf32, #tpu.memory_space<vmem_shared>>
      tpu.enqueue_dma source(%dma_start3A_190 : memref<128x16xf32, #tpu.memory_space<vmem_shared>>) target(%dma_start3A_188 : memref<128x16xf32, #tpu.memory_space<hbm>>) target_semaphore(%run_scoped3A_185 : memref<!tpu.dma_semaphore, #tpu.memory_space<semaphore_mem>>)
      %dma_wait3A_191 = arith.constant 0 : i32
      %dma_wait3A_192 = tpu.memref_slice %arg4[%arg0, %add3A_184, %dma_wait3A_191] : memref<2x10240x16xf32, #tpu.memory_space<hbm>> -> memref<1x128x16xf32, #tpu.memory_space<hbm>>
      %dma_wait3A_193 = tpu.memref_squeeze %dma_wait3A_192 : memref<1x128x16xf32, #tpu.memory_space<hbm>> -> memref<128x16xf32, #tpu.memory_space<hbm>>
      %dma_wait3A_194 = arith.constant 0 : i32
      %dma_wait3A_195 = tpu.memref_slice %arg9[%add3A_184, %dma_wait3A_194] : memref<10240x16xf32, #tpu.memory_space<vmem_shared>> -> memref<128x16xf32, #tpu.memory_space<vmem_shared>>
      tpu.wait_dma2 semaphore(%run_scoped3A_185 : memref<!tpu.dma_semaphore, #tpu.memory_space<semaphore_mem>>) src(%dma_wait3A_195 : memref<128x16xf32, #tpu.memory_space<vmem_shared>>) dst(%dma_wait3A_193 : memref<128x16xf32, #tpu.memory_space<hbm>>)
      tpu.yield
    }) : () -> ()
    return
  }
}

#map = affine_map<(d0, d1) -> (0, 0)>
#map1 = affine_map<(d0, d1) -> (0, 0, 0)>
module attributes {stable_mosaic.version = 14 : i64} {
  func.func @_sc_pass_body(%arg0: i32, %arg1: i32, %arg2: memref<10240x16xf32, #tpu.memory_space<hbm>>, %arg3: memref<2x320000xi32, #tpu.memory_space<hbm>>, %arg4: memref<2x10240x16xf32, #tpu.memory_space<hbm>>, %arg5: memref<10000xi32, #tpu.memory_space<vmem>>, %arg6: memref<10000xi32, #tpu.memory_space<vmem>>, %arg7: memref<10x80x16xf32, #tpu.memory_space<vmem>>, %arg8: memref<128x16xf32, #tpu.memory_space<vmem>>, %arg9: memref<10240x16xf32, #tpu.memory_space<vmem_shared>>, %arg10: memref<10240x16xf32, #tpu.memory_space<vmem_shared>>, %arg11: memref<!tpu.dma_semaphore, #tpu.memory_space<semaphore_mem>>, %arg12: memref<!tpu.dma_semaphore, #tpu.memory_space<semaphore_mem>>) attributes {dimension_semantics = [#tpu.dimension_semantics<core_parallel>, #tpu.dimension_semantics<subcore_parallel>], iteration_bounds = array<i64: 2, 16>, scalar_prefetch = 0 : i64, scratch_operands = 8 : i64, tpu.core_type = #tpu.core_type<sc_vector_subcore>, window_params = [{transform_indices = #map}, {transform_indices = #map}, {transform_indices = #map1}]} {
    %mul3A = arith.constant 2 : i32
    %mul3A_0 = arith.muli %arg1, %mul3A : i32
    %add3A = arith.addi %mul3A_0, %arg0 : i32
    %scan3A = arith.constant 0 : i32
    %scan3A_1 = arith.constant 0 : i32
    %scan3A_2 = arith.constant 128 : i32
    %scan3A_3 = arith.addi %scan3A_1, %scan3A_2 : i32
    %scan3A_4 = arith.constant 1 : i32
    %scan3A_5 = scf.for %scan3A_185 = %scan3A_1 to %scan3A_3 step %scan3A_4 iter_args(%scan3A_186 = %scan3A) -> (i32)  : i32 {
      %broadcast_in_dim3A = arith.constant 0.000000e+00 : f32
      %broadcast_in_dim3A_187 = vector.broadcast %broadcast_in_dim3A : f32 to vector<16xf32>
      %swap3A = arith.index_cast %scan3A_185 : i32 to index
      %swap3A_188 = arith.constant 0 : index
      %swap3A_189 = tpu.vector_load %arg8[%swap3A, %swap3A_188] {strides = array<i32>} : memref<128x16xf32, #tpu.memory_space<vmem>>, vector<1x16xf32>,
      %swap3A_190 = vector.shape_cast %swap3A_189 : vector<1x16xf32> to vector<16xf32>
      %swap3A_191 = vector.shape_cast %broadcast_in_dim3A_187 : vector<16xf32> to vector<1x16xf32>
      tpu.vector_store %arg8[%swap3A, %swap3A_188], %swap3A_191 {strides = array<i32>} : memref<128x16xf32, #tpu.memory_space<vmem>>, vector<1x16xf32>,
      %scan3A_192 = arith.constant 0 : i32
      scf.yield %scan3A_192 : i32
    }
    %scan3A_6 = arith.constant 128 : i32
    %mul3A_7 = arith.constant 640 : i32
    %mul3A_8 = arith.muli %arg1, %mul3A_7 : i32
    %add3A_9 = arith.constant 0 : i32
    %add3A_10 = arith.addi %mul3A_8, %add3A_9 : i32
    "tpu.region"() ({
      %run_scoped3A_185 = tpu.sem_alloc : memref<!tpu.dma_semaphore, #tpu.memory_space<semaphore_mem>>
      %dma_start3A_186 = arith.constant 0 : i32
      %dma_start3A_187 = tpu.memref_slice %arg9[%add3A_10, %dma_start3A_186] : memref<10240x16xf32, #tpu.memory_space<vmem_shared>> -> memref<128x16xf32, #tpu.memory_space<vmem_shared>>
      %dma_start3A_188 = arith.constant 0 : i32
      %dma_start3A_189 = tpu.memref_slice %arg9[%add3A_10, %dma_start3A_188] : memref<10240x16xf32, #tpu.memory_space<vmem_shared>> -> memref<128x16xf32, #tpu.memory_space<vmem_shared>>
      tpu.enqueue_dma source(%arg8 : memref<128x16xf32, #tpu.memory_space<vmem>>) target(%dma_start3A_189 : memref<128x16xf32, #tpu.memory_space<vmem_shared>>) target_semaphore(%run_scoped3A_185 : memref<!tpu.dma_semaphore, #tpu.memory_space<semaphore_mem>>)
      %dma_wait3A_190 = arith.constant 0 : i32
      %dma_wait3A_191 = tpu.memref_slice %arg9[%add3A_10, %dma_wait3A_190] : memref<10240x16xf32, #tpu.memory_space<vmem_shared>> -> memref<128x16xf32, #tpu.memory_space<vmem_shared>>
      %dma_wait3A_192 = arith.constant 0 : i32
      %dma_wait3A_193 = tpu.memref_slice %arg9[%add3A_10, %dma_wait3A_192] : memref<10240x16xf32, #tpu.memory_space<vmem_shared>> -> memref<128x16xf32, #tpu.memory_space<vmem_shared>>
      tpu.wait_dma2 semaphore(%run_scoped3A_185 : memref<!tpu.dma_semaphore, #tpu.memory_space<semaphore_mem>>) src(%arg8 : memref<128x16xf32, #tpu.memory_space<vmem>>) dst(%dma_wait3A_193 : memref<128x16xf32, #tpu.memory_space<vmem_shared>>)
      tpu.yield
    }) : () -> ()
    %mul3A_11 = arith.constant 640 : i32
    %mul3A_12 = arith.muli %arg1, %mul3A_11 : i32
    %add3A_13 = arith.constant 128 : i32
    %add3A_14 = arith.addi %mul3A_12, %add3A_13 : i32
    "tpu.region"() ({
      %run_scoped3A_185 = tpu.sem_alloc : memref<!tpu.dma_semaphore, #tpu.memory_space<semaphore_mem>>
      %dma_start3A_186 = arith.constant 0 : i32
      %dma_start3A_187 = tpu.memref_slice %arg9[%add3A_14, %dma_start3A_186] : memref<10240x16xf32, #tpu.memory_space<vmem_shared>> -> memref<128x16xf32, #tpu.memory_space<vmem_shared>>
      %dma_start3A_188 = arith.constant 0 : i32
      %dma_start3A_189 = tpu.memref_slice %arg9[%add3A_14, %dma_start3A_188] : memref<10240x16xf32, #tpu.memory_space<vmem_shared>> -> memref<128x16xf32, #tpu.memory_space<vmem_shared>>
      tpu.enqueue_dma source(%arg8 : memref<128x16xf32, #tpu.memory_space<vmem>>) target(%dma_start3A_189 : memref<128x16xf32, #tpu.memory_space<vmem_shared>>) target_semaphore(%run_scoped3A_185 : memref<!tpu.dma_semaphore, #tpu.memory_space<semaphore_mem>>)
      %dma_wait3A_190 = arith.constant 0 : i32
      %dma_wait3A_191 = tpu.memref_slice %arg9[%add3A_14, %dma_wait3A_190] : memref<10240x16xf32, #tpu.memory_space<vmem_shared>> -> memref<128x16xf32, #tpu.memory_space<vmem_shared>>
      %dma_wait3A_192 = arith.constant 0 : i32
      %dma_wait3A_193 = tpu.memref_slice %arg9[%add3A_14, %dma_wait3A_192] : memref<10240x16xf32, #tpu.memory_space<vmem_shared>> -> memref<128x16xf32, #tpu.memory_space<vmem_shared>>
      tpu.wait_dma2 semaphore(%run_scoped3A_185 : memref<!tpu.dma_semaphore, #tpu.memory_space<semaphore_mem>>) src(%arg8 : memref<128x16xf32, #tpu.memory_space<vmem>>) dst(%dma_wait3A_193 : memref<128x16xf32, #tpu.memory_space<vmem_shared>>)
      tpu.yield
    }) : () -> ()
    %mul3A_15 = arith.constant 640 : i32
    %mul3A_16 = arith.muli %arg1, %mul3A_15 : i32
    %add3A_17 = arith.constant 256 : i32
    %add3A_18 = arith.addi %mul3A_16, %add3A_17 : i32
    "tpu.region"() ({
      %run_scoped3A_185 = tpu.sem_alloc : memref<!tpu.dma_semaphore, #tpu.memory_space<semaphore_mem>>
      %dma_start3A_186 = arith.constant 0 : i32
      %dma_start3A_187 = tpu.memref_slice %arg9[%add3A_18, %dma_start3A_186] : memref<10240x16xf32, #tpu.memory_space<vmem_shared>> -> memref<128x16xf32, #tpu.memory_space<vmem_shared>>
      %dma_start3A_188 = arith.constant 0 : i32
      %dma_start3A_189 = tpu.memref_slice %arg9[%add3A_18, %dma_start3A_188] : memref<10240x16xf32, #tpu.memory_space<vmem_shared>> -> memref<128x16xf32, #tpu.memory_space<vmem_shared>>
      tpu.enqueue_dma source(%arg8 : memref<128x16xf32, #tpu.memory_space<vmem>>) target(%dma_start3A_189 : memref<128x16xf32, #tpu.memory_space<vmem_shared>>) target_semaphore(%run_scoped3A_185 : memref<!tpu.dma_semaphore, #tpu.memory_space<semaphore_mem>>)
      %dma_wait3A_190 = arith.constant 0 : i32
      %dma_wait3A_191 = tpu.memref_slice %arg9[%add3A_18, %dma_wait3A_190] : memref<10240x16xf32, #tpu.memory_space<vmem_shared>> -> memref<128x16xf32, #tpu.memory_space<vmem_shared>>
      %dma_wait3A_192 = arith.constant 0 : i32
      %dma_wait3A_193 = tpu.memref_slice %arg9[%add3A_18, %dma_wait3A_192] : memref<10240x16xf32, #tpu.memory_space<vmem_shared>> -> memref<128x16xf32, #tpu.memory_space<vmem_shared>>
      tpu.wait_dma2 semaphore(%run_scoped3A_185 : memref<!tpu.dma_semaphore, #tpu.memory_space<semaphore_mem>>) src(%arg8 : memref<128x16xf32, #tpu.memory_space<vmem>>) dst(%dma_wait3A_193 : memref<128x16xf32, #tpu.memory_space<vmem_shared>>)
      tpu.yield
    }) : () -> ()
    %mul3A_19 = arith.constant 640 : i32
    %mul3A_20 = arith.muli %arg1, %mul3A_19 : i32
    %add3A_21 = arith.constant 384 : i32
    %add3A_22 = arith.addi %mul3A_20, %add3A_21 : i32
    "tpu.region"() ({
      %run_scoped3A_185 = tpu.sem_alloc : memref<!tpu.dma_semaphore, #tpu.memory_space<semaphore_mem>>
      %dma_start3A_186 = arith.constant 0 : i32
      %dma_start3A_187 = tpu.memref_slice %arg9[%add3A_22, %dma_start3A_186] : memref<10240x16xf32, #tpu.memory_space<vmem_shared>> -> memref<128x16xf32, #tpu.memory_space<vmem_shared>>
      %dma_start3A_188 = arith.constant 0 : i32
      %dma_start3A_189 = tpu.memref_slice %arg9[%add3A_22, %dma_start3A_188] : memref<10240x16xf32, #tpu.memory_space<vmem_shared>> -> memref<128x16xf32, #tpu.memory_space<vmem_shared>>
      tpu.enqueue_dma source(%arg8 : memref<128x16xf32, #tpu.memory_space<vmem>>) target(%dma_start3A_189 : memref<128x16xf32, #tpu.memory_space<vmem_shared>>) target_semaphore(%run_scoped3A_185 : memref<!tpu.dma_semaphore, #tpu.memory_space<semaphore_mem>>)
      %dma_wait3A_190 = arith.constant 0 : i32
      %dma_wait3A_191 = tpu.memref_slice %arg9[%add3A_22, %dma_wait3A_190] : memref<10240x16xf32, #tpu.memory_space<vmem_shared>> -> memref<128x16xf32, #tpu.memory_space<vmem_shared>>
      %dma_wait3A_192 = arith.constant 0 : i32
      %dma_wait3A_193 = tpu.memref_slice %arg9[%add3A_22, %dma_wait3A_192] : memref<10240x16xf32, #tpu.memory_space<vmem_shared>> -> memref<128x16xf32, #tpu.memory_space<vmem_shared>>
      tpu.wait_dma2 semaphore(%run_scoped3A_185 : memref<!tpu.dma_semaphore, #tpu.memory_space<semaphore_mem>>) src(%arg8 : memref<128x16xf32, #tpu.memory_space<vmem>>) dst(%dma_wait3A_193 : memref<128x16xf32, #tpu.memory_space<vmem_shared>>)
      tpu.yield
    }) : () -> ()
    %mul3A_23 = arith.constant 640 : i32
    %mul3A_24 = arith.muli %arg1, %mul3A_23 : i32
    %add3A_25 = arith.constant 512 : i32
    %add3A_26 = arith.addi %mul3A_24, %add3A_25 : i32
    "tpu.region"() ({
      %run_scoped3A_185 = tpu.sem_alloc : memref<!tpu.dma_semaphore, #tpu.memory_space<semaphore_mem>>
      %dma_start3A_186 = arith.constant 0 : i32
      %dma_start3A_187 = tpu.memref_slice %arg9[%add3A_26, %dma_start3A_186] : memref<10240x16xf32, #tpu.memory_space<vmem_shared>> -> memref<128x16xf32, #tpu.memory_space<vmem_shared>>
      %dma_start3A_188 = arith.constant 0 : i32
      %dma_start3A_189 = tpu.memref_slice %arg9[%add3A_26, %dma_start3A_188] : memref<10240x16xf32, #tpu.memory_space<vmem_shared>> -> memref<128x16xf32, #tpu.memory_space<vmem_shared>>
      tpu.enqueue_dma source(%arg8 : memref<128x16xf32, #tpu.memory_space<vmem>>) target(%dma_start3A_189 : memref<128x16xf32, #tpu.memory_space<vmem_shared>>) target_semaphore(%run_scoped3A_185 : memref<!tpu.dma_semaphore, #tpu.memory_space<semaphore_mem>>)
      %dma_wait3A_190 = arith.constant 0 : i32
      %dma_wait3A_191 = tpu.memref_slice %arg9[%add3A_26, %dma_wait3A_190] : memref<10240x16xf32, #tpu.memory_space<vmem_shared>> -> memref<128x16xf32, #tpu.memory_space<vmem_shared>>
      %dma_wait3A_192 = arith.constant 0 : i32
      %dma_wait3A_193 = tpu.memref_slice %arg9[%add3A_26, %dma_wait3A_192] : memref<10240x16xf32, #tpu.memory_space<vmem_shared>> -> memref<128x16xf32, #tpu.memory_space<vmem_shared>>
      tpu.wait_dma2 semaphore(%run_scoped3A_185 : memref<!tpu.dma_semaphore, #tpu.memory_space<semaphore_mem>>) src(%arg8 : memref<128x16xf32, #tpu.memory_space<vmem>>) dst(%dma_wait3A_193 : memref<128x16xf32, #tpu.memory_space<vmem_shared>>)
      tpu.yield
    }) : () -> ()
    %mul3A_27 = arith.constant 10000 : i32
    %mul3A_28 = arith.muli %add3A, %mul3A_27 : i32
    %run_scoped3A = arith.constant 1 : i32
    "tpu.region"() ({
      %run_scoped3A_185 = tpu.sem_alloc : memref<!tpu.dma_semaphore, #tpu.memory_space<semaphore_mem>>
      %dma_start3A_186 = tpu.memref_slice %arg3[%run_scoped3A, %mul3A_28] : memref<2x320000xi32, #tpu.memory_space<hbm>> -> memref<1x10000xi32, #tpu.memory_space<hbm>>
      %dma_start3A_187 = tpu.memref_squeeze %dma_start3A_186 : memref<1x10000xi32, #tpu.memory_space<hbm>> -> memref<10000xi32, #tpu.memory_space<hbm>>
      %dma_start3A_188 = tpu.memref_slice %arg3[%run_scoped3A, %mul3A_28] : memref<2x320000xi32, #tpu.memory_space<hbm>> -> memref<1x10000xi32, #tpu.memory_space<hbm>>
      %dma_start3A_189 = tpu.memref_squeeze %dma_start3A_188 : memref<1x10000xi32, #tpu.memory_space<hbm>> -> memref<10000xi32, #tpu.memory_space<hbm>>
      tpu.enqueue_dma source(%dma_start3A_189 : memref<10000xi32, #tpu.memory_space<hbm>>) target(%arg6 : memref<10000xi32, #tpu.memory_space<vmem>>) target_semaphore(%run_scoped3A_185 : memref<!tpu.dma_semaphore, #tpu.memory_space<semaphore_mem>>)
      %dma_wait3A_190 = tpu.memref_slice %arg3[%run_scoped3A, %mul3A_28] : memref<2x320000xi32, #tpu.memory_space<hbm>> -> memref<1x10000xi32, #tpu.memory_space<hbm>>
      %dma_wait3A_191 = tpu.memref_squeeze %dma_wait3A_190 : memref<1x10000xi32, #tpu.memory_space<hbm>> -> memref<10000xi32, #tpu.memory_space<hbm>>
      %dma_wait3A_192 = tpu.memref_slice %arg3[%run_scoped3A, %mul3A_28] : memref<2x320000xi32, #tpu.memory_space<hbm>> -> memref<1x10000xi32, #tpu.memory_space<hbm>>
      %dma_wait3A_193 = tpu.memref_squeeze %dma_wait3A_192 : memref<1x10000xi32, #tpu.memory_space<hbm>> -> memref<10000xi32, #tpu.memory_space<hbm>>
      tpu.wait_dma2 semaphore(%run_scoped3A_185 : memref<!tpu.dma_semaphore, #tpu.memory_space<semaphore_mem>>) src(%dma_wait3A_193 : memref<10000xi32, #tpu.memory_space<hbm>>) dst(%arg6 : memref<10000xi32, #tpu.memory_space<vmem>>)
      tpu.yield
    }) : () -> ()
    %run_scoped3A_29 = arith.constant 0 : i32
    "tpu.region"() ({
      %run_scoped3A_185 = tpu.sem_alloc : memref<!tpu.dma_semaphore, #tpu.memory_space<semaphore_mem>>
      %dma_start3A_186 = tpu.memref_slice %arg3[%run_scoped3A_29, %mul3A_28] : memref<2x320000xi32, #tpu.memory_space<hbm>> -> memref<1x10000xi32, #tpu.memory_space<hbm>>
      %dma_start3A_187 = tpu.memref_squeeze %dma_start3A_186 : memref<1x10000xi32, #tpu.memory_space<hbm>> -> memref<10000xi32, #tpu.memory_space<hbm>>
      %dma_start3A_188 = tpu.memref_slice %arg3[%run_scoped3A_29, %mul3A_28] : memref<2x320000xi32, #tpu.memory_space<hbm>> -> memref<1x10000xi32, #tpu.memory_space<hbm>>
      %dma_start3A_189 = tpu.memref_squeeze %dma_start3A_188 : memref<1x10000xi32, #tpu.memory_space<hbm>> -> memref<10000xi32, #tpu.memory_space<hbm>>
      tpu.enqueue_dma source(%dma_start3A_189 : memref<10000xi32, #tpu.memory_space<hbm>>) target(%arg5 : memref<10000xi32, #tpu.memory_space<vmem>>) target_semaphore(%run_scoped3A_185 : memref<!tpu.dma_semaphore, #tpu.memory_space<semaphore_mem>>)
      %dma_wait3A_190 = tpu.memref_slice %arg3[%run_scoped3A_29, %mul3A_28] : memref<2x320000xi32, #tpu.memory_space<hbm>> -> memref<1x10000xi32, #tpu.memory_space<hbm>>
      %dma_wait3A_191 = tpu.memref_squeeze %dma_wait3A_190 : memref<1x10000xi32, #tpu.memory_space<hbm>> -> memref<10000xi32, #tpu.memory_space<hbm>>
      %dma_wait3A_192 = tpu.memref_slice %arg3[%run_scoped3A_29, %mul3A_28] : memref<2x320000xi32, #tpu.memory_space<hbm>> -> memref<1x10000xi32, #tpu.memory_space<hbm>>
      %dma_wait3A_193 = tpu.memref_squeeze %dma_wait3A_192 : memref<1x10000xi32, #tpu.memory_space<hbm>> -> memref<10000xi32, #tpu.memory_space<hbm>>
      tpu.wait_dma2 semaphore(%run_scoped3A_185 : memref<!tpu.dma_semaphore, #tpu.memory_space<semaphore_mem>>) src(%dma_wait3A_193 : memref<10000xi32, #tpu.memory_space<hbm>>) dst(%arg5 : memref<10000xi32, #tpu.memory_space<vmem>>)
      tpu.yield
    }) : () -> ()
    %mul3A_30 = arith.constant 640 : i32
    %mul3A_31 = arith.muli %arg1, %mul3A_30 : i32
    %mul3A_32 = arith.constant 640 : i32
    %mul3A_33 = arith.muli %arg1, %mul3A_32 : i32
    "tpu.region"() ({
      %run_scoped3A_185 = tpu.sem_alloc : memref<!tpu.dma_semaphore, #tpu.memory_space<semaphore_mem>>
      %dma_start3A_186 = arith.constant 0 : i32
      %dma_start3A_187 = tpu.memref_slice %arg10[%mul3A_33, %dma_start3A_186] : memref<10240x16xf32, #tpu.memory_space<vmem_shared>> -> memref<640x16xf32, #tpu.memory_space<vmem_shared>>
      %dma_start3A_188 = arith.constant 0 : i32
      %dma_start3A_189 = tpu.memref_slice %arg2[%mul3A_31, %dma_start3A_188] : memref<10240x16xf32, #tpu.memory_space<hbm>> -> memref<640x16xf32, #tpu.memory_space<hbm>>
      tpu.enqueue_dma source(%dma_start3A_189 : memref<640x16xf32, #tpu.memory_space<hbm>>) target(%dma_start3A_187 : memref<640x16xf32, #tpu.memory_space<vmem_shared>>) target_semaphore(%run_scoped3A_185 : memref<!tpu.dma_semaphore, #tpu.memory_space<semaphore_mem>>)
      %dma_wait3A_190 = arith.constant 0 : i32
      %dma_wait3A_191 = tpu.memref_slice %arg10[%mul3A_33, %dma_wait3A_190] : memref<10240x16xf32, #tpu.memory_space<vmem_shared>> -> memref<640x16xf32, #tpu.memory_space<vmem_shared>>
      %dma_wait3A_192 = arith.constant 0 : i32
      %dma_wait3A_193 = tpu.memref_slice %arg2[%mul3A_31, %dma_wait3A_192] : memref<10240x16xf32, #tpu.memory_space<hbm>> -> memref<640x16xf32, #tpu.memory_space<hbm>>
      tpu.wait_dma2 semaphore(%run_scoped3A_185 : memref<!tpu.dma_semaphore, #tpu.memory_space<semaphore_mem>>) src(%dma_wait3A_193 : memref<640x16xf32, #tpu.memory_space<hbm>>) dst(%dma_wait3A_191 : memref<640x16xf32, #tpu.memory_space<vmem_shared>>)
      tpu.yield
    }) : () -> ()
    %barrier3A = arith.constant 0 : index
    tpu.barrier barrier_id(%barrier3A)
    %dma_start3A = arith.constant 0 : i32
    %dma_start3A_34 = arith.constant 0 : i32
    %dma_start3A_35 = arith.constant 0 : i32
    %dma_start3A_36 = tpu.memref_slice %arg7[%dma_start3A, %dma_start3A_34, %dma_start3A_35] : memref<10x80x16xf32, #tpu.memory_space<vmem>> -> memref<1x80x16xf32, #tpu.memory_space<vmem>>
    %dma_start3A_37 = tpu.memref_squeeze %dma_start3A_36 : memref<1x80x16xf32, #tpu.memory_space<vmem>> -> memref<80x16xf32, #tpu.memory_space<vmem>>
    %dma_start3A_38 = arith.constant 0 : i32
    %dma_start3A_39 = tpu.memref_slice %arg5[%dma_start3A_38] : memref<10000xi32, #tpu.memory_space<vmem>> -> memref<80xi32, #tpu.memory_space<vmem>>
    %dma_start3A_40 = arith.constant 0 : i32
    %dma_start3A_41 = arith.constant 0 : i32
    %dma_start3A_42 = tpu.memref_slice %arg10[%dma_start3A_40, %dma_start3A_41] : memref<10240x16xf32, #tpu.memory_space<vmem_shared>> -> memref<10240x16xf32, #tpu.memory_space<vmem_shared>>
    tpu.enqueue_indirect_dma source(%dma_start3A_42 : memref<10240x16xf32, #tpu.memory_space<vmem_shared>>) target(%dma_start3A_37 : memref<80x16xf32, #tpu.memory_space<vmem>>) offsets(%dma_start3A_39 : memref<80xi32, #tpu.memory_space<vmem>>) semaphore(%arg11 : memref<!tpu.dma_semaphore, #tpu.memory_space<semaphore_mem>>)
    %dma_start3A_43 = arith.constant 1 : i32
    %dma_start3A_44 = arith.constant 0 : i32
    %dma_start3A_45 = arith.constant 0 : i32
    %dma_start3A_46 = tpu.memref_slice %arg7[%dma_start3A_43, %dma_start3A_44, %dma_start3A_45] : memref<10x80x16xf32, #tpu.memory_space<vmem>> -> memref<1x80x16xf32, #tpu.memory_space<vmem>>
    %dma_start3A_47 = tpu.memref_squeeze %dma_start3A_46 : memref<1x80x16xf32, #tpu.memory_space<vmem>> -> memref<80x16xf32, #tpu.memory_space<vmem>>
    %dma_start3A_48 = arith.constant 80 : i32
    %dma_start3A_49 = tpu.memref_slice %arg5[%dma_start3A_48] : memref<10000xi32, #tpu.memory_space<vmem>> -> memref<80xi32, #tpu.memory_space<vmem>>
    %dma_start3A_50 = arith.constant 0 : i32
    %dma_start3A_51 = arith.constant 0 : i32
    %dma_start3A_52 = tpu.memref_slice %arg10[%dma_start3A_50, %dma_start3A_51] : memref<10240x16xf32, #tpu.memory_space<vmem_shared>> -> memref<10240x16xf32, #tpu.memory_space<vmem_shared>>
    tpu.enqueue_indirect_dma source(%dma_start3A_52 : memref<10240x16xf32, #tpu.memory_space<vmem_shared>>) target(%dma_start3A_47 : memref<80x16xf32, #tpu.memory_space<vmem>>) offsets(%dma_start3A_49 : memref<80xi32, #tpu.memory_space<vmem>>) semaphore(%arg11 : memref<!tpu.dma_semaphore, #tpu.memory_space<semaphore_mem>>)
    %dma_start3A_53 = arith.constant 2 : i32
    %dma_start3A_54 = arith.constant 0 : i32
    %dma_start3A_55 = arith.constant 0 : i32
    %dma_start3A_56 = tpu.memref_slice %arg7[%dma_start3A_53, %dma_start3A_54, %dma_start3A_55] : memref<10x80x16xf32, #tpu.memory_space<vmem>> -> memref<1x80x16xf32, #tpu.memory_space<vmem>>
    %dma_start3A_57 = tpu.memref_squeeze %dma_start3A_56 : memref<1x80x16xf32, #tpu.memory_space<vmem>> -> memref<80x16xf32, #tpu.memory_space<vmem>>
    %dma_start3A_58 = arith.constant 160 : i32
    %dma_start3A_59 = tpu.memref_slice %arg5[%dma_start3A_58] : memref<10000xi32, #tpu.memory_space<vmem>> -> memref<80xi32, #tpu.memory_space<vmem>>
    %dma_start3A_60 = arith.constant 0 : i32
    %dma_start3A_61 = arith.constant 0 : i32
    %dma_start3A_62 = tpu.memref_slice %arg10[%dma_start3A_60, %dma_start3A_61] : memref<10240x16xf32, #tpu.memory_space<vmem_shared>> -> memref<10240x16xf32, #tpu.memory_space<vmem_shared>>
    tpu.enqueue_indirect_dma source(%dma_start3A_62 : memref<10240x16xf32, #tpu.memory_space<vmem_shared>>) target(%dma_start3A_57 : memref<80x16xf32, #tpu.memory_space<vmem>>) offsets(%dma_start3A_59 : memref<80xi32, #tpu.memory_space<vmem>>) semaphore(%arg11 : memref<!tpu.dma_semaphore, #tpu.memory_space<semaphore_mem>>)
    %dma_start3A_63 = arith.constant 3 : i32
    %dma_start3A_64 = arith.constant 0 : i32
    %dma_start3A_65 = arith.constant 0 : i32
    %dma_start3A_66 = tpu.memref_slice %arg7[%dma_start3A_63, %dma_start3A_64, %dma_start3A_65] : memref<10x80x16xf32, #tpu.memory_space<vmem>> -> memref<1x80x16xf32, #tpu.memory_space<vmem>>
    %dma_start3A_67 = tpu.memref_squeeze %dma_start3A_66 : memref<1x80x16xf32, #tpu.memory_space<vmem>> -> memref<80x16xf32, #tpu.memory_space<vmem>>
    %dma_start3A_68 = arith.constant 240 : i32
    %dma_start3A_69 = tpu.memref_slice %arg5[%dma_start3A_68] : memref<10000xi32, #tpu.memory_space<vmem>> -> memref<80xi32, #tpu.memory_space<vmem>>
    %dma_start3A_70 = arith.constant 0 : i32
    %dma_start3A_71 = arith.constant 0 : i32
    %dma_start3A_72 = tpu.memref_slice %arg10[%dma_start3A_70, %dma_start3A_71] : memref<10240x16xf32, #tpu.memory_space<vmem_shared>> -> memref<10240x16xf32, #tpu.memory_space<vmem_shared>>
    tpu.enqueue_indirect_dma source(%dma_start3A_72 : memref<10240x16xf32, #tpu.memory_space<vmem_shared>>) target(%dma_start3A_67 : memref<80x16xf32, #tpu.memory_space<vmem>>) offsets(%dma_start3A_69 : memref<80xi32, #tpu.memory_space<vmem>>) semaphore(%arg11 : memref<!tpu.dma_semaphore, #tpu.memory_space<semaphore_mem>>)
    %dma_start3A_73 = arith.constant 4 : i32
    %dma_start3A_74 = arith.constant 0 : i32
    %dma_start3A_75 = arith.constant 0 : i32
    %dma_start3A_76 = tpu.memref_slice %arg7[%dma_start3A_73, %dma_start3A_74, %dma_start3A_75] : memref<10x80x16xf32, #tpu.memory_space<vmem>> -> memref<1x80x16xf32, #tpu.memory_space<vmem>>
    %dma_start3A_77 = tpu.memref_squeeze %dma_start3A_76 : memref<1x80x16xf32, #tpu.memory_space<vmem>> -> memref<80x16xf32, #tpu.memory_space<vmem>>
    %dma_start3A_78 = arith.constant 320 : i32
    %dma_start3A_79 = tpu.memref_slice %arg5[%dma_start3A_78] : memref<10000xi32, #tpu.memory_space<vmem>> -> memref<80xi32, #tpu.memory_space<vmem>>
    %dma_start3A_80 = arith.constant 0 : i32
    %dma_start3A_81 = arith.constant 0 : i32
    %dma_start3A_82 = tpu.memref_slice %arg10[%dma_start3A_80, %dma_start3A_81] : memref<10240x16xf32, #tpu.memory_space<vmem_shared>> -> memref<10240x16xf32, #tpu.memory_space<vmem_shared>>
    tpu.enqueue_indirect_dma source(%dma_start3A_82 : memref<10240x16xf32, #tpu.memory_space<vmem_shared>>) target(%dma_start3A_77 : memref<80x16xf32, #tpu.memory_space<vmem>>) offsets(%dma_start3A_79 : memref<80xi32, #tpu.memory_space<vmem>>) semaphore(%arg11 : memref<!tpu.dma_semaphore, #tpu.memory_space<semaphore_mem>>)
    %scan3A_83 = arith.constant 0 : i32
    %scan3A_84 = arith.constant 0 : i32
    %scan3A_85 = arith.constant 25 : i32
    %scan3A_86 = arith.addi %scan3A_84, %scan3A_85 : i32
    %scan3A_87 = arith.constant 1 : i32
    %scan3A_88 = scf.for %scan3A_185 = %scan3A_84 to %scan3A_86 step %scan3A_87 iter_args(%scan3A_186 = %scan3A_83) -> (i32)  : i32 {
      %jit3A = arith.constant 2 : i32
      %eq3A = arith.constant 0 : i32
      %eq3A_187 = arith.cmpi eq, %jit3A, %eq3A : i32
      %jit3A_188 = arith.constant 1 : i32
      %select_n3A = arith.select %eq3A_187, %jit3A_188, %jit3A : i32
      %rem3A = arith.remsi %scan3A_185, %select_n3A : i32
      %ne3A = arith.constant 0 : i32
      %ne3A_189 = arith.cmpi ne, %rem3A, %ne3A : i32
      %lt3A = arith.constant 0 : i32
      %lt3A_190 = arith.cmpi slt, %rem3A, %lt3A : i32
      %lt3A_191 = arith.constant 0 : i32
      %lt3A_192 = arith.cmpi slt, %select_n3A, %lt3A_191 : i32
      %ne3A_193 = arith.xori %lt3A_190, %lt3A_192 : i1
      %and3A = arith.andi %ne3A_193, %ne3A_189 : i1
      %add3A_194 = arith.addi %rem3A, %select_n3A : i32
      %select_n3A_195 = arith.select %and3A, %add3A_194, %rem3A : i32
      %ge3A = arith.constant 1 : i32
      %ge3A_196 = arith.cmpi sge, %scan3A_185, %ge3A : i32
      %convert_element_type3A = arith.extui %ge3A_196 : i1 to i32
      %cond3A = arith.constant 0 : i32
      %cond3A_197 = arith.cmpi ne, %convert_element_type3A, %cond3A : i32
      scf.if %cond3A_197 {
        %dma_wait3A_353 = arith.constant 0 : i32
        %dma_wait3A_354 = arith.constant 0 : i32
        %dma_wait3A_355 = arith.constant 0 : i32
        %dma_wait3A_356 = tpu.memref_slice %arg7[%dma_wait3A_353, %dma_wait3A_354, %dma_wait3A_355] : memref<10x80x16xf32, #tpu.memory_space<vmem>> -> memref<1x80x16xf32, #tpu.memory_space<vmem>>
        %dma_wait3A_357 = tpu.memref_squeeze %dma_wait3A_356 : memref<1x80x16xf32, #tpu.memory_space<vmem>> -> memref<80x16xf32, #tpu.memory_space<vmem>>
        %dma_wait3A_358 = arith.constant 0 : i32
        %dma_wait3A_359 = arith.constant 0 : i32
        %dma_wait3A_360 = tpu.memref_slice %arg2[%dma_wait3A_358, %dma_wait3A_359] : memref<10240x16xf32, #tpu.memory_space<hbm>> -> memref<80x16xf32, #tpu.memory_space<hbm>>
        %dma_wait3A_361 = arith.constant 0 : i32
        %dma_wait3A_362 = arith.constant 0 : i32
        %dma_wait3A_363 = tpu.memref_slice %arg7[%dma_wait3A_353, %dma_wait3A_361, %dma_wait3A_362] : memref<10x80x16xf32, #tpu.memory_space<vmem>> -> memref<1x80x16xf32, #tpu.memory_space<vmem>>
        %dma_wait3A_364 = tpu.memref_squeeze %dma_wait3A_363 : memref<1x80x16xf32, #tpu.memory_space<vmem>> -> memref<80x16xf32, #tpu.memory_space<vmem>>
        %dma_wait3A_365 = arith.constant 0 : i32
        %dma_wait3A_366 = arith.constant 0 : i32
        %dma_wait3A_367 = tpu.memref_slice %arg2[%dma_wait3A_365, %dma_wait3A_366] : memref<10240x16xf32, #tpu.memory_space<hbm>> -> memref<80x16xf32, #tpu.memory_space<hbm>>
        tpu.wait_dma2 semaphore(%arg12 : memref<!tpu.dma_semaphore, #tpu.memory_space<semaphore_mem>>) src(%dma_wait3A_367 : memref<80x16xf32, #tpu.memory_space<hbm>>) dst(%dma_wait3A_364 : memref<80x16xf32, #tpu.memory_space<vmem>>)
        %dma_wait3A_368 = arith.constant 0 : i32
        %dma_wait3A_369 = arith.constant 0 : i32
        %dma_wait3A_370 = arith.constant 0 : i32
        %dma_wait3A_371 = tpu.memref_slice %arg7[%dma_wait3A_368, %dma_wait3A_369, %dma_wait3A_370] : memref<10x80x16xf32, #tpu.memory_space<vmem>> -> memref<1x80x16xf32, #tpu.memory_space<vmem>>
        %dma_wait3A_372 = tpu.memref_squeeze %dma_wait3A_371 : memref<1x80x16xf32, #tpu.memory_space<vmem>> -> memref<80x16xf32, #tpu.memory_space<vmem>>
        %dma_wait3A_373 = arith.constant 0 : i32
        %dma_wait3A_374 = arith.constant 0 : i32
        %dma_wait3A_375 = tpu.memref_slice %arg2[%dma_wait3A_373, %dma_wait3A_374] : memref<10240x16xf32, #tpu.memory_space<hbm>> -> memref<80x16xf32, #tpu.memory_space<hbm>>
        %dma_wait3A_376 = arith.constant 0 : i32
        %dma_wait3A_377 = arith.constant 0 : i32
        %dma_wait3A_378 = tpu.memref_slice %arg7[%dma_wait3A_368, %dma_wait3A_376, %dma_wait3A_377] : memref<10x80x16xf32, #tpu.memory_space<vmem>> -> memref<1x80x16xf32, #tpu.memory_space<vmem>>
        %dma_wait3A_379 = tpu.memref_squeeze %dma_wait3A_378 : memref<1x80x16xf32, #tpu.memory_space<vmem>> -> memref<80x16xf32, #tpu.memory_space<vmem>>
        %dma_wait3A_380 = arith.constant 0 : i32
        %dma_wait3A_381 = arith.constant 0 : i32
        %dma_wait3A_382 = tpu.memref_slice %arg2[%dma_wait3A_380, %dma_wait3A_381] : memref<10240x16xf32, #tpu.memory_space<hbm>> -> memref<80x16xf32, #tpu.memory_space<hbm>>
        tpu.wait_dma2 semaphore(%arg12 : memref<!tpu.dma_semaphore, #tpu.memory_space<semaphore_mem>>) src(%dma_wait3A_382 : memref<80x16xf32, #tpu.memory_space<hbm>>) dst(%dma_wait3A_379 : memref<80x16xf32, #tpu.memory_space<vmem>>)
        %dma_wait3A_383 = arith.constant 0 : i32
        %dma_wait3A_384 = arith.constant 0 : i32
        %dma_wait3A_385 = arith.constant 0 : i32
        %dma_wait3A_386 = tpu.memref_slice %arg7[%dma_wait3A_383, %dma_wait3A_384, %dma_wait3A_385] : memref<10x80x16xf32, #tpu.memory_space<vmem>> -> memref<1x80x16xf32, #tpu.memory_space<vmem>>
        %dma_wait3A_387 = tpu.memref_squeeze %dma_wait3A_386 : memref<1x80x16xf32, #tpu.memory_space<vmem>> -> memref<80x16xf32, #tpu.memory_space<vmem>>
        %dma_wait3A_388 = arith.constant 0 : i32
        %dma_wait3A_389 = arith.constant 0 : i32
        %dma_wait3A_390 = tpu.memref_slice %arg2[%dma_wait3A_388, %dma_wait3A_389] : memref<10240x16xf32, #tpu.memory_space<hbm>> -> memref<80x16xf32, #tpu.memory_space<hbm>>
        %dma_wait3A_391 = arith.constant 0 : i32
        %dma_wait3A_392 = arith.constant 0 : i32
        %dma_wait3A_393 = tpu.memref_slice %arg7[%dma_wait3A_383, %dma_wait3A_391, %dma_wait3A_392] : memref<10x80x16xf32, #tpu.memory_space<vmem>> -> memref<1x80x16xf32, #tpu.memory_space<vmem>>
        %dma_wait3A_394 = tpu.memref_squeeze %dma_wait3A_393 : memref<1x80x16xf32, #tpu.memory_space<vmem>> -> memref<80x16xf32, #tpu.memory_space<vmem>>
        %dma_wait3A_395 = arith.constant 0 : i32
        %dma_wait3A_396 = arith.constant 0 : i32
        %dma_wait3A_397 = tpu.memref_slice %arg2[%dma_wait3A_395, %dma_wait3A_396] : memref<10240x16xf32, #tpu.memory_space<hbm>> -> memref<80x16xf32, #tpu.memory_space<hbm>>
        tpu.wait_dma2 semaphore(%arg12 : memref<!tpu.dma_semaphore, #tpu.memory_space<semaphore_mem>>) src(%dma_wait3A_397 : memref<80x16xf32, #tpu.memory_space<hbm>>) dst(%dma_wait3A_394 : memref<80x16xf32, #tpu.memory_space<vmem>>)
        %dma_wait3A_398 = arith.constant 0 : i32
        %dma_wait3A_399 = arith.constant 0 : i32
        %dma_wait3A_400 = arith.constant 0 : i32
        %dma_wait3A_401 = tpu.memref_slice %arg7[%dma_wait3A_398, %dma_wait3A_399, %dma_wait3A_400] : memref<10x80x16xf32, #tpu.memory_space<vmem>> -> memref<1x80x16xf32, #tpu.memory_space<vmem>>
        %dma_wait3A_402 = tpu.memref_squeeze %dma_wait3A_401 : memref<1x80x16xf32, #tpu.memory_space<vmem>> -> memref<80x16xf32, #tpu.memory_space<vmem>>
        %dma_wait3A_403 = arith.constant 0 : i32
        %dma_wait3A_404 = arith.constant 0 : i32
        %dma_wait3A_405 = tpu.memref_slice %arg2[%dma_wait3A_403, %dma_wait3A_404] : memref<10240x16xf32, #tpu.memory_space<hbm>> -> memref<80x16xf32, #tpu.memory_space<hbm>>
        %dma_wait3A_406 = arith.constant 0 : i32
        %dma_wait3A_407 = arith.constant 0 : i32
        %dma_wait3A_408 = tpu.memref_slice %arg7[%dma_wait3A_398, %dma_wait3A_406, %dma_wait3A_407] : memref<10x80x16xf32, #tpu.memory_space<vmem>> -> memref<1x80x16xf32, #tpu.memory_space<vmem>>
        %dma_wait3A_409 = tpu.memref_squeeze %dma_wait3A_408 : memref<1x80x16xf32, #tpu.memory_space<vmem>> -> memref<80x16xf32, #tpu.memory_space<vmem>>
        %dma_wait3A_410 = arith.constant 0 : i32
        %dma_wait3A_411 = arith.constant 0 : i32
        %dma_wait3A_412 = tpu.memref_slice %arg2[%dma_wait3A_410, %dma_wait3A_411] : memref<10240x16xf32, #tpu.memory_space<hbm>> -> memref<80x16xf32, #tpu.memory_space<hbm>>
        tpu.wait_dma2 semaphore(%arg12 : memref<!tpu.dma_semaphore, #tpu.memory_space<semaphore_mem>>) src(%dma_wait3A_412 : memref<80x16xf32, #tpu.memory_space<hbm>>) dst(%dma_wait3A_409 : memref<80x16xf32, #tpu.memory_space<vmem>>)
        %dma_wait3A_413 = arith.constant 0 : i32
        %dma_wait3A_414 = arith.constant 0 : i32
        %dma_wait3A_415 = arith.constant 0 : i32
        %dma_wait3A_416 = tpu.memref_slice %arg7[%dma_wait3A_413, %dma_wait3A_414, %dma_wait3A_415] : memref<10x80x16xf32, #tpu.memory_space<vmem>> -> memref<1x80x16xf32, #tpu.memory_space<vmem>>
        %dma_wait3A_417 = tpu.memref_squeeze %dma_wait3A_416 : memref<1x80x16xf32, #tpu.memory_space<vmem>> -> memref<80x16xf32, #tpu.memory_space<vmem>>
        %dma_wait3A_418 = arith.constant 0 : i32
        %dma_wait3A_419 = arith.constant 0 : i32
        %dma_wait3A_420 = tpu.memref_slice %arg2[%dma_wait3A_418, %dma_wait3A_419] : memref<10240x16xf32, #tpu.memory_space<hbm>> -> memref<80x16xf32, #tpu.memory_space<hbm>>
        %dma_wait3A_421 = arith.constant 0 : i32
        %dma_wait3A_422 = arith.constant 0 : i32
        %dma_wait3A_423 = tpu.memref_slice %arg7[%dma_wait3A_413, %dma_wait3A_421, %dma_wait3A_422] : memref<10x80x16xf32, #tpu.memory_space<vmem>> -> memref<1x80x16xf32, #tpu.memory_space<vmem>>
        %dma_wait3A_424 = tpu.memref_squeeze %dma_wait3A_423 : memref<1x80x16xf32, #tpu.memory_space<vmem>> -> memref<80x16xf32, #tpu.memory_space<vmem>>
        %dma_wait3A_425 = arith.constant 0 : i32
        %dma_wait3A_426 = arith.constant 0 : i32
        %dma_wait3A_427 = tpu.memref_slice %arg2[%dma_wait3A_425, %dma_wait3A_426] : memref<10240x16xf32, #tpu.memory_space<hbm>> -> memref<80x16xf32, #tpu.memory_space<hbm>>
        tpu.wait_dma2 semaphore(%arg12 : memref<!tpu.dma_semaphore, #tpu.memory_space<semaphore_mem>>) src(%dma_wait3A_427 : memref<80x16xf32, #tpu.memory_space<hbm>>) dst(%dma_wait3A_424 : memref<80x16xf32, #tpu.memory_space<vmem>>)
      } else {
      }
      %lt3A_198 = arith.constant 24 : i32
      %lt3A_199 = arith.cmpi slt, %scan3A_185, %lt3A_198 : i32
      %convert_element_type3A_200 = arith.extui %lt3A_199 : i1 to i32
      %cond3A_201 = arith.constant 0 : i32
      %cond3A_202 = arith.cmpi ne, %convert_element_type3A_200, %cond3A_201 : i32
      scf.if %cond3A_202 {
        %add3A_353 = arith.constant 1 : i32
        %add3A_354 = arith.addi %scan3A_185, %add3A_353 : i32
        %sub3A = arith.constant 1 : i32
        %sub3A_355 = arith.subi %sub3A, %select_n3A_195 : i32
        %mul3A_356 = arith.constant 5 : i32
        %mul3A_357 = arith.muli %add3A_354, %mul3A_356 : i32
        %mul3A_358 = arith.constant 80 : i32
        %mul3A_359 = arith.muli %mul3A_357, %mul3A_358 : i32
        %add3A_360 = arith.constant 0 : i32
        %add3A_361 = arith.addi %mul3A_359, %add3A_360 : i32
        %mul3A_362 = arith.constant 5 : i32
        %mul3A_363 = arith.muli %sub3A_355, %mul3A_362 : i32
        %add3A_364 = arith.constant 0 : i32
        %add3A_365 = arith.addi %mul3A_363, %add3A_364 : i32
        %dma_start3A_366 = arith.constant 0 : i32
        %dma_start3A_367 = arith.constant 0 : i32
        %dma_start3A_368 = tpu.memref_slice %arg7[%add3A_365, %dma_start3A_366, %dma_start3A_367] : memref<10x80x16xf32, #tpu.memory_space<vmem>> -> memref<1x80x16xf32, #tpu.memory_space<vmem>>
        %dma_start3A_369 = tpu.memref_squeeze %dma_start3A_368 : memref<1x80x16xf32, #tpu.memory_space<vmem>> -> memref<80x16xf32, #tpu.memory_space<vmem>>
        %dma_start3A_370 = tpu.memref_slice %arg5[%add3A_361] : memref<10000xi32, #tpu.memory_space<vmem>> -> memref<80xi32, #tpu.memory_space<vmem>>
        %dma_start3A_371 = arith.constant 0 : i32
        %dma_start3A_372 = arith.constant 0 : i32
        %dma_start3A_373 = tpu.memref_slice %arg10[%dma_start3A_371, %dma_start3A_372] : memref<10240x16xf32, #tpu.memory_space<vmem_shared>> -> memref<10240x16xf32, #tpu.memory_space<vmem_shared>>
        tpu.enqueue_indirect_dma source(%dma_start3A_373 : memref<10240x16xf32, #tpu.memory_space<vmem_shared>>) target(%dma_start3A_369 : memref<80x16xf32, #tpu.memory_space<vmem>>) offsets(%dma_start3A_370 : memref<80xi32, #tpu.memory_space<vmem>>) semaphore(%arg11 : memref<!tpu.dma_semaphore, #tpu.memory_space<semaphore_mem>>)
        %add3A_374 = arith.constant 80 : i32
        %add3A_375 = arith.addi %mul3A_359, %add3A_374 : i32
        %mul3A_376 = arith.constant 5 : i32
        %mul3A_377 = arith.muli %sub3A_355, %mul3A_376 : i32
        %add3A_378 = arith.constant 1 : i32
        %add3A_379 = arith.addi %mul3A_377, %add3A_378 : i32
        %dma_start3A_380 = arith.constant 0 : i32
        %dma_start3A_381 = arith.constant 0 : i32
        %dma_start3A_382 = tpu.memref_slice %arg7[%add3A_379, %dma_start3A_380, %dma_start3A_381] : memref<10x80x16xf32, #tpu.memory_space<vmem>> -> memref<1x80x16xf32, #tpu.memory_space<vmem>>
        %dma_start3A_383 = tpu.memref_squeeze %dma_start3A_382 : memref<1x80x16xf32, #tpu.memory_space<vmem>> -> memref<80x16xf32, #tpu.memory_space<vmem>>
        %dma_start3A_384 = tpu.memref_slice %arg5[%add3A_375] : memref<10000xi32, #tpu.memory_space<vmem>> -> memref<80xi32, #tpu.memory_space<vmem>>
        %dma_start3A_385 = arith.constant 0 : i32
        %dma_start3A_386 = arith.constant 0 : i32
        %dma_start3A_387 = tpu.memref_slice %arg10[%dma_start3A_385, %dma_start3A_386] : memref<10240x16xf32, #tpu.memory_space<vmem_shared>> -> memref<10240x16xf32, #tpu.memory_space<vmem_shared>>
        tpu.enqueue_indirect_dma source(%dma_start3A_387 : memref<10240x16xf32, #tpu.memory_space<vmem_shared>>) target(%dma_start3A_383 : memref<80x16xf32, #tpu.memory_space<vmem>>) offsets(%dma_start3A_384 : memref<80xi32, #tpu.memory_space<vmem>>) semaphore(%arg11 : memref<!tpu.dma_semaphore, #tpu.memory_space<semaphore_mem>>)
        %add3A_388 = arith.constant 160 : i32
        %add3A_389 = arith.addi %mul3A_359, %add3A_388 : i32
        %mul3A_390 = arith.constant 5 : i32
        %mul3A_391 = arith.muli %sub3A_355, %mul3A_390 : i32
        %add3A_392 = arith.constant 2 : i32
        %add3A_393 = arith.addi %mul3A_391, %add3A_392 : i32
        %dma_start3A_394 = arith.constant 0 : i32
        %dma_start3A_395 = arith.constant 0 : i32
        %dma_start3A_396 = tpu.memref_slice %arg7[%add3A_393, %dma_start3A_394, %dma_start3A_395] : memref<10x80x16xf32, #tpu.memory_space<vmem>> -> memref<1x80x16xf32, #tpu.memory_space<vmem>>
        %dma_start3A_397 = tpu.memref_squeeze %dma_start3A_396 : memref<1x80x16xf32, #tpu.memory_space<vmem>> -> memref<80x16xf32, #tpu.memory_space<vmem>>
        %dma_start3A_398 = tpu.memref_slice %arg5[%add3A_389] : memref<10000xi32, #tpu.memory_space<vmem>> -> memref<80xi32, #tpu.memory_space<vmem>>
        %dma_start3A_399 = arith.constant 0 : i32
        %dma_start3A_400 = arith.constant 0 : i32
        %dma_start3A_401 = tpu.memref_slice %arg10[%dma_start3A_399, %dma_start3A_400] : memref<10240x16xf32, #tpu.memory_space<vmem_shared>> -> memref<10240x16xf32, #tpu.memory_space<vmem_shared>>
        tpu.enqueue_indirect_dma source(%dma_start3A_401 : memref<10240x16xf32, #tpu.memory_space<vmem_shared>>) target(%dma_start3A_397 : memref<80x16xf32, #tpu.memory_space<vmem>>) offsets(%dma_start3A_398 : memref<80xi32, #tpu.memory_space<vmem>>) semaphore(%arg11 : memref<!tpu.dma_semaphore, #tpu.memory_space<semaphore_mem>>)
        %add3A_402 = arith.constant 240 : i32
        %add3A_403 = arith.addi %mul3A_359, %add3A_402 : i32
        %mul3A_404 = arith.constant 5 : i32
        %mul3A_405 = arith.muli %sub3A_355, %mul3A_404 : i32
        %add3A_406 = arith.constant 3 : i32
        %add3A_407 = arith.addi %mul3A_405, %add3A_406 : i32
        %dma_start3A_408 = arith.constant 0 : i32
        %dma_start3A_409 = arith.constant 0 : i32
        %dma_start3A_410 = tpu.memref_slice %arg7[%add3A_407, %dma_start3A_408, %dma_start3A_409] : memref<10x80x16xf32, #tpu.memory_space<vmem>> -> memref<1x80x16xf32, #tpu.memory_space<vmem>>
        %dma_start3A_411 = tpu.memref_squeeze %dma_start3A_410 : memref<1x80x16xf32, #tpu.memory_space<vmem>> -> memref<80x16xf32, #tpu.memory_space<vmem>>
        %dma_start3A_412 = tpu.memref_slice %arg5[%add3A_403] : memref<10000xi32, #tpu.memory_space<vmem>> -> memref<80xi32, #tpu.memory_space<vmem>>
        %dma_start3A_413 = arith.constant 0 : i32
        %dma_start3A_414 = arith.constant 0 : i32
        %dma_start3A_415 = tpu.memref_slice %arg10[%dma_start3A_413, %dma_start3A_414] : memref<10240x16xf32, #tpu.memory_space<vmem_shared>> -> memref<10240x16xf32, #tpu.memory_space<vmem_shared>>
        tpu.enqueue_indirect_dma source(%dma_start3A_415 : memref<10240x16xf32, #tpu.memory_space<vmem_shared>>) target(%dma_start3A_411 : memref<80x16xf32, #tpu.memory_space<vmem>>) offsets(%dma_start3A_412 : memref<80xi32, #tpu.memory_space<vmem>>) semaphore(%arg11 : memref<!tpu.dma_semaphore, #tpu.memory_space<semaphore_mem>>)
        %add3A_416 = arith.constant 320 : i32
        %add3A_417 = arith.addi %mul3A_359, %add3A_416 : i32
        %mul3A_418 = arith.constant 5 : i32
        %mul3A_419 = arith.muli %sub3A_355, %mul3A_418 : i32
        %add3A_420 = arith.constant 4 : i32
        %add3A_421 = arith.addi %mul3A_419, %add3A_420 : i32
        %dma_start3A_422 = arith.constant 0 : i32
        %dma_start3A_423 = arith.constant 0 : i32
        %dma_start3A_424 = tpu.memref_slice %arg7[%add3A_421, %dma_start3A_422, %dma_start3A_423] : memref<10x80x16xf32, #tpu.memory_space<vmem>> -> memref<1x80x16xf32, #tpu.memory_space<vmem>>
        %dma_start3A_425 = tpu.memref_squeeze %dma_start3A_424 : memref<1x80x16xf32, #tpu.memory_space<vmem>> -> memref<80x16xf32, #tpu.memory_space<vmem>>
        %dma_start3A_426 = tpu.memref_slice %arg5[%add3A_417] : memref<10000xi32, #tpu.memory_space<vmem>> -> memref<80xi32, #tpu.memory_space<vmem>>
        %dma_start3A_427 = arith.constant 0 : i32
        %dma_start3A_428 = arith.constant 0 : i32
        %dma_start3A_429 = tpu.memref_slice %arg10[%dma_start3A_427, %dma_start3A_428] : memref<10240x16xf32, #tpu.memory_space<vmem_shared>> -> memref<10240x16xf32, #tpu.memory_space<vmem_shared>>
        tpu.enqueue_indirect_dma source(%dma_start3A_429 : memref<10240x16xf32, #tpu.memory_space<vmem_shared>>) target(%dma_start3A_425 : memref<80x16xf32, #tpu.memory_space<vmem>>) offsets(%dma_start3A_426 : memref<80xi32, #tpu.memory_space<vmem>>) semaphore(%arg11 : memref<!tpu.dma_semaphore, #tpu.memory_space<semaphore_mem>>)
      } else {
      }
      %dma_wait3A_203 = arith.constant 0 : i32
      %dma_wait3A_204 = arith.constant 0 : i32
      %dma_wait3A_205 = arith.constant 0 : i32
      %dma_wait3A_206 = tpu.memref_slice %arg7[%dma_wait3A_203, %dma_wait3A_204, %dma_wait3A_205] : memref<10x80x16xf32, #tpu.memory_space<vmem>> -> memref<1x80x16xf32, #tpu.memory_space<vmem>>
      %dma_wait3A_207 = tpu.memref_squeeze %dma_wait3A_206 : memref<1x80x16xf32, #tpu.memory_space<vmem>> -> memref<80x16xf32, #tpu.memory_space<vmem>>
      %dma_wait3A_208 = arith.constant 0 : i32
      %dma_wait3A_209 = arith.constant 0 : i32
      %dma_wait3A_210 = tpu.memref_slice %arg2[%dma_wait3A_208, %dma_wait3A_209] : memref<10240x16xf32, #tpu.memory_space<hbm>> -> memref<80x16xf32, #tpu.memory_space<hbm>>
      %dma_wait3A_211 = arith.constant 0 : i32
      %dma_wait3A_212 = arith.constant 0 : i32
      %dma_wait3A_213 = tpu.memref_slice %arg7[%dma_wait3A_203, %dma_wait3A_211, %dma_wait3A_212] : memref<10x80x16xf32, #tpu.memory_space<vmem>> -> memref<1x80x16xf32, #tpu.memory_space<vmem>>
      %dma_wait3A_214 = tpu.memref_squeeze %dma_wait3A_213 : memref<1x80x16xf32, #tpu.memory_space<vmem>> -> memref<80x16xf32, #tpu.memory_space<vmem>>
      %dma_wait3A_215 = arith.constant 0 : i32
      %dma_wait3A_216 = arith.constant 0 : i32
      %dma_wait3A_217 = tpu.memref_slice %arg2[%dma_wait3A_215, %dma_wait3A_216] : memref<10240x16xf32, #tpu.memory_space<hbm>> -> memref<80x16xf32, #tpu.memory_space<hbm>>
      tpu.wait_dma2 semaphore(%arg11 : memref<!tpu.dma_semaphore, #tpu.memory_space<semaphore_mem>>) src(%dma_wait3A_217 : memref<80x16xf32, #tpu.memory_space<hbm>>) dst(%dma_wait3A_214 : memref<80x16xf32, #tpu.memory_space<vmem>>)
      %dma_wait3A_218 = arith.constant 0 : i32
      %dma_wait3A_219 = arith.constant 0 : i32
      %dma_wait3A_220 = arith.constant 0 : i32
      %dma_wait3A_221 = tpu.memref_slice %arg7[%dma_wait3A_218, %dma_wait3A_219, %dma_wait3A_220] : memref<10x80x16xf32, #tpu.memory_space<vmem>> -> memref<1x80x16xf32, #tpu.memory_space<vmem>>
      %dma_wait3A_222 = tpu.memref_squeeze %dma_wait3A_221 : memref<1x80x16xf32, #tpu.memory_space<vmem>> -> memref<80x16xf32, #tpu.memory_space<vmem>>
      %dma_wait3A_223 = arith.constant 0 : i32
      %dma_wait3A_224 = arith.constant 0 : i32
      %dma_wait3A_225 = tpu.memref_slice %arg2[%dma_wait3A_223, %dma_wait3A_224] : memref<10240x16xf32, #tpu.memory_space<hbm>> -> memref<80x16xf32, #tpu.memory_space<hbm>>
      %dma_wait3A_226 = arith.constant 0 : i32
      %dma_wait3A_227 = arith.constant 0 : i32
      %dma_wait3A_228 = tpu.memref_slice %arg7[%dma_wait3A_218, %dma_wait3A_226, %dma_wait3A_227] : memref<10x80x16xf32, #tpu.memory_space<vmem>> -> memref<1x80x16xf32, #tpu.memory_space<vmem>>
      %dma_wait3A_229 = tpu.memref_squeeze %dma_wait3A_228 : memref<1x80x16xf32, #tpu.memory_space<vmem>> -> memref<80x16xf32, #tpu.memory_space<vmem>>
      %dma_wait3A_230 = arith.constant 0 : i32
      %dma_wait3A_231 = arith.constant 0 : i32
      %dma_wait3A_232 = tpu.memref_slice %arg2[%dma_wait3A_230, %dma_wait3A_231] : memref<10240x16xf32, #tpu.memory_space<hbm>> -> memref<80x16xf32, #tpu.memory_space<hbm>>
      tpu.wait_dma2 semaphore(%arg11 : memref<!tpu.dma_semaphore, #tpu.memory_space<semaphore_mem>>) src(%dma_wait3A_232 : memref<80x16xf32, #tpu.memory_space<hbm>>) dst(%dma_wait3A_229 : memref<80x16xf32, #tpu.memory_space<vmem>>)
      %dma_wait3A_233 = arith.constant 0 : i32
      %dma_wait3A_234 = arith.constant 0 : i32
      %dma_wait3A_235 = arith.constant 0 : i32
      %dma_wait3A_236 = tpu.memref_slice %arg7[%dma_wait3A_233, %dma_wait3A_234, %dma_wait3A_235] : memref<10x80x16xf32, #tpu.memory_space<vmem>> -> memref<1x80x16xf32, #tpu.memory_space<vmem>>
      %dma_wait3A_237 = tpu.memref_squeeze %dma_wait3A_236 : memref<1x80x16xf32, #tpu.memory_space<vmem>> -> memref<80x16xf32, #tpu.memory_space<vmem>>
      %dma_wait3A_238 = arith.constant 0 : i32
      %dma_wait3A_239 = arith.constant 0 : i32
      %dma_wait3A_240 = tpu.memref_slice %arg2[%dma_wait3A_238, %dma_wait3A_239] : memref<10240x16xf32, #tpu.memory_space<hbm>> -> memref<80x16xf32, #tpu.memory_space<hbm>>
      %dma_wait3A_241 = arith.constant 0 : i32
      %dma_wait3A_242 = arith.constant 0 : i32
      %dma_wait3A_243 = tpu.memref_slice %arg7[%dma_wait3A_233, %dma_wait3A_241, %dma_wait3A_242] : memref<10x80x16xf32, #tpu.memory_space<vmem>> -> memref<1x80x16xf32, #tpu.memory_space<vmem>>
      %dma_wait3A_244 = tpu.memref_squeeze %dma_wait3A_243 : memref<1x80x16xf32, #tpu.memory_space<vmem>> -> memref<80x16xf32, #tpu.memory_space<vmem>>
      %dma_wait3A_245 = arith.constant 0 : i32
      %dma_wait3A_246 = arith.constant 0 : i32
      %dma_wait3A_247 = tpu.memref_slice %arg2[%dma_wait3A_245, %dma_wait3A_246] : memref<10240x16xf32, #tpu.memory_space<hbm>> -> memref<80x16xf32, #tpu.memory_space<hbm>>
      tpu.wait_dma2 semaphore(%arg11 : memref<!tpu.dma_semaphore, #tpu.memory_space<semaphore_mem>>) src(%dma_wait3A_247 : memref<80x16xf32, #tpu.memory_space<hbm>>) dst(%dma_wait3A_244 : memref<80x16xf32, #tpu.memory_space<vmem>>)
      %dma_wait3A_248 = arith.constant 0 : i32
      %dma_wait3A_249 = arith.constant 0 : i32
      %dma_wait3A_250 = arith.constant 0 : i32
      %dma_wait3A_251 = tpu.memref_slice %arg7[%dma_wait3A_248, %dma_wait3A_249, %dma_wait3A_250] : memref<10x80x16xf32, #tpu.memory_space<vmem>> -> memref<1x80x16xf32, #tpu.memory_space<vmem>>
      %dma_wait3A_252 = tpu.memref_squeeze %dma_wait3A_251 : memref<1x80x16xf32, #tpu.memory_space<vmem>> -> memref<80x16xf32, #tpu.memory_space<vmem>>
      %dma_wait3A_253 = arith.constant 0 : i32
      %dma_wait3A_254 = arith.constant 0 : i32
      %dma_wait3A_255 = tpu.memref_slice %arg2[%dma_wait3A_253, %dma_wait3A_254] : memref<10240x16xf32, #tpu.memory_space<hbm>> -> memref<80x16xf32, #tpu.memory_space<hbm>>
      %dma_wait3A_256 = arith.constant 0 : i32
      %dma_wait3A_257 = arith.constant 0 : i32
      %dma_wait3A_258 = tpu.memref_slice %arg7[%dma_wait3A_248, %dma_wait3A_256, %dma_wait3A_257] : memref<10x80x16xf32, #tpu.memory_space<vmem>> -> memref<1x80x16xf32, #tpu.memory_space<vmem>>
      %dma_wait3A_259 = tpu.memref_squeeze %dma_wait3A_258 : memref<1x80x16xf32, #tpu.memory_space<vmem>> -> memref<80x16xf32, #tpu.memory_space<vmem>>
      %dma_wait3A_260 = arith.constant 0 : i32
      %dma_wait3A_261 = arith.constant 0 : i32
      %dma_wait3A_262 = tpu.memref_slice %arg2[%dma_wait3A_260, %dma_wait3A_261] : memref<10240x16xf32, #tpu.memory_space<hbm>> -> memref<80x16xf32, #tpu.memory_space<hbm>>
      tpu.wait_dma2 semaphore(%arg11 : memref<!tpu.dma_semaphore, #tpu.memory_space<semaphore_mem>>) src(%dma_wait3A_262 : memref<80x16xf32, #tpu.memory_space<hbm>>) dst(%dma_wait3A_259 : memref<80x16xf32, #tpu.memory_space<vmem>>)
      %dma_wait3A_263 = arith.constant 0 : i32
      %dma_wait3A_264 = arith.constant 0 : i32
      %dma_wait3A_265 = arith.constant 0 : i32
      %dma_wait3A_266 = tpu.memref_slice %arg7[%dma_wait3A_263, %dma_wait3A_264, %dma_wait3A_265] : memref<10x80x16xf32, #tpu.memory_space<vmem>> -> memref<1x80x16xf32, #tpu.memory_space<vmem>>
      %dma_wait3A_267 = tpu.memref_squeeze %dma_wait3A_266 : memref<1x80x16xf32, #tpu.memory_space<vmem>> -> memref<80x16xf32, #tpu.memory_space<vmem>>
      %dma_wait3A_268 = arith.constant 0 : i32
      %dma_wait3A_269 = arith.constant 0 : i32
      %dma_wait3A_270 = tpu.memref_slice %arg2[%dma_wait3A_268, %dma_wait3A_269] : memref<10240x16xf32, #tpu.memory_space<hbm>> -> memref<80x16xf32, #tpu.memory_space<hbm>>
      %dma_wait3A_271 = arith.constant 0 : i32
      %dma_wait3A_272 = arith.constant 0 : i32
      %dma_wait3A_273 = tpu.memref_slice %arg7[%dma_wait3A_263, %dma_wait3A_271, %dma_wait3A_272] : memref<10x80x16xf32, #tpu.memory_space<vmem>> -> memref<1x80x16xf32, #tpu.memory_space<vmem>>
      %dma_wait3A_274 = tpu.memref_squeeze %dma_wait3A_273 : memref<1x80x16xf32, #tpu.memory_space<vmem>> -> memref<80x16xf32, #tpu.memory_space<vmem>>
      %dma_wait3A_275 = arith.constant 0 : i32
      %dma_wait3A_276 = arith.constant 0 : i32
      %dma_wait3A_277 = tpu.memref_slice %arg2[%dma_wait3A_275, %dma_wait3A_276] : memref<10240x16xf32, #tpu.memory_space<hbm>> -> memref<80x16xf32, #tpu.memory_space<hbm>>
      tpu.wait_dma2 semaphore(%arg11 : memref<!tpu.dma_semaphore, #tpu.memory_space<semaphore_mem>>) src(%dma_wait3A_277 : memref<80x16xf32, #tpu.memory_space<hbm>>) dst(%dma_wait3A_274 : memref<80x16xf32, #tpu.memory_space<vmem>>)
      %mul3A_278 = arith.constant 5 : i32
      %mul3A_279 = arith.muli %scan3A_185, %mul3A_278 : i32
      %mul3A_280 = arith.constant 80 : i32
      %mul3A_281 = arith.muli %mul3A_279, %mul3A_280 : i32
      %mul3A_282 = arith.constant 5 : i32
      %mul3A_283 = arith.muli %select_n3A_195, %mul3A_282 : i32
      %add3A_284 = arith.constant 0 : i32
      %add3A_285 = arith.addi %mul3A_283, %add3A_284 : i32
      %add3A_286 = arith.constant 0 : i32
      %add3A_287 = arith.addi %mul3A_281, %add3A_286 : i32
      %dma_start3A_288 = arith.constant 0 : i32
      %dma_start3A_289 = arith.constant 0 : i32
      %dma_start3A_290 = tpu.memref_slice %arg7[%add3A_285, %dma_start3A_288, %dma_start3A_289] : memref<10x80x16xf32, #tpu.memory_space<vmem>> -> memref<1x80x16xf32, #tpu.memory_space<vmem>>
      %dma_start3A_291 = tpu.memref_squeeze %dma_start3A_290 : memref<1x80x16xf32, #tpu.memory_space<vmem>> -> memref<80x16xf32, #tpu.memory_space<vmem>>
      %dma_start3A_292 = tpu.memref_slice %arg6[%add3A_287] : memref<10000xi32, #tpu.memory_space<vmem>> -> memref<80xi32, #tpu.memory_space<vmem>>
      %dma_start3A_293 = arith.constant 0 : i32
      %dma_start3A_294 = arith.constant 0 : i32
      %dma_start3A_295 = tpu.memref_slice %arg9[%dma_start3A_293, %dma_start3A_294] : memref<10240x16xf32, #tpu.memory_space<vmem_shared>> -> memref<10240x16xf32, #tpu.memory_space<vmem_shared>>
      tpu.enqueue_indirect_dma source(%dma_start3A_291 : memref<80x16xf32, #tpu.memory_space<vmem>>) target(%dma_start3A_295 : memref<10240x16xf32, #tpu.memory_space<vmem_shared>>) offsets(%dma_start3A_292 : memref<80xi32, #tpu.memory_space<vmem>>) semaphore(%arg12 : memref<!tpu.dma_semaphore, #tpu.memory_space<semaphore_mem>>) {add = true}
      %mul3A_296 = arith.constant 5 : i32
      %mul3A_297 = arith.muli %select_n3A_195, %mul3A_296 : i32
      %add3A_298 = arith.constant 1 : i32
      %add3A_299 = arith.addi %mul3A_297, %add3A_298 : i32
      %add3A_300 = arith.constant 80 : i32
      %add3A_301 = arith.addi %mul3A_281, %add3A_300 : i32
      %dma_start3A_302 = arith.constant 0 : i32
      %dma_start3A_303 = arith.constant 0 : i32
      %dma_start3A_304 = tpu.memref_slice %arg7[%add3A_299, %dma_start3A_302, %dma_start3A_303] : memref<10x80x16xf32, #tpu.memory_space<vmem>> -> memref<1x80x16xf32, #tpu.memory_space<vmem>>
      %dma_start3A_305 = tpu.memref_squeeze %dma_start3A_304 : memref<1x80x16xf32, #tpu.memory_space<vmem>> -> memref<80x16xf32, #tpu.memory_space<vmem>>
      %dma_start3A_306 = tpu.memref_slice %arg6[%add3A_301] : memref<10000xi32, #tpu.memory_space<vmem>> -> memref<80xi32, #tpu.memory_space<vmem>>
      %dma_start3A_307 = arith.constant 0 : i32
      %dma_start3A_308 = arith.constant 0 : i32
      %dma_start3A_309 = tpu.memref_slice %arg9[%dma_start3A_307, %dma_start3A_308] : memref<10240x16xf32, #tpu.memory_space<vmem_shared>> -> memref<10240x16xf32, #tpu.memory_space<vmem_shared>>
      tpu.enqueue_indirect_dma source(%dma_start3A_305 : memref<80x16xf32, #tpu.memory_space<vmem>>) target(%dma_start3A_309 : memref<10240x16xf32, #tpu.memory_space<vmem_shared>>) offsets(%dma_start3A_306 : memref<80xi32, #tpu.memory_space<vmem>>) semaphore(%arg12 : memref<!tpu.dma_semaphore, #tpu.memory_space<semaphore_mem>>) {add = true}
      %mul3A_310 = arith.constant 5 : i32
      %mul3A_311 = arith.muli %select_n3A_195, %mul3A_310 : i32
      %add3A_312 = arith.constant 2 : i32
      %add3A_313 = arith.addi %mul3A_311, %add3A_312 : i32
      %add3A_314 = arith.constant 160 : i32
      %add3A_315 = arith.addi %mul3A_281, %add3A_314 : i32
      %dma_start3A_316 = arith.constant 0 : i32
      %dma_start3A_317 = arith.constant 0 : i32
      %dma_start3A_318 = tpu.memref_slice %arg7[%add3A_313, %dma_start3A_316, %dma_start3A_317] : memref<10x80x16xf32, #tpu.memory_space<vmem>> -> memref<1x80x16xf32, #tpu.memory_space<vmem>>
      %dma_start3A_319 = tpu.memref_squeeze %dma_start3A_318 : memref<1x80x16xf32, #tpu.memory_space<vmem>> -> memref<80x16xf32, #tpu.memory_space<vmem>>
      %dma_start3A_320 = tpu.memref_slice %arg6[%add3A_315] : memref<10000xi32, #tpu.memory_space<vmem>> -> memref<80xi32, #tpu.memory_space<vmem>>
      %dma_start3A_321 = arith.constant 0 : i32
      %dma_start3A_322 = arith.constant 0 : i32
      %dma_start3A_323 = tpu.memref_slice %arg9[%dma_start3A_321, %dma_start3A_322] : memref<10240x16xf32, #tpu.memory_space<vmem_shared>> -> memref<10240x16xf32, #tpu.memory_space<vmem_shared>>
      tpu.enqueue_indirect_dma source(%dma_start3A_319 : memref<80x16xf32, #tpu.memory_space<vmem>>) target(%dma_start3A_323 : memref<10240x16xf32, #tpu.memory_space<vmem_shared>>) offsets(%dma_start3A_320 : memref<80xi32, #tpu.memory_space<vmem>>) semaphore(%arg12 : memref<!tpu.dma_semaphore, #tpu.memory_space<semaphore_mem>>) {add = true}
      %mul3A_324 = arith.constant 5 : i32
      %mul3A_325 = arith.muli %select_n3A_195, %mul3A_324 : i32
      %add3A_326 = arith.constant 3 : i32
      %add3A_327 = arith.addi %mul3A_325, %add3A_326 : i32
      %add3A_328 = arith.constant 240 : i32
      %add3A_329 = arith.addi %mul3A_281, %add3A_328 : i32
      %dma_start3A_330 = arith.constant 0 : i32
      %dma_start3A_331 = arith.constant 0 : i32
      %dma_start3A_332 = tpu.memref_slice %arg7[%add3A_327, %dma_start3A_330, %dma_start3A_331] : memref<10x80x16xf32, #tpu.memory_space<vmem>> -> memref<1x80x16xf32, #tpu.memory_space<vmem>>
      %dma_start3A_333 = tpu.memref_squeeze %dma_start3A_332 : memref<1x80x16xf32, #tpu.memory_space<vmem>> -> memref<80x16xf32, #tpu.memory_space<vmem>>
      %dma_start3A_334 = tpu.memref_slice %arg6[%add3A_329] : memref<10000xi32, #tpu.memory_space<vmem>> -> memref<80xi32, #tpu.memory_space<vmem>>
      %dma_start3A_335 = arith.constant 0 : i32
      %dma_start3A_336 = arith.constant 0 : i32
      %dma_start3A_337 = tpu.memref_slice %arg9[%dma_start3A_335, %dma_start3A_336] : memref<10240x16xf32, #tpu.memory_space<vmem_shared>> -> memref<10240x16xf32, #tpu.memory_space<vmem_shared>>
      tpu.enqueue_indirect_dma source(%dma_start3A_333 : memref<80x16xf32, #tpu.memory_space<vmem>>) target(%dma_start3A_337 : memref<10240x16xf32, #tpu.memory_space<vmem_shared>>) offsets(%dma_start3A_334 : memref<80xi32, #tpu.memory_space<vmem>>) semaphore(%arg12 : memref<!tpu.dma_semaphore, #tpu.memory_space<semaphore_mem>>) {add = true}
      %mul3A_338 = arith.constant 5 : i32
      %mul3A_339 = arith.muli %select_n3A_195, %mul3A_338 : i32
      %add3A_340 = arith.constant 4 : i32
      %add3A_341 = arith.addi %mul3A_339, %add3A_340 : i32
      %add3A_342 = arith.constant 320 : i32
      %add3A_343 = arith.addi %mul3A_281, %add3A_342 : i32
      %dma_start3A_344 = arith.constant 0 : i32
      %dma_start3A_345 = arith.constant 0 : i32
      %dma_start3A_346 = tpu.memref_slice %arg7[%add3A_341, %dma_start3A_344, %dma_start3A_345] : memref<10x80x16xf32, #tpu.memory_space<vmem>> -> memref<1x80x16xf32, #tpu.memory_space<vmem>>
      %dma_start3A_347 = tpu.memref_squeeze %dma_start3A_346 : memref<1x80x16xf32, #tpu.memory_space<vmem>> -> memref<80x16xf32, #tpu.memory_space<vmem>>
      %dma_start3A_348 = tpu.memref_slice %arg6[%add3A_343] : memref<10000xi32, #tpu.memory_space<vmem>> -> memref<80xi32, #tpu.memory_space<vmem>>
      %dma_start3A_349 = arith.constant 0 : i32
      %dma_start3A_350 = arith.constant 0 : i32
      %dma_start3A_351 = tpu.memref_slice %arg9[%dma_start3A_349, %dma_start3A_350] : memref<10240x16xf32, #tpu.memory_space<vmem_shared>> -> memref<10240x16xf32, #tpu.memory_space<vmem_shared>>
      tpu.enqueue_indirect_dma source(%dma_start3A_347 : memref<80x16xf32, #tpu.memory_space<vmem>>) target(%dma_start3A_351 : memref<10240x16xf32, #tpu.memory_space<vmem_shared>>) offsets(%dma_start3A_348 : memref<80xi32, #tpu.memory_space<vmem>>) semaphore(%arg12 : memref<!tpu.dma_semaphore, #tpu.memory_space<semaphore_mem>>) {add = true}
      %scan3A_352 = arith.constant 0 : i32
      scf.yield %scan3A_352 : i32
    }
    %scan3A_89 = arith.constant 25 : i32
    %dma_wait3A = arith.constant 0 : i32
    %dma_wait3A_90 = arith.constant 0 : i32
    %dma_wait3A_91 = arith.constant 0 : i32
    %dma_wait3A_92 = tpu.memref_slice %arg7[%dma_wait3A, %dma_wait3A_90, %dma_wait3A_91] : memref<10x80x16xf32, #tpu.memory_space<vmem>> -> memref<1x80x16xf32, #tpu.memory_space<vmem>>
    %dma_wait3A_93 = tpu.memref_squeeze %dma_wait3A_92 : memref<1x80x16xf32, #tpu.memory_space<vmem>> -> memref<80x16xf32, #tpu.memory_space<vmem>>
    %dma_wait3A_94 = arith.constant 0 : i32
    %dma_wait3A_95 = arith.constant 0 : i32
    %dma_wait3A_96 = tpu.memref_slice %arg2[%dma_wait3A_94, %dma_wait3A_95] : memref<10240x16xf32, #tpu.memory_space<hbm>> -> memref<80x16xf32, #tpu.memory_space<hbm>>
    %dma_wait3A_97 = arith.constant 0 : i32
    %dma_wait3A_98 = arith.constant 0 : i32
    %dma_wait3A_99 = tpu.memref_slice %arg7[%dma_wait3A, %dma_wait3A_97, %dma_wait3A_98] : memref<10x80x16xf32, #tpu.memory_space<vmem>> -> memref<1x80x16xf32, #tpu.memory_space<vmem>>
    %dma_wait3A_100 = tpu.memref_squeeze %dma_wait3A_99 : memref<1x80x16xf32, #tpu.memory_space<vmem>> -> memref<80x16xf32, #tpu.memory_space<vmem>>
    %dma_wait3A_101 = arith.constant 0 : i32
    %dma_wait3A_102 = arith.constant 0 : i32
    %dma_wait3A_103 = tpu.memref_slice %arg2[%dma_wait3A_101, %dma_wait3A_102] : memref<10240x16xf32, #tpu.memory_space<hbm>> -> memref<80x16xf32, #tpu.memory_space<hbm>>
    tpu.wait_dma2 semaphore(%arg12 : memref<!tpu.dma_semaphore, #tpu.memory_space<semaphore_mem>>) src(%dma_wait3A_103 : memref<80x16xf32, #tpu.memory_space<hbm>>) dst(%dma_wait3A_100 : memref<80x16xf32, #tpu.memory_space<vmem>>)
    %dma_wait3A_104 = arith.constant 0 : i32
    %dma_wait3A_105 = arith.constant 0 : i32
    %dma_wait3A_106 = arith.constant 0 : i32
    %dma_wait3A_107 = tpu.memref_slice %arg7[%dma_wait3A_104, %dma_wait3A_105, %dma_wait3A_106] : memref<10x80x16xf32, #tpu.memory_space<vmem>> -> memref<1x80x16xf32, #tpu.memory_space<vmem>>
    %dma_wait3A_108 = tpu.memref_squeeze %dma_wait3A_107 : memref<1x80x16xf32, #tpu.memory_space<vmem>> -> memref<80x16xf32, #tpu.memory_space<vmem>>
    %dma_wait3A_109 = arith.constant 0 : i32
    %dma_wait3A_110 = arith.constant 0 : i32
    %dma_wait3A_111 = tpu.memref_slice %arg2[%dma_wait3A_109, %dma_wait3A_110] : memref<10240x16xf32, #tpu.memory_space<hbm>> -> memref<80x16xf32, #tpu.memory_space<hbm>>
    %dma_wait3A_112 = arith.constant 0 : i32
    %dma_wait3A_113 = arith.constant 0 : i32
    %dma_wait3A_114 = tpu.memref_slice %arg7[%dma_wait3A_104, %dma_wait3A_112, %dma_wait3A_113] : memref<10x80x16xf32, #tpu.memory_space<vmem>> -> memref<1x80x16xf32, #tpu.memory_space<vmem>>
    %dma_wait3A_115 = tpu.memref_squeeze %dma_wait3A_114 : memref<1x80x16xf32, #tpu.memory_space<vmem>> -> memref<80x16xf32, #tpu.memory_space<vmem>>
    %dma_wait3A_116 = arith.constant 0 : i32
    %dma_wait3A_117 = arith.constant 0 : i32
    %dma_wait3A_118 = tpu.memref_slice %arg2[%dma_wait3A_116, %dma_wait3A_117] : memref<10240x16xf32, #tpu.memory_space<hbm>> -> memref<80x16xf32, #tpu.memory_space<hbm>>
    tpu.wait_dma2 semaphore(%arg12 : memref<!tpu.dma_semaphore, #tpu.memory_space<semaphore_mem>>) src(%dma_wait3A_118 : memref<80x16xf32, #tpu.memory_space<hbm>>) dst(%dma_wait3A_115 : memref<80x16xf32, #tpu.memory_space<vmem>>)
    %dma_wait3A_119 = arith.constant 0 : i32
    %dma_wait3A_120 = arith.constant 0 : i32
    %dma_wait3A_121 = arith.constant 0 : i32
    %dma_wait3A_122 = tpu.memref_slice %arg7[%dma_wait3A_119, %dma_wait3A_120, %dma_wait3A_121] : memref<10x80x16xf32, #tpu.memory_space<vmem>> -> memref<1x80x16xf32, #tpu.memory_space<vmem>>
    %dma_wait3A_123 = tpu.memref_squeeze %dma_wait3A_122 : memref<1x80x16xf32, #tpu.memory_space<vmem>> -> memref<80x16xf32, #tpu.memory_space<vmem>>
    %dma_wait3A_124 = arith.constant 0 : i32
    %dma_wait3A_125 = arith.constant 0 : i32
    %dma_wait3A_126 = tpu.memref_slice %arg2[%dma_wait3A_124, %dma_wait3A_125] : memref<10240x16xf32, #tpu.memory_space<hbm>> -> memref<80x16xf32, #tpu.memory_space<hbm>>
    %dma_wait3A_127 = arith.constant 0 : i32
    %dma_wait3A_128 = arith.constant 0 : i32
    %dma_wait3A_129 = tpu.memref_slice %arg7[%dma_wait3A_119, %dma_wait3A_127, %dma_wait3A_128] : memref<10x80x16xf32, #tpu.memory_space<vmem>> -> memref<1x80x16xf32, #tpu.memory_space<vmem>>
    %dma_wait3A_130 = tpu.memref_squeeze %dma_wait3A_129 : memref<1x80x16xf32, #tpu.memory_space<vmem>> -> memref<80x16xf32, #tpu.memory_space<vmem>>
    %dma_wait3A_131 = arith.constant 0 : i32
    %dma_wait3A_132 = arith.constant 0 : i32
    %dma_wait3A_133 = tpu.memref_slice %arg2[%dma_wait3A_131, %dma_wait3A_132] : memref<10240x16xf32, #tpu.memory_space<hbm>> -> memref<80x16xf32, #tpu.memory_space<hbm>>
    tpu.wait_dma2 semaphore(%arg12 : memref<!tpu.dma_semaphore, #tpu.memory_space<semaphore_mem>>) src(%dma_wait3A_133 : memref<80x16xf32, #tpu.memory_space<hbm>>) dst(%dma_wait3A_130 : memref<80x16xf32, #tpu.memory_space<vmem>>)
    %dma_wait3A_134 = arith.constant 0 : i32
    %dma_wait3A_135 = arith.constant 0 : i32
    %dma_wait3A_136 = arith.constant 0 : i32
    %dma_wait3A_137 = tpu.memref_slice %arg7[%dma_wait3A_134, %dma_wait3A_135, %dma_wait3A_136] : memref<10x80x16xf32, #tpu.memory_space<vmem>> -> memref<1x80x16xf32, #tpu.memory_space<vmem>>
    %dma_wait3A_138 = tpu.memref_squeeze %dma_wait3A_137 : memref<1x80x16xf32, #tpu.memory_space<vmem>> -> memref<80x16xf32, #tpu.memory_space<vmem>>
    %dma_wait3A_139 = arith.constant 0 : i32
    %dma_wait3A_140 = arith.constant 0 : i32
    %dma_wait3A_141 = tpu.memref_slice %arg2[%dma_wait3A_139, %dma_wait3A_140] : memref<10240x16xf32, #tpu.memory_space<hbm>> -> memref<80x16xf32, #tpu.memory_space<hbm>>
    %dma_wait3A_142 = arith.constant 0 : i32
    %dma_wait3A_143 = arith.constant 0 : i32
    %dma_wait3A_144 = tpu.memref_slice %arg7[%dma_wait3A_134, %dma_wait3A_142, %dma_wait3A_143] : memref<10x80x16xf32, #tpu.memory_space<vmem>> -> memref<1x80x16xf32, #tpu.memory_space<vmem>>
    %dma_wait3A_145 = tpu.memref_squeeze %dma_wait3A_144 : memref<1x80x16xf32, #tpu.memory_space<vmem>> -> memref<80x16xf32, #tpu.memory_space<vmem>>
    %dma_wait3A_146 = arith.constant 0 : i32
    %dma_wait3A_147 = arith.constant 0 : i32
    %dma_wait3A_148 = tpu.memref_slice %arg2[%dma_wait3A_146, %dma_wait3A_147] : memref<10240x16xf32, #tpu.memory_space<hbm>> -> memref<80x16xf32, #tpu.memory_space<hbm>>
    tpu.wait_dma2 semaphore(%arg12 : memref<!tpu.dma_semaphore, #tpu.memory_space<semaphore_mem>>) src(%dma_wait3A_148 : memref<80x16xf32, #tpu.memory_space<hbm>>) dst(%dma_wait3A_145 : memref<80x16xf32, #tpu.memory_space<vmem>>)
    %dma_wait3A_149 = arith.constant 0 : i32
    %dma_wait3A_150 = arith.constant 0 : i32
    %dma_wait3A_151 = arith.constant 0 : i32
    %dma_wait3A_152 = tpu.memref_slice %arg7[%dma_wait3A_149, %dma_wait3A_150, %dma_wait3A_151] : memref<10x80x16xf32, #tpu.memory_space<vmem>> -> memref<1x80x16xf32, #tpu.memory_space<vmem>>
    %dma_wait3A_153 = tpu.memref_squeeze %dma_wait3A_152 : memref<1x80x16xf32, #tpu.memory_space<vmem>> -> memref<80x16xf32, #tpu.memory_space<vmem>>
    %dma_wait3A_154 = arith.constant 0 : i32
    %dma_wait3A_155 = arith.constant 0 : i32
    %dma_wait3A_156 = tpu.memref_slice %arg2[%dma_wait3A_154, %dma_wait3A_155] : memref<10240x16xf32, #tpu.memory_space<hbm>> -> memref<80x16xf32, #tpu.memory_space<hbm>>
    %dma_wait3A_157 = arith.constant 0 : i32
    %dma_wait3A_158 = arith.constant 0 : i32
    %dma_wait3A_159 = tpu.memref_slice %arg7[%dma_wait3A_149, %dma_wait3A_157, %dma_wait3A_158] : memref<10x80x16xf32, #tpu.memory_space<vmem>> -> memref<1x80x16xf32, #tpu.memory_space<vmem>>
    %dma_wait3A_160 = tpu.memref_squeeze %dma_wait3A_159 : memref<1x80x16xf32, #tpu.memory_space<vmem>> -> memref<80x16xf32, #tpu.memory_space<vmem>>
    %dma_wait3A_161 = arith.constant 0 : i32
    %dma_wait3A_162 = arith.constant 0 : i32
    %dma_wait3A_163 = tpu.memref_slice %arg2[%dma_wait3A_161, %dma_wait3A_162] : memref<10240x16xf32, #tpu.memory_space<hbm>> -> memref<80x16xf32, #tpu.memory_space<hbm>>
    tpu.wait_dma2 semaphore(%arg12 : memref<!tpu.dma_semaphore, #tpu.memory_space<semaphore_mem>>) src(%dma_wait3A_163 : memref<80x16xf32, #tpu.memory_space<hbm>>) dst(%dma_wait3A_160 : memref<80x16xf32, #tpu.memory_space<vmem>>)
    %barrier3A_164 = arith.constant 0 : index
    tpu.barrier barrier_id(%barrier3A_164)
    %mul3A_165 = arith.constant 640 : i32
    %mul3A_166 = arith.muli %arg1, %mul3A_165 : i32
    %add3A_167 = arith.constant 0 : i32
    %add3A_168 = arith.addi %mul3A_166, %add3A_167 : i32
    "tpu.region"() ({
      %run_scoped3A_185 = tpu.sem_alloc : memref<!tpu.dma_semaphore, #tpu.memory_space<semaphore_mem>>
      %dma_start3A_186 = arith.constant 0 : i32
      %dma_start3A_187 = tpu.memref_slice %arg4[%arg0, %add3A_168, %dma_start3A_186] : memref<2x10240x16xf32, #tpu.memory_space<hbm>> -> memref<1x128x16xf32, #tpu.memory_space<hbm>>
      %dma_start3A_188 = tpu.memref_squeeze %dma_start3A_187 : memref<1x128x16xf32, #tpu.memory_space<hbm>> -> memref<128x16xf32, #tpu.memory_space<hbm>>
      %dma_start3A_189 = arith.constant 0 : i32
      %dma_start3A_190 = tpu.memref_slice %arg9[%add3A_168, %dma_start3A_189] : memref<10240x16xf32, #tpu.memory_space<vmem_shared>> -> memref<128x16xf32, #tpu.memory_space<vmem_shared>>
      tpu.enqueue_dma source(%dma_start3A_190 : memref<128x16xf32, #tpu.memory_space<vmem_shared>>) target(%dma_start3A_188 : memref<128x16xf32, #tpu.memory_space<hbm>>) target_semaphore(%run_scoped3A_185 : memref<!tpu.dma_semaphore, #tpu.memory_space<semaphore_mem>>)
      %dma_wait3A_191 = arith.constant 0 : i32
      %dma_wait3A_192 = tpu.memref_slice %arg4[%arg0, %add3A_168, %dma_wait3A_191] : memref<2x10240x16xf32, #tpu.memory_space<hbm>> -> memref<1x128x16xf32, #tpu.memory_space<hbm>>
      %dma_wait3A_193 = tpu.memref_squeeze %dma_wait3A_192 : memref<1x128x16xf32, #tpu.memory_space<hbm>> -> memref<128x16xf32, #tpu.memory_space<hbm>>
      %dma_wait3A_194 = arith.constant 0 : i32
      %dma_wait3A_195 = tpu.memref_slice %arg9[%add3A_168, %dma_wait3A_194] : memref<10240x16xf32, #tpu.memory_space<vmem_shared>> -> memref<128x16xf32, #tpu.memory_space<vmem_shared>>
      tpu.wait_dma2 semaphore(%run_scoped3A_185 : memref<!tpu.dma_semaphore, #tpu.memory_space<semaphore_mem>>) src(%dma_wait3A_195 : memref<128x16xf32, #tpu.memory_space<vmem_shared>>) dst(%dma_wait3A_193 : memref<128x16xf32, #tpu.memory_space<hbm>>)
      tpu.yield
    }) : () -> ()
    %mul3A_169 = arith.constant 640 : i32
    %mul3A_170 = arith.muli %arg1, %mul3A_169 : i32
    %add3A_171 = arith.constant 128 : i32
    %add3A_172 = arith.addi %mul3A_170, %add3A_171 : i32
    "tpu.region"() ({
      %run_scoped3A_185 = tpu.sem_alloc : memref<!tpu.dma_semaphore, #tpu.memory_space<semaphore_mem>>
      %dma_start3A_186 = arith.constant 0 : i32
      %dma_start3A_187 = tpu.memref_slice %arg4[%arg0, %add3A_172, %dma_start3A_186] : memref<2x10240x16xf32, #tpu.memory_space<hbm>> -> memref<1x128x16xf32, #tpu.memory_space<hbm>>
      %dma_start3A_188 = tpu.memref_squeeze %dma_start3A_187 : memref<1x128x16xf32, #tpu.memory_space<hbm>> -> memref<128x16xf32, #tpu.memory_space<hbm>>
      %dma_start3A_189 = arith.constant 0 : i32
      %dma_start3A_190 = tpu.memref_slice %arg9[%add3A_172, %dma_start3A_189] : memref<10240x16xf32, #tpu.memory_space<vmem_shared>> -> memref<128x16xf32, #tpu.memory_space<vmem_shared>>
      tpu.enqueue_dma source(%dma_start3A_190 : memref<128x16xf32, #tpu.memory_space<vmem_shared>>) target(%dma_start3A_188 : memref<128x16xf32, #tpu.memory_space<hbm>>) target_semaphore(%run_scoped3A_185 : memref<!tpu.dma_semaphore, #tpu.memory_space<semaphore_mem>>)
      %dma_wait3A_191 = arith.constant 0 : i32
      %dma_wait3A_192 = tpu.memref_slice %arg4[%arg0, %add3A_172, %dma_wait3A_191] : memref<2x10240x16xf32, #tpu.memory_space<hbm>> -> memref<1x128x16xf32, #tpu.memory_space<hbm>>
      %dma_wait3A_193 = tpu.memref_squeeze %dma_wait3A_192 : memref<1x128x16xf32, #tpu.memory_space<hbm>> -> memref<128x16xf32, #tpu.memory_space<hbm>>
      %dma_wait3A_194 = arith.constant 0 : i32
      %dma_wait3A_195 = tpu.memref_slice %arg9[%add3A_172, %dma_wait3A_194] : memref<10240x16xf32, #tpu.memory_space<vmem_shared>> -> memref<128x16xf32, #tpu.memory_space<vmem_shared>>
      tpu.wait_dma2 semaphore(%run_scoped3A_185 : memref<!tpu.dma_semaphore, #tpu.memory_space<semaphore_mem>>) src(%dma_wait3A_195 : memref<128x16xf32, #tpu.memory_space<vmem_shared>>) dst(%dma_wait3A_193 : memref<128x16xf32, #tpu.memory_space<hbm>>)
      tpu.yield
    }) : () -> ()
    %mul3A_173 = arith.constant 640 : i32
    %mul3A_174 = arith.muli %arg1, %mul3A_173 : i32
    %add3A_175 = arith.constant 256 : i32
    %add3A_176 = arith.addi %mul3A_174, %add3A_175 : i32
    "tpu.region"() ({
      %run_scoped3A_185 = tpu.sem_alloc : memref<!tpu.dma_semaphore, #tpu.memory_space<semaphore_mem>>
      %dma_start3A_186 = arith.constant 0 : i32
      %dma_start3A_187 = tpu.memref_slice %arg4[%arg0, %add3A_176, %dma_start3A_186] : memref<2x10240x16xf32, #tpu.memory_space<hbm>> -> memref<1x128x16xf32, #tpu.memory_space<hbm>>
      %dma_start3A_188 = tpu.memref_squeeze %dma_start3A_187 : memref<1x128x16xf32, #tpu.memory_space<hbm>> -> memref<128x16xf32, #tpu.memory_space<hbm>>
      %dma_start3A_189 = arith.constant 0 : i32
      %dma_start3A_190 = tpu.memref_slice %arg9[%add3A_176, %dma_start3A_189] : memref<10240x16xf32, #tpu.memory_space<vmem_shared>> -> memref<128x16xf32, #tpu.memory_space<vmem_shared>>
      tpu.enqueue_dma source(%dma_start3A_190 : memref<128x16xf32, #tpu.memory_space<vmem_shared>>) target(%dma_start3A_188 : memref<128x16xf32, #tpu.memory_space<hbm>>) target_semaphore(%run_scoped3A_185 : memref<!tpu.dma_semaphore, #tpu.memory_space<semaphore_mem>>)
      %dma_wait3A_191 = arith.constant 0 : i32
      %dma_wait3A_192 = tpu.memref_slice %arg4[%arg0, %add3A_176, %dma_wait3A_191] : memref<2x10240x16xf32, #tpu.memory_space<hbm>> -> memref<1x128x16xf32, #tpu.memory_space<hbm>>
      %dma_wait3A_193 = tpu.memref_squeeze %dma_wait3A_192 : memref<1x128x16xf32, #tpu.memory_space<hbm>> -> memref<128x16xf32, #tpu.memory_space<hbm>>
      %dma_wait3A_194 = arith.constant 0 : i32
      %dma_wait3A_195 = tpu.memref_slice %arg9[%add3A_176, %dma_wait3A_194] : memref<10240x16xf32, #tpu.memory_space<vmem_shared>> -> memref<128x16xf32, #tpu.memory_space<vmem_shared>>
      tpu.wait_dma2 semaphore(%run_scoped3A_185 : memref<!tpu.dma_semaphore, #tpu.memory_space<semaphore_mem>>) src(%dma_wait3A_195 : memref<128x16xf32, #tpu.memory_space<vmem_shared>>) dst(%dma_wait3A_193 : memref<128x16xf32, #tpu.memory_space<hbm>>)
      tpu.yield
    }) : () -> ()
    %mul3A_177 = arith.constant 640 : i32
    %mul3A_178 = arith.muli %arg1, %mul3A_177 : i32
    %add3A_179 = arith.constant 384 : i32
    %add3A_180 = arith.addi %mul3A_178, %add3A_179 : i32
    "tpu.region"() ({
      %run_scoped3A_185 = tpu.sem_alloc : memref<!tpu.dma_semaphore, #tpu.memory_space<semaphore_mem>>
      %dma_start3A_186 = arith.constant 0 : i32
      %dma_start3A_187 = tpu.memref_slice %arg4[%arg0, %add3A_180, %dma_start3A_186] : memref<2x10240x16xf32, #tpu.memory_space<hbm>> -> memref<1x128x16xf32, #tpu.memory_space<hbm>>
      %dma_start3A_188 = tpu.memref_squeeze %dma_start3A_187 : memref<1x128x16xf32, #tpu.memory_space<hbm>> -> memref<128x16xf32, #tpu.memory_space<hbm>>
      %dma_start3A_189 = arith.constant 0 : i32
      %dma_start3A_190 = tpu.memref_slice %arg9[%add3A_180, %dma_start3A_189] : memref<10240x16xf32, #tpu.memory_space<vmem_shared>> -> memref<128x16xf32, #tpu.memory_space<vmem_shared>>
      tpu.enqueue_dma source(%dma_start3A_190 : memref<128x16xf32, #tpu.memory_space<vmem_shared>>) target(%dma_start3A_188 : memref<128x16xf32, #tpu.memory_space<hbm>>) target_semaphore(%run_scoped3A_185 : memref<!tpu.dma_semaphore, #tpu.memory_space<semaphore_mem>>)
      %dma_wait3A_191 = arith.constant 0 : i32
      %dma_wait3A_192 = tpu.memref_slice %arg4[%arg0, %add3A_180, %dma_wait3A_191] : memref<2x10240x16xf32, #tpu.memory_space<hbm>> -> memref<1x128x16xf32, #tpu.memory_space<hbm>>
      %dma_wait3A_193 = tpu.memref_squeeze %dma_wait3A_192 : memref<1x128x16xf32, #tpu.memory_space<hbm>> -> memref<128x16xf32, #tpu.memory_space<hbm>>
      %dma_wait3A_194 = arith.constant 0 : i32
      %dma_wait3A_195 = tpu.memref_slice %arg9[%add3A_180, %dma_wait3A_194] : memref<10240x16xf32, #tpu.memory_space<vmem_shared>> -> memref<128x16xf32, #tpu.memory_space<vmem_shared>>
      tpu.wait_dma2 semaphore(%run_scoped3A_185 : memref<!tpu.dma_semaphore, #tpu.memory_space<semaphore_mem>>) src(%dma_wait3A_195 : memref<128x16xf32, #tpu.memory_space<vmem_shared>>) dst(%dma_wait3A_193 : memref<128x16xf32, #tpu.memory_space<hbm>>)
      tpu.yield
    }) : () -> ()
    %mul3A_181 = arith.constant 640 : i32
    %mul3A_182 = arith.muli %arg1, %mul3A_181 : i32
    %add3A_183 = arith.constant 512 : i32
    %add3A_184 = arith.addi %mul3A_182, %add3A_183 : i32
    "tpu.region"() ({
      %run_scoped3A_185 = tpu.sem_alloc : memref<!tpu.dma_semaphore, #tpu.memory_space<semaphore_mem>>
      %dma_start3A_186 = arith.constant 0 : i32
      %dma_start3A_187 = tpu.memref_slice %arg4[%arg0, %add3A_184, %dma_start3A_186] : memref<2x10240x16xf32, #tpu.memory_space<hbm>> -> memref<1x128x16xf32, #tpu.memory_space<hbm>>
      %dma_start3A_188 = tpu.memref_squeeze %dma_start3A_187 : memref<1x128x16xf32, #tpu.memory_space<hbm>> -> memref<128x16xf32, #tpu.memory_space<hbm>>
      %dma_start3A_189 = arith.constant 0 : i32
      %dma_start3A_190 = tpu.memref_slice %arg9[%add3A_184, %dma_start3A_189] : memref<10240x16xf32, #tpu.memory_space<vmem_shared>> -> memref<128x16xf32, #tpu.memory_space<vmem_shared>>
      tpu.enqueue_dma source(%dma_start3A_190 : memref<128x16xf32, #tpu.memory_space<vmem_shared>>) target(%dma_start3A_188 : memref<128x16xf32, #tpu.memory_space<hbm>>) target_semaphore(%run_scoped3A_185 : memref<!tpu.dma_semaphore, #tpu.memory_space<semaphore_mem>>)
      %dma_wait3A_191 = arith.constant 0 : i32
      %dma_wait3A_192 = tpu.memref_slice %arg4[%arg0, %add3A_184, %dma_wait3A_191] : memref<2x10240x16xf32, #tpu.memory_space<hbm>> -> memref<1x128x16xf32, #tpu.memory_space<hbm>>
      %dma_wait3A_193 = tpu.memref_squeeze %dma_wait3A_192 : memref<1x128x16xf32, #tpu.memory_space<hbm>> -> memref<128x16xf32, #tpu.memory_space<hbm>>
      %dma_wait3A_194 = arith.constant 0 : i32
      %dma_wait3A_195 = tpu.memref_slice %arg9[%add3A_184, %dma_wait3A_194] : memref<10240x16xf32, #tpu.memory_space<vmem_shared>> -> memref<128x16xf32, #tpu.memory_space<vmem_shared>>
      tpu.wait_dma2 semaphore(%run_scoped3A_185 : memref<!tpu.dma_semaphore, #tpu.memory_space<semaphore_mem>>) src(%dma_wait3A_195 : memref<128x16xf32, #tpu.memory_space<vmem_shared>>) dst(%dma_wait3A_193 : memref<128x16xf32, #tpu.memory_space<hbm>>)
      tpu.yield
    }) : () -> ()
    return
  }
}

#map = affine_map<(d0, d1) -> (0, 0)>
#map1 = affine_map<(d0, d1) -> (0, 0, 0)>
module attributes {stable_mosaic.version = 14 : i64} {
  func.func @_sc_pass_body(%arg0: i32, %arg1: i32, %arg2: memref<10240x16xf32, #tpu.memory_space<hbm>>, %arg3: memref<2x320000xi32, #tpu.memory_space<hbm>>, %arg4: memref<2x10240x16xf32, #tpu.memory_space<hbm>>, %arg5: memref<10000xi32, #tpu.memory_space<vmem>>, %arg6: memref<10000xi32, #tpu.memory_space<vmem>>, %arg7: memref<10x80x16xf32, #tpu.memory_space<vmem>>, %arg8: memref<128x16xf32, #tpu.memory_space<vmem>>, %arg9: memref<10240x16xf32, #tpu.memory_space<vmem_shared>>, %arg10: memref<10240x16xf32, #tpu.memory_space<vmem_shared>>, %arg11: memref<!tpu.dma_semaphore, #tpu.memory_space<semaphore_mem>>, %arg12: memref<!tpu.dma_semaphore, #tpu.memory_space<semaphore_mem>>) attributes {dimension_semantics = [#tpu.dimension_semantics<core_parallel>, #tpu.dimension_semantics<subcore_parallel>], iteration_bounds = array<i64: 2, 16>, scalar_prefetch = 0 : i64, scratch_operands = 8 : i64, tpu.core_type = #tpu.core_type<sc_vector_subcore>, window_params = [{transform_indices = #map}, {transform_indices = #map}, {transform_indices = #map1}]} {
    %mul3A = arith.constant 2 : i32
    %mul3A_0 = arith.muli %arg1, %mul3A : i32
    %add3A = arith.addi %mul3A_0, %arg0 : i32
    %scan3A = arith.constant 0 : i32
    %scan3A_1 = arith.constant 0 : i32
    %scan3A_2 = arith.constant 128 : i32
    %scan3A_3 = arith.addi %scan3A_1, %scan3A_2 : i32
    %scan3A_4 = arith.constant 1 : i32
    %scan3A_5 = scf.for %scan3A_185 = %scan3A_1 to %scan3A_3 step %scan3A_4 iter_args(%scan3A_186 = %scan3A) -> (i32)  : i32 {
      %broadcast_in_dim3A = arith.constant 0.000000e+00 : f32
      %broadcast_in_dim3A_187 = vector.broadcast %broadcast_in_dim3A : f32 to vector<16xf32>
      %swap3A = arith.index_cast %scan3A_185 : i32 to index
      %swap3A_188 = arith.constant 0 : index
      %swap3A_189 = tpu.vector_load %arg8[%swap3A, %swap3A_188] {strides = array<i32>} : memref<128x16xf32, #tpu.memory_space<vmem>>, vector<1x16xf32>,
      %swap3A_190 = vector.shape_cast %swap3A_189 : vector<1x16xf32> to vector<16xf32>
      %swap3A_191 = vector.shape_cast %broadcast_in_dim3A_187 : vector<16xf32> to vector<1x16xf32>
      tpu.vector_store %arg8[%swap3A, %swap3A_188], %swap3A_191 {strides = array<i32>} : memref<128x16xf32, #tpu.memory_space<vmem>>, vector<1x16xf32>,
      %scan3A_192 = arith.constant 0 : i32
      scf.yield %scan3A_192 : i32
    }
    %scan3A_6 = arith.constant 128 : i32
    %mul3A_7 = arith.constant 640 : i32
    %mul3A_8 = arith.muli %arg1, %mul3A_7 : i32
    %add3A_9 = arith.constant 0 : i32
    %add3A_10 = arith.addi %mul3A_8, %add3A_9 : i32
    "tpu.region"() ({
      %run_scoped3A_185 = tpu.sem_alloc : memref<!tpu.dma_semaphore, #tpu.memory_space<semaphore_mem>>
      %dma_start3A_186 = arith.constant 0 : i32
      %dma_start3A_187 = tpu.memref_slice %arg9[%add3A_10, %dma_start3A_186] : memref<10240x16xf32, #tpu.memory_space<vmem_shared>> -> memref<128x16xf32, #tpu.memory_space<vmem_shared>>
      %dma_start3A_188 = arith.constant 0 : i32
      %dma_start3A_189 = tpu.memref_slice %arg9[%add3A_10, %dma_start3A_188] : memref<10240x16xf32, #tpu.memory_space<vmem_shared>> -> memref<128x16xf32, #tpu.memory_space<vmem_shared>>
      tpu.enqueue_dma source(%arg8 : memref<128x16xf32, #tpu.memory_space<vmem>>) target(%dma_start3A_189 : memref<128x16xf32, #tpu.memory_space<vmem_shared>>) target_semaphore(%run_scoped3A_185 : memref<!tpu.dma_semaphore, #tpu.memory_space<semaphore_mem>>)
      %dma_wait3A_190 = arith.constant 0 : i32
      %dma_wait3A_191 = tpu.memref_slice %arg9[%add3A_10, %dma_wait3A_190] : memref<10240x16xf32, #tpu.memory_space<vmem_shared>> -> memref<128x16xf32, #tpu.memory_space<vmem_shared>>
      %dma_wait3A_192 = arith.constant 0 : i32
      %dma_wait3A_193 = tpu.memref_slice %arg9[%add3A_10, %dma_wait3A_192] : memref<10240x16xf32, #tpu.memory_space<vmem_shared>> -> memref<128x16xf32, #tpu.memory_space<vmem_shared>>
      tpu.wait_dma2 semaphore(%run_scoped3A_185 : memref<!tpu.dma_semaphore, #tpu.memory_space<semaphore_mem>>) src(%arg8 : memref<128x16xf32, #tpu.memory_space<vmem>>) dst(%dma_wait3A_193 : memref<128x16xf32, #tpu.memory_space<vmem_shared>>)
      tpu.yield
    }) : () -> ()
    %mul3A_11 = arith.constant 640 : i32
    %mul3A_12 = arith.muli %arg1, %mul3A_11 : i32
    %add3A_13 = arith.constant 128 : i32
    %add3A_14 = arith.addi %mul3A_12, %add3A_13 : i32
    "tpu.region"() ({
      %run_scoped3A_185 = tpu.sem_alloc : memref<!tpu.dma_semaphore, #tpu.memory_space<semaphore_mem>>
      %dma_start3A_186 = arith.constant 0 : i32
      %dma_start3A_187 = tpu.memref_slice %arg9[%add3A_14, %dma_start3A_186] : memref<10240x16xf32, #tpu.memory_space<vmem_shared>> -> memref<128x16xf32, #tpu.memory_space<vmem_shared>>
      %dma_start3A_188 = arith.constant 0 : i32
      %dma_start3A_189 = tpu.memref_slice %arg9[%add3A_14, %dma_start3A_188] : memref<10240x16xf32, #tpu.memory_space<vmem_shared>> -> memref<128x16xf32, #tpu.memory_space<vmem_shared>>
      tpu.enqueue_dma source(%arg8 : memref<128x16xf32, #tpu.memory_space<vmem>>) target(%dma_start3A_189 : memref<128x16xf32, #tpu.memory_space<vmem_shared>>) target_semaphore(%run_scoped3A_185 : memref<!tpu.dma_semaphore, #tpu.memory_space<semaphore_mem>>)
      %dma_wait3A_190 = arith.constant 0 : i32
      %dma_wait3A_191 = tpu.memref_slice %arg9[%add3A_14, %dma_wait3A_190] : memref<10240x16xf32, #tpu.memory_space<vmem_shared>> -> memref<128x16xf32, #tpu.memory_space<vmem_shared>>
      %dma_wait3A_192 = arith.constant 0 : i32
      %dma_wait3A_193 = tpu.memref_slice %arg9[%add3A_14, %dma_wait3A_192] : memref<10240x16xf32, #tpu.memory_space<vmem_shared>> -> memref<128x16xf32, #tpu.memory_space<vmem_shared>>
      tpu.wait_dma2 semaphore(%run_scoped3A_185 : memref<!tpu.dma_semaphore, #tpu.memory_space<semaphore_mem>>) src(%arg8 : memref<128x16xf32, #tpu.memory_space<vmem>>) dst(%dma_wait3A_193 : memref<128x16xf32, #tpu.memory_space<vmem_shared>>)
      tpu.yield
    }) : () -> ()
    %mul3A_15 = arith.constant 640 : i32
    %mul3A_16 = arith.muli %arg1, %mul3A_15 : i32
    %add3A_17 = arith.constant 256 : i32
    %add3A_18 = arith.addi %mul3A_16, %add3A_17 : i32
    "tpu.region"() ({
      %run_scoped3A_185 = tpu.sem_alloc : memref<!tpu.dma_semaphore, #tpu.memory_space<semaphore_mem>>
      %dma_start3A_186 = arith.constant 0 : i32
      %dma_start3A_187 = tpu.memref_slice %arg9[%add3A_18, %dma_start3A_186] : memref<10240x16xf32, #tpu.memory_space<vmem_shared>> -> memref<128x16xf32, #tpu.memory_space<vmem_shared>>
      %dma_start3A_188 = arith.constant 0 : i32
      %dma_start3A_189 = tpu.memref_slice %arg9[%add3A_18, %dma_start3A_188] : memref<10240x16xf32, #tpu.memory_space<vmem_shared>> -> memref<128x16xf32, #tpu.memory_space<vmem_shared>>
      tpu.enqueue_dma source(%arg8 : memref<128x16xf32, #tpu.memory_space<vmem>>) target(%dma_start3A_189 : memref<128x16xf32, #tpu.memory_space<vmem_shared>>) target_semaphore(%run_scoped3A_185 : memref<!tpu.dma_semaphore, #tpu.memory_space<semaphore_mem>>)
      %dma_wait3A_190 = arith.constant 0 : i32
      %dma_wait3A_191 = tpu.memref_slice %arg9[%add3A_18, %dma_wait3A_190] : memref<10240x16xf32, #tpu.memory_space<vmem_shared>> -> memref<128x16xf32, #tpu.memory_space<vmem_shared>>
      %dma_wait3A_192 = arith.constant 0 : i32
      %dma_wait3A_193 = tpu.memref_slice %arg9[%add3A_18, %dma_wait3A_192] : memref<10240x16xf32, #tpu.memory_space<vmem_shared>> -> memref<128x16xf32, #tpu.memory_space<vmem_shared>>
      tpu.wait_dma2 semaphore(%run_scoped3A_185 : memref<!tpu.dma_semaphore, #tpu.memory_space<semaphore_mem>>) src(%arg8 : memref<128x16xf32, #tpu.memory_space<vmem>>) dst(%dma_wait3A_193 : memref<128x16xf32, #tpu.memory_space<vmem_shared>>)
      tpu.yield
    }) : () -> ()
    %mul3A_19 = arith.constant 640 : i32
    %mul3A_20 = arith.muli %arg1, %mul3A_19 : i32
    %add3A_21 = arith.constant 384 : i32
    %add3A_22 = arith.addi %mul3A_20, %add3A_21 : i32
    "tpu.region"() ({
      %run_scoped3A_185 = tpu.sem_alloc : memref<!tpu.dma_semaphore, #tpu.memory_space<semaphore_mem>>
      %dma_start3A_186 = arith.constant 0 : i32
      %dma_start3A_187 = tpu.memref_slice %arg9[%add3A_22, %dma_start3A_186] : memref<10240x16xf32, #tpu.memory_space<vmem_shared>> -> memref<128x16xf32, #tpu.memory_space<vmem_shared>>
      %dma_start3A_188 = arith.constant 0 : i32
      %dma_start3A_189 = tpu.memref_slice %arg9[%add3A_22, %dma_start3A_188] : memref<10240x16xf32, #tpu.memory_space<vmem_shared>> -> memref<128x16xf32, #tpu.memory_space<vmem_shared>>
      tpu.enqueue_dma source(%arg8 : memref<128x16xf32, #tpu.memory_space<vmem>>) target(%dma_start3A_189 : memref<128x16xf32, #tpu.memory_space<vmem_shared>>) target_semaphore(%run_scoped3A_185 : memref<!tpu.dma_semaphore, #tpu.memory_space<semaphore_mem>>)
      %dma_wait3A_190 = arith.constant 0 : i32
      %dma_wait3A_191 = tpu.memref_slice %arg9[%add3A_22, %dma_wait3A_190] : memref<10240x16xf32, #tpu.memory_space<vmem_shared>> -> memref<128x16xf32, #tpu.memory_space<vmem_shared>>
      %dma_wait3A_192 = arith.constant 0 : i32
      %dma_wait3A_193 = tpu.memref_slice %arg9[%add3A_22, %dma_wait3A_192] : memref<10240x16xf32, #tpu.memory_space<vmem_shared>> -> memref<128x16xf32, #tpu.memory_space<vmem_shared>>
      tpu.wait_dma2 semaphore(%run_scoped3A_185 : memref<!tpu.dma_semaphore, #tpu.memory_space<semaphore_mem>>) src(%arg8 : memref<128x16xf32, #tpu.memory_space<vmem>>) dst(%dma_wait3A_193 : memref<128x16xf32, #tpu.memory_space<vmem_shared>>)
      tpu.yield
    }) : () -> ()
    %mul3A_23 = arith.constant 640 : i32
    %mul3A_24 = arith.muli %arg1, %mul3A_23 : i32
    %add3A_25 = arith.constant 512 : i32
    %add3A_26 = arith.addi %mul3A_24, %add3A_25 : i32
    "tpu.region"() ({
      %run_scoped3A_185 = tpu.sem_alloc : memref<!tpu.dma_semaphore, #tpu.memory_space<semaphore_mem>>
      %dma_start3A_186 = arith.constant 0 : i32
      %dma_start3A_187 = tpu.memref_slice %arg9[%add3A_26, %dma_start3A_186] : memref<10240x16xf32, #tpu.memory_space<vmem_shared>> -> memref<128x16xf32, #tpu.memory_space<vmem_shared>>
      %dma_start3A_188 = arith.constant 0 : i32
      %dma_start3A_189 = tpu.memref_slice %arg9[%add3A_26, %dma_start3A_188] : memref<10240x16xf32, #tpu.memory_space<vmem_shared>> -> memref<128x16xf32, #tpu.memory_space<vmem_shared>>
      tpu.enqueue_dma source(%arg8 : memref<128x16xf32, #tpu.memory_space<vmem>>) target(%dma_start3A_189 : memref<128x16xf32, #tpu.memory_space<vmem_shared>>) target_semaphore(%run_scoped3A_185 : memref<!tpu.dma_semaphore, #tpu.memory_space<semaphore_mem>>)
      %dma_wait3A_190 = arith.constant 0 : i32
      %dma_wait3A_191 = tpu.memref_slice %arg9[%add3A_26, %dma_wait3A_190] : memref<10240x16xf32, #tpu.memory_space<vmem_shared>> -> memref<128x16xf32, #tpu.memory_space<vmem_shared>>
      %dma_wait3A_192 = arith.constant 0 : i32
      %dma_wait3A_193 = tpu.memref_slice %arg9[%add3A_26, %dma_wait3A_192] : memref<10240x16xf32, #tpu.memory_space<vmem_shared>> -> memref<128x16xf32, #tpu.memory_space<vmem_shared>>
      tpu.wait_dma2 semaphore(%run_scoped3A_185 : memref<!tpu.dma_semaphore, #tpu.memory_space<semaphore_mem>>) src(%arg8 : memref<128x16xf32, #tpu.memory_space<vmem>>) dst(%dma_wait3A_193 : memref<128x16xf32, #tpu.memory_space<vmem_shared>>)
      tpu.yield
    }) : () -> ()
    %mul3A_27 = arith.constant 10000 : i32
    %mul3A_28 = arith.muli %add3A, %mul3A_27 : i32
    %run_scoped3A = arith.constant 1 : i32
    "tpu.region"() ({
      %run_scoped3A_185 = tpu.sem_alloc : memref<!tpu.dma_semaphore, #tpu.memory_space<semaphore_mem>>
      %dma_start3A_186 = tpu.memref_slice %arg3[%run_scoped3A, %mul3A_28] : memref<2x320000xi32, #tpu.memory_space<hbm>> -> memref<1x10000xi32, #tpu.memory_space<hbm>>
      %dma_start3A_187 = tpu.memref_squeeze %dma_start3A_186 : memref<1x10000xi32, #tpu.memory_space<hbm>> -> memref<10000xi32, #tpu.memory_space<hbm>>
      %dma_start3A_188 = tpu.memref_slice %arg3[%run_scoped3A, %mul3A_28] : memref<2x320000xi32, #tpu.memory_space<hbm>> -> memref<1x10000xi32, #tpu.memory_space<hbm>>
      %dma_start3A_189 = tpu.memref_squeeze %dma_start3A_188 : memref<1x10000xi32, #tpu.memory_space<hbm>> -> memref<10000xi32, #tpu.memory_space<hbm>>
      tpu.enqueue_dma source(%dma_start3A_189 : memref<10000xi32, #tpu.memory_space<hbm>>) target(%arg6 : memref<10000xi32, #tpu.memory_space<vmem>>) target_semaphore(%run_scoped3A_185 : memref<!tpu.dma_semaphore, #tpu.memory_space<semaphore_mem>>)
      %dma_wait3A_190 = tpu.memref_slice %arg3[%run_scoped3A, %mul3A_28] : memref<2x320000xi32, #tpu.memory_space<hbm>> -> memref<1x10000xi32, #tpu.memory_space<hbm>>
      %dma_wait3A_191 = tpu.memref_squeeze %dma_wait3A_190 : memref<1x10000xi32, #tpu.memory_space<hbm>> -> memref<10000xi32, #tpu.memory_space<hbm>>
      %dma_wait3A_192 = tpu.memref_slice %arg3[%run_scoped3A, %mul3A_28] : memref<2x320000xi32, #tpu.memory_space<hbm>> -> memref<1x10000xi32, #tpu.memory_space<hbm>>
      %dma_wait3A_193 = tpu.memref_squeeze %dma_wait3A_192 : memref<1x10000xi32, #tpu.memory_space<hbm>> -> memref<10000xi32, #tpu.memory_space<hbm>>
      tpu.wait_dma2 semaphore(%run_scoped3A_185 : memref<!tpu.dma_semaphore, #tpu.memory_space<semaphore_mem>>) src(%dma_wait3A_193 : memref<10000xi32, #tpu.memory_space<hbm>>) dst(%arg6 : memref<10000xi32, #tpu.memory_space<vmem>>)
      tpu.yield
    }) : () -> ()
    %run_scoped3A_29 = arith.constant 0 : i32
    "tpu.region"() ({
      %run_scoped3A_185 = tpu.sem_alloc : memref<!tpu.dma_semaphore, #tpu.memory_space<semaphore_mem>>
      %dma_start3A_186 = tpu.memref_slice %arg3[%run_scoped3A_29, %mul3A_28] : memref<2x320000xi32, #tpu.memory_space<hbm>> -> memref<1x10000xi32, #tpu.memory_space<hbm>>
      %dma_start3A_187 = tpu.memref_squeeze %dma_start3A_186 : memref<1x10000xi32, #tpu.memory_space<hbm>> -> memref<10000xi32, #tpu.memory_space<hbm>>
      %dma_start3A_188 = tpu.memref_slice %arg3[%run_scoped3A_29, %mul3A_28] : memref<2x320000xi32, #tpu.memory_space<hbm>> -> memref<1x10000xi32, #tpu.memory_space<hbm>>
      %dma_start3A_189 = tpu.memref_squeeze %dma_start3A_188 : memref<1x10000xi32, #tpu.memory_space<hbm>> -> memref<10000xi32, #tpu.memory_space<hbm>>
      tpu.enqueue_dma source(%dma_start3A_189 : memref<10000xi32, #tpu.memory_space<hbm>>) target(%arg5 : memref<10000xi32, #tpu.memory_space<vmem>>) target_semaphore(%run_scoped3A_185 : memref<!tpu.dma_semaphore, #tpu.memory_space<semaphore_mem>>)
      %dma_wait3A_190 = tpu.memref_slice %arg3[%run_scoped3A_29, %mul3A_28] : memref<2x320000xi32, #tpu.memory_space<hbm>> -> memref<1x10000xi32, #tpu.memory_space<hbm>>
      %dma_wait3A_191 = tpu.memref_squeeze %dma_wait3A_190 : memref<1x10000xi32, #tpu.memory_space<hbm>> -> memref<10000xi32, #tpu.memory_space<hbm>>
      %dma_wait3A_192 = tpu.memref_slice %arg3[%run_scoped3A_29, %mul3A_28] : memref<2x320000xi32, #tpu.memory_space<hbm>> -> memref<1x10000xi32, #tpu.memory_space<hbm>>
      %dma_wait3A_193 = tpu.memref_squeeze %dma_wait3A_192 : memref<1x10000xi32, #tpu.memory_space<hbm>> -> memref<10000xi32, #tpu.memory_space<hbm>>
      tpu.wait_dma2 semaphore(%run_scoped3A_185 : memref<!tpu.dma_semaphore, #tpu.memory_space<semaphore_mem>>) src(%dma_wait3A_193 : memref<10000xi32, #tpu.memory_space<hbm>>) dst(%arg5 : memref<10000xi32, #tpu.memory_space<vmem>>)
      tpu.yield
    }) : () -> ()
    %mul3A_30 = arith.constant 640 : i32
    %mul3A_31 = arith.muli %arg1, %mul3A_30 : i32
    %mul3A_32 = arith.constant 640 : i32
    %mul3A_33 = arith.muli %arg1, %mul3A_32 : i32
    "tpu.region"() ({
      %run_scoped3A_185 = tpu.sem_alloc : memref<!tpu.dma_semaphore, #tpu.memory_space<semaphore_mem>>
      %dma_start3A_186 = arith.constant 0 : i32
      %dma_start3A_187 = tpu.memref_slice %arg10[%mul3A_33, %dma_start3A_186] : memref<10240x16xf32, #tpu.memory_space<vmem_shared>> -> memref<640x16xf32, #tpu.memory_space<vmem_shared>>
      %dma_start3A_188 = arith.constant 0 : i32
      %dma_start3A_189 = tpu.memref_slice %arg2[%mul3A_31, %dma_start3A_188] : memref<10240x16xf32, #tpu.memory_space<hbm>> -> memref<640x16xf32, #tpu.memory_space<hbm>>
      tpu.enqueue_dma source(%dma_start3A_189 : memref<640x16xf32, #tpu.memory_space<hbm>>) target(%dma_start3A_187 : memref<640x16xf32, #tpu.memory_space<vmem_shared>>) target_semaphore(%run_scoped3A_185 : memref<!tpu.dma_semaphore, #tpu.memory_space<semaphore_mem>>)
      %dma_wait3A_190 = arith.constant 0 : i32
      %dma_wait3A_191 = tpu.memref_slice %arg10[%mul3A_33, %dma_wait3A_190] : memref<10240x16xf32, #tpu.memory_space<vmem_shared>> -> memref<640x16xf32, #tpu.memory_space<vmem_shared>>
      %dma_wait3A_192 = arith.constant 0 : i32
      %dma_wait3A_193 = tpu.memref_slice %arg2[%mul3A_31, %dma_wait3A_192] : memref<10240x16xf32, #tpu.memory_space<hbm>> -> memref<640x16xf32, #tpu.memory_space<hbm>>
      tpu.wait_dma2 semaphore(%run_scoped3A_185 : memref<!tpu.dma_semaphore, #tpu.memory_space<semaphore_mem>>) src(%dma_wait3A_193 : memref<640x16xf32, #tpu.memory_space<hbm>>) dst(%dma_wait3A_191 : memref<640x16xf32, #tpu.memory_space<vmem_shared>>)
      tpu.yield
    }) : () -> ()
    %barrier3A = arith.constant 0 : index
    tpu.barrier barrier_id(%barrier3A)
    %dma_start3A = arith.constant 0 : i32
    %dma_start3A_34 = arith.constant 0 : i32
    %dma_start3A_35 = arith.constant 0 : i32
    %dma_start3A_36 = tpu.memref_slice %arg7[%dma_start3A, %dma_start3A_34, %dma_start3A_35] : memref<10x80x16xf32, #tpu.memory_space<vmem>> -> memref<1x80x16xf32, #tpu.memory_space<vmem>>
    %dma_start3A_37 = tpu.memref_squeeze %dma_start3A_36 : memref<1x80x16xf32, #tpu.memory_space<vmem>> -> memref<80x16xf32, #tpu.memory_space<vmem>>
    %dma_start3A_38 = arith.constant 0 : i32
    %dma_start3A_39 = tpu.memref_slice %arg5[%dma_start3A_38] : memref<10000xi32, #tpu.memory_space<vmem>> -> memref<80xi32, #tpu.memory_space<vmem>>
    %dma_start3A_40 = arith.constant 0 : i32
    %dma_start3A_41 = arith.constant 0 : i32
    %dma_start3A_42 = tpu.memref_slice %arg10[%dma_start3A_40, %dma_start3A_41] : memref<10240x16xf32, #tpu.memory_space<vmem_shared>> -> memref<10240x16xf32, #tpu.memory_space<vmem_shared>>
    tpu.enqueue_indirect_dma source(%dma_start3A_42 : memref<10240x16xf32, #tpu.memory_space<vmem_shared>>) target(%dma_start3A_37 : memref<80x16xf32, #tpu.memory_space<vmem>>) offsets(%dma_start3A_39 : memref<80xi32, #tpu.memory_space<vmem>>) semaphore(%arg11 : memref<!tpu.dma_semaphore, #tpu.memory_space<semaphore_mem>>)
    %dma_start3A_43 = arith.constant 1 : i32
    %dma_start3A_44 = arith.constant 0 : i32
    %dma_start3A_45 = arith.constant 0 : i32
    %dma_start3A_46 = tpu.memref_slice %arg7[%dma_start3A_43, %dma_start3A_44, %dma_start3A_45] : memref<10x80x16xf32, #tpu.memory_space<vmem>> -> memref<1x80x16xf32, #tpu.memory_space<vmem>>
    %dma_start3A_47 = tpu.memref_squeeze %dma_start3A_46 : memref<1x80x16xf32, #tpu.memory_space<vmem>> -> memref<80x16xf32, #tpu.memory_space<vmem>>
    %dma_start3A_48 = arith.constant 80 : i32
    %dma_start3A_49 = tpu.memref_slice %arg5[%dma_start3A_48] : memref<10000xi32, #tpu.memory_space<vmem>> -> memref<80xi32, #tpu.memory_space<vmem>>
    %dma_start3A_50 = arith.constant 0 : i32
    %dma_start3A_51 = arith.constant 0 : i32
    %dma_start3A_52 = tpu.memref_slice %arg10[%dma_start3A_50, %dma_start3A_51] : memref<10240x16xf32, #tpu.memory_space<vmem_shared>> -> memref<10240x16xf32, #tpu.memory_space<vmem_shared>>
    tpu.enqueue_indirect_dma source(%dma_start3A_52 : memref<10240x16xf32, #tpu.memory_space<vmem_shared>>) target(%dma_start3A_47 : memref<80x16xf32, #tpu.memory_space<vmem>>) offsets(%dma_start3A_49 : memref<80xi32, #tpu.memory_space<vmem>>) semaphore(%arg11 : memref<!tpu.dma_semaphore, #tpu.memory_space<semaphore_mem>>)
    %dma_start3A_53 = arith.constant 2 : i32
    %dma_start3A_54 = arith.constant 0 : i32
    %dma_start3A_55 = arith.constant 0 : i32
    %dma_start3A_56 = tpu.memref_slice %arg7[%dma_start3A_53, %dma_start3A_54, %dma_start3A_55] : memref<10x80x16xf32, #tpu.memory_space<vmem>> -> memref<1x80x16xf32, #tpu.memory_space<vmem>>
    %dma_start3A_57 = tpu.memref_squeeze %dma_start3A_56 : memref<1x80x16xf32, #tpu.memory_space<vmem>> -> memref<80x16xf32, #tpu.memory_space<vmem>>
    %dma_start3A_58 = arith.constant 160 : i32
    %dma_start3A_59 = tpu.memref_slice %arg5[%dma_start3A_58] : memref<10000xi32, #tpu.memory_space<vmem>> -> memref<80xi32, #tpu.memory_space<vmem>>
    %dma_start3A_60 = arith.constant 0 : i32
    %dma_start3A_61 = arith.constant 0 : i32
    %dma_start3A_62 = tpu.memref_slice %arg10[%dma_start3A_60, %dma_start3A_61] : memref<10240x16xf32, #tpu.memory_space<vmem_shared>> -> memref<10240x16xf32, #tpu.memory_space<vmem_shared>>
    tpu.enqueue_indirect_dma source(%dma_start3A_62 : memref<10240x16xf32, #tpu.memory_space<vmem_shared>>) target(%dma_start3A_57 : memref<80x16xf32, #tpu.memory_space<vmem>>) offsets(%dma_start3A_59 : memref<80xi32, #tpu.memory_space<vmem>>) semaphore(%arg11 : memref<!tpu.dma_semaphore, #tpu.memory_space<semaphore_mem>>)
    %dma_start3A_63 = arith.constant 3 : i32
    %dma_start3A_64 = arith.constant 0 : i32
    %dma_start3A_65 = arith.constant 0 : i32
    %dma_start3A_66 = tpu.memref_slice %arg7[%dma_start3A_63, %dma_start3A_64, %dma_start3A_65] : memref<10x80x16xf32, #tpu.memory_space<vmem>> -> memref<1x80x16xf32, #tpu.memory_space<vmem>>
    %dma_start3A_67 = tpu.memref_squeeze %dma_start3A_66 : memref<1x80x16xf32, #tpu.memory_space<vmem>> -> memref<80x16xf32, #tpu.memory_space<vmem>>
    %dma_start3A_68 = arith.constant 240 : i32
    %dma_start3A_69 = tpu.memref_slice %arg5[%dma_start3A_68] : memref<10000xi32, #tpu.memory_space<vmem>> -> memref<80xi32, #tpu.memory_space<vmem>>
    %dma_start3A_70 = arith.constant 0 : i32
    %dma_start3A_71 = arith.constant 0 : i32
    %dma_start3A_72 = tpu.memref_slice %arg10[%dma_start3A_70, %dma_start3A_71] : memref<10240x16xf32, #tpu.memory_space<vmem_shared>> -> memref<10240x16xf32, #tpu.memory_space<vmem_shared>>
    tpu.enqueue_indirect_dma source(%dma_start3A_72 : memref<10240x16xf32, #tpu.memory_space<vmem_shared>>) target(%dma_start3A_67 : memref<80x16xf32, #tpu.memory_space<vmem>>) offsets(%dma_start3A_69 : memref<80xi32, #tpu.memory_space<vmem>>) semaphore(%arg11 : memref<!tpu.dma_semaphore, #tpu.memory_space<semaphore_mem>>)
    %dma_start3A_73 = arith.constant 4 : i32
    %dma_start3A_74 = arith.constant 0 : i32
    %dma_start3A_75 = arith.constant 0 : i32
    %dma_start3A_76 = tpu.memref_slice %arg7[%dma_start3A_73, %dma_start3A_74, %dma_start3A_75] : memref<10x80x16xf32, #tpu.memory_space<vmem>> -> memref<1x80x16xf32, #tpu.memory_space<vmem>>
    %dma_start3A_77 = tpu.memref_squeeze %dma_start3A_76 : memref<1x80x16xf32, #tpu.memory_space<vmem>> -> memref<80x16xf32, #tpu.memory_space<vmem>>
    %dma_start3A_78 = arith.constant 320 : i32
    %dma_start3A_79 = tpu.memref_slice %arg5[%dma_start3A_78] : memref<10000xi32, #tpu.memory_space<vmem>> -> memref<80xi32, #tpu.memory_space<vmem>>
    %dma_start3A_80 = arith.constant 0 : i32
    %dma_start3A_81 = arith.constant 0 : i32
    %dma_start3A_82 = tpu.memref_slice %arg10[%dma_start3A_80, %dma_start3A_81] : memref<10240x16xf32, #tpu.memory_space<vmem_shared>> -> memref<10240x16xf32, #tpu.memory_space<vmem_shared>>
    tpu.enqueue_indirect_dma source(%dma_start3A_82 : memref<10240x16xf32, #tpu.memory_space<vmem_shared>>) target(%dma_start3A_77 : memref<80x16xf32, #tpu.memory_space<vmem>>) offsets(%dma_start3A_79 : memref<80xi32, #tpu.memory_space<vmem>>) semaphore(%arg11 : memref<!tpu.dma_semaphore, #tpu.memory_space<semaphore_mem>>)
    %scan3A_83 = arith.constant 0 : i32
    %scan3A_84 = arith.constant 0 : i32
    %scan3A_85 = arith.constant 25 : i32
    %scan3A_86 = arith.addi %scan3A_84, %scan3A_85 : i32
    %scan3A_87 = arith.constant 1 : i32
    %scan3A_88 = scf.for %scan3A_185 = %scan3A_84 to %scan3A_86 step %scan3A_87 iter_args(%scan3A_186 = %scan3A_83) -> (i32)  : i32 {
      %jit3A = arith.constant 2 : i32
      %eq3A = arith.constant 0 : i32
      %eq3A_187 = arith.cmpi eq, %jit3A, %eq3A : i32
      %jit3A_188 = arith.constant 1 : i32
      %select_n3A = arith.select %eq3A_187, %jit3A_188, %jit3A : i32
      %rem3A = arith.remsi %scan3A_185, %select_n3A : i32
      %ne3A = arith.constant 0 : i32
      %ne3A_189 = arith.cmpi ne, %rem3A, %ne3A : i32
      %lt3A = arith.constant 0 : i32
      %lt3A_190 = arith.cmpi slt, %rem3A, %lt3A : i32
      %lt3A_191 = arith.constant 0 : i32
      %lt3A_192 = arith.cmpi slt, %select_n3A, %lt3A_191 : i32
      %ne3A_193 = arith.xori %lt3A_190, %lt3A_192 : i1
      %and3A = arith.andi %ne3A_193, %ne3A_189 : i1
      %add3A_194 = arith.addi %rem3A, %select_n3A : i32
      %select_n3A_195 = arith.select %and3A, %add3A_194, %rem3A : i32
      %ge3A = arith.constant 1 : i32
      %ge3A_196 = arith.cmpi sge, %scan3A_185, %ge3A : i32
      %convert_element_type3A = arith.extui %ge3A_196 : i1 to i32
      %cond3A = arith.constant 0 : i32
      %cond3A_197 = arith.cmpi ne, %convert_element_type3A, %cond3A : i32
      scf.if %cond3A_197 {
        %dma_wait3A_353 = arith.constant 0 : i32
        %dma_wait3A_354 = arith.constant 0 : i32
        %dma_wait3A_355 = arith.constant 0 : i32
        %dma_wait3A_356 = tpu.memref_slice %arg7[%dma_wait3A_353, %dma_wait3A_354, %dma_wait3A_355] : memref<10x80x16xf32, #tpu.memory_space<vmem>> -> memref<1x80x16xf32, #tpu.memory_space<vmem>>
        %dma_wait3A_357 = tpu.memref_squeeze %dma_wait3A_356 : memref<1x80x16xf32, #tpu.memory_space<vmem>> -> memref<80x16xf32, #tpu.memory_space<vmem>>
        %dma_wait3A_358 = arith.constant 0 : i32
        %dma_wait3A_359 = arith.constant 0 : i32
        %dma_wait3A_360 = tpu.memref_slice %arg2[%dma_wait3A_358, %dma_wait3A_359] : memref<10240x16xf32, #tpu.memory_space<hbm>> -> memref<80x16xf32, #tpu.memory_space<hbm>>
        %dma_wait3A_361 = arith.constant 0 : i32
        %dma_wait3A_362 = arith.constant 0 : i32
        %dma_wait3A_363 = tpu.memref_slice %arg7[%dma_wait3A_353, %dma_wait3A_361, %dma_wait3A_362] : memref<10x80x16xf32, #tpu.memory_space<vmem>> -> memref<1x80x16xf32, #tpu.memory_space<vmem>>
        %dma_wait3A_364 = tpu.memref_squeeze %dma_wait3A_363 : memref<1x80x16xf32, #tpu.memory_space<vmem>> -> memref<80x16xf32, #tpu.memory_space<vmem>>
        %dma_wait3A_365 = arith.constant 0 : i32
        %dma_wait3A_366 = arith.constant 0 : i32
        %dma_wait3A_367 = tpu.memref_slice %arg2[%dma_wait3A_365, %dma_wait3A_366] : memref<10240x16xf32, #tpu.memory_space<hbm>> -> memref<80x16xf32, #tpu.memory_space<hbm>>
        tpu.wait_dma2 semaphore(%arg12 : memref<!tpu.dma_semaphore, #tpu.memory_space<semaphore_mem>>) src(%dma_wait3A_367 : memref<80x16xf32, #tpu.memory_space<hbm>>) dst(%dma_wait3A_364 : memref<80x16xf32, #tpu.memory_space<vmem>>)
        %dma_wait3A_368 = arith.constant 0 : i32
        %dma_wait3A_369 = arith.constant 0 : i32
        %dma_wait3A_370 = arith.constant 0 : i32
        %dma_wait3A_371 = tpu.memref_slice %arg7[%dma_wait3A_368, %dma_wait3A_369, %dma_wait3A_370] : memref<10x80x16xf32, #tpu.memory_space<vmem>> -> memref<1x80x16xf32, #tpu.memory_space<vmem>>
        %dma_wait3A_372 = tpu.memref_squeeze %dma_wait3A_371 : memref<1x80x16xf32, #tpu.memory_space<vmem>> -> memref<80x16xf32, #tpu.memory_space<vmem>>
        %dma_wait3A_373 = arith.constant 0 : i32
        %dma_wait3A_374 = arith.constant 0 : i32
        %dma_wait3A_375 = tpu.memref_slice %arg2[%dma_wait3A_373, %dma_wait3A_374] : memref<10240x16xf32, #tpu.memory_space<hbm>> -> memref<80x16xf32, #tpu.memory_space<hbm>>
        %dma_wait3A_376 = arith.constant 0 : i32
        %dma_wait3A_377 = arith.constant 0 : i32
        %dma_wait3A_378 = tpu.memref_slice %arg7[%dma_wait3A_368, %dma_wait3A_376, %dma_wait3A_377] : memref<10x80x16xf32, #tpu.memory_space<vmem>> -> memref<1x80x16xf32, #tpu.memory_space<vmem>>
        %dma_wait3A_379 = tpu.memref_squeeze %dma_wait3A_378 : memref<1x80x16xf32, #tpu.memory_space<vmem>> -> memref<80x16xf32, #tpu.memory_space<vmem>>
        %dma_wait3A_380 = arith.constant 0 : i32
        %dma_wait3A_381 = arith.constant 0 : i32
        %dma_wait3A_382 = tpu.memref_slice %arg2[%dma_wait3A_380, %dma_wait3A_381] : memref<10240x16xf32, #tpu.memory_space<hbm>> -> memref<80x16xf32, #tpu.memory_space<hbm>>
        tpu.wait_dma2 semaphore(%arg12 : memref<!tpu.dma_semaphore, #tpu.memory_space<semaphore_mem>>) src(%dma_wait3A_382 : memref<80x16xf32, #tpu.memory_space<hbm>>) dst(%dma_wait3A_379 : memref<80x16xf32, #tpu.memory_space<vmem>>)
        %dma_wait3A_383 = arith.constant 0 : i32
        %dma_wait3A_384 = arith.constant 0 : i32
        %dma_wait3A_385 = arith.constant 0 : i32
        %dma_wait3A_386 = tpu.memref_slice %arg7[%dma_wait3A_383, %dma_wait3A_384, %dma_wait3A_385] : memref<10x80x16xf32, #tpu.memory_space<vmem>> -> memref<1x80x16xf32, #tpu.memory_space<vmem>>
        %dma_wait3A_387 = tpu.memref_squeeze %dma_wait3A_386 : memref<1x80x16xf32, #tpu.memory_space<vmem>> -> memref<80x16xf32, #tpu.memory_space<vmem>>
        %dma_wait3A_388 = arith.constant 0 : i32
        %dma_wait3A_389 = arith.constant 0 : i32
        %dma_wait3A_390 = tpu.memref_slice %arg2[%dma_wait3A_388, %dma_wait3A_389] : memref<10240x16xf32, #tpu.memory_space<hbm>> -> memref<80x16xf32, #tpu.memory_space<hbm>>
        %dma_wait3A_391 = arith.constant 0 : i32
        %dma_wait3A_392 = arith.constant 0 : i32
        %dma_wait3A_393 = tpu.memref_slice %arg7[%dma_wait3A_383, %dma_wait3A_391, %dma_wait3A_392] : memref<10x80x16xf32, #tpu.memory_space<vmem>> -> memref<1x80x16xf32, #tpu.memory_space<vmem>>
        %dma_wait3A_394 = tpu.memref_squeeze %dma_wait3A_393 : memref<1x80x16xf32, #tpu.memory_space<vmem>> -> memref<80x16xf32, #tpu.memory_space<vmem>>
        %dma_wait3A_395 = arith.constant 0 : i32
        %dma_wait3A_396 = arith.constant 0 : i32
        %dma_wait3A_397 = tpu.memref_slice %arg2[%dma_wait3A_395, %dma_wait3A_396] : memref<10240x16xf32, #tpu.memory_space<hbm>> -> memref<80x16xf32, #tpu.memory_space<hbm>>
        tpu.wait_dma2 semaphore(%arg12 : memref<!tpu.dma_semaphore, #tpu.memory_space<semaphore_mem>>) src(%dma_wait3A_397 : memref<80x16xf32, #tpu.memory_space<hbm>>) dst(%dma_wait3A_394 : memref<80x16xf32, #tpu.memory_space<vmem>>)
        %dma_wait3A_398 = arith.constant 0 : i32
        %dma_wait3A_399 = arith.constant 0 : i32
        %dma_wait3A_400 = arith.constant 0 : i32
        %dma_wait3A_401 = tpu.memref_slice %arg7[%dma_wait3A_398, %dma_wait3A_399, %dma_wait3A_400] : memref<10x80x16xf32, #tpu.memory_space<vmem>> -> memref<1x80x16xf32, #tpu.memory_space<vmem>>
        %dma_wait3A_402 = tpu.memref_squeeze %dma_wait3A_401 : memref<1x80x16xf32, #tpu.memory_space<vmem>> -> memref<80x16xf32, #tpu.memory_space<vmem>>
        %dma_wait3A_403 = arith.constant 0 : i32
        %dma_wait3A_404 = arith.constant 0 : i32
        %dma_wait3A_405 = tpu.memref_slice %arg2[%dma_wait3A_403, %dma_wait3A_404] : memref<10240x16xf32, #tpu.memory_space<hbm>> -> memref<80x16xf32, #tpu.memory_space<hbm>>
        %dma_wait3A_406 = arith.constant 0 : i32
        %dma_wait3A_407 = arith.constant 0 : i32
        %dma_wait3A_408 = tpu.memref_slice %arg7[%dma_wait3A_398, %dma_wait3A_406, %dma_wait3A_407] : memref<10x80x16xf32, #tpu.memory_space<vmem>> -> memref<1x80x16xf32, #tpu.memory_space<vmem>>
        %dma_wait3A_409 = tpu.memref_squeeze %dma_wait3A_408 : memref<1x80x16xf32, #tpu.memory_space<vmem>> -> memref<80x16xf32, #tpu.memory_space<vmem>>
        %dma_wait3A_410 = arith.constant 0 : i32
        %dma_wait3A_411 = arith.constant 0 : i32
        %dma_wait3A_412 = tpu.memref_slice %arg2[%dma_wait3A_410, %dma_wait3A_411] : memref<10240x16xf32, #tpu.memory_space<hbm>> -> memref<80x16xf32, #tpu.memory_space<hbm>>
        tpu.wait_dma2 semaphore(%arg12 : memref<!tpu.dma_semaphore, #tpu.memory_space<semaphore_mem>>) src(%dma_wait3A_412 : memref<80x16xf32, #tpu.memory_space<hbm>>) dst(%dma_wait3A_409 : memref<80x16xf32, #tpu.memory_space<vmem>>)
        %dma_wait3A_413 = arith.constant 0 : i32
        %dma_wait3A_414 = arith.constant 0 : i32
        %dma_wait3A_415 = arith.constant 0 : i32
        %dma_wait3A_416 = tpu.memref_slice %arg7[%dma_wait3A_413, %dma_wait3A_414, %dma_wait3A_415] : memref<10x80x16xf32, #tpu.memory_space<vmem>> -> memref<1x80x16xf32, #tpu.memory_space<vmem>>
        %dma_wait3A_417 = tpu.memref_squeeze %dma_wait3A_416 : memref<1x80x16xf32, #tpu.memory_space<vmem>> -> memref<80x16xf32, #tpu.memory_space<vmem>>
        %dma_wait3A_418 = arith.constant 0 : i32
        %dma_wait3A_419 = arith.constant 0 : i32
        %dma_wait3A_420 = tpu.memref_slice %arg2[%dma_wait3A_418, %dma_wait3A_419] : memref<10240x16xf32, #tpu.memory_space<hbm>> -> memref<80x16xf32, #tpu.memory_space<hbm>>
        %dma_wait3A_421 = arith.constant 0 : i32
        %dma_wait3A_422 = arith.constant 0 : i32
        %dma_wait3A_423 = tpu.memref_slice %arg7[%dma_wait3A_413, %dma_wait3A_421, %dma_wait3A_422] : memref<10x80x16xf32, #tpu.memory_space<vmem>> -> memref<1x80x16xf32, #tpu.memory_space<vmem>>
        %dma_wait3A_424 = tpu.memref_squeeze %dma_wait3A_423 : memref<1x80x16xf32, #tpu.memory_space<vmem>> -> memref<80x16xf32, #tpu.memory_space<vmem>>
        %dma_wait3A_425 = arith.constant 0 : i32
        %dma_wait3A_426 = arith.constant 0 : i32
        %dma_wait3A_427 = tpu.memref_slice %arg2[%dma_wait3A_425, %dma_wait3A_426] : memref<10240x16xf32, #tpu.memory_space<hbm>> -> memref<80x16xf32, #tpu.memory_space<hbm>>
        tpu.wait_dma2 semaphore(%arg12 : memref<!tpu.dma_semaphore, #tpu.memory_space<semaphore_mem>>) src(%dma_wait3A_427 : memref<80x16xf32, #tpu.memory_space<hbm>>) dst(%dma_wait3A_424 : memref<80x16xf32, #tpu.memory_space<vmem>>)
      } else {
      }
      %lt3A_198 = arith.constant 24 : i32
      %lt3A_199 = arith.cmpi slt, %scan3A_185, %lt3A_198 : i32
      %convert_element_type3A_200 = arith.extui %lt3A_199 : i1 to i32
      %cond3A_201 = arith.constant 0 : i32
      %cond3A_202 = arith.cmpi ne, %convert_element_type3A_200, %cond3A_201 : i32
      scf.if %cond3A_202 {
        %add3A_353 = arith.constant 1 : i32
        %add3A_354 = arith.addi %scan3A_185, %add3A_353 : i32
        %sub3A = arith.constant 1 : i32
        %sub3A_355 = arith.subi %sub3A, %select_n3A_195 : i32
        %mul3A_356 = arith.constant 5 : i32
        %mul3A_357 = arith.muli %add3A_354, %mul3A_356 : i32
        %mul3A_358 = arith.constant 80 : i32
        %mul3A_359 = arith.muli %mul3A_357, %mul3A_358 : i32
        %add3A_360 = arith.constant 0 : i32
        %add3A_361 = arith.addi %mul3A_359, %add3A_360 : i32
        %mul3A_362 = arith.constant 5 : i32
        %mul3A_363 = arith.muli %sub3A_355, %mul3A_362 : i32
        %add3A_364 = arith.constant 0 : i32
        %add3A_365 = arith.addi %mul3A_363, %add3A_364 : i32
        %dma_start3A_366 = arith.constant 0 : i32
        %dma_start3A_367 = arith.constant 0 : i32
        %dma_start3A_368 = tpu.memref_slice %arg7[%add3A_365, %dma_start3A_366, %dma_start3A_367] : memref<10x80x16xf32, #tpu.memory_space<vmem>> -> memref<1x80x16xf32, #tpu.memory_space<vmem>>
        %dma_start3A_369 = tpu.memref_squeeze %dma_start3A_368 : memref<1x80x16xf32, #tpu.memory_space<vmem>> -> memref<80x16xf32, #tpu.memory_space<vmem>>
        %dma_start3A_370 = tpu.memref_slice %arg5[%add3A_361] : memref<10000xi32, #tpu.memory_space<vmem>> -> memref<80xi32, #tpu.memory_space<vmem>>
        %dma_start3A_371 = arith.constant 0 : i32
        %dma_start3A_372 = arith.constant 0 : i32
        %dma_start3A_373 = tpu.memref_slice %arg10[%dma_start3A_371, %dma_start3A_372] : memref<10240x16xf32, #tpu.memory_space<vmem_shared>> -> memref<10240x16xf32, #tpu.memory_space<vmem_shared>>
        tpu.enqueue_indirect_dma source(%dma_start3A_373 : memref<10240x16xf32, #tpu.memory_space<vmem_shared>>) target(%dma_start3A_369 : memref<80x16xf32, #tpu.memory_space<vmem>>) offsets(%dma_start3A_370 : memref<80xi32, #tpu.memory_space<vmem>>) semaphore(%arg11 : memref<!tpu.dma_semaphore, #tpu.memory_space<semaphore_mem>>)
        %add3A_374 = arith.constant 80 : i32
        %add3A_375 = arith.addi %mul3A_359, %add3A_374 : i32
        %mul3A_376 = arith.constant 5 : i32
        %mul3A_377 = arith.muli %sub3A_355, %mul3A_376 : i32
        %add3A_378 = arith.constant 1 : i32
        %add3A_379 = arith.addi %mul3A_377, %add3A_378 : i32
        %dma_start3A_380 = arith.constant 0 : i32
        %dma_start3A_381 = arith.constant 0 : i32
        %dma_start3A_382 = tpu.memref_slice %arg7[%add3A_379, %dma_start3A_380, %dma_start3A_381] : memref<10x80x16xf32, #tpu.memory_space<vmem>> -> memref<1x80x16xf32, #tpu.memory_space<vmem>>
        %dma_start3A_383 = tpu.memref_squeeze %dma_start3A_382 : memref<1x80x16xf32, #tpu.memory_space<vmem>> -> memref<80x16xf32, #tpu.memory_space<vmem>>
        %dma_start3A_384 = tpu.memref_slice %arg5[%add3A_375] : memref<10000xi32, #tpu.memory_space<vmem>> -> memref<80xi32, #tpu.memory_space<vmem>>
        %dma_start3A_385 = arith.constant 0 : i32
        %dma_start3A_386 = arith.constant 0 : i32
        %dma_start3A_387 = tpu.memref_slice %arg10[%dma_start3A_385, %dma_start3A_386] : memref<10240x16xf32, #tpu.memory_space<vmem_shared>> -> memref<10240x16xf32, #tpu.memory_space<vmem_shared>>
        tpu.enqueue_indirect_dma source(%dma_start3A_387 : memref<10240x16xf32, #tpu.memory_space<vmem_shared>>) target(%dma_start3A_383 : memref<80x16xf32, #tpu.memory_space<vmem>>) offsets(%dma_start3A_384 : memref<80xi32, #tpu.memory_space<vmem>>) semaphore(%arg11 : memref<!tpu.dma_semaphore, #tpu.memory_space<semaphore_mem>>)
        %add3A_388 = arith.constant 160 : i32
        %add3A_389 = arith.addi %mul3A_359, %add3A_388 : i32
        %mul3A_390 = arith.constant 5 : i32
        %mul3A_391 = arith.muli %sub3A_355, %mul3A_390 : i32
        %add3A_392 = arith.constant 2 : i32
        %add3A_393 = arith.addi %mul3A_391, %add3A_392 : i32
        %dma_start3A_394 = arith.constant 0 : i32
        %dma_start3A_395 = arith.constant 0 : i32
        %dma_start3A_396 = tpu.memref_slice %arg7[%add3A_393, %dma_start3A_394, %dma_start3A_395] : memref<10x80x16xf32, #tpu.memory_space<vmem>> -> memref<1x80x16xf32, #tpu.memory_space<vmem>>
        %dma_start3A_397 = tpu.memref_squeeze %dma_start3A_396 : memref<1x80x16xf32, #tpu.memory_space<vmem>> -> memref<80x16xf32, #tpu.memory_space<vmem>>
        %dma_start3A_398 = tpu.memref_slice %arg5[%add3A_389] : memref<10000xi32, #tpu.memory_space<vmem>> -> memref<80xi32, #tpu.memory_space<vmem>>
        %dma_start3A_399 = arith.constant 0 : i32
        %dma_start3A_400 = arith.constant 0 : i32
        %dma_start3A_401 = tpu.memref_slice %arg10[%dma_start3A_399, %dma_start3A_400] : memref<10240x16xf32, #tpu.memory_space<vmem_shared>> -> memref<10240x16xf32, #tpu.memory_space<vmem_shared>>
        tpu.enqueue_indirect_dma source(%dma_start3A_401 : memref<10240x16xf32, #tpu.memory_space<vmem_shared>>) target(%dma_start3A_397 : memref<80x16xf32, #tpu.memory_space<vmem>>) offsets(%dma_start3A_398 : memref<80xi32, #tpu.memory_space<vmem>>) semaphore(%arg11 : memref<!tpu.dma_semaphore, #tpu.memory_space<semaphore_mem>>)
        %add3A_402 = arith.constant 240 : i32
        %add3A_403 = arith.addi %mul3A_359, %add3A_402 : i32
        %mul3A_404 = arith.constant 5 : i32
        %mul3A_405 = arith.muli %sub3A_355, %mul3A_404 : i32
        %add3A_406 = arith.constant 3 : i32
        %add3A_407 = arith.addi %mul3A_405, %add3A_406 : i32
        %dma_start3A_408 = arith.constant 0 : i32
        %dma_start3A_409 = arith.constant 0 : i32
        %dma_start3A_410 = tpu.memref_slice %arg7[%add3A_407, %dma_start3A_408, %dma_start3A_409] : memref<10x80x16xf32, #tpu.memory_space<vmem>> -> memref<1x80x16xf32, #tpu.memory_space<vmem>>
        %dma_start3A_411 = tpu.memref_squeeze %dma_start3A_410 : memref<1x80x16xf32, #tpu.memory_space<vmem>> -> memref<80x16xf32, #tpu.memory_space<vmem>>
        %dma_start3A_412 = tpu.memref_slice %arg5[%add3A_403] : memref<10000xi32, #tpu.memory_space<vmem>> -> memref<80xi32, #tpu.memory_space<vmem>>
        %dma_start3A_413 = arith.constant 0 : i32
        %dma_start3A_414 = arith.constant 0 : i32
        %dma_start3A_415 = tpu.memref_slice %arg10[%dma_start3A_413, %dma_start3A_414] : memref<10240x16xf32, #tpu.memory_space<vmem_shared>> -> memref<10240x16xf32, #tpu.memory_space<vmem_shared>>
        tpu.enqueue_indirect_dma source(%dma_start3A_415 : memref<10240x16xf32, #tpu.memory_space<vmem_shared>>) target(%dma_start3A_411 : memref<80x16xf32, #tpu.memory_space<vmem>>) offsets(%dma_start3A_412 : memref<80xi32, #tpu.memory_space<vmem>>) semaphore(%arg11 : memref<!tpu.dma_semaphore, #tpu.memory_space<semaphore_mem>>)
        %add3A_416 = arith.constant 320 : i32
        %add3A_417 = arith.addi %mul3A_359, %add3A_416 : i32
        %mul3A_418 = arith.constant 5 : i32
        %mul3A_419 = arith.muli %sub3A_355, %mul3A_418 : i32
        %add3A_420 = arith.constant 4 : i32
        %add3A_421 = arith.addi %mul3A_419, %add3A_420 : i32
        %dma_start3A_422 = arith.constant 0 : i32
        %dma_start3A_423 = arith.constant 0 : i32
        %dma_start3A_424 = tpu.memref_slice %arg7[%add3A_421, %dma_start3A_422, %dma_start3A_423] : memref<10x80x16xf32, #tpu.memory_space<vmem>> -> memref<1x80x16xf32, #tpu.memory_space<vmem>>
        %dma_start3A_425 = tpu.memref_squeeze %dma_start3A_424 : memref<1x80x16xf32, #tpu.memory_space<vmem>> -> memref<80x16xf32, #tpu.memory_space<vmem>>
        %dma_start3A_426 = tpu.memref_slice %arg5[%add3A_417] : memref<10000xi32, #tpu.memory_space<vmem>> -> memref<80xi32, #tpu.memory_space<vmem>>
        %dma_start3A_427 = arith.constant 0 : i32
        %dma_start3A_428 = arith.constant 0 : i32
        %dma_start3A_429 = tpu.memref_slice %arg10[%dma_start3A_427, %dma_start3A_428] : memref<10240x16xf32, #tpu.memory_space<vmem_shared>> -> memref<10240x16xf32, #tpu.memory_space<vmem_shared>>
        tpu.enqueue_indirect_dma source(%dma_start3A_429 : memref<10240x16xf32, #tpu.memory_space<vmem_shared>>) target(%dma_start3A_425 : memref<80x16xf32, #tpu.memory_space<vmem>>) offsets(%dma_start3A_426 : memref<80xi32, #tpu.memory_space<vmem>>) semaphore(%arg11 : memref<!tpu.dma_semaphore, #tpu.memory_space<semaphore_mem>>)
      } else {
      }
      %dma_wait3A_203 = arith.constant 0 : i32
      %dma_wait3A_204 = arith.constant 0 : i32
      %dma_wait3A_205 = arith.constant 0 : i32
      %dma_wait3A_206 = tpu.memref_slice %arg7[%dma_wait3A_203, %dma_wait3A_204, %dma_wait3A_205] : memref<10x80x16xf32, #tpu.memory_space<vmem>> -> memref<1x80x16xf32, #tpu.memory_space<vmem>>
      %dma_wait3A_207 = tpu.memref_squeeze %dma_wait3A_206 : memref<1x80x16xf32, #tpu.memory_space<vmem>> -> memref<80x16xf32, #tpu.memory_space<vmem>>
      %dma_wait3A_208 = arith.constant 0 : i32
      %dma_wait3A_209 = arith.constant 0 : i32
      %dma_wait3A_210 = tpu.memref_slice %arg2[%dma_wait3A_208, %dma_wait3A_209] : memref<10240x16xf32, #tpu.memory_space<hbm>> -> memref<80x16xf32, #tpu.memory_space<hbm>>
      %dma_wait3A_211 = arith.constant 0 : i32
      %dma_wait3A_212 = arith.constant 0 : i32
      %dma_wait3A_213 = tpu.memref_slice %arg7[%dma_wait3A_203, %dma_wait3A_211, %dma_wait3A_212] : memref<10x80x16xf32, #tpu.memory_space<vmem>> -> memref<1x80x16xf32, #tpu.memory_space<vmem>>
      %dma_wait3A_214 = tpu.memref_squeeze %dma_wait3A_213 : memref<1x80x16xf32, #tpu.memory_space<vmem>> -> memref<80x16xf32, #tpu.memory_space<vmem>>
      %dma_wait3A_215 = arith.constant 0 : i32
      %dma_wait3A_216 = arith.constant 0 : i32
      %dma_wait3A_217 = tpu.memref_slice %arg2[%dma_wait3A_215, %dma_wait3A_216] : memref<10240x16xf32, #tpu.memory_space<hbm>> -> memref<80x16xf32, #tpu.memory_space<hbm>>
      tpu.wait_dma2 semaphore(%arg11 : memref<!tpu.dma_semaphore, #tpu.memory_space<semaphore_mem>>) src(%dma_wait3A_217 : memref<80x16xf32, #tpu.memory_space<hbm>>) dst(%dma_wait3A_214 : memref<80x16xf32, #tpu.memory_space<vmem>>)
      %dma_wait3A_218 = arith.constant 0 : i32
      %dma_wait3A_219 = arith.constant 0 : i32
      %dma_wait3A_220 = arith.constant 0 : i32
      %dma_wait3A_221 = tpu.memref_slice %arg7[%dma_wait3A_218, %dma_wait3A_219, %dma_wait3A_220] : memref<10x80x16xf32, #tpu.memory_space<vmem>> -> memref<1x80x16xf32, #tpu.memory_space<vmem>>
      %dma_wait3A_222 = tpu.memref_squeeze %dma_wait3A_221 : memref<1x80x16xf32, #tpu.memory_space<vmem>> -> memref<80x16xf32, #tpu.memory_space<vmem>>
      %dma_wait3A_223 = arith.constant 0 : i32
      %dma_wait3A_224 = arith.constant 0 : i32
      %dma_wait3A_225 = tpu.memref_slice %arg2[%dma_wait3A_223, %dma_wait3A_224] : memref<10240x16xf32, #tpu.memory_space<hbm>> -> memref<80x16xf32, #tpu.memory_space<hbm>>
      %dma_wait3A_226 = arith.constant 0 : i32
      %dma_wait3A_227 = arith.constant 0 : i32
      %dma_wait3A_228 = tpu.memref_slice %arg7[%dma_wait3A_218, %dma_wait3A_226, %dma_wait3A_227] : memref<10x80x16xf32, #tpu.memory_space<vmem>> -> memref<1x80x16xf32, #tpu.memory_space<vmem>>
      %dma_wait3A_229 = tpu.memref_squeeze %dma_wait3A_228 : memref<1x80x16xf32, #tpu.memory_space<vmem>> -> memref<80x16xf32, #tpu.memory_space<vmem>>
      %dma_wait3A_230 = arith.constant 0 : i32
      %dma_wait3A_231 = arith.constant 0 : i32
      %dma_wait3A_232 = tpu.memref_slice %arg2[%dma_wait3A_230, %dma_wait3A_231] : memref<10240x16xf32, #tpu.memory_space<hbm>> -> memref<80x16xf32, #tpu.memory_space<hbm>>
      tpu.wait_dma2 semaphore(%arg11 : memref<!tpu.dma_semaphore, #tpu.memory_space<semaphore_mem>>) src(%dma_wait3A_232 : memref<80x16xf32, #tpu.memory_space<hbm>>) dst(%dma_wait3A_229 : memref<80x16xf32, #tpu.memory_space<vmem>>)
      %dma_wait3A_233 = arith.constant 0 : i32
      %dma_wait3A_234 = arith.constant 0 : i32
      %dma_wait3A_235 = arith.constant 0 : i32
      %dma_wait3A_236 = tpu.memref_slice %arg7[%dma_wait3A_233, %dma_wait3A_234, %dma_wait3A_235] : memref<10x80x16xf32, #tpu.memory_space<vmem>> -> memref<1x80x16xf32, #tpu.memory_space<vmem>>
      %dma_wait3A_237 = tpu.memref_squeeze %dma_wait3A_236 : memref<1x80x16xf32, #tpu.memory_space<vmem>> -> memref<80x16xf32, #tpu.memory_space<vmem>>
      %dma_wait3A_238 = arith.constant 0 : i32
      %dma_wait3A_239 = arith.constant 0 : i32
      %dma_wait3A_240 = tpu.memref_slice %arg2[%dma_wait3A_238, %dma_wait3A_239] : memref<10240x16xf32, #tpu.memory_space<hbm>> -> memref<80x16xf32, #tpu.memory_space<hbm>>
      %dma_wait3A_241 = arith.constant 0 : i32
      %dma_wait3A_242 = arith.constant 0 : i32
      %dma_wait3A_243 = tpu.memref_slice %arg7[%dma_wait3A_233, %dma_wait3A_241, %dma_wait3A_242] : memref<10x80x16xf32, #tpu.memory_space<vmem>> -> memref<1x80x16xf32, #tpu.memory_space<vmem>>
      %dma_wait3A_244 = tpu.memref_squeeze %dma_wait3A_243 : memref<1x80x16xf32, #tpu.memory_space<vmem>> -> memref<80x16xf32, #tpu.memory_space<vmem>>
      %dma_wait3A_245 = arith.constant 0 : i32
      %dma_wait3A_246 = arith.constant 0 : i32
      %dma_wait3A_247 = tpu.memref_slice %arg2[%dma_wait3A_245, %dma_wait3A_246] : memref<10240x16xf32, #tpu.memory_space<hbm>> -> memref<80x16xf32, #tpu.memory_space<hbm>>
      tpu.wait_dma2 semaphore(%arg11 : memref<!tpu.dma_semaphore, #tpu.memory_space<semaphore_mem>>) src(%dma_wait3A_247 : memref<80x16xf32, #tpu.memory_space<hbm>>) dst(%dma_wait3A_244 : memref<80x16xf32, #tpu.memory_space<vmem>>)
      %dma_wait3A_248 = arith.constant 0 : i32
      %dma_wait3A_249 = arith.constant 0 : i32
      %dma_wait3A_250 = arith.constant 0 : i32
      %dma_wait3A_251 = tpu.memref_slice %arg7[%dma_wait3A_248, %dma_wait3A_249, %dma_wait3A_250] : memref<10x80x16xf32, #tpu.memory_space<vmem>> -> memref<1x80x16xf32, #tpu.memory_space<vmem>>
      %dma_wait3A_252 = tpu.memref_squeeze %dma_wait3A_251 : memref<1x80x16xf32, #tpu.memory_space<vmem>> -> memref<80x16xf32, #tpu.memory_space<vmem>>
      %dma_wait3A_253 = arith.constant 0 : i32
      %dma_wait3A_254 = arith.constant 0 : i32
      %dma_wait3A_255 = tpu.memref_slice %arg2[%dma_wait3A_253, %dma_wait3A_254] : memref<10240x16xf32, #tpu.memory_space<hbm>> -> memref<80x16xf32, #tpu.memory_space<hbm>>
      %dma_wait3A_256 = arith.constant 0 : i32
      %dma_wait3A_257 = arith.constant 0 : i32
      %dma_wait3A_258 = tpu.memref_slice %arg7[%dma_wait3A_248, %dma_wait3A_256, %dma_wait3A_257] : memref<10x80x16xf32, #tpu.memory_space<vmem>> -> memref<1x80x16xf32, #tpu.memory_space<vmem>>
      %dma_wait3A_259 = tpu.memref_squeeze %dma_wait3A_258 : memref<1x80x16xf32, #tpu.memory_space<vmem>> -> memref<80x16xf32, #tpu.memory_space<vmem>>
      %dma_wait3A_260 = arith.constant 0 : i32
      %dma_wait3A_261 = arith.constant 0 : i32
      %dma_wait3A_262 = tpu.memref_slice %arg2[%dma_wait3A_260, %dma_wait3A_261] : memref<10240x16xf32, #tpu.memory_space<hbm>> -> memref<80x16xf32, #tpu.memory_space<hbm>>
      tpu.wait_dma2 semaphore(%arg11 : memref<!tpu.dma_semaphore, #tpu.memory_space<semaphore_mem>>) src(%dma_wait3A_262 : memref<80x16xf32, #tpu.memory_space<hbm>>) dst(%dma_wait3A_259 : memref<80x16xf32, #tpu.memory_space<vmem>>)
      %dma_wait3A_263 = arith.constant 0 : i32
      %dma_wait3A_264 = arith.constant 0 : i32
      %dma_wait3A_265 = arith.constant 0 : i32
      %dma_wait3A_266 = tpu.memref_slice %arg7[%dma_wait3A_263, %dma_wait3A_264, %dma_wait3A_265] : memref<10x80x16xf32, #tpu.memory_space<vmem>> -> memref<1x80x16xf32, #tpu.memory_space<vmem>>
      %dma_wait3A_267 = tpu.memref_squeeze %dma_wait3A_266 : memref<1x80x16xf32, #tpu.memory_space<vmem>> -> memref<80x16xf32, #tpu.memory_space<vmem>>
      %dma_wait3A_268 = arith.constant 0 : i32
      %dma_wait3A_269 = arith.constant 0 : i32
      %dma_wait3A_270 = tpu.memref_slice %arg2[%dma_wait3A_268, %dma_wait3A_269] : memref<10240x16xf32, #tpu.memory_space<hbm>> -> memref<80x16xf32, #tpu.memory_space<hbm>>
      %dma_wait3A_271 = arith.constant 0 : i32
      %dma_wait3A_272 = arith.constant 0 : i32
      %dma_wait3A_273 = tpu.memref_slice %arg7[%dma_wait3A_263, %dma_wait3A_271, %dma_wait3A_272] : memref<10x80x16xf32, #tpu.memory_space<vmem>> -> memref<1x80x16xf32, #tpu.memory_space<vmem>>
      %dma_wait3A_274 = tpu.memref_squeeze %dma_wait3A_273 : memref<1x80x16xf32, #tpu.memory_space<vmem>> -> memref<80x16xf32, #tpu.memory_space<vmem>>
      %dma_wait3A_275 = arith.constant 0 : i32
      %dma_wait3A_276 = arith.constant 0 : i32
      %dma_wait3A_277 = tpu.memref_slice %arg2[%dma_wait3A_275, %dma_wait3A_276] : memref<10240x16xf32, #tpu.memory_space<hbm>> -> memref<80x16xf32, #tpu.memory_space<hbm>>
      tpu.wait_dma2 semaphore(%arg11 : memref<!tpu.dma_semaphore, #tpu.memory_space<semaphore_mem>>) src(%dma_wait3A_277 : memref<80x16xf32, #tpu.memory_space<hbm>>) dst(%dma_wait3A_274 : memref<80x16xf32, #tpu.memory_space<vmem>>)
      %mul3A_278 = arith.constant 5 : i32
      %mul3A_279 = arith.muli %scan3A_185, %mul3A_278 : i32
      %mul3A_280 = arith.constant 80 : i32
      %mul3A_281 = arith.muli %mul3A_279, %mul3A_280 : i32
      %mul3A_282 = arith.constant 5 : i32
      %mul3A_283 = arith.muli %select_n3A_195, %mul3A_282 : i32
      %add3A_284 = arith.constant 0 : i32
      %add3A_285 = arith.addi %mul3A_283, %add3A_284 : i32
      %add3A_286 = arith.constant 0 : i32
      %add3A_287 = arith.addi %mul3A_281, %add3A_286 : i32
      %dma_start3A_288 = arith.constant 0 : i32
      %dma_start3A_289 = arith.constant 0 : i32
      %dma_start3A_290 = tpu.memref_slice %arg7[%add3A_285, %dma_start3A_288, %dma_start3A_289] : memref<10x80x16xf32, #tpu.memory_space<vmem>> -> memref<1x80x16xf32, #tpu.memory_space<vmem>>
      %dma_start3A_291 = tpu.memref_squeeze %dma_start3A_290 : memref<1x80x16xf32, #tpu.memory_space<vmem>> -> memref<80x16xf32, #tpu.memory_space<vmem>>
      %dma_start3A_292 = tpu.memref_slice %arg6[%add3A_287] : memref<10000xi32, #tpu.memory_space<vmem>> -> memref<80xi32, #tpu.memory_space<vmem>>
      %dma_start3A_293 = arith.constant 0 : i32
      %dma_start3A_294 = arith.constant 0 : i32
      %dma_start3A_295 = tpu.memref_slice %arg9[%dma_start3A_293, %dma_start3A_294] : memref<10240x16xf32, #tpu.memory_space<vmem_shared>> -> memref<10240x16xf32, #tpu.memory_space<vmem_shared>>
      tpu.enqueue_indirect_dma source(%dma_start3A_291 : memref<80x16xf32, #tpu.memory_space<vmem>>) target(%dma_start3A_295 : memref<10240x16xf32, #tpu.memory_space<vmem_shared>>) offsets(%dma_start3A_292 : memref<80xi32, #tpu.memory_space<vmem>>) semaphore(%arg12 : memref<!tpu.dma_semaphore, #tpu.memory_space<semaphore_mem>>) {add = true}
      %mul3A_296 = arith.constant 5 : i32
      %mul3A_297 = arith.muli %select_n3A_195, %mul3A_296 : i32
      %add3A_298 = arith.constant 1 : i32
      %add3A_299 = arith.addi %mul3A_297, %add3A_298 : i32
      %add3A_300 = arith.constant 80 : i32
      %add3A_301 = arith.addi %mul3A_281, %add3A_300 : i32
      %dma_start3A_302 = arith.constant 0 : i32
      %dma_start3A_303 = arith.constant 0 : i32
      %dma_start3A_304 = tpu.memref_slice %arg7[%add3A_299, %dma_start3A_302, %dma_start3A_303] : memref<10x80x16xf32, #tpu.memory_space<vmem>> -> memref<1x80x16xf32, #tpu.memory_space<vmem>>
      %dma_start3A_305 = tpu.memref_squeeze %dma_start3A_304 : memref<1x80x16xf32, #tpu.memory_space<vmem>> -> memref<80x16xf32, #tpu.memory_space<vmem>>
      %dma_start3A_306 = tpu.memref_slice %arg6[%add3A_301] : memref<10000xi32, #tpu.memory_space<vmem>> -> memref<80xi32, #tpu.memory_space<vmem>>
      %dma_start3A_307 = arith.constant 0 : i32
      %dma_start3A_308 = arith.constant 0 : i32
      %dma_start3A_309 = tpu.memref_slice %arg9[%dma_start3A_307, %dma_start3A_308] : memref<10240x16xf32, #tpu.memory_space<vmem_shared>> -> memref<10240x16xf32, #tpu.memory_space<vmem_shared>>
      tpu.enqueue_indirect_dma source(%dma_start3A_305 : memref<80x16xf32, #tpu.memory_space<vmem>>) target(%dma_start3A_309 : memref<10240x16xf32, #tpu.memory_space<vmem_shared>>) offsets(%dma_start3A_306 : memref<80xi32, #tpu.memory_space<vmem>>) semaphore(%arg12 : memref<!tpu.dma_semaphore, #tpu.memory_space<semaphore_mem>>) {add = true}
      %mul3A_310 = arith.constant 5 : i32
      %mul3A_311 = arith.muli %select_n3A_195, %mul3A_310 : i32
      %add3A_312 = arith.constant 2 : i32
      %add3A_313 = arith.addi %mul3A_311, %add3A_312 : i32
      %add3A_314 = arith.constant 160 : i32
      %add3A_315 = arith.addi %mul3A_281, %add3A_314 : i32
      %dma_start3A_316 = arith.constant 0 : i32
      %dma_start3A_317 = arith.constant 0 : i32
      %dma_start3A_318 = tpu.memref_slice %arg7[%add3A_313, %dma_start3A_316, %dma_start3A_317] : memref<10x80x16xf32, #tpu.memory_space<vmem>> -> memref<1x80x16xf32, #tpu.memory_space<vmem>>
      %dma_start3A_319 = tpu.memref_squeeze %dma_start3A_318 : memref<1x80x16xf32, #tpu.memory_space<vmem>> -> memref<80x16xf32, #tpu.memory_space<vmem>>
      %dma_start3A_320 = tpu.memref_slice %arg6[%add3A_315] : memref<10000xi32, #tpu.memory_space<vmem>> -> memref<80xi32, #tpu.memory_space<vmem>>
      %dma_start3A_321 = arith.constant 0 : i32
      %dma_start3A_322 = arith.constant 0 : i32
      %dma_start3A_323 = tpu.memref_slice %arg9[%dma_start3A_321, %dma_start3A_322] : memref<10240x16xf32, #tpu.memory_space<vmem_shared>> -> memref<10240x16xf32, #tpu.memory_space<vmem_shared>>
      tpu.enqueue_indirect_dma source(%dma_start3A_319 : memref<80x16xf32, #tpu.memory_space<vmem>>) target(%dma_start3A_323 : memref<10240x16xf32, #tpu.memory_space<vmem_shared>>) offsets(%dma_start3A_320 : memref<80xi32, #tpu.memory_space<vmem>>) semaphore(%arg12 : memref<!tpu.dma_semaphore, #tpu.memory_space<semaphore_mem>>) {add = true}
      %mul3A_324 = arith.constant 5 : i32
      %mul3A_325 = arith.muli %select_n3A_195, %mul3A_324 : i32
      %add3A_326 = arith.constant 3 : i32
      %add3A_327 = arith.addi %mul3A_325, %add3A_326 : i32
      %add3A_328 = arith.constant 240 : i32
      %add3A_329 = arith.addi %mul3A_281, %add3A_328 : i32
      %dma_start3A_330 = arith.constant 0 : i32
      %dma_start3A_331 = arith.constant 0 : i32
      %dma_start3A_332 = tpu.memref_slice %arg7[%add3A_327, %dma_start3A_330, %dma_start3A_331] : memref<10x80x16xf32, #tpu.memory_space<vmem>> -> memref<1x80x16xf32, #tpu.memory_space<vmem>>
      %dma_start3A_333 = tpu.memref_squeeze %dma_start3A_332 : memref<1x80x16xf32, #tpu.memory_space<vmem>> -> memref<80x16xf32, #tpu.memory_space<vmem>>
      %dma_start3A_334 = tpu.memref_slice %arg6[%add3A_329] : memref<10000xi32, #tpu.memory_space<vmem>> -> memref<80xi32, #tpu.memory_space<vmem>>
      %dma_start3A_335 = arith.constant 0 : i32
      %dma_start3A_336 = arith.constant 0 : i32
      %dma_start3A_337 = tpu.memref_slice %arg9[%dma_start3A_335, %dma_start3A_336] : memref<10240x16xf32, #tpu.memory_space<vmem_shared>> -> memref<10240x16xf32, #tpu.memory_space<vmem_shared>>
      tpu.enqueue_indirect_dma source(%dma_start3A_333 : memref<80x16xf32, #tpu.memory_space<vmem>>) target(%dma_start3A_337 : memref<10240x16xf32, #tpu.memory_space<vmem_shared>>) offsets(%dma_start3A_334 : memref<80xi32, #tpu.memory_space<vmem>>) semaphore(%arg12 : memref<!tpu.dma_semaphore, #tpu.memory_space<semaphore_mem>>) {add = true}
      %mul3A_338 = arith.constant 5 : i32
      %mul3A_339 = arith.muli %select_n3A_195, %mul3A_338 : i32
      %add3A_340 = arith.constant 4 : i32
      %add3A_341 = arith.addi %mul3A_339, %add3A_340 : i32
      %add3A_342 = arith.constant 320 : i32
      %add3A_343 = arith.addi %mul3A_281, %add3A_342 : i32
      %dma_start3A_344 = arith.constant 0 : i32
      %dma_start3A_345 = arith.constant 0 : i32
      %dma_start3A_346 = tpu.memref_slice %arg7[%add3A_341, %dma_start3A_344, %dma_start3A_345] : memref<10x80x16xf32, #tpu.memory_space<vmem>> -> memref<1x80x16xf32, #tpu.memory_space<vmem>>
      %dma_start3A_347 = tpu.memref_squeeze %dma_start3A_346 : memref<1x80x16xf32, #tpu.memory_space<vmem>> -> memref<80x16xf32, #tpu.memory_space<vmem>>
      %dma_start3A_348 = tpu.memref_slice %arg6[%add3A_343] : memref<10000xi32, #tpu.memory_space<vmem>> -> memref<80xi32, #tpu.memory_space<vmem>>
      %dma_start3A_349 = arith.constant 0 : i32
      %dma_start3A_350 = arith.constant 0 : i32
      %dma_start3A_351 = tpu.memref_slice %arg9[%dma_start3A_349, %dma_start3A_350] : memref<10240x16xf32, #tpu.memory_space<vmem_shared>> -> memref<10240x16xf32, #tpu.memory_space<vmem_shared>>
      tpu.enqueue_indirect_dma source(%dma_start3A_347 : memref<80x16xf32, #tpu.memory_space<vmem>>) target(%dma_start3A_351 : memref<10240x16xf32, #tpu.memory_space<vmem_shared>>) offsets(%dma_start3A_348 : memref<80xi32, #tpu.memory_space<vmem>>) semaphore(%arg12 : memref<!tpu.dma_semaphore, #tpu.memory_space<semaphore_mem>>) {add = true}
      %scan3A_352 = arith.constant 0 : i32
      scf.yield %scan3A_352 : i32
    }
    %scan3A_89 = arith.constant 25 : i32
    %dma_wait3A = arith.constant 0 : i32
    %dma_wait3A_90 = arith.constant 0 : i32
    %dma_wait3A_91 = arith.constant 0 : i32
    %dma_wait3A_92 = tpu.memref_slice %arg7[%dma_wait3A, %dma_wait3A_90, %dma_wait3A_91] : memref<10x80x16xf32, #tpu.memory_space<vmem>> -> memref<1x80x16xf32, #tpu.memory_space<vmem>>
    %dma_wait3A_93 = tpu.memref_squeeze %dma_wait3A_92 : memref<1x80x16xf32, #tpu.memory_space<vmem>> -> memref<80x16xf32, #tpu.memory_space<vmem>>
    %dma_wait3A_94 = arith.constant 0 : i32
    %dma_wait3A_95 = arith.constant 0 : i32
    %dma_wait3A_96 = tpu.memref_slice %arg2[%dma_wait3A_94, %dma_wait3A_95] : memref<10240x16xf32, #tpu.memory_space<hbm>> -> memref<80x16xf32, #tpu.memory_space<hbm>>
    %dma_wait3A_97 = arith.constant 0 : i32
    %dma_wait3A_98 = arith.constant 0 : i32
    %dma_wait3A_99 = tpu.memref_slice %arg7[%dma_wait3A, %dma_wait3A_97, %dma_wait3A_98] : memref<10x80x16xf32, #tpu.memory_space<vmem>> -> memref<1x80x16xf32, #tpu.memory_space<vmem>>
    %dma_wait3A_100 = tpu.memref_squeeze %dma_wait3A_99 : memref<1x80x16xf32, #tpu.memory_space<vmem>> -> memref<80x16xf32, #tpu.memory_space<vmem>>
    %dma_wait3A_101 = arith.constant 0 : i32
    %dma_wait3A_102 = arith.constant 0 : i32
    %dma_wait3A_103 = tpu.memref_slice %arg2[%dma_wait3A_101, %dma_wait3A_102] : memref<10240x16xf32, #tpu.memory_space<hbm>> -> memref<80x16xf32, #tpu.memory_space<hbm>>
    tpu.wait_dma2 semaphore(%arg12 : memref<!tpu.dma_semaphore, #tpu.memory_space<semaphore_mem>>) src(%dma_wait3A_103 : memref<80x16xf32, #tpu.memory_space<hbm>>) dst(%dma_wait3A_100 : memref<80x16xf32, #tpu.memory_space<vmem>>)
    %dma_wait3A_104 = arith.constant 0 : i32
    %dma_wait3A_105 = arith.constant 0 : i32
    %dma_wait3A_106 = arith.constant 0 : i32
    %dma_wait3A_107 = tpu.memref_slice %arg7[%dma_wait3A_104, %dma_wait3A_105, %dma_wait3A_106] : memref<10x80x16xf32, #tpu.memory_space<vmem>> -> memref<1x80x16xf32, #tpu.memory_space<vmem>>
    %dma_wait3A_108 = tpu.memref_squeeze %dma_wait3A_107 : memref<1x80x16xf32, #tpu.memory_space<vmem>> -> memref<80x16xf32, #tpu.memory_space<vmem>>
    %dma_wait3A_109 = arith.constant 0 : i32
    %dma_wait3A_110 = arith.constant 0 : i32
    %dma_wait3A_111 = tpu.memref_slice %arg2[%dma_wait3A_109, %dma_wait3A_110] : memref<10240x16xf32, #tpu.memory_space<hbm>> -> memref<80x16xf32, #tpu.memory_space<hbm>>
    %dma_wait3A_112 = arith.constant 0 : i32
    %dma_wait3A_113 = arith.constant 0 : i32
    %dma_wait3A_114 = tpu.memref_slice %arg7[%dma_wait3A_104, %dma_wait3A_112, %dma_wait3A_113] : memref<10x80x16xf32, #tpu.memory_space<vmem>> -> memref<1x80x16xf32, #tpu.memory_space<vmem>>
    %dma_wait3A_115 = tpu.memref_squeeze %dma_wait3A_114 : memref<1x80x16xf32, #tpu.memory_space<vmem>> -> memref<80x16xf32, #tpu.memory_space<vmem>>
    %dma_wait3A_116 = arith.constant 0 : i32
    %dma_wait3A_117 = arith.constant 0 : i32
    %dma_wait3A_118 = tpu.memref_slice %arg2[%dma_wait3A_116, %dma_wait3A_117] : memref<10240x16xf32, #tpu.memory_space<hbm>> -> memref<80x16xf32, #tpu.memory_space<hbm>>
    tpu.wait_dma2 semaphore(%arg12 : memref<!tpu.dma_semaphore, #tpu.memory_space<semaphore_mem>>) src(%dma_wait3A_118 : memref<80x16xf32, #tpu.memory_space<hbm>>) dst(%dma_wait3A_115 : memref<80x16xf32, #tpu.memory_space<vmem>>)
    %dma_wait3A_119 = arith.constant 0 : i32
    %dma_wait3A_120 = arith.constant 0 : i32
    %dma_wait3A_121 = arith.constant 0 : i32
    %dma_wait3A_122 = tpu.memref_slice %arg7[%dma_wait3A_119, %dma_wait3A_120, %dma_wait3A_121] : memref<10x80x16xf32, #tpu.memory_space<vmem>> -> memref<1x80x16xf32, #tpu.memory_space<vmem>>
    %dma_wait3A_123 = tpu.memref_squeeze %dma_wait3A_122 : memref<1x80x16xf32, #tpu.memory_space<vmem>> -> memref<80x16xf32, #tpu.memory_space<vmem>>
    %dma_wait3A_124 = arith.constant 0 : i32
    %dma_wait3A_125 = arith.constant 0 : i32
    %dma_wait3A_126 = tpu.memref_slice %arg2[%dma_wait3A_124, %dma_wait3A_125] : memref<10240x16xf32, #tpu.memory_space<hbm>> -> memref<80x16xf32, #tpu.memory_space<hbm>>
    %dma_wait3A_127 = arith.constant 0 : i32
    %dma_wait3A_128 = arith.constant 0 : i32
    %dma_wait3A_129 = tpu.memref_slice %arg7[%dma_wait3A_119, %dma_wait3A_127, %dma_wait3A_128] : memref<10x80x16xf32, #tpu.memory_space<vmem>> -> memref<1x80x16xf32, #tpu.memory_space<vmem>>
    %dma_wait3A_130 = tpu.memref_squeeze %dma_wait3A_129 : memref<1x80x16xf32, #tpu.memory_space<vmem>> -> memref<80x16xf32, #tpu.memory_space<vmem>>
    %dma_wait3A_131 = arith.constant 0 : i32
    %dma_wait3A_132 = arith.constant 0 : i32
    %dma_wait3A_133 = tpu.memref_slice %arg2[%dma_wait3A_131, %dma_wait3A_132] : memref<10240x16xf32, #tpu.memory_space<hbm>> -> memref<80x16xf32, #tpu.memory_space<hbm>>
    tpu.wait_dma2 semaphore(%arg12 : memref<!tpu.dma_semaphore, #tpu.memory_space<semaphore_mem>>) src(%dma_wait3A_133 : memref<80x16xf32, #tpu.memory_space<hbm>>) dst(%dma_wait3A_130 : memref<80x16xf32, #tpu.memory_space<vmem>>)
    %dma_wait3A_134 = arith.constant 0 : i32
    %dma_wait3A_135 = arith.constant 0 : i32
    %dma_wait3A_136 = arith.constant 0 : i32
    %dma_wait3A_137 = tpu.memref_slice %arg7[%dma_wait3A_134, %dma_wait3A_135, %dma_wait3A_136] : memref<10x80x16xf32, #tpu.memory_space<vmem>> -> memref<1x80x16xf32, #tpu.memory_space<vmem>>
    %dma_wait3A_138 = tpu.memref_squeeze %dma_wait3A_137 : memref<1x80x16xf32, #tpu.memory_space<vmem>> -> memref<80x16xf32, #tpu.memory_space<vmem>>
    %dma_wait3A_139 = arith.constant 0 : i32
    %dma_wait3A_140 = arith.constant 0 : i32
    %dma_wait3A_141 = tpu.memref_slice %arg2[%dma_wait3A_139, %dma_wait3A_140] : memref<10240x16xf32, #tpu.memory_space<hbm>> -> memref<80x16xf32, #tpu.memory_space<hbm>>
    %dma_wait3A_142 = arith.constant 0 : i32
    %dma_wait3A_143 = arith.constant 0 : i32
    %dma_wait3A_144 = tpu.memref_slice %arg7[%dma_wait3A_134, %dma_wait3A_142, %dma_wait3A_143] : memref<10x80x16xf32, #tpu.memory_space<vmem>> -> memref<1x80x16xf32, #tpu.memory_space<vmem>>
    %dma_wait3A_145 = tpu.memref_squeeze %dma_wait3A_144 : memref<1x80x16xf32, #tpu.memory_space<vmem>> -> memref<80x16xf32, #tpu.memory_space<vmem>>
    %dma_wait3A_146 = arith.constant 0 : i32
    %dma_wait3A_147 = arith.constant 0 : i32
    %dma_wait3A_148 = tpu.memref_slice %arg2[%dma_wait3A_146, %dma_wait3A_147] : memref<10240x16xf32, #tpu.memory_space<hbm>> -> memref<80x16xf32, #tpu.memory_space<hbm>>
    tpu.wait_dma2 semaphore(%arg12 : memref<!tpu.dma_semaphore, #tpu.memory_space<semaphore_mem>>) src(%dma_wait3A_148 : memref<80x16xf32, #tpu.memory_space<hbm>>) dst(%dma_wait3A_145 : memref<80x16xf32, #tpu.memory_space<vmem>>)
    %dma_wait3A_149 = arith.constant 0 : i32
    %dma_wait3A_150 = arith.constant 0 : i32
    %dma_wait3A_151 = arith.constant 0 : i32
    %dma_wait3A_152 = tpu.memref_slice %arg7[%dma_wait3A_149, %dma_wait3A_150, %dma_wait3A_151] : memref<10x80x16xf32, #tpu.memory_space<vmem>> -> memref<1x80x16xf32, #tpu.memory_space<vmem>>
    %dma_wait3A_153 = tpu.memref_squeeze %dma_wait3A_152 : memref<1x80x16xf32, #tpu.memory_space<vmem>> -> memref<80x16xf32, #tpu.memory_space<vmem>>
    %dma_wait3A_154 = arith.constant 0 : i32
    %dma_wait3A_155 = arith.constant 0 : i32
    %dma_wait3A_156 = tpu.memref_slice %arg2[%dma_wait3A_154, %dma_wait3A_155] : memref<10240x16xf32, #tpu.memory_space<hbm>> -> memref<80x16xf32, #tpu.memory_space<hbm>>
    %dma_wait3A_157 = arith.constant 0 : i32
    %dma_wait3A_158 = arith.constant 0 : i32
    %dma_wait3A_159 = tpu.memref_slice %arg7[%dma_wait3A_149, %dma_wait3A_157, %dma_wait3A_158] : memref<10x80x16xf32, #tpu.memory_space<vmem>> -> memref<1x80x16xf32, #tpu.memory_space<vmem>>
    %dma_wait3A_160 = tpu.memref_squeeze %dma_wait3A_159 : memref<1x80x16xf32, #tpu.memory_space<vmem>> -> memref<80x16xf32, #tpu.memory_space<vmem>>
    %dma_wait3A_161 = arith.constant 0 : i32
    %dma_wait3A_162 = arith.constant 0 : i32
    %dma_wait3A_163 = tpu.memref_slice %arg2[%dma_wait3A_161, %dma_wait3A_162] : memref<10240x16xf32, #tpu.memory_space<hbm>> -> memref<80x16xf32, #tpu.memory_space<hbm>>
    tpu.wait_dma2 semaphore(%arg12 : memref<!tpu.dma_semaphore, #tpu.memory_space<semaphore_mem>>) src(%dma_wait3A_163 : memref<80x16xf32, #tpu.memory_space<hbm>>) dst(%dma_wait3A_160 : memref<80x16xf32, #tpu.memory_space<vmem>>)
    %barrier3A_164 = arith.constant 0 : index
    tpu.barrier barrier_id(%barrier3A_164)
    %mul3A_165 = arith.constant 640 : i32
    %mul3A_166 = arith.muli %arg1, %mul3A_165 : i32
    %add3A_167 = arith.constant 0 : i32
    %add3A_168 = arith.addi %mul3A_166, %add3A_167 : i32
    "tpu.region"() ({
      %run_scoped3A_185 = tpu.sem_alloc : memref<!tpu.dma_semaphore, #tpu.memory_space<semaphore_mem>>
      %dma_start3A_186 = arith.constant 0 : i32
      %dma_start3A_187 = tpu.memref_slice %arg4[%arg0, %add3A_168, %dma_start3A_186] : memref<2x10240x16xf32, #tpu.memory_space<hbm>> -> memref<1x128x16xf32, #tpu.memory_space<hbm>>
      %dma_start3A_188 = tpu.memref_squeeze %dma_start3A_187 : memref<1x128x16xf32, #tpu.memory_space<hbm>> -> memref<128x16xf32, #tpu.memory_space<hbm>>
      %dma_start3A_189 = arith.constant 0 : i32
      %dma_start3A_190 = tpu.memref_slice %arg9[%add3A_168, %dma_start3A_189] : memref<10240x16xf32, #tpu.memory_space<vmem_shared>> -> memref<128x16xf32, #tpu.memory_space<vmem_shared>>
      tpu.enqueue_dma source(%dma_start3A_190 : memref<128x16xf32, #tpu.memory_space<vmem_shared>>) target(%dma_start3A_188 : memref<128x16xf32, #tpu.memory_space<hbm>>) target_semaphore(%run_scoped3A_185 : memref<!tpu.dma_semaphore, #tpu.memory_space<semaphore_mem>>)
      %dma_wait3A_191 = arith.constant 0 : i32
      %dma_wait3A_192 = tpu.memref_slice %arg4[%arg0, %add3A_168, %dma_wait3A_191] : memref<2x10240x16xf32, #tpu.memory_space<hbm>> -> memref<1x128x16xf32, #tpu.memory_space<hbm>>
      %dma_wait3A_193 = tpu.memref_squeeze %dma_wait3A_192 : memref<1x128x16xf32, #tpu.memory_space<hbm>> -> memref<128x16xf32, #tpu.memory_space<hbm>>
      %dma_wait3A_194 = arith.constant 0 : i32
      %dma_wait3A_195 = tpu.memref_slice %arg9[%add3A_168, %dma_wait3A_194] : memref<10240x16xf32, #tpu.memory_space<vmem_shared>> -> memref<128x16xf32, #tpu.memory_space<vmem_shared>>
      tpu.wait_dma2 semaphore(%run_scoped3A_185 : memref<!tpu.dma_semaphore, #tpu.memory_space<semaphore_mem>>) src(%dma_wait3A_195 : memref<128x16xf32, #tpu.memory_space<vmem_shared>>) dst(%dma_wait3A_193 : memref<128x16xf32, #tpu.memory_space<hbm>>)
      tpu.yield
    }) : () -> ()
    %mul3A_169 = arith.constant 640 : i32
    %mul3A_170 = arith.muli %arg1, %mul3A_169 : i32
    %add3A_171 = arith.constant 128 : i32
    %add3A_172 = arith.addi %mul3A_170, %add3A_171 : i32
    "tpu.region"() ({
      %run_scoped3A_185 = tpu.sem_alloc : memref<!tpu.dma_semaphore, #tpu.memory_space<semaphore_mem>>
      %dma_start3A_186 = arith.constant 0 : i32
      %dma_start3A_187 = tpu.memref_slice %arg4[%arg0, %add3A_172, %dma_start3A_186] : memref<2x10240x16xf32, #tpu.memory_space<hbm>> -> memref<1x128x16xf32, #tpu.memory_space<hbm>>
      %dma_start3A_188 = tpu.memref_squeeze %dma_start3A_187 : memref<1x128x16xf32, #tpu.memory_space<hbm>> -> memref<128x16xf32, #tpu.memory_space<hbm>>
      %dma_start3A_189 = arith.constant 0 : i32
      %dma_start3A_190 = tpu.memref_slice %arg9[%add3A_172, %dma_start3A_189] : memref<10240x16xf32, #tpu.memory_space<vmem_shared>> -> memref<128x16xf32, #tpu.memory_space<vmem_shared>>
      tpu.enqueue_dma source(%dma_start3A_190 : memref<128x16xf32, #tpu.memory_space<vmem_shared>>) target(%dma_start3A_188 : memref<128x16xf32, #tpu.memory_space<hbm>>) target_semaphore(%run_scoped3A_185 : memref<!tpu.dma_semaphore, #tpu.memory_space<semaphore_mem>>)
      %dma_wait3A_191 = arith.constant 0 : i32
      %dma_wait3A_192 = tpu.memref_slice %arg4[%arg0, %add3A_172, %dma_wait3A_191] : memref<2x10240x16xf32, #tpu.memory_space<hbm>> -> memref<1x128x16xf32, #tpu.memory_space<hbm>>
      %dma_wait3A_193 = tpu.memref_squeeze %dma_wait3A_192 : memref<1x128x16xf32, #tpu.memory_space<hbm>> -> memref<128x16xf32, #tpu.memory_space<hbm>>
      %dma_wait3A_194 = arith.constant 0 : i32
      %dma_wait3A_195 = tpu.memref_slice %arg9[%add3A_172, %dma_wait3A_194] : memref<10240x16xf32, #tpu.memory_space<vmem_shared>> -> memref<128x16xf32, #tpu.memory_space<vmem_shared>>
      tpu.wait_dma2 semaphore(%run_scoped3A_185 : memref<!tpu.dma_semaphore, #tpu.memory_space<semaphore_mem>>) src(%dma_wait3A_195 : memref<128x16xf32, #tpu.memory_space<vmem_shared>>) dst(%dma_wait3A_193 : memref<128x16xf32, #tpu.memory_space<hbm>>)
      tpu.yield
    }) : () -> ()
    %mul3A_173 = arith.constant 640 : i32
    %mul3A_174 = arith.muli %arg1, %mul3A_173 : i32
    %add3A_175 = arith.constant 256 : i32
    %add3A_176 = arith.addi %mul3A_174, %add3A_175 : i32
    "tpu.region"() ({
      %run_scoped3A_185 = tpu.sem_alloc : memref<!tpu.dma_semaphore, #tpu.memory_space<semaphore_mem>>
      %dma_start3A_186 = arith.constant 0 : i32
      %dma_start3A_187 = tpu.memref_slice %arg4[%arg0, %add3A_176, %dma_start3A_186] : memref<2x10240x16xf32, #tpu.memory_space<hbm>> -> memref<1x128x16xf32, #tpu.memory_space<hbm>>
      %dma_start3A_188 = tpu.memref_squeeze %dma_start3A_187 : memref<1x128x16xf32, #tpu.memory_space<hbm>> -> memref<128x16xf32, #tpu.memory_space<hbm>>
      %dma_start3A_189 = arith.constant 0 : i32
      %dma_start3A_190 = tpu.memref_slice %arg9[%add3A_176, %dma_start3A_189] : memref<10240x16xf32, #tpu.memory_space<vmem_shared>> -> memref<128x16xf32, #tpu.memory_space<vmem_shared>>
      tpu.enqueue_dma source(%dma_start3A_190 : memref<128x16xf32, #tpu.memory_space<vmem_shared>>) target(%dma_start3A_188 : memref<128x16xf32, #tpu.memory_space<hbm>>) target_semaphore(%run_scoped3A_185 : memref<!tpu.dma_semaphore, #tpu.memory_space<semaphore_mem>>)
      %dma_wait3A_191 = arith.constant 0 : i32
      %dma_wait3A_192 = tpu.memref_slice %arg4[%arg0, %add3A_176, %dma_wait3A_191] : memref<2x10240x16xf32, #tpu.memory_space<hbm>> -> memref<1x128x16xf32, #tpu.memory_space<hbm>>
      %dma_wait3A_193 = tpu.memref_squeeze %dma_wait3A_192 : memref<1x128x16xf32, #tpu.memory_space<hbm>> -> memref<128x16xf32, #tpu.memory_space<hbm>>
      %dma_wait3A_194 = arith.constant 0 : i32
      %dma_wait3A_195 = tpu.memref_slice %arg9[%add3A_176, %dma_wait3A_194] : memref<10240x16xf32, #tpu.memory_space<vmem_shared>> -> memref<128x16xf32, #tpu.memory_space<vmem_shared>>
      tpu.wait_dma2 semaphore(%run_scoped3A_185 : memref<!tpu.dma_semaphore, #tpu.memory_space<semaphore_mem>>) src(%dma_wait3A_195 : memref<128x16xf32, #tpu.memory_space<vmem_shared>>) dst(%dma_wait3A_193 : memref<128x16xf32, #tpu.memory_space<hbm>>)
      tpu.yield
    }) : () -> ()
    %mul3A_177 = arith.constant 640 : i32
    %mul3A_178 = arith.muli %arg1, %mul3A_177 : i32
    %add3A_179 = arith.constant 384 : i32
    %add3A_180 = arith.addi %mul3A_178, %add3A_179 : i32
    "tpu.region"() ({
      %run_scoped3A_185 = tpu.sem_alloc : memref<!tpu.dma_semaphore, #tpu.memory_space<semaphore_mem>>
      %dma_start3A_186 = arith.constant 0 : i32
      %dma_start3A_187 = tpu.memref_slice %arg4[%arg0, %add3A_180, %dma_start3A_186] : memref<2x10240x16xf32, #tpu.memory_space<hbm>> -> memref<1x128x16xf32, #tpu.memory_space<hbm>>
      %dma_start3A_188 = tpu.memref_squeeze %dma_start3A_187 : memref<1x128x16xf32, #tpu.memory_space<hbm>> -> memref<128x16xf32, #tpu.memory_space<hbm>>
      %dma_start3A_189 = arith.constant 0 : i32
      %dma_start3A_190 = tpu.memref_slice %arg9[%add3A_180, %dma_start3A_189] : memref<10240x16xf32, #tpu.memory_space<vmem_shared>> -> memref<128x16xf32, #tpu.memory_space<vmem_shared>>
      tpu.enqueue_dma source(%dma_start3A_190 : memref<128x16xf32, #tpu.memory_space<vmem_shared>>) target(%dma_start3A_188 : memref<128x16xf32, #tpu.memory_space<hbm>>) target_semaphore(%run_scoped3A_185 : memref<!tpu.dma_semaphore, #tpu.memory_space<semaphore_mem>>)
      %dma_wait3A_191 = arith.constant 0 : i32
      %dma_wait3A_192 = tpu.memref_slice %arg4[%arg0, %add3A_180, %dma_wait3A_191] : memref<2x10240x16xf32, #tpu.memory_space<hbm>> -> memref<1x128x16xf32, #tpu.memory_space<hbm>>
      %dma_wait3A_193 = tpu.memref_squeeze %dma_wait3A_192 : memref<1x128x16xf32, #tpu.memory_space<hbm>> -> memref<128x16xf32, #tpu.memory_space<hbm>>
      %dma_wait3A_194 = arith.constant 0 : i32
      %dma_wait3A_195 = tpu.memref_slice %arg9[%add3A_180, %dma_wait3A_194] : memref<10240x16xf32, #tpu.memory_space<vmem_shared>> -> memref<128x16xf32, #tpu.memory_space<vmem_shared>>
      tpu.wait_dma2 semaphore(%run_scoped3A_185 : memref<!tpu.dma_semaphore, #tpu.memory_space<semaphore_mem>>) src(%dma_wait3A_195 : memref<128x16xf32, #tpu.memory_space<vmem_shared>>) dst(%dma_wait3A_193 : memref<128x16xf32, #tpu.memory_space<hbm>>)
      tpu.yield
    }) : () -> ()
    %mul3A_181 = arith.constant 640 : i32
    %mul3A_182 = arith.muli %arg1, %mul3A_181 : i32
    %add3A_183 = arith.constant 512 : i32
    %add3A_184 = arith.addi %mul3A_182, %add3A_183 : i32
    "tpu.region"() ({
      %run_scoped3A_185 = tpu.sem_alloc : memref<!tpu.dma_semaphore, #tpu.memory_space<semaphore_mem>>
      %dma_start3A_186 = arith.constant 0 : i32
      %dma_start3A_187 = tpu.memref_slice %arg4[%arg0, %add3A_184, %dma_start3A_186] : memref<2x10240x16xf32, #tpu.memory_space<hbm>> -> memref<1x128x16xf32, #tpu.memory_space<hbm>>
      %dma_start3A_188 = tpu.memref_squeeze %dma_start3A_187 : memref<1x128x16xf32, #tpu.memory_space<hbm>> -> memref<128x16xf32, #tpu.memory_space<hbm>>
      %dma_start3A_189 = arith.constant 0 : i32
      %dma_start3A_190 = tpu.memref_slice %arg9[%add3A_184, %dma_start3A_189] : memref<10240x16xf32, #tpu.memory_space<vmem_shared>> -> memref<128x16xf32, #tpu.memory_space<vmem_shared>>
      tpu.enqueue_dma source(%dma_start3A_190 : memref<128x16xf32, #tpu.memory_space<vmem_shared>>) target(%dma_start3A_188 : memref<128x16xf32, #tpu.memory_space<hbm>>) target_semaphore(%run_scoped3A_185 : memref<!tpu.dma_semaphore, #tpu.memory_space<semaphore_mem>>)
      %dma_wait3A_191 = arith.constant 0 : i32
      %dma_wait3A_192 = tpu.memref_slice %arg4[%arg0, %add3A_184, %dma_wait3A_191] : memref<2x10240x16xf32, #tpu.memory_space<hbm>> -> memref<1x128x16xf32, #tpu.memory_space<hbm>>
      %dma_wait3A_193 = tpu.memref_squeeze %dma_wait3A_192 : memref<1x128x16xf32, #tpu.memory_space<hbm>> -> memref<128x16xf32, #tpu.memory_space<hbm>>
      %dma_wait3A_194 = arith.constant 0 : i32
      %dma_wait3A_195 = tpu.memref_slice %arg9[%add3A_184, %dma_wait3A_194] : memref<10240x16xf32, #tpu.memory_space<vmem_shared>> -> memref<128x16xf32, #tpu.memory_space<vmem_shared>>
      tpu.wait_dma2 semaphore(%run_scoped3A_185 : memref<!tpu.dma_semaphore, #tpu.memory_space<semaphore_mem>>) src(%dma_wait3A_195 : memref<128x16xf32, #tpu.memory_space<vmem_shared>>) dst(%dma_wait3A_193 : memref<128x16xf32, #tpu.memory_space<hbm>>)
      tpu.yield
    }) : () -> ()
    return
  }
}

module attributes {stable_mosaic.version = 14 : i64} {
  func.func @_tc_mm0_body(%arg0: memref<1250x1024xf32, #tpu.memory_space<vmem>>, %arg1: memref<1024x128xf32, #tpu.memory_space<vmem>>, %arg2: memref<1280x128xf32, #tpu.memory_space<vmem>>) attributes {dimension_semantics = [], scalar_prefetch = 0 : i64, scratch_operands = 0 : i64, tpu.core_type = #tpu.core_type<tc>} {
    %get3A = arith.constant 0 : index
    %get3A_0 = arith.constant 0 : index
    %get3A_1 = vector.load %arg0[%get3A, %get3A_0] : memref<1250x1024xf32, #tpu.memory_space<vmem>>, vector<1250x1024xf32>
    %get3A_2 = arith.constant 0 : index
    %get3A_3 = arith.constant 0 : index
    %get3A_4 = vector.load %arg1[%get3A_2, %get3A_3] : memref<1024x128xf32, #tpu.memory_space<vmem>>, vector<1024x128xf32>
    %dot_general3A = arith.constant dense<0.000000e+00> : vector<1250x128xf32>
    %dot_general3A_5 = tpu.matmul %get3A_1, %get3A_4, %dot_general3A {dimension_numbers = #tpu.dot_dimension_numbers<[1], [0], [0], [1], [0, 0, 1, 1], [], []>, transpose_lhs_hint = false} : vector<1250x1024xf32>, vector<1024x128xf32>, vector<1250x128xf32> -> vector<1250x128xf32>
    %broadcast_in_dim3A = arith.constant 0.000000e+00 : f32
    %broadcast_in_dim3A_6 = vector.broadcast %broadcast_in_dim3A : f32 to vector<30x128xf32>
    %concatenate3A = tpu.concatenate %dot_general3A_5, %broadcast_in_dim3A_6 in 0 : vector<1250x128xf32>, vector<30x128xf32> -> vector<1280x128xf32>
    %swap3A = arith.constant 0 : index
    %swap3A_7 = arith.constant 0 : index
    %swap3A_8 = vector.load %arg2[%swap3A, %swap3A_7] : memref<1280x128xf32, #tpu.memory_space<vmem>>, vector<1280x128xf32>
    tpu.vector_store %arg2[%swap3A, %swap3A_7], %concatenate3A {strides = array<i32>} : memref<1280x128xf32, #tpu.memory_space<vmem>>, vector<1280x128xf32>,
    return
  }
}

module attributes {stable_mosaic.version = 14 : i64} {
  func.func @_tc_scale_body(%arg0: memref<2x1280x128xf32, #tpu.memory_space<vmem>>, %arg1: memref<1280x128xf32, #tpu.memory_space<vmem>>, %arg2: memref<1280x128xf32, #tpu.memory_space<vmem>>, %arg3: memref<1280x128xf32, #tpu.memory_space<vmem>>) attributes {dimension_semantics = [], scalar_prefetch = 0 : i64, scratch_operands = 0 : i64, tpu.core_type = #tpu.core_type<tc>} {
    %get3A = arith.constant 0 : index
    %get3A_0 = arith.constant 0 : index
    %get3A_1 = arith.constant 0 : index
    %get3A_2 = vector.load %arg0[%get3A, %get3A_0, %get3A_1] : memref<2x1280x128xf32, #tpu.memory_space<vmem>>, vector<1x1280x128xf32>
    %get3A_3 = vector.shape_cast %get3A_2 : vector<1x1280x128xf32> to vector<1280x128xf32>
    %get3A_4 = arith.constant 1 : index
    %get3A_5 = arith.constant 0 : index
    %get3A_6 = arith.constant 0 : index
    %get3A_7 = vector.load %arg0[%get3A_4, %get3A_5, %get3A_6] : memref<2x1280x128xf32, #tpu.memory_space<vmem>>, vector<1x1280x128xf32>
    %get3A_8 = vector.shape_cast %get3A_7 : vector<1x1280x128xf32> to vector<1280x128xf32>
    %add3A = arith.addf %get3A_3, %get3A_8 : vector<1280x128xf32>
    %add3A_9 = arith.constant 1.000000e+00 : f32
    %add3A_10 = vector.broadcast %add3A_9 : f32 to vector<1280x128xf32>
    %add3A_11 = arith.addf %add3A, %add3A_10 : vector<1280x128xf32>
    %rsqrt3A = math.rsqrt %add3A_11 : vector<1280x128xf32>
    %swap3A = arith.constant 0 : index
    %swap3A_12 = arith.constant 0 : index
    %swap3A_13 = vector.load %arg3[%swap3A, %swap3A_12] : memref<1280x128xf32, #tpu.memory_space<vmem>>, vector<1280x128xf32>
    tpu.vector_store %arg3[%swap3A, %swap3A_12], %rsqrt3A {strides = array<i32>} : memref<1280x128xf32, #tpu.memory_space<vmem>>, vector<1280x128xf32>,
    %get3A_14 = arith.constant 0 : index
    %get3A_15 = arith.constant 0 : index
    %get3A_16 = vector.load %arg1[%get3A_14, %get3A_15] : memref<1280x128xf32, #tpu.memory_space<vmem>>, vector<1280x128xf32>
    %mul3A = arith.mulf %rsqrt3A, %get3A_16 : vector<1280x128xf32>
    %swap3A_17 = arith.constant 0 : index
    %swap3A_18 = arith.constant 0 : index
    %swap3A_19 = vector.load %arg2[%swap3A_17, %swap3A_18] : memref<1280x128xf32, #tpu.memory_space<vmem>>, vector<1280x128xf32>
    tpu.vector_store %arg2[%swap3A_17, %swap3A_18], %mul3A {strides = array<i32>} : memref<1280x128xf32, #tpu.memory_space<vmem>>, vector<1280x128xf32>,
    return
  }
}

module attributes {stable_mosaic.version = 14 : i64} {
  func.func @_tc_layer_body(%arg0: memref<2x1280x128xf32, #tpu.memory_space<vmem>>, %arg1: memref<1280x128xf32, #tpu.memory_space<vmem>>, %arg2: memref<1280x128xf32, #tpu.memory_space<vmem>>, %arg3: memref<1x128xf32, #tpu.memory_space<vmem>>, %arg4: memref<128x128xf32, #tpu.memory_space<vmem>>, %arg5: memref<1280x128xf32, #tpu.memory_space<vmem>>, %arg6: memref<1280x128xf32, #tpu.memory_space<vmem>>) attributes {dimension_semantics = [], scalar_prefetch = 0 : i64, scratch_operands = 0 : i64, tpu.core_type = #tpu.core_type<tc>} {
    %get3A = arith.constant 0 : index
    %get3A_0 = arith.constant 0 : index
    %get3A_1 = vector.load %arg2[%get3A, %get3A_0] : memref<1280x128xf32, #tpu.memory_space<vmem>>, vector<1280x128xf32>
    %get3A_2 = arith.constant 0 : index
    %get3A_3 = arith.constant 0 : index
    %get3A_4 = arith.constant 0 : index
    %get3A_5 = vector.load %arg0[%get3A_2, %get3A_3, %get3A_4] : memref<2x1280x128xf32, #tpu.memory_space<vmem>>, vector<1x1280x128xf32>
    %get3A_6 = vector.shape_cast %get3A_5 : vector<1x1280x128xf32> to vector<1280x128xf32>
    %get3A_7 = arith.constant 1 : index
    %get3A_8 = arith.constant 0 : index
    %get3A_9 = arith.constant 0 : index
    %get3A_10 = vector.load %arg0[%get3A_7, %get3A_8, %get3A_9] : memref<2x1280x128xf32, #tpu.memory_space<vmem>>, vector<1x1280x128xf32>
    %get3A_11 = vector.shape_cast %get3A_10 : vector<1x1280x128xf32> to vector<1280x128xf32>
    %add3A = arith.addf %get3A_6, %get3A_11 : vector<1280x128xf32>
    %mul3A = arith.mulf %get3A_1, %add3A : vector<1280x128xf32>
    %mul3A_12 = arith.mulf %get3A_1, %get3A_1 : vector<1280x128xf32>
    %get3A_13 = arith.constant 0 : index
    %get3A_14 = arith.constant 0 : index
    %get3A_15 = vector.load %arg1[%get3A_13, %get3A_14] : memref<1280x128xf32, #tpu.memory_space<vmem>>, vector<1280x128xf32>
    %mul3A_16 = arith.mulf %mul3A_12, %get3A_15 : vector<1280x128xf32>
    %add3A_17 = arith.addf %mul3A, %mul3A_16 : vector<1280x128xf32>
    %get3A_18 = arith.constant 0 : index
    %get3A_19 = arith.constant 0 : index
    %get3A_20 = vector.load %arg3[%get3A_18, %get3A_19] : memref<1x128xf32, #tpu.memory_space<vmem>>, vector<1x128xf32>
    %add3A_21 = vector.broadcast %get3A_20 : vector<1x128xf32> to vector<1280x128xf32>
    %add3A_22 = arith.addf %add3A_17, %add3A_21 : vector<1280x128xf32>
    %max3A = arith.constant 0.000000e+00 : f32
    %max3A_23 = vector.broadcast %max3A : f32 to vector<1280x128xf32>
    %max3A_24 = arith.maximumf %add3A_22, %max3A_23 : vector<1280x128xf32>
    %get3A_25 = arith.constant 0 : index
    %get3A_26 = arith.constant 0 : index
    %get3A_27 = vector.load %arg4[%get3A_25, %get3A_26] : memref<128x128xf32, #tpu.memory_space<vmem>>, vector<128x128xf32>
    %dot_general3A = arith.constant dense<0.000000e+00> : vector<1280x128xf32>
    %dot_general3A_28 = tpu.matmul %max3A_24, %get3A_27, %dot_general3A {dimension_numbers = #tpu.dot_dimension_numbers<[1], [0], [0], [1], [0, 0, 1, 1], [], []>, transpose_lhs_hint = false} : vector<1280x128xf32>, vector<128x128xf32>, vector<1280x128xf32> -> vector<1280x128xf32>
    %swap3A = arith.constant 0 : index
    %swap3A_29 = arith.constant 0 : index
    %swap3A_30 = vector.load %arg5[%swap3A, %swap3A_29] : memref<1280x128xf32, #tpu.memory_space<vmem>>, vector<1280x128xf32>
    tpu.vector_store %arg5[%swap3A, %swap3A_29], %dot_general3A_28 {strides = array<i32>} : memref<1280x128xf32, #tpu.memory_space<vmem>>, vector<1280x128xf32>,
    %mul3A_31 = arith.mulf %get3A_1, %dot_general3A_28 : vector<1280x128xf32>
    %swap3A_32 = arith.constant 0 : index
    %swap3A_33 = arith.constant 0 : index
    %swap3A_34 = vector.load %arg6[%swap3A_32, %swap3A_33] : memref<1280x128xf32, #tpu.memory_space<vmem>>, vector<1280x128xf32>
    tpu.vector_store %arg6[%swap3A_32, %swap3A_33], %mul3A_31 {strides = array<i32>} : memref<1280x128xf32, #tpu.memory_space<vmem>>, vector<1280x128xf32>,
    return
  }
}

module attributes {stable_mosaic.version = 14 : i64} {
  func.func @_tc_final_body(%arg0: memref<2x1280x128xf32, #tpu.memory_space<vmem>>, %arg1: memref<1280x128xf32, #tpu.memory_space<vmem>>, %arg2: memref<1280x128xf32, #tpu.memory_space<vmem>>, %arg3: memref<1x128xf32, #tpu.memory_space<vmem>>, %arg4: memref<1280x128xf32, #tpu.memory_space<vmem>>) attributes {dimension_semantics = [], scalar_prefetch = 0 : i64, scratch_operands = 0 : i64, tpu.core_type = #tpu.core_type<tc>} {
    %get3A = arith.constant 0 : index
    %get3A_0 = arith.constant 0 : index
    %get3A_1 = vector.load %arg2[%get3A, %get3A_0] : memref<1280x128xf32, #tpu.memory_space<vmem>>, vector<1280x128xf32>
    %get3A_2 = arith.constant 0 : index
    %get3A_3 = arith.constant 0 : index
    %get3A_4 = arith.constant 0 : index
    %get3A_5 = vector.load %arg0[%get3A_2, %get3A_3, %get3A_4] : memref<2x1280x128xf32, #tpu.memory_space<vmem>>, vector<1x1280x128xf32>
    %get3A_6 = vector.shape_cast %get3A_5 : vector<1x1280x128xf32> to vector<1280x128xf32>
    %get3A_7 = arith.constant 1 : index
    %get3A_8 = arith.constant 0 : index
    %get3A_9 = arith.constant 0 : index
    %get3A_10 = vector.load %arg0[%get3A_7, %get3A_8, %get3A_9] : memref<2x1280x128xf32, #tpu.memory_space<vmem>>, vector<1x1280x128xf32>
    %get3A_11 = vector.shape_cast %get3A_10 : vector<1x1280x128xf32> to vector<1280x128xf32>
    %add3A = arith.addf %get3A_6, %get3A_11 : vector<1280x128xf32>
    %mul3A = arith.mulf %get3A_1, %add3A : vector<1280x128xf32>
    %mul3A_12 = arith.mulf %get3A_1, %get3A_1 : vector<1280x128xf32>
    %get3A_13 = arith.constant 0 : index
    %get3A_14 = arith.constant 0 : index
    %get3A_15 = vector.load %arg1[%get3A_13, %get3A_14] : memref<1280x128xf32, #tpu.memory_space<vmem>>, vector<1280x128xf32>
    %mul3A_16 = arith.mulf %mul3A_12, %get3A_15 : vector<1280x128xf32>
    %add3A_17 = arith.addf %mul3A, %mul3A_16 : vector<1280x128xf32>
    %get3A_18 = arith.constant 0 : index
    %get3A_19 = arith.constant 0 : index
    %get3A_20 = vector.load %arg3[%get3A_18, %get3A_19] : memref<1x128xf32, #tpu.memory_space<vmem>>, vector<1x128xf32>
    %add3A_21 = vector.broadcast %get3A_20 : vector<1x128xf32> to vector<1280x128xf32>
    %add3A_22 = arith.addf %add3A_17, %add3A_21 : vector<1280x128xf32>
    %swap3A = arith.constant 0 : index
    %swap3A_23 = arith.constant 0 : index
    %swap3A_24 = vector.load %arg4[%swap3A, %swap3A_23] : memref<1280x128xf32, #tpu.memory_space<vmem>>, vector<1280x128xf32>
    tpu.vector_store %arg4[%swap3A, %swap3A_23], %add3A_22 {strides = array<i32>} : memref<1280x128xf32, #tpu.memory_space<vmem>>, vector<1280x128xf32>,
    return
  }
}

</mosaic_0001>

<sc_bundles>
// kernel: kernel.11.cloned.1.call-start
scs
__scs_entry_jumppad:
0x0: {  	(pc) =	sbr.rel $0x88, $3  }
0x1: {  	(tag) =	ssettag $0x0;
	lr =	simm.s32 $0x1  }
0x2: {  	[smem:$0x3F99] =	sst lr;
	_ =	strace $0xD0000000  }
0x3: {  	_ = 	snop  }
0x4: {  	_ = 	snop  }
0x5: {  	_ = 	snop  }
0x6: {  	_ = 	snop  }
0x7: {  	_ = 	snop  }
__scs_overlays_trampoline_lowered:
0x8: {  	[smem:$0x3FA8] =	sst s0  }
0x9: {  	[smem:$0x3FA9] =	sst s1  }
0xa: {  	[smem:$0x3FAA] =	sst s2  }
0xb: {  	[smem:$0x3FAB] =	sst s3  }
0xc: {  	[smem:$0x3FAC] =	sst s4  }
0xd: {  	[smem:$0x3FAD] =	sst s5  }
0xe: {  	[smem:$0x3FAE] =	sst s6  }
0xf: {  	[smem:$0x3FAF] =	sst s7  }
0x10: {  	[smem:$0x3FB0] =	sst s8  }
0x11: {  	[smem:$0x3FB1] =	sst s9;
	s0 =	simm.s32 @!p0 $0x0  }
0x12: {  	s1 =	sld [smem:$0x3F97];
	s0 =	simm.s32 @p0 $0x1  }
0x13: {  	[smem:$0x3FB2] =	sst s0;
	s0 =	simm.s32 @!p1 $0x0  }
0x14: {  	s2 =	sld [smem:$0x3F96];
	s0 =	simm.s32 @p1 $0x1  }
0x15: {  	[smem:$0x3FB3] =	sst s0;
	s0 =	simm.s32 @!p2 $0x0  }
0x16: {  	s3 =	sld [smem:$0x3FDB];
	s0 =	simm.s32 @p2 $0x1  }
0x17: {  	s4 =	simm.s32 $0x1BF5;
	[smem:$0x3FB5] =	sst s0  }
0x18: {  	s0 =	sld [smem:$0x3F98];
	_ =	swait.ge [sflag:s4], $0x0  }
0x19: {  	s7 =	sld [smem:$0x3F99]  }
0x1a: {  	s8 =	sadd.s32 $0xFFFFE003, lr  }
0x1b: {  	s9 =	sadd.s32 $0xFFFFFEF7, lr;
	s5 =	simm.s32 $0xFFFFFFFF;
	p2 =	slt.u32 s8, $0xFFFFF086  }
0x1c: {  	p1 =	slt.u32 s9, $0xF7A;
	s5 =	simm.s32 @!p2 $0x0  }
0x1d: {  	s5 =	simm.s32 @p1 $0x1;
	p0 =	seq.s32 s7, s2  }
0x1e: {  	s7 =	smul.u32 @!p0 $0xF7A, s2;
	p2 =	seq.s32 @!p0 s5, $0x0  }
0x1f: {  	s9 =	smul.u32 $0xF7A, s1;
	s8 =	simm.s32 @!p0 $0x1BF5;
	p2 =	por !p2, p0  }
0x20: {  	[sflag:s8] =	ssyncset.s32 @!p0 $0xFFFFF086;
	s6 =	sadd.s32 @!p0 s3, s7;
	s7 =	simm.s32 @!p0 $0x108  }
0x21: {  	s3 =	sadd.s32 s3, s9;
	s6 =	sadd.s32 @!p0 $0x88, s6;
	s7 =	simm.s32 @p2 $0x1082  }
0x22: {  	[simem:s7], [sflag:s8] =	dma.local @!p0 [hbm:s6], $0xF7A  }
0x23: {  	s9 =	sor.u32 $0xD0000000, s2;
	s6 =	simm.s32 $0x108;
	_ =	swait.ge @!p0 [sflag:s8], $0x0  }
0x24: {  	s3 =	sadd.s32 $0x88, s3;
	s6 =	simm.s32 @!p1 $0x1082;
	[sflag:s4] =	ssyncset.s32 $0xFFFFF086  }
0x25: {  	[simem:s6], [sflag:s4] =	dma.local [hbm:s3], $0xF7A  }
0x26: {  	[smem:$0x3F99] =	sst s1;
	(tag) =	ssettag s2;
	_ =	strace s9  }
0x27: {  	s1 =	sld [smem:$0x3FA9]  }
0x28: {  	s2 =	sld [smem:$0x3FAA]  }
0x29: {  	s4 =	sld [smem:$0x3FAC]  }
0x2a: {  	p0 =	seq.s32 s5, $0x0;
	s5 =	sld [smem:$0x3FAD]  }
0x2b: {  	s6 =	sld [smem:$0x3FAE]  }
0x2c: {  	s7 =	sld [smem:$0x3FAF]  }
0x2d: {  	s3 =	simm.s32 $0x108;
	s8 =	sld [smem:$0x3FB0]  }
0x2e: {  	s3 =	simm.s32 @!p0 $0x1082;
	s9 =	sld [smem:$0x3FB1]  }
0x2f: {  	lr =	sadd.s32 s0, s3;
	s0 =	sld [smem:$0x3FA8]  }
0x30: {  	s3 =	sld [smem:$0x3FAB]  }
0x31: {  	[smem:$0x3FB4] =	sst s10  }
0x32: {  	s10 =	sld [smem:$0x3FB2];
	_ =	sdelay $0x3  }
0x33: {  	p0 =	seq.s32 s10, $0x1;
	s10 =	sld [smem:$0x3FB4];
	_ =	sdelay $0x3  }
0x34: {  	[smem:$0x3FB4] =	sst s10  }
0x35: {  	s10 =	sld [smem:$0x3FB3];
	_ =	sdelay $0x3  }
0x36: {  	p1 =	seq.s32 s10, $0x1;
	s10 =	sld [smem:$0x3FB4];
	_ =	sdelay $0x3  }
0x37: {  	[smem:$0x3FB4] =	sst s10  }
0x38: {  	s10 =	sld [smem:$0x3FB5]  }
0x39: {  	_ = 	snop;
	(pc) =	sbr.ind lr, $3  }
0x3a: {  	_ = 	snop  }
0x3b: {  	_ = 	snop  }
0x3c: {  	p2 =	seq.s32 s10, $0x1;
	s10 =	sld [smem:$0x3FB4]  }
0x3d: {  	_ =	shalt  }
0x3e: {  	_ =	shalt  }
0x3f: {  	_ =	shalt  }
0x40: {  	_ =	shalt  }
0x41: {  	_ =	shalt  }
0x42: {  	_ =	shalt  }
0x43: {  	_ =	shalt  }
0x44: {  	_ =	shalt  }
0x45: {  	_ =	shalt  }
0x46: {  	_ =	shalt  }
0x47: {  	_ =	shalt  }
0x48: {  	_ =	shalt  }
0x49: {  	_ =	shalt  }
0x4a: {  	_ =	shalt  }
0x4b: {  	_ =	shalt  }
0x4c: {  	_ =	shalt  }
0x4d: {  	_ =	shalt  }
0x4e: {  	_ =	shalt  }
0x4f: {  	_ =	shalt  }
0x50: {  	_ =	shalt  }
0x51: {  	_ =	shalt  }
0x52: {  	_ =	shalt  }
0x53: {  	_ =	shalt  }
0x54: {  	_ =	shalt  }
0x55: {  	_ =	shalt  }
0x56: {  	_ =	shalt  }
0x57: {  	_ =	shalt  }
0x58: {  	_ =	shalt  }
0x59: {  	_ =	shalt  }
0x5a: {  	_ =	shalt  }
0x5b: {  	_ =	shalt  }
0x5c: {  	_ =	shalt  }
0x5d: {  	_ =	shalt  }
0x5e: {  	_ =	shalt  }
0x5f: {  	_ =	shalt  }
0x60: {  	_ =	shalt  }
0x61: {  	_ =	shalt  }
0x62: {  	_ =	shalt  }
0x63: {  	_ =	shalt  }
0x64: {  	_ =	shalt  }
0x65: {  	_ =	shalt  }
0x66: {  	_ =	shalt  }
0x67: {  	_ =	shalt  }
0x68: {  	_ =	shalt  }
0x69: {  	_ =	shalt  }
0x6a: {  	_ =	shalt  }
0x6b: {  	_ =	shalt  }
0x6c: {  	_ =	shalt  }
0x6d: {  	_ =	shalt  }
0x6e: {  	_ =	shalt  }
0x6f: {  	_ =	shalt  }
0x70: {  	_ =	shalt  }
0x71: {  	_ =	shalt  }
0x72: {  	_ =	shalt  }
0x73: {  	_ =	shalt  }
0x74: {  	_ =	shalt  }
0x75: {  	_ =	shalt  }
0x76: {  	_ =	shalt  }
0x77: {  	_ =	shalt  }
0x78: {  	_ =	shalt  }
0x79: {  	_ =	shalt  }
0x7a: {  	_ =	shalt  }
0x7b: {  	_ =	shalt  }
0x7c: {  	_ =	shalt  }
0x7d: {  	_ =	shalt  }
0x7e: {  	_ =	shalt  }
0x7f: {  	_ =	shalt  }
0x80: {  	_ =	shalt  }
0x81: {  	_ =	shalt  }
0x82: {  	_ =	shalt  }
0x83: {  	_ =	shalt  }
0x84: {  	_ =	shalt  }
0x85: {  	_ =	shalt  }
0x86: {  	_ =	shalt  }
0x87: {  	_ =	shalt  }
.Lfunc_end0:
.L_simem_size_0:
called_computation_lowered:
.L_overlay_start_0:
0x88: {  	s2 =	sld [smem:$0x3FD9]  }
0x89: {  	s3 =	sld [smem:$0x3FFE];
	_ =	sdelay $0x1  }
0x8a: {  	s1 =	srdreg.scid  }
0x8b: {  	s0 =	sand.u32 $0x1, s1  }
0x8c: {  	s16 =	sshll.u32 s0, $0xA;
	s2 =	sadd.s32 s3, s2  }
0x8d: {  	s2 =	sadd.s32 s2, s16  }
0x8e: {  	[smem:$0x3FC0] =	sst s2  }
0x8f: {  	_ = 	snop  }
0x90: {  	(tm) =	ssettm $0x1  }
0x91: {  	s17 =	sld [smem:$0x3FFB];
	_ =	sdelay $0x3  }
0x92: {  	_ =	strace s17  }
0x93: {  	s2 =	sld [smem:$0x3FFC];
	_ =	sdelay $0x3  }
0x94: {  	_ =	strace s2  }
0x95: {  	s2 =	sld [smem:$0x3FFD];
	_ =	sdelay $0x3  }
0x96: {  	_ =	strace s2  }
0x97: {  	_ =	strace $0x8FFFFFFF  }
0x98: {  	s18 =	sld [smem:$0x3FDB];
	_ =	sdelay $0x1  }
0x99: {  	s19 =	simm.s32 $_scs_section_size  }
0x9a: {  	s4 =	simm.s32 $_size__tile_overlayer_lowered;
	s5 =	simm.s32 $_tile_overlayer_lowered  }
0x9b: {  	s22 =	simm.s32 $0x1BFF;
	s21 =	sshll.u32 s5, $0x1;
	s2 =	sadd.s32 s19, s18  }
0x9c: {  	s6 =	simm.s32 $0x0;
	s20 =	sshll.u32 s4, $0x1;
	s4 =	sadd.s32 s21, s2  }
0x9d: {  	[timem:s6], [sflag:s22] =	dma.local [hbm:s4], s20  }
0x9e: {  	_ =	swait.ge [sflag:s22], s20  }
0x9f: {  	s3 =	ssub.s32 $0x0, s20;
	[sflag:s22] =	ssyncset.done $0x0  }
0xa0: {  	[sflag:s22] =	ssyncadd.s32 s3;
	_ =	sdelay $0x1  }
0xa1: {  	s23 =	simm.s32 $0x1B8B  }
0xa2: {  	_ =	swait.ge [sflag:s23], $0x1  }
0xa3: {  	[sflag:s23] =	ssyncset.done $0x0  }
0xa4: {  	s25 =	simm.s32 $0x1B8E;
	s24 =	sld [smem:$0x3FFE];
	[sflag:s23] =	ssyncadd.s32 $0xFFFFFFFF  }
0xa5: {  	s26 =	simm.s32 $execute0_lowered;
	[smem:$0x3FD2] =	sst s25  }
0xa6: {  	s4 =	sshll.u32 s26, $0x1;
	_ =	strace $0x80000046;
	[dreg:$0x1] =	wrdreg $0xFFFFFFFF  }
0xa7: {  	s28 =	simm.s32 $_size_execute0_lowered;
	s2 =	sadd.s32 s2, s4;
	[dreg:$0x0] =	wrdreg $0x0  }
0xa8: {  	s4 =	sshll.u32 s28, $0x1;
	[dreg:$0x2] =	wrdreg s2  }
0xa9: {  	[dreg:$0x3] =	wrdreg s4  }
0xaa: {  	[dreg:$0x4] =	wrdreg $0xC0  }
0xab: {  	_ =	task [dreg:s6], $0x5FFFF  }
0xac: {  	[dreg:$0x1] =	wrdreg $0xFFFFFFFF  }
0xad: {  	[dreg:$0x0] =	wrdreg $0x60  }
0xae: {  	[dreg:$0x2] =	wrdreg s24  }
0xaf: {  	[dreg:$0x3] =	wrdreg $0x61100  }
0xb0: {  	[dreg:$0x4] =	wrdreg $0x9  }
0xb1: {  	_ =	task.clear_ibuf [dreg:s6], $0x5FFFF;
	_ =	strace $0x90000046  }
0xb2: {  	s29 =	simm.s32 $0x9;
	_ =	strace $0x80000048  }
0xb3: {  	_ =	swait.ge [sflag:s29], $0x1  }
0xb4: {  	[sflag:s29] =	ssyncadd.s32 $0xFFFFFFFF  }
0xb5: {  	_ =	strace $0x90000048  }
0xb6: {  	_ =	sfence  }
0xb7: {  	s30 =	sld [smem:$0x0];
	_ =	sdelay $0x2  }
0xb8: {  	s31 =	sshll.u32 s1, $0xD;
	s1 =	sshrl.u32 s1, $0x2  }
0xb9: {  	s3 =	sand.u32 $0x4000, s31;
	s1 =	sadd.s32 s1, s30  }
0xba: {  	s0 =	sor.u32 s3, s0;
	s1 =	sshll.u32 s1, $0x11  }
0xbb: {  	s0 =	sor.u32 s1, s0  }
0xbc: {  	s0 =	sadd.s32 $0x8F2B, s0  }
0xbd: {  	[sflag:s0] =	ssyncadd.remote.s32 $0x1  }
0xbe: {  	_ =	sfence.sel $0xFFFF  }
0xbf: {  	[dreg:$0x0] =	wrdreg $0xFFFFFFFF;
	(pc) =	sbr.abs _section_cstart, $3  }
0xc0: {  	[dreg:$0x1] =	wrdreg $0xFFFFFFFF  }
0xc1: {  	_ =	task.clear_ibuf [dreg:s6], $0x2FFFF;
	_ =	strace $0x9FFFFFFF  }
0xc2: {  	(tm) =	ssettm $0x7FFFFFFF  }
0xc3: {  	_ =	shalt  }
tec
execute0_lowered:
.L_overlay_start_1:
0x0: {  	(tag) =	ssettag $0x1  }
0x1: {  	s9 =	rddreg [dreg:$0x0]  }
0x2: {  	s1 =	rddreg [dreg:$0x1]  }
0x3: {  	s0 =	rddreg [dreg:$0x2];
	s2 =	simm.s32 $0x0  }
0x4: {  	s3 =	srdreg.scid;
	s19 =	simm.s32 $0x2710;
	s20 =	simm.s32 $0xA0  }
0x5: {  	s21 =	simm.s32 $0xF0;
	s22 =	simm.s32 $0x140;
	s23 =	simm.s32 $0x1  }
0x6: {  	s24 =	simm.s32 $0x0;
	[smem:$0x7FF] =	sst s2;
	s7 =	sand.u32 $0x1, s3  }
0x7: {  	s3 =	stileid.u32;
	s14 =	sadd.s32 $0x1C400, s9;
	_ =	strace $0x80000047  }
0x8: {  	s4 =	ssub.s32 $0x2, s7;
	s6 =	sshll.u32 s3, $0x1;
	s10 =	smul.u32 $0x2800, s3  }
0x9: {  	s18 =	smul.u32 $0x28000, s7;
	s5 =	sshrl.u32 s4, $0x1;
	s8 =	sor.u32 s7, s6  }
0xa: {  	s15 =	ssub.s32 s4, s5;
	s4 =	sadd.s32 s10, s1;
	s11 =	sadd.s32 $0x800, s10  }
0xb: {  	s12 =	sadd.s32 $0x1000, s10;
	s13 =	smul.u32 $0x2710, s8;
	s16 =	sadd.s32 $0x1800, s10  }
0xc: {  	s17 =	sadd.s32 $0x2000, s10;
	s10 =	sadd.s32 s10, s18;
	s5 =	sadd.s32 s11, s1  }
0xd: {  	s6 =	sadd.s32 s12, s1;
	s7 =	sadd.s32 s16, s1;
	s8 =	sadd.s32 s17, s1  }
0xe: {  	s11 =	sadd.s32 s18, s11;
	s10 =	sshrl.u32 s10, $0x3;
	s12 =	sadd.s32 s18, s12  }
0xf: {  	s30 =	sadd.s32 s18, s16;
	s31 =	sadd.s32 s18, s17;
	s15 =	smax.u32 s15, $0x1  }
0x10: {  	s17 =	simm.s32 $0x2;
	s18 =	simm.s32 $0x50;
	s13 =	sshrl.u32 s13, $0x3  }
0x11: {  	s11 =	sshrl.u32 s11, $0x3;
	s10 =	sadd.s32 s14, s10;
	s12 =	sshrl.u32 s12, $0x3  }
0x12: {  	s16 =	sshrl.u32 s31, $0x3;
	s9 =	sadd.s32 s9, s13;
	s11 =	sadd.s32 s14, s11  }
0x13: {  	s12 =	sadd.s32 s14, s12;
	s13 =	sshrl.u32 s30, $0x3;
	s9 =	sadd.s32 $0xD640, s9  }
0x14: {  	v0 =	vimm.f32 $0.0e+00;
	v1 =	vimm.f32 $1.000000000e+00;
	s13 =	sadd.s32 s14, s13;
	s14 =	sadd.s32 s14, s16;
	s16 =	simm.s32 $0x5910  }
.LBB2_1:
0x15: {  	s25 =	simm.s32 $0x40;
	s26 =	simm.s32 $0x0  }
.LBB2_2:
0x16: {  	p0 =	sne.s32 s25, $0x1FC0;
	[tilespmem:s26+$0x5910] =	vst v0;
	s26 =	smov.u32 s25;
	s25 =	sadd.s32 $0x40, s25  }
.Ltmp0:
0x17: {  	(pc) =	sbr.rel @p0 .LBB2_2-.Ltmp0, $2  }
0x18: {  	_ =	sdelay $0x2  }
0x19: {  	s26 =	sshra.s32 s26, $0x2  }
0x1a: {  	[tilespmem:s26+$0x5910] =	vst v0  }
0x1b: {  	[spmem:s4] =	stream.linear.scatter [tilespmem:s16], [sflag:$0x2], $0x800, $0x38;
	[tilespmem:$0x8910] =	vst v63  }
0x1c: {  	_ =	swait.ge [sflag:s17], $0x800  }
0x1d: {  	[sflag:s17] =	ssyncset.done $0x0  }
0x1e: {  	[sflag:s17] =	ssyncadd.s32 $0xFFFFF800  }
0x1f: {  	[spmem:s5] =	stream.linear.scatter [tilespmem:s16], [sflag:$0x2], $0x800, $0x38;
	[tilespmem:$0x8910] =	vst v63  }
0x20: {  	_ =	swait.ge [sflag:s17], $0x800  }
0x21: {  	[sflag:s17] =	ssyncset.done $0x0  }
0x22: {  	[sflag:s17] =	ssyncadd.s32 $0xFFFFF800  }
0x23: {  	[spmem:s6] =	stream.linear.scatter [tilespmem:s16], [sflag:$0x2], $0x800, $0x38;
	[tilespmem:$0x8910] =	vst v63  }
0x24: {  	_ =	swait.ge [sflag:s17], $0x800  }
0x25: {  	[sflag:s17] =	ssyncset.done $0x0  }
0x26: {  	[sflag:s17] =	ssyncadd.s32 $0xFFFFF800  }
0x27: {  	[spmem:s7] =	stream.linear.scatter [tilespmem:s16], [sflag:$0x2], $0x800, $0x38;
	[tilespmem:$0x8910] =	vst v63  }
0x28: {  	_ =	swait.ge [sflag:s17], $0x800  }
0x29: {  	[sflag:s17] =	ssyncset.done $0x0  }
0x2a: {  	[sflag:s17] =	ssyncadd.s32 $0xFFFFF800  }
0x2b: {  	[spmem:s8] =	stream.linear.scatter [tilespmem:s16], [sflag:$0x2], $0x800, $0x38;
	[tilespmem:$0x8910] =	vst v63  }
0x2c: {  	_ =	swait.ge [sflag:s17], $0x800  }
0x2d: {  	[sflag:s17] =	ssyncset.done $0x0  }
0x2e: {  	s25 =	simm.s32 $0x0;
	[sflag:s17] =	ssyncadd.s32 $0xFFFFF800  }
0x2f: {  	[tilespmem:s25], [sflag:$0x2] =	stream.linear.gather [hbm4b:s9+s25], $0x2710, $0x38;
	[tilespmem:$0x8910] =	vst v63  }
0x30: {  	_ =	swait.ge [sflag:s17], $0x2710  }
0x31: {  	[sflag:s17] =	ssyncset.done $0x0  }
0x32: {  	s26 =	simm.s32 $0x0;
	s25 =	simm.s32 $0x40;
	[sflag:s17] =	ssyncadd.s32 $0xFFFFD8F0  }
.LBB2_4:
0x33: {  	p0 =	sne.s32 s25, $0x13C0;
	[tilespmem:s26+$0x2710] =	vst v1;
	s26 =	smov.u32 s25;
	s25 =	sadd.s32 $0x40, s25  }
.Ltmp1:
0x34: {  	(pc) =	sbr.rel @p0 .LBB2_4-.Ltmp1, $2  }
0x35: {  	_ =	sdelay $0x2  }
0x36: {  	s26 =	sshra.s32 s26, $0x2  }
0x37: {  	[tilespmem:s26+$0x2710] =	vst v1  }
0x38: {  	[bflag:$0x0] =	sbarrier.arrive $0xFFFF  }
0x39: {  	[spmem:s1] =	stream.indirect.scatter.add.f32 [tilespmem:s19], [sflag:$0x1], $0x10, s2, s18, $0xb8;
	[tilespmem:$0x8910] =	vst v63  }
0x3a: {  	_ = 	snop  }
0x3b: {  	[spmem:s1] =	stream.indirect.scatter.add.f32 [tilespmem:s19], [sflag:$0x1], $0x10, s18, s18, $0xb8;
	[tilespmem:$0x8910] =	vst v63  }
0x3c: {  	_ = 	snop  }
0x3d: {  	[spmem:s1] =	stream.indirect.scatter.add.f32 [tilespmem:s19], [sflag:$0x1], $0x10, s20, s18, $0xb8;
	[tilespmem:$0x8910] =	vst v63  }
0x3e: {  	_ = 	snop  }
0x3f: {  	[spmem:s1] =	stream.indirect.scatter.add.f32 [tilespmem:s19], [sflag:$0x1], $0x10, s21, s18, $0xb8;
	[tilespmem:$0x8910] =	vst v63  }
0x40: {  	_ = 	snop  }
0x41: {  	[spmem:s1] =	stream.indirect.scatter.add.f32 [tilespmem:s19], [sflag:$0x1], $0x10, s22, s18, $0xb8;
	[tilespmem:$0x8910] =	vst v63  }
0x42: {  	_ =	swait.ge [sflag:s23], $0x500  }
0x43: {  	[sflag:s23] =	ssyncset.done $0x0  }
0x44: {  	[sflag:s23] =	ssyncadd.s32 $0xFFFFFB00  }
0x45: {  	_ =	swait.ge [sflag:s23], $0x500  }
0x46: {  	[sflag:s23] =	ssyncset.done $0x0  }
0x47: {  	[sflag:s23] =	ssyncadd.s32 $0xFFFFFB00  }
0x48: {  	_ =	swait.ge [sflag:s23], $0x500  }
0x49: {  	[sflag:s23] =	ssyncset.done $0x0  }
0x4a: {  	[sflag:s23] =	ssyncadd.s32 $0xFFFFFB00  }
0x4b: {  	_ =	swait.ge [sflag:s23], $0x500  }
0x4c: {  	[sflag:s23] =	ssyncset.done $0x0  }
0x4d: {  	[sflag:s23] =	ssyncadd.s32 $0xFFFFFB00  }
0x4e: {  	_ =	swait.ge [sflag:s23], $0x500  }
0x4f: {  	[sflag:s23] =	ssyncset.done $0x0  }
0x50: {  	s25 =	simm.s32 $0x190;
	[sflag:s23] =	ssyncadd.s32 $0xFFFFFB00  }
0x51: {  	[spmem:s1] =	stream.indirect.scatter.add.f32 [tilespmem:s19], [sflag:$0x1], $0x10, s25, s18, $0xb8;
	[tilespmem:$0x8910] =	vst v63  }
0x52: {  	s29 =	simm.s32 $0x1E0  }
0x53: {  	[spmem:s1] =	stream.indirect.scatter.add.f32 [tilespmem:s19], [sflag:$0x1], $0x10, s29, s18, $0xb8;
	[tilespmem:$0x8910] =	vst v63  }
0x54: {  	s30 =	simm.s32 $0x230  }
0x55: {  	[spmem:s1] =	stream.indirect.scatter.add.f32 [tilespmem:s19], [sflag:$0x1], $0x10, s30, s18, $0xb8;
	[tilespmem:$0x8910] =	vst v63  }
0x56: {  	s31 =	simm.s32 $0x280;
	s26 =	simm.s32 $0x2D0;
	s25 =	simm.s32 $0xFFFF7040  }
0x57: {  	[spmem:s1] =	stream.indirect.scatter.add.f32 [tilespmem:s19], [sflag:$0x1], $0x10, s31, s18, $0xb8;
	[tilespmem:$0x8910] =	vst v63  }
.LBB2_6:
0x58: {  	[spmem:s1] =	stream.indirect.scatter.add.f32 [tilespmem:s19], [sflag:$0x1], $0x10, s26, s18, $0xb8;
	[tilespmem:$0x8910] =	vst v63  }
0x59: {  	s26 =	smov.u32 s25  }
0x5a: {  	p0 =	sne.s32 s25, $0xFFFFF9C0;
	s25 =	sadd.s32 $0x640, s25;
	_ =	swait.ge [sflag:s23], $0x500  }
0x5b: {  	[sflag:s23] =	ssyncset.done $0x0  }
0x5c: {  	[sflag:s23] =	ssyncadd.s32 $0xFFFFFB00  }
0x5d: {  	_ =	swait.ge [sflag:s23], $0x500  }
0x5e: {  	[sflag:s23] =	ssyncset.done $0x0  }
0x5f: {  	[sflag:s23] =	ssyncadd.s32 $0xFFFFFB00  }
0x60: {  	_ =	swait.ge [sflag:s23], $0x500  }
0x61: {  	[sflag:s23] =	ssyncset.done $0x0  }
0x62: {  	[sflag:s23] =	ssyncadd.s32 $0xFFFFFB00  }
0x63: {  	_ =	swait.ge [sflag:s23], $0x500  }
0x64: {  	[sflag:s23] =	ssyncset.done $0x0  }
0x65: {  	[sflag:s23] =	ssyncadd.s32 $0xFFFFFB00  }
0x66: {  	_ =	swait.ge [sflag:s23], $0x500  }
0x67: {  	s26 =	sshra.s32 s26, $0x2;
	[sflag:s23] =	ssyncset.done $0x0  }
0x68: {  	s28 =	sadd.s32 $0x2710, s26;
	[sflag:s23] =	ssyncadd.s32 $0xFFFFFB00  }
0x69: {  	[spmem:s1] =	stream.indirect.scatter.add.f32 [tilespmem:s19], [sflag:$0x1], $0x10, s28, s18, $0xb8;
	[tilespmem:$0x8910] =	vst v63  }
0x6a: {  	s28 =	sadd.s32 $0x2760, s26  }
0x6b: {  	[spmem:s1] =	stream.indirect.scatter.add.f32 [tilespmem:s19], [sflag:$0x1], $0x10, s28, s18, $0xb8;
	[tilespmem:$0x8910] =	vst v63  }
.Ltmp2:
0x6c: {  	s28 =	sadd.s32 $0x27B0, s26;
	(pc) =	sbr.rel @p0 .LBB2_6-.Ltmp2, $4  }
0x6d: {  	[spmem:s1] =	stream.indirect.scatter.add.f32 [tilespmem:s19], [sflag:$0x1], $0x10, s28, s18, $0xb8;
	[tilespmem:$0x8910] =	vst v63  }
0x6e: {  	s28 =	sadd.s32 $0x2800, s26  }
0x6f: {  	[spmem:s1] =	stream.indirect.scatter.add.f32 [tilespmem:s19], [sflag:$0x1], $0x10, s28, s18, $0xb8;
	[tilespmem:$0x8910] =	vst v63  }
0x70: {  	s26 =	sadd.s32 $0x2850, s26  }
0x71: {  	[spmem:s1] =	stream.indirect.scatter.add.f32 [tilespmem:s19], [sflag:$0x1], $0x10, s26, s18, $0xb8;
	[tilespmem:$0x8910] =	vst v63  }
0x72: {  	_ =	swait.ge [sflag:s23], $0x500  }
0x73: {  	[sflag:s23] =	ssyncset.done $0x0  }
0x74: {  	[sflag:s23] =	ssyncadd.s32 $0xFFFFFB00  }
0x75: {  	_ =	swait.ge [sflag:s23], $0x500  }
0x76: {  	[sflag:s23] =	ssyncset.done $0x0  }
0x77: {  	[sflag:s23] =	ssyncadd.s32 $0xFFFFFB00  }
0x78: {  	_ =	swait.ge [sflag:s23], $0x500  }
0x79: {  	[sflag:s23] =	ssyncset.done $0x0  }
0x7a: {  	[sflag:s23] =	ssyncadd.s32 $0xFFFFFB00  }
0x7b: {  	_ =	swait.ge [sflag:s23], $0x500  }
0x7c: {  	[sflag:s23] =	ssyncset.done $0x0  }
0x7d: {  	[sflag:s23] =	ssyncadd.s32 $0xFFFFFB00  }
0x7e: {  	_ =	swait.ge [sflag:s23], $0x500  }
0x7f: {  	[sflag:s23] =	ssyncset.done $0x0  }
0x80: {  	s25 =	sshll.u32 s3, $0x6;
	[sflag:s23] =	ssyncadd.s32 $0xFFFFFB00  }
0x81: {  	s31 =	sshrl.u32 s4, $0x3;
	s25 =	sor.u32 $0x1C02, s25;
	[bflag:$0x0] =	sbarrier.arrive $0xFFFF  }
0x82: {  	[hbm:s10], [sflag:s25] =	dma.local [spmem:s31], $0x100  }
0x83: {  	_ =	swait.ge [sflag:s17], $0x100  }
0x84: {  	[sflag:s17] =	ssyncset.done $0x0  }
0x85: {  	s28 =	sshrl.u32 s5, $0x3;
	[sflag:s17] =	ssyncadd.s32 $0xFFFFFF00  }
0x86: {  	[hbm:s11], [sflag:s25] =	dma.local [spmem:s28], $0x100  }
0x87: {  	_ =	swait.ge [sflag:s17], $0x100  }
0x88: {  	[sflag:s17] =	ssyncset.done $0x0  }
0x89: {  	s29 =	sshrl.u32 s6, $0x3;
	[sflag:s17] =	ssyncadd.s32 $0xFFFFFF00  }
0x8a: {  	[hbm:s12], [sflag:s25] =	dma.local [spmem:s29], $0x100  }
0x8b: {  	_ =	swait.ge [sflag:s17], $0x100  }
0x8c: {  	[sflag:s17] =	ssyncset.done $0x0  }
0x8d: {  	s30 =	sshrl.u32 s7, $0x3;
	[sflag:s17] =	ssyncadd.s32 $0xFFFFFF00  }
0x8e: {  	[hbm:s13], [sflag:s25] =	dma.local [spmem:s30], $0x100  }
0x8f: {  	s24 =	sadd.s32 $0x1, s24;
	_ =	swait.ge [sflag:s17], $0x100  }
0x90: {  	p0 =	sne.s32 s24, s15;
	[sflag:s17] =	ssyncset.done $0x0  }
.Ltmp3:
0x91: {  	s31 =	sshrl.u32 s8, $0x3;
	[sflag:s17] =	ssyncadd.s32 $0xFFFFFF00;
	(pc) =	sbr.rel @p0 .LBB2_1-.Ltmp3, $4  }
0x92: {  	[hbm:s14], [sflag:s25] =	dma.local [spmem:s31], $0x100  }
0x93: {  	_ =	swait.ge [sflag:s17], $0x100  }
0x94: {  	[sflag:s17] =	ssyncset.done $0x0  }
0x95: {  	[sflag:s17] =	ssyncadd.s32 $0xFFFFFF00  }
0x96: {  	_ =	sfence.sel $0x180000  }
0x97: {  	[bflag:$0x0] =	sbarrier.arrive $0xFFFF  }
0x98: {  	p0 =	sne.s32 s3, $0x0;
	_ =	strace $0x90000047  }
0x99: {  	s0 =	sadd.s32 @!p0 $0x100000, s0;
	[bflag:$0x2] =	sbarrier.arrive $0xFFFF  }
0x9a: {  	[sflag:s0] =	ssyncadd.tile.s32 @!p0 $0x1;
	_ =	shalt  }
.Lfunc_end2:
_tile_overlayer_lowered:
.L_overlay_start_2:
0x9b: {  	(tag) =	ssettag $0x2  }
0x9c: {  	s0 =	rddreg [dreg:$0x0];
	s2 =	stileid.u32  }
0x9d: {  	s1 =	rddreg [dreg:$0x1];
	p0 =	sne.s32 s2, $0x0  }
0x9e: {  	s3 =	rddreg [dreg:$0x2];
	[bflag:$0x3] =	sbarrier.arrive $0xFFFF;
	s2 =	simm.s32 @!p0 $0x1C02  }
0x9f: {  	[timem:s3], [sflag:s2] =	dma.local @!p0 [hbm:s0], s1  }
0xa0: {  	s0 =	simm.s32 @!p0 $0x2  }
0xa1: {  	_ =	swait.ge @!p0 [sflag:s0], s1  }
0xa2: {  	s1 =	ssub.s32 @!p0 $0x0, s1;
	[sflag:s0] =	ssyncset.done @!p0 $0x0  }
0xa3: {  	[sflag:s0] =	ssyncadd.s32 @!p0 s1  }
0xa4: {  	[bflag:$0x3] =	sbarrier.arrive $0xFFFF  }
0xa5: {  	_ =	shalt  }

// kernel: kernel.14.cloned.1.call-start
scs
__scs_entry_jumppad:
0x0: {  	(pc) =	sbr.rel $0x88, $3  }
0x1: {  	(tag) =	ssettag $0x0;
	lr =	simm.s32 $0x1  }
0x2: {  	[smem:$0x3F99] =	sst lr;
	_ =	strace $0xD0000000  }
0x3: {  	_ = 	snop  }
0x4: {  	_ = 	snop  }
0x5: {  	_ = 	snop  }
0x6: {  	_ = 	snop  }
0x7: {  	_ = 	snop  }
__scs_overlays_trampoline_lowered:
0x8: {  	[smem:$0x3FA8] =	sst s0  }
0x9: {  	[smem:$0x3FA9] =	sst s1  }
0xa: {  	[smem:$0x3FAA] =	sst s2  }
0xb: {  	[smem:$0x3FAB] =	sst s3  }
0xc: {  	[smem:$0x3FAC] =	sst s4  }
0xd: {  	[smem:$0x3FAD] =	sst s5  }
0xe: {  	[smem:$0x3FAE] =	sst s6  }
0xf: {  	[smem:$0x3FAF] =	sst s7  }
0x10: {  	[smem:$0x3FB0] =	sst s8  }
0x11: {  	[smem:$0x3FB1] =	sst s9;
	s0 =	simm.s32 @!p0 $0x0  }
0x12: {  	s1 =	sld [smem:$0x3F97];
	s0 =	simm.s32 @p0 $0x1  }
0x13: {  	[smem:$0x3FB2] =	sst s0;
	s0 =	simm.s32 @!p1 $0x0  }
0x14: {  	s2 =	sld [smem:$0x3F96];
	s0 =	simm.s32 @p1 $0x1  }
0x15: {  	[smem:$0x3FB3] =	sst s0;
	s0 =	simm.s32 @!p2 $0x0  }
0x16: {  	s3 =	sld [smem:$0x3FDB];
	s0 =	simm.s32 @p2 $0x1  }
0x17: {  	s4 =	simm.s32 $0x1BF5;
	[smem:$0x3FB5] =	sst s0  }
0x18: {  	s0 =	sld [smem:$0x3F98];
	_ =	swait.ge [sflag:s4], $0x0  }
0x19: {  	s7 =	sld [smem:$0x3F99]  }
0x1a: {  	s8 =	sadd.s32 $0xFFFFE003, lr  }
0x1b: {  	s9 =	sadd.s32 $0xFFFFFEF7, lr;
	s5 =	simm.s32 $0xFFFFFFFF;
	p2 =	slt.u32 s8, $0xFFFFF086  }
0x1c: {  	p1 =	slt.u32 s9, $0xF7A;
	s5 =	simm.s32 @!p2 $0x0  }
0x1d: {  	s5 =	simm.s32 @p1 $0x1;
	p0 =	seq.s32 s7, s2  }
0x1e: {  	s7 =	smul.u32 @!p0 $0xF7A, s2;
	p2 =	seq.s32 @!p0 s5, $0x0  }
0x1f: {  	s9 =	smul.u32 $0xF7A, s1;
	s8 =	simm.s32 @!p0 $0x1BF5;
	p2 =	por !p2, p0  }
0x20: {  	[sflag:s8] =	ssyncset.s32 @!p0 $0xFFFFF086;
	s6 =	sadd.s32 @!p0 s3, s7;
	s7 =	simm.s32 @!p0 $0x108  }
0x21: {  	s3 =	sadd.s32 s3, s9;
	s6 =	sadd.s32 @!p0 $0x88, s6;
	s7 =	simm.s32 @p2 $0x1082  }
0x22: {  	[simem:s7], [sflag:s8] =	dma.local @!p0 [hbm:s6], $0xF7A  }
0x23: {  	s9 =	sor.u32 $0xD0000000, s2;
	s6 =	simm.s32 $0x108;
	_ =	swait.ge @!p0 [sflag:s8], $0x0  }
0x24: {  	s3 =	sadd.s32 $0x88, s3;
	s6 =	simm.s32 @!p1 $0x1082;
	[sflag:s4] =	ssyncset.s32 $0xFFFFF086  }
0x25: {  	[simem:s6], [sflag:s4] =	dma.local [hbm:s3], $0xF7A  }
0x26: {  	[smem:$0x3F99] =	sst s1;
	(tag) =	ssettag s2;
	_ =	strace s9  }
0x27: {  	s1 =	sld [smem:$0x3FA9]  }
0x28: {  	s2 =	sld [smem:$0x3FAA]  }
0x29: {  	s4 =	sld [smem:$0x3FAC]  }
0x2a: {  	p0 =	seq.s32 s5, $0x0;
	s5 =	sld [smem:$0x3FAD]  }
0x2b: {  	s6 =	sld [smem:$0x3FAE]  }
0x2c: {  	s7 =	sld [smem:$0x3FAF]  }
0x2d: {  	s3 =	simm.s32 $0x108;
	s8 =	sld [smem:$0x3FB0]  }
0x2e: {  	s3 =	simm.s32 @!p0 $0x1082;
	s9 =	sld [smem:$0x3FB1]  }
0x2f: {  	lr =	sadd.s32 s0, s3;
	s0 =	sld [smem:$0x3FA8]  }
0x30: {  	s3 =	sld [smem:$0x3FAB]  }
0x31: {  	[smem:$0x3FB4] =	sst s10  }
0x32: {  	s10 =	sld [smem:$0x3FB2];
	_ =	sdelay $0x3  }
0x33: {  	p0 =	seq.s32 s10, $0x1;
	s10 =	sld [smem:$0x3FB4];
	_ =	sdelay $0x3  }
0x34: {  	[smem:$0x3FB4] =	sst s10  }
0x35: {  	s10 =	sld [smem:$0x3FB3];
	_ =	sdelay $0x3  }
0x36: {  	p1 =	seq.s32 s10, $0x1;
	s10 =	sld [smem:$0x3FB4];
	_ =	sdelay $0x3  }
0x37: {  	[smem:$0x3FB4] =	sst s10  }
0x38: {  	s10 =	sld [smem:$0x3FB5]  }
0x39: {  	_ = 	snop;
	(pc) =	sbr.ind lr, $3  }
0x3a: {  	_ = 	snop  }
0x3b: {  	_ = 	snop  }
0x3c: {  	p2 =	seq.s32 s10, $0x1;
	s10 =	sld [smem:$0x3FB4]  }
0x3d: {  	_ =	shalt  }
0x3e: {  	_ =	shalt  }
0x3f: {  	_ =	shalt  }
0x40: {  	_ =	shalt  }
0x41: {  	_ =	shalt  }
0x42: {  	_ =	shalt  }
0x43: {  	_ =	shalt  }
0x44: {  	_ =	shalt  }
0x45: {  	_ =	shalt  }
0x46: {  	_ =	shalt  }
0x47: {  	_ =	shalt  }
0x48: {  	_ =	shalt  }
0x49: {  	_ =	shalt  }
0x4a: {  	_ =	shalt  }
0x4b: {  	_ =	shalt  }
0x4c: {  	_ =	shalt  }
0x4d: {  	_ =	shalt  }
0x4e: {  	_ =	shalt  }
0x4f: {  	_ =	shalt  }
0x50: {  	_ =	shalt  }
0x51: {  	_ =	shalt  }
0x52: {  	_ =	shalt  }
0x53: {  	_ =	shalt  }
0x54: {  	_ =	shalt  }
0x55: {  	_ =	shalt  }
0x56: {  	_ =	shalt  }
0x57: {  	_ =	shalt  }
0x58: {  	_ =	shalt  }
0x59: {  	_ =	shalt  }
0x5a: {  	_ =	shalt  }
0x5b: {  	_ =	shalt  }
0x5c: {  	_ =	shalt  }
0x5d: {  	_ =	shalt  }
0x5e: {  	_ =	shalt  }
0x5f: {  	_ =	shalt  }
0x60: {  	_ =	shalt  }
0x61: {  	_ =	shalt  }
0x62: {  	_ =	shalt  }
0x63: {  	_ =	shalt  }
0x64: {  	_ =	shalt  }
0x65: {  	_ =	shalt  }
0x66: {  	_ =	shalt  }
0x67: {  	_ =	shalt  }
0x68: {  	_ =	shalt  }
0x69: {  	_ =	shalt  }
0x6a: {  	_ =	shalt  }
0x6b: {  	_ =	shalt  }
0x6c: {  	_ =	shalt  }
0x6d: {  	_ =	shalt  }
0x6e: {  	_ =	shalt  }
0x6f: {  	_ =	shalt  }
0x70: {  	_ =	shalt  }
0x71: {  	_ =	shalt  }
0x72: {  	_ =	shalt  }
0x73: {  	_ =	shalt  }
0x74: {  	_ =	shalt  }
0x75: {  	_ =	shalt  }
0x76: {  	_ =	shalt  }
0x77: {  	_ =	shalt  }
0x78: {  	_ =	shalt  }
0x79: {  	_ =	shalt  }
0x7a: {  	_ =	shalt  }
0x7b: {  	_ =	shalt  }
0x7c: {  	_ =	shalt  }
0x7d: {  	_ =	shalt  }
0x7e: {  	_ =	shalt  }
0x7f: {  	_ =	shalt  }
0x80: {  	_ =	shalt  }
0x81: {  	_ =	shalt  }
0x82: {  	_ =	shalt  }
0x83: {  	_ =	shalt  }
0x84: {  	_ =	shalt  }
0x85: {  	_ =	shalt  }
0x86: {  	_ =	shalt  }
0x87: {  	_ =	shalt  }
.Lfunc_end0:
.L_simem_size_0:
called_computation.1_lowered:
.L_overlay_start_0:
0x88: {  	s2 =	sld [smem:$0x3FD9]  }
0x89: {  	s3 =	sld [smem:$0x3FFE];
	_ =	sdelay $0x1  }
0x8a: {  	s1 =	srdreg.scid  }
0x8b: {  	s0 =	sand.u32 $0x1, s1  }
0x8c: {  	s16 =	sshll.u32 s0, $0xA;
	s2 =	sadd.s32 s3, s2  }
0x8d: {  	s2 =	sadd.s32 s2, s16  }
0x8e: {  	[smem:$0x3FC0] =	sst s2  }
0x8f: {  	_ = 	snop  }
0x90: {  	(tm) =	ssettm $0x1  }
0x91: {  	s17 =	sld [smem:$0x3FFB];
	_ =	sdelay $0x3  }
0x92: {  	_ =	strace s17  }
0x93: {  	s2 =	sld [smem:$0x3FFC];
	_ =	sdelay $0x3  }
0x94: {  	_ =	strace s2  }
0x95: {  	s2 =	sld [smem:$0x3FFD];
	_ =	sdelay $0x3  }
0x96: {  	_ =	strace s2  }
0x97: {  	_ =	strace $0x8FFFFFFF  }
0x98: {  	s18 =	sld [smem:$0x3FDB];
	_ =	sdelay $0x1  }
0x99: {  	s19 =	simm.s32 $_scs_section_size  }
0x9a: {  	s4 =	simm.s32 $_size__tile_overlayer_lowered;
	s5 =	simm.s32 $_tile_overlayer_lowered  }
0x9b: {  	s22 =	simm.s32 $0x1BFF;
	s21 =	sshll.u32 s5, $0x1;
	s2 =	sadd.s32 s19, s18  }
0x9c: {  	s6 =	simm.s32 $0x0;
	s20 =	sshll.u32 s4, $0x1;
	s4 =	sadd.s32 s21, s2  }
0x9d: {  	[timem:s6], [sflag:s22] =	dma.local [hbm:s4], s20  }
0x9e: {  	_ =	swait.ge [sflag:s22], s20  }
0x9f: {  	s3 =	ssub.s32 $0x0, s20;
	[sflag:s22] =	ssyncset.done $0x0  }
0xa0: {  	[sflag:s22] =	ssyncadd.s32 s3;
	_ =	sdelay $0x1  }
0xa1: {  	s23 =	simm.s32 $0x1B8B  }
0xa2: {  	_ =	swait.ge [sflag:s23], $0x1  }
0xa3: {  	[sflag:s23] =	ssyncset.done $0x0  }
0xa4: {  	s25 =	simm.s32 $0x1B8E;
	s24 =	sld [smem:$0x3FFE];
	[sflag:s23] =	ssyncadd.s32 $0xFFFFFFFF  }
0xa5: {  	s26 =	simm.s32 $execute0_lowered;
	[smem:$0x3FD2] =	sst s25  }
0xa6: {  	s4 =	sshll.u32 s26, $0x1;
	_ =	strace $0x80000049;
	[dreg:$0x1] =	wrdreg $0xFFFFFFFF  }
0xa7: {  	s28 =	simm.s32 $_size_execute0_lowered;
	s2 =	sadd.s32 s2, s4;
	[dreg:$0x0] =	wrdreg $0x0  }
0xa8: {  	s4 =	sshll.u32 s28, $0x1;
	[dreg:$0x2] =	wrdreg s2  }
0xa9: {  	[dreg:$0x3] =	wrdreg s4  }
0xaa: {  	[dreg:$0x4] =	wrdreg $0xC0  }
0xab: {  	_ =	task [dreg:s6], $0x5FFFF  }
0xac: {  	[dreg:$0x1] =	wrdreg $0xFFFFFFFF  }
0xad: {  	[dreg:$0x0] =	wrdreg $0x60  }
0xae: {  	[dreg:$0x2] =	wrdreg s24  }
0xaf: {  	[dreg:$0x3] =	wrdreg $0x88200  }
0xb0: {  	[dreg:$0x4] =	wrdreg $0xB0200  }
0xb1: {  	[dreg:$0x5] =	wrdreg $0x9  }
0xb2: {  	_ =	task.clear_ibuf [dreg:s6], $0x6FFFF;
	_ =	strace $0x90000049  }
0xb3: {  	s29 =	simm.s32 $0x9;
	_ =	strace $0x8000004B  }
0xb4: {  	_ =	swait.ge [sflag:s29], $0x1  }
0xb5: {  	[sflag:s29] =	ssyncadd.s32 $0xFFFFFFFF  }
0xb6: {  	_ =	strace $0x9000004B  }
0xb7: {  	_ =	sfence  }
0xb8: {  	s30 =	sld [smem:$0x0];
	_ =	sdelay $0x2  }
0xb9: {  	s31 =	sshll.u32 s1, $0xD;
	s1 =	sshrl.u32 s1, $0x2  }
0xba: {  	s3 =	sand.u32 $0x4000, s31;
	s1 =	sadd.s32 s1, s30  }
0xbb: {  	s0 =	sor.u32 s3, s0;
	s1 =	sshll.u32 s1, $0x11  }
0xbc: {  	s0 =	sor.u32 s1, s0  }
0xbd: {  	s0 =	sadd.s32 $0x8F2B, s0  }
0xbe: {  	[sflag:s0] =	ssyncadd.remote.s32 $0x1  }
0xbf: {  	_ =	sfence.sel $0xFFFF  }
0xc0: {  	[dreg:$0x0] =	wrdreg $0xFFFFFFFF;
	(pc) =	sbr.abs _section_cstart, $3  }
0xc1: {  	[dreg:$0x1] =	wrdreg $0xFFFFFFFF  }
0xc2: {  	_ =	task.clear_ibuf [dreg:s6], $0x2FFFF;
	_ =	strace $0x9FFFFFFF  }
0xc3: {  	(tm) =	ssettm $0x7FFFFFFF  }
tec
execute0_lowered:
.L_overlay_start_1:
0x0: {  	(tag) =	ssettag $0x1  }
0x1: {  	s0 =	rddreg [dreg:$0x0]  }
0x2: {  	s2 =	rddreg [dreg:$0x1]  }
0x3: {  	s3 =	rddreg [dreg:$0x2]  }
0x4: {  	s6 =	stileid.u32;
	s1 =	srdreg.scid;
	s4 =	simm.s32 $0x0  }
0x5: {  	s19 =	simm.s32 $0x8020;
	s28 =	simm.s32 $0x5820;
	s30 =	simm.s32 $0x5D20  }
0x6: {  	s29 =	simm.s32 $0x2;
	s31 =	simm.s32 $0x1;
	s1 =	sand.u32 $0x1, s1  }
0x7: {  	s5 =	sshll.u32 s6, $0x1;
	s10 =	smul.u32 $0x2800, s6;
	[smem:$0x7FF] =	sst s4  }
0x8: {  	s5 =	sor.u32 s1, s5;
	s7 =	ssub.s32 $0x2, s1;
	s1 =	smul.u32 $0x28000, s1  }
0x9: {  	_ =	strace $0x8000004A;
	s5 =	smul.u32 $0x2710, s5;
	s6 =	sshrl.u32 s10, $0x3  }
0xa: {  	s20 =	sshrl.u32 s7, $0x1;
	s13 =	sadd.s32 $0x800, s10;
	s15 =	sadd.s32 $0x1000, s10  }
0xb: {  	s16 =	sadd.s32 $0x1800, s10;
	s17 =	sadd.s32 $0x2000, s10;
	s11 =	sadd.s32 s6, s0  }
0xc: {  	s18 =	ssub.s32 s7, s20;
	s6 =	sadd.s32 s13, s2;
	s7 =	sadd.s32 s15, s2  }
0xd: {  	s8 =	sadd.s32 s16, s2;
	s9 =	sadd.s32 s17, s2;
	s21 =	sadd.s32 s10, s1  }
0xe: {  	s22 =	sadd.s32 s1, s13;
	s25 =	sadd.s32 s1, s15;
	s26 =	sadd.s32 s1, s16  }
0xf: {  	s1 =	sadd.s32 s1, s17;
	s20 =	simm.s32 $0x3;
	s5 =	sshrl.u32 s5, $0x3  }
0x10: {  	s11 =	sadd.s32 $0x17400, s11;
	s24 =	sshrl.u32 s22, $0x3;
	s1 =	sshrl.u32 s1, $0x3  }
0x11: {  	s18 =	smax.u32 s18, $0x1;
	s12 =	sadd.s32 s5, s0;
	s0 =	sadd.s32 $0x1C400, s0  }
0x12: {  	s5 =	sadd.s32 s10, s2;
	s10 =	sadd.s32 s10, s3;
	[dreg:$0x6] =	wrdreg s11  }
0x13: {  	s14 =	sadd.s32 $0xD640, s12;
	s12 =	sadd.s32 $0x3A00, s12;
	s11 =	sadd.s32 s0, s24  }
0x14: {  	s17 =	sadd.s32 s0, s1;
	s22 =	sshrl.u32 s10, $0x3;
	[dreg:$0x4] =	wrdreg s14  }
0x15: {  	s24 =	simm.s32 $0x4E20;
	[dreg:$0x5] =	wrdreg s12;
	s12 =	sshrl.u32 s21, $0x3  }
0x16: {  	[dreg:$0x8] =	wrdreg s11;
	s11 =	sshrl.u32 s25, $0x3;
	s23 =	sadd.s32 s0, s12  }
0x17: {  	s21 =	simm.s32 $0x2710;
	s11 =	sadd.s32 s0, s11;
	[dreg:$0x7] =	wrdreg s23  }
0x18: {  	s25 =	simm.s32 $0x5320;
	s12 =	sshrl.u32 s26, $0x3;
	[dreg:$0x9] =	wrdreg s11  }
0x19: {  	v0 =	vimm.f32 $0.0e+00;
	s16 =	sadd.s32 s0, s12;
	s23 =	simm.s32 $0x50;
	s0 =	simm.s32 $0x6220  }
.LBB2_1:
0x1a: {  	s1 =	simm.s32 $0x40;
	s10 =	simm.s32 $0x0  }
.LBB2_2:
0x1b: {  	p0 =	sne.s32 s1, $0x1FC0;
	[tilespmem:s10+$0x8020] =	vst v0;
	s10 =	smov.u32 s1;
	s1 =	sadd.s32 $0x40, s1  }
.Ltmp0:
0x1c: {  	(pc) =	sbr.rel @p0 .LBB2_2-.Ltmp0, $2  }
0x1d: {  	_ =	sdelay $0x2  }
0x1e: {  	s10 =	sshra.s32 s10, $0x2  }
0x1f: {  	[tilespmem:s10+$0x8020] =	vst v0  }
0x20: {  	[spmem:s5] =	stream.linear.scatter [tilespmem:s19], [sflag:$0x3], $0x800, $0x38;
	[tilespmem:$0xD820] =	vst v63  }
0x21: {  	_ =	swait.ge [sflag:s20], $0x800  }
0x22: {  	[sflag:s20] =	ssyncset.done $0x0  }
0x23: {  	[sflag:s20] =	ssyncadd.s32 $0xFFFFF800  }
0x24: {  	[spmem:s6] =	stream.linear.scatter [tilespmem:s19], [sflag:$0x3], $0x800, $0x38;
	[tilespmem:$0xD820] =	vst v63  }
0x25: {  	_ =	swait.ge [sflag:s20], $0x800  }
0x26: {  	[sflag:s20] =	ssyncset.done $0x0  }
0x27: {  	[sflag:s20] =	ssyncadd.s32 $0xFFFFF800  }
0x28: {  	[spmem:s7] =	stream.linear.scatter [tilespmem:s19], [sflag:$0x3], $0x800, $0x38;
	[tilespmem:$0xD820] =	vst v63  }
0x29: {  	_ =	swait.ge [sflag:s20], $0x800  }
0x2a: {  	[sflag:s20] =	ssyncset.done $0x0  }
0x2b: {  	[sflag:s20] =	ssyncadd.s32 $0xFFFFF800  }
0x2c: {  	[spmem:s8] =	stream.linear.scatter [tilespmem:s19], [sflag:$0x3], $0x800, $0x38;
	[tilespmem:$0xD820] =	vst v63  }
0x2d: {  	_ =	swait.ge [sflag:s20], $0x800  }
0x2e: {  	[sflag:s20] =	ssyncset.done $0x0  }
0x2f: {  	[sflag:s20] =	ssyncadd.s32 $0xFFFFF800  }
0x30: {  	[spmem:s9] =	stream.linear.scatter [tilespmem:s19], [sflag:$0x3], $0x800, $0x38;
	[tilespmem:$0xD820] =	vst v63  }
0x31: {  	_ =	swait.ge [sflag:s20], $0x800  }
0x32: {  	[sflag:s20] =	ssyncset.done $0x0  }
0x33: {  	s1 =	simm.s32 $0x0;
	s12 =	rddreg [dreg:$0x4];
	[sflag:s20] =	ssyncadd.s32 $0xFFFFF800  }
0x34: {  	[tilespmem:s21], [sflag:$0x3] =	stream.linear.gather [hbm4b:s12+s1], $0x2710, $0x38;
	[tilespmem:$0xD820] =	vst v63  }
0x35: {  	_ =	swait.ge [sflag:s20], $0x2710  }
0x36: {  	[sflag:s20] =	ssyncset.done $0x0  }
0x37: {  	s13 =	rddreg [dreg:$0x5];
	[sflag:s20] =	ssyncadd.s32 $0xFFFFD8F0  }
0x38: {  	[tilespmem:s1], [sflag:$0x3] =	stream.linear.gather [hbm4b:s13+s1], $0x2710, $0x38;
	[tilespmem:$0xD820] =	vst v63  }
0x39: {  	s14 =	stileid.u32;
	_ =	swait.ge [sflag:s20], $0x2710  }
0x3a: {  	s10 =	sshll.u32 s14, $0x6;
	[sflag:s20] =	ssyncset.done $0x0  }
0x3b: {  	s26 =	sor.u32 $0x1C03, s10;
	s15 =	rddreg [dreg:$0x6];
	[sflag:s20] =	ssyncadd.s32 $0xFFFFD8F0  }
0x3c: {  	[spmem:s22], [sflag:s26] =	dma.local [hbm:s15], $0x500  }
0x3d: {  	_ =	swait.ge [sflag:s20], $0x500  }
0x3e: {  	[sflag:s20] =	ssyncset.done $0x0  }
0x3f: {  	[sflag:s20] =	ssyncadd.s32 $0xFFFFFB00  }
0x40: {  	[bflag:$0x0] =	sbarrier.arrive $0xFFFF  }
0x41: {  	[tilespmem:s24], [sflag:$0x1] =	stream.indirect.gather [spmem:s3], $0x10, s1, s23, $0xb8;
	[tilespmem:$0xD820] =	vst v63  }
0x42: {  	_ = 	snop  }
0x43: {  	[tilespmem:s25], [sflag:$0x1] =	stream.indirect.gather [spmem:s3], $0x10, s23, s23, $0xb8;
	[tilespmem:$0xD820] =	vst v63  }
0x44: {  	s11 =	simm.s32 $0xA0  }
0x45: {  	[tilespmem:s28], [sflag:$0x1] =	stream.indirect.gather [spmem:s3], $0x10, s11, s23, $0xb8;
	[tilespmem:$0xD820] =	vst v63  }
0x46: {  	s12 =	simm.s32 $0xF0  }
0x47: {  	[tilespmem:s30], [sflag:$0x1] =	stream.indirect.gather [spmem:s3], $0x10, s12, s23, $0xb8;
	[tilespmem:$0xD820] =	vst v63  }
0x48: {  	s13 =	simm.s32 $0x140  }
0x49: {  	[tilespmem:s0], [sflag:$0x1] =	stream.indirect.gather [spmem:s3], $0x10, s13, s23, $0xb8;
	[tilespmem:$0xD820] =	vst v63  }
0x4a: {  	s14 =	simm.s32 $0x190;
	s15 =	simm.s32 $0x6720  }
0x4b: {  	[tilespmem:s15], [sflag:$0x1] =	stream.indirect.gather [spmem:s3], $0x10, s14, s23, $0xb8;
	[tilespmem:$0xD820] =	vst v63  }
0x4c: {  	s10 =	simm.s32 $0x1E0;
	s11 =	simm.s32 $0x6C20  }
0x4d: {  	[tilespmem:s11], [sflag:$0x1] =	stream.indirect.gather [spmem:s3], $0x10, s10, s23, $0xb8;
	[tilespmem:$0xD820] =	vst v63  }
0x4e: {  	s12 =	simm.s32 $0x230;
	s13 =	simm.s32 $0x7120  }
0x4f: {  	[tilespmem:s13], [sflag:$0x1] =	stream.indirect.gather [spmem:s3], $0x10, s12, s23, $0xb8;
	[tilespmem:$0xD820] =	vst v63  }
0x50: {  	s14 =	simm.s32 $0x280;
	s15 =	simm.s32 $0x7620  }
0x51: {  	[tilespmem:s15], [sflag:$0x1] =	stream.indirect.gather [spmem:s3], $0x10, s14, s23, $0xb8;
	[tilespmem:$0xD820] =	vst v63  }
0x52: {  	s11 =	simm.s32 $0x2D0;
	s12 =	simm.s32 $0x7B20;
	s13 =	simm.s32 $0x1  }
0x53: {  	[tilespmem:s12], [sflag:$0x1] =	stream.indirect.gather [spmem:s3], $0x10, s11, s23, $0xb8;
	[tilespmem:$0xD820] =	vst v63  }
0x54: {  	_ =	swait.ge [sflag:s13], $0x500  }
0x55: {  	[sflag:s13] =	ssyncset.done $0x0  }
0x56: {  	[sflag:s13] =	ssyncadd.s32 $0xFFFFFB00  }
0x57: {  	_ =	swait.ge [sflag:s13], $0x500  }
0x58: {  	[sflag:s13] =	ssyncset.done $0x0  }
0x59: {  	[sflag:s13] =	ssyncadd.s32 $0xFFFFFB00  }
0x5a: {  	_ =	swait.ge [sflag:s13], $0x500  }
0x5b: {  	[sflag:s13] =	ssyncset.done $0x0  }
0x5c: {  	[sflag:s13] =	ssyncadd.s32 $0xFFFFFB00  }
0x5d: {  	_ =	swait.ge [sflag:s13], $0x500  }
0x5e: {  	[sflag:s13] =	ssyncset.done $0x0  }
0x5f: {  	[sflag:s13] =	ssyncadd.s32 $0xFFFFFB00  }
0x60: {  	_ =	swait.ge [sflag:s13], $0x500  }
0x61: {  	[sflag:s13] =	ssyncset.done $0x0  }
0x62: {  	[sflag:s13] =	ssyncadd.s32 $0xFFFFFB00  }
0x63: {  	[spmem:s2] =	stream.indirect.scatter.add.f32 [tilespmem:s24], [sflag:$0x2], $0x10, s21, s23, $0xb8;
	[tilespmem:$0xD820] =	vst v63  }
0x64: {  	s14 =	simm.s32 $0x2760  }
0x65: {  	[spmem:s2] =	stream.indirect.scatter.add.f32 [tilespmem:s25], [sflag:$0x2], $0x10, s14, s23, $0xb8;
	[tilespmem:$0xD820] =	vst v63  }
0x66: {  	s15 =	simm.s32 $0x27B0  }
0x67: {  	[spmem:s2] =	stream.indirect.scatter.add.f32 [tilespmem:s28], [sflag:$0x2], $0x10, s15, s23, $0xb8;
	[tilespmem:$0xD820] =	vst v63  }
0x68: {  	s11 =	simm.s32 $0x2800  }
0x69: {  	[spmem:s2] =	stream.indirect.scatter.add.f32 [tilespmem:s30], [sflag:$0x2], $0x10, s11, s23, $0xb8;
	[tilespmem:$0xD820] =	vst v63  }
0x6a: {  	s12 =	simm.s32 $0x2850  }
0x6b: {  	[spmem:s2] =	stream.indirect.scatter.add.f32 [tilespmem:s0], [sflag:$0x2], $0x10, s12, s23, $0xb8;
	[tilespmem:$0xD820] =	vst v63  }
0x6c: {  	_ =	swait.ge [sflag:s29], $0x500  }
0x6d: {  	[sflag:s29] =	ssyncset.done $0x0  }
0x6e: {  	[sflag:s29] =	ssyncadd.s32 $0xFFFFFB00  }
0x6f: {  	_ =	swait.ge [sflag:s29], $0x500  }
0x70: {  	[sflag:s29] =	ssyncset.done $0x0  }
0x71: {  	[sflag:s29] =	ssyncadd.s32 $0xFFFFFB00  }
0x72: {  	_ =	swait.ge [sflag:s29], $0x500  }
0x73: {  	[sflag:s29] =	ssyncset.done $0x0  }
0x74: {  	[sflag:s29] =	ssyncadd.s32 $0xFFFFFB00  }
0x75: {  	s1 =	sand.u32 $0x1, s13;
	_ =	swait.ge [sflag:s29], $0x500  }
0x76: {  	s13 =	sxor.u32 $0x1, s1;
	[sflag:s29] =	ssyncset.done $0x0  }
0x77: {  	s10 =	smul.u32 $0x6400, s13;
	[sflag:s29] =	ssyncadd.s32 $0xFFFFFB00  }
0x78: {  	_ =	swait.ge [sflag:s29], $0x500  }
0x79: {  	s10 =	sshrl.u32 s10, $0x2;
	[sflag:s29] =	ssyncset.done $0x0  }
0x7a: {  	s11 =	sadd.s32 $0x4E20, s10;
	s12 =	simm.s32 $0x320;
	[sflag:s29] =	ssyncadd.s32 $0xFFFFFB00  }
0x7b: {  	[tilespmem:s11], [sflag:$0x1] =	stream.indirect.gather [spmem:s3], $0x10, s12, s23, $0xb8;
	[tilespmem:$0xD820] =	vst v63  }
0x7c: {  	s14 =	sadd.s32 $0x5320, s10;
	s15 =	simm.s32 $0x370  }
0x7d: {  	[tilespmem:s14], [sflag:$0x1] =	stream.indirect.gather [spmem:s3], $0x10, s15, s23, $0xb8;
	[tilespmem:$0xD820] =	vst v63  }
0x7e: {  	s13 =	simm.s32 $0x3C0;
	s12 =	sadd.s32 $0x5820, s10  }
0x7f: {  	[tilespmem:s12], [sflag:$0x1] =	stream.indirect.gather [spmem:s3], $0x10, s13, s23, $0xb8;
	[tilespmem:$0xD820] =	vst v63  }
0x80: {  	s14 =	sadd.s32 $0x5D20, s10;
	s15 =	simm.s32 $0x410  }
0x81: {  	[tilespmem:s14], [sflag:$0x1] =	stream.indirect.gather [spmem:s3], $0x10, s15, s23, $0xb8;
	[tilespmem:$0xD820] =	vst v63  }
0x82: {  	s10 =	sadd.s32 $0x6220, s10;
	s12 =	simm.s32 $0x460  }
0x83: {  	[tilespmem:s10], [sflag:$0x1] =	stream.indirect.gather [spmem:s3], $0x10, s12, s23, $0xb8;
	[tilespmem:$0xD820] =	vst v63  }
0x84: {  	_ =	swait.ge [sflag:s31], $0x500  }
0x85: {  	[sflag:s31] =	ssyncset.done $0x0  }
0x86: {  	[sflag:s31] =	ssyncadd.s32 $0xFFFFFB00  }
0x87: {  	_ =	swait.ge [sflag:s31], $0x500  }
0x88: {  	[sflag:s31] =	ssyncset.done $0x0  }
0x89: {  	[sflag:s31] =	ssyncadd.s32 $0xFFFFFB00  }
0x8a: {  	_ =	swait.ge [sflag:s31], $0x500  }
0x8b: {  	[sflag:s31] =	ssyncset.done $0x0  }
0x8c: {  	[sflag:s31] =	ssyncadd.s32 $0xFFFFFB00  }
0x8d: {  	_ =	swait.ge [sflag:s31], $0x500  }
0x8e: {  	[sflag:s31] =	ssyncset.done $0x0  }
0x8f: {  	s1 =	smul.u32 $0x6400, s1;
	[sflag:s31] =	ssyncadd.s32 $0xFFFFFB00  }
0x90: {  	_ =	swait.ge [sflag:s31], $0x500  }
0x91: {  	s13 =	simm.s32 $0x28A0;
	s10 =	sshrl.u32 s1, $0x2;
	[sflag:s31] =	ssyncset.done $0x0  }
0x92: {  	s15 =	simm.s32 $0x28F0;
	s1 =	sadd.s32 $0x4E20, s10;
	[sflag:s31] =	ssyncadd.s32 $0xFFFFFB00  }
0x93: {  	[spmem:s2] =	stream.indirect.scatter.add.f32 [tilespmem:s1], [sflag:$0x2], $0x10, s13, s23, $0xb8;
	[tilespmem:$0xD820] =	vst v63  }
0x94: {  	s14 =	sadd.s32 $0x5320, s10;
	s12 =	sadd.s32 $0x5820, s10;
	s11 =	sadd.s32 $0x6220, s10  }
0x95: {  	[spmem:s2] =	stream.indirect.scatter.add.f32 [tilespmem:s14], [sflag:$0x2], $0x10, s15, s23, $0xb8;
	[tilespmem:$0xD820] =	vst v63  }
0x96: {  	s13 =	simm.s32 $0x2940;
	s1 =	simm.s32 $0x640;
	s14 =	sadd.s32 $0x5D20, s10  }
0x97: {  	[spmem:s2] =	stream.indirect.scatter.add.f32 [tilespmem:s12], [sflag:$0x2], $0x10, s13, s23, $0xb8;
	[tilespmem:$0xD820] =	vst v63  }
0x98: {  	s15 =	simm.s32 $0x2990;
	s10 =	simm.s32 $0x2;
	s12 =	simm.s32 $0x29E0  }
0x99: {  	[spmem:s2] =	stream.indirect.scatter.add.f32 [tilespmem:s14], [sflag:$0x2], $0x10, s15, s23, $0xb8;
	[tilespmem:$0xD820] =	vst v63  }
.LBB2_4:
0x9a: {  	[spmem:s2] =	stream.indirect.scatter.add.f32 [tilespmem:s11], [sflag:$0x2], $0x10, s12, s23, $0xb8;
	[tilespmem:$0xD820] =	vst v63  }
0x9b: {  	s12 =	smov.u32 s1  }
0x9c: {  	p0 =	sne.s32 s1, $0x8980;
	s1 =	sadd.s32 $0x640, s1;
	_ =	swait.ge [sflag:s29], $0x500  }
0x9d: {  	[sflag:s29] =	ssyncset.done $0x0  }
0x9e: {  	[sflag:s29] =	ssyncadd.s32 $0xFFFFFB00  }
0x9f: {  	_ =	swait.ge [sflag:s29], $0x500  }
0xa0: {  	[sflag:s29] =	ssyncset.done $0x0  }
0xa1: {  	[sflag:s29] =	ssyncadd.s32 $0xFFFFFB00  }
0xa2: {  	_ =	swait.ge [sflag:s29], $0x500  }
0xa3: {  	[sflag:s29] =	ssyncset.done $0x0  }
0xa4: {  	[sflag:s29] =	ssyncadd.s32 $0xFFFFFB00  }
0xa5: {  	s11 =	sand.u32 $0x1, s10;
	_ =	swait.ge [sflag:s29], $0x500  }
0xa6: {  	s13 =	sxor.u32 $0x1, s11;
	s11 =	smul.u32 $0x6400, s11;
	[sflag:s29] =	ssyncset.done $0x0  }
0xa7: {  	s13 =	smul.u32 $0x6400, s13;
	[sflag:s29] =	ssyncadd.s32 $0xFFFFFB00  }
0xa8: {  	s11 =	sshrl.u32 s11, $0x2;
	_ =	swait.ge [sflag:s29], $0x500  }
0xa9: {  	s12 =	sshra.s32 s12, $0x2;
	s13 =	sshrl.u32 s13, $0x2;
	[sflag:s29] =	ssyncset.done $0x0  }
0xaa: {  	s15 =	sadd.s32 $0x320, s12;
	s14 =	sadd.s32 $0x4E20, s13;
	[sflag:s29] =	ssyncadd.s32 $0xFFFFFB00  }
0xab: {  	[tilespmem:s14], [sflag:$0x1] =	stream.indirect.gather [spmem:s3], $0x10, s15, s23, $0xb8;
	[tilespmem:$0xD820] =	vst v63  }
0xac: {  	s14 =	sadd.s32 $0x5320, s13;
	s15 =	sadd.s32 $0x370, s12  }
0xad: {  	[tilespmem:s14], [sflag:$0x1] =	stream.indirect.gather [spmem:s3], $0x10, s15, s23, $0xb8;
	[tilespmem:$0xD820] =	vst v63  }
0xae: {  	s14 =	sadd.s32 $0x5820, s13;
	s15 =	sadd.s32 $0x3C0, s12  }
0xaf: {  	[tilespmem:s14], [sflag:$0x1] =	stream.indirect.gather [spmem:s3], $0x10, s15, s23, $0xb8;
	[tilespmem:$0xD820] =	vst v63  }
0xb0: {  	s14 =	sadd.s32 $0x5D20, s13;
	s15 =	sadd.s32 $0x410, s12  }
0xb1: {  	[tilespmem:s14], [sflag:$0x1] =	stream.indirect.gather [spmem:s3], $0x10, s15, s23, $0xb8;
	[tilespmem:$0xD820] =	vst v63  }
0xb2: {  	s13 =	sadd.s32 $0x6220, s13;
	s14 =	sadd.s32 $0x460, s12  }
0xb3: {  	[tilespmem:s13], [sflag:$0x1] =	stream.indirect.gather [spmem:s3], $0x10, s14, s23, $0xb8;
	[tilespmem:$0xD820] =	vst v63  }
0xb4: {  	_ =	swait.ge [sflag:s31], $0x500  }
0xb5: {  	[sflag:s31] =	ssyncset.done $0x0  }
0xb6: {  	[sflag:s31] =	ssyncadd.s32 $0xFFFFFB00  }
0xb7: {  	_ =	swait.ge [sflag:s31], $0x500  }
0xb8: {  	[sflag:s31] =	ssyncset.done $0x0  }
0xb9: {  	[sflag:s31] =	ssyncadd.s32 $0xFFFFFB00  }
0xba: {  	_ =	swait.ge [sflag:s31], $0x500  }
0xbb: {  	[sflag:s31] =	ssyncset.done $0x0  }
0xbc: {  	[sflag:s31] =	ssyncadd.s32 $0xFFFFFB00  }
0xbd: {  	_ =	swait.ge [sflag:s31], $0x500  }
0xbe: {  	[sflag:s31] =	ssyncset.done $0x0  }
0xbf: {  	[sflag:s31] =	ssyncadd.s32 $0xFFFFFB00  }
0xc0: {  	_ =	swait.ge [sflag:s31], $0x500  }
0xc1: {  	[sflag:s31] =	ssyncset.done $0x0  }
0xc2: {  	s13 =	sadd.s32 $0x4E20, s11;
	s14 =	sadd.s32 $0x28A0, s12;
	[sflag:s31] =	ssyncadd.s32 $0xFFFFFB00  }
0xc3: {  	[spmem:s2] =	stream.indirect.scatter.add.f32 [tilespmem:s13], [sflag:$0x2], $0x10, s14, s23, $0xb8;
	[tilespmem:$0xD820] =	vst v63  }
0xc4: {  	s13 =	sadd.s32 $0x5320, s11;
	s14 =	sadd.s32 $0x28F0, s12  }
0xc5: {  	[spmem:s2] =	stream.indirect.scatter.add.f32 [tilespmem:s13], [sflag:$0x2], $0x10, s14, s23, $0xb8;
	[tilespmem:$0xD820] =	vst v63  }
.Ltmp1:
0xc6: {  	s13 =	sadd.s32 $0x5820, s11;
	s14 =	sadd.s32 $0x2940, s12;
	(pc) =	sbr.rel @p0 .LBB2_4-.Ltmp1, $4  }
0xc7: {  	[spmem:s2] =	stream.indirect.scatter.add.f32 [tilespmem:s13], [sflag:$0x2], $0x10, s14, s23, $0xb8;
	[tilespmem:$0xD820] =	vst v63  }
0xc8: {  	s13 =	sadd.s32 $0x5D20, s11;
	s14 =	sadd.s32 $0x2990, s12  }
0xc9: {  	[spmem:s2] =	stream.indirect.scatter.add.f32 [tilespmem:s13], [sflag:$0x2], $0x10, s14, s23, $0xb8;
	[tilespmem:$0xD820] =	vst v63  }
0xca: {  	s10 =	sadd.s32 $0x1, s10;
	s11 =	sadd.s32 $0x6220, s11;
	s12 =	sadd.s32 $0x29E0, s12  }
0xcb: {  	[spmem:s2] =	stream.indirect.scatter.add.f32 [tilespmem:s11], [sflag:$0x2], $0x10, s12, s23, $0xb8;
	[tilespmem:$0xD820] =	vst v63  }
0xcc: {  	_ =	swait.ge [sflag:s29], $0x500  }
0xcd: {  	[sflag:s29] =	ssyncset.done $0x0  }
0xce: {  	[sflag:s29] =	ssyncadd.s32 $0xFFFFFB00  }
0xcf: {  	_ =	swait.ge [sflag:s29], $0x500  }
0xd0: {  	[sflag:s29] =	ssyncset.done $0x0  }
0xd1: {  	[sflag:s29] =	ssyncadd.s32 $0xFFFFFB00  }
0xd2: {  	_ =	swait.ge [sflag:s29], $0x500  }
0xd3: {  	[sflag:s29] =	ssyncset.done $0x0  }
0xd4: {  	[sflag:s29] =	ssyncadd.s32 $0xFFFFFB00  }
0xd5: {  	_ =	swait.ge [sflag:s29], $0x500  }
0xd6: {  	[sflag:s29] =	ssyncset.done $0x0  }
0xd7: {  	[sflag:s29] =	ssyncadd.s32 $0xFFFFFB00  }
0xd8: {  	_ =	swait.ge [sflag:s29], $0x500  }
0xd9: {  	[sflag:s29] =	ssyncset.done $0x0  }
0xda: {  	[sflag:s29] =	ssyncadd.s32 $0xFFFFFB00  }
0xdb: {  	_ =	swait.ge [sflag:s31], $0x500  }
0xdc: {  	[sflag:s31] =	ssyncset.done $0x0  }
0xdd: {  	[sflag:s31] =	ssyncadd.s32 $0xFFFFFB00  }
0xde: {  	_ =	swait.ge [sflag:s31], $0x500  }
0xdf: {  	[sflag:s31] =	ssyncset.done $0x0  }
0xe0: {  	[sflag:s31] =	ssyncadd.s32 $0xFFFFFB00  }
0xe1: {  	_ =	swait.ge [sflag:s31], $0x500  }
0xe2: {  	[sflag:s31] =	ssyncset.done $0x0  }
0xe3: {  	[sflag:s31] =	ssyncadd.s32 $0xFFFFFB00  }
0xe4: {  	_ =	swait.ge [sflag:s31], $0x500  }
0xe5: {  	[sflag:s31] =	ssyncset.done $0x0  }
0xe6: {  	[sflag:s31] =	ssyncadd.s32 $0xFFFFFB00  }
0xe7: {  	_ =	swait.ge [sflag:s31], $0x500  }
0xe8: {  	[sflag:s31] =	ssyncset.done $0x0  }
0xe9: {  	s1 =	simm.s32 $0x4C90;
	[sflag:s31] =	ssyncadd.s32 $0xFFFFFB00  }
0xea: {  	[spmem:s2] =	stream.indirect.scatter.add.f32 [tilespmem:s24], [sflag:$0x2], $0x10, s1, s23, $0xb8;
	[tilespmem:$0xD820] =	vst v63  }
0xeb: {  	s11 =	simm.s32 $0x4CE0  }
0xec: {  	[spmem:s2] =	stream.indirect.scatter.add.f32 [tilespmem:s25], [sflag:$0x2], $0x10, s11, s23, $0xb8;
	[tilespmem:$0xD820] =	vst v63  }
0xed: {  	s12 =	simm.s32 $0x4D30  }
0xee: {  	[spmem:s2] =	stream.indirect.scatter.add.f32 [tilespmem:s28], [sflag:$0x2], $0x10, s12, s23, $0xb8;
	[tilespmem:$0xD820] =	vst v63  }
0xef: {  	s13 =	simm.s32 $0x4D80  }
0xf0: {  	[spmem:s2] =	stream.indirect.scatter.add.f32 [tilespmem:s30], [sflag:$0x2], $0x10, s13, s23, $0xb8;
	[tilespmem:$0xD820] =	vst v63  }
0xf1: {  	s14 =	simm.s32 $0x4DD0  }
0xf2: {  	[spmem:s2] =	stream.indirect.scatter.add.f32 [tilespmem:s0], [sflag:$0x2], $0x10, s14, s23, $0xb8;
	[tilespmem:$0xD820] =	vst v63  }
0xf3: {  	_ =	swait.ge [sflag:s29], $0x500  }
0xf4: {  	[sflag:s29] =	ssyncset.done $0x0  }
0xf5: {  	[sflag:s29] =	ssyncadd.s32 $0xFFFFFB00  }
0xf6: {  	_ =	swait.ge [sflag:s29], $0x500  }
0xf7: {  	[sflag:s29] =	ssyncset.done $0x0  }
0xf8: {  	[sflag:s29] =	ssyncadd.s32 $0xFFFFFB00  }
0xf9: {  	_ =	swait.ge [sflag:s29], $0x500  }
0xfa: {  	[sflag:s29] =	ssyncset.done $0x0  }
0xfb: {  	[sflag:s29] =	ssyncadd.s32 $0xFFFFFB00  }
0xfc: {  	_ =	swait.ge [sflag:s29], $0x500  }
0xfd: {  	[sflag:s29] =	ssyncset.done $0x0  }
0xfe: {  	[sflag:s29] =	ssyncadd.s32 $0xFFFFFB00  }
0xff: {  	_ =	swait.ge [sflag:s29], $0x500  }
0x100: {  	[sflag:s29] =	ssyncset.done $0x0  }
0x101: {  	[sflag:s29] =	ssyncadd.s32 $0xFFFFFB00  }
0x102: {  	[bflag:$0x0] =	sbarrier.arrive $0xFFFF  }
0x103: {  	s15 =	sshrl.u32 s5, $0x3;
	s10 =	rddreg [dreg:$0x7]  }
0x104: {  	[hbm:s10], [sflag:s26] =	dma.local [spmem:s15], $0x100  }
0x105: {  	_ =	swait.ge [sflag:s20], $0x100  }
0x106: {  	[sflag:s20] =	ssyncset.done $0x0  }
0x107: {  	s10 =	sshrl.u32 s6, $0x3;
	s11 =	rddreg [dreg:$0x8];
	[sflag:s20] =	ssyncadd.s32 $0xFFFFFF00  }
0x108: {  	[hbm:s11], [sflag:s26] =	dma.local [spmem:s10], $0x100  }
0x109: {  	_ =	swait.ge [sflag:s20], $0x100  }
0x10a: {  	[sflag:s20] =	ssyncset.done $0x0  }
0x10b: {  	s12 =	sshrl.u32 s7, $0x3;
	s13 =	rddreg [dreg:$0x9];
	[sflag:s20] =	ssyncadd.s32 $0xFFFFFF00  }
0x10c: {  	[hbm:s13], [sflag:s26] =	dma.local [spmem:s12], $0x100  }
0x10d: {  	_ =	swait.ge [sflag:s20], $0x100  }
0x10e: {  	[sflag:s20] =	ssyncset.done $0x0  }
0x10f: {  	s14 =	sshrl.u32 s8, $0x3;
	[sflag:s20] =	ssyncadd.s32 $0xFFFFFF00  }
0x110: {  	[hbm:s16], [sflag:s26] =	dma.local [spmem:s14], $0x100  }
0x111: {  	s4 =	sadd.s32 $0x1, s4;
	_ =	swait.ge [sflag:s20], $0x100  }
0x112: {  	p0 =	sne.s32 s4, s18;
	[sflag:s20] =	ssyncset.done $0x0  }
.Ltmp2:
0x113: {  	s15 =	sshrl.u32 s9, $0x3;
	[sflag:s20] =	ssyncadd.s32 $0xFFFFFF00;
	(pc) =	sbr.rel @p0 .LBB2_1-.Ltmp2, $4  }
0x114: {  	[hbm:s17], [sflag:s26] =	dma.local [spmem:s15], $0x100  }
0x115: {  	_ =	swait.ge [sflag:s20], $0x100  }
0x116: {  	[sflag:s20] =	ssyncset.done $0x0  }
0x117: {  	[sflag:s20] =	ssyncadd.s32 $0xFFFFFF00  }
0x118: {  	_ =	sfence.sel $0x180000  }
0x119: {  	[bflag:$0x0] =	sbarrier.arrive $0xFFFF  }
0x11a: {  	_ =	strace $0x9000004A  }
0x11b: {  	s0 =	stileid.u32;
	[bflag:$0x2] =	sbarrier.arrive $0xFFFF  }
0x11c: {  	p0 =	sne.s32 s0, $0x0;
	s0 =	rddreg [dreg:$0x3]  }
0x11d: {  	s0 =	sadd.s32 @!p0 $0x100000, s0  }
0x11e: {  	[sflag:s0] =	ssyncadd.tile.s32 @!p0 $0x1;
	_ =	shalt  }
.Lfunc_end2:
_tile_overlayer_lowered:
.L_overlay_start_2:
0x11f: {  	(tag) =	ssettag $0x2  }
0x120: {  	s0 =	rddreg [dreg:$0x0];
	s2 =	stileid.u32  }
0x121: {  	s1 =	rddreg [dreg:$0x1];
	p0 =	sne.s32 s2, $0x0  }
0x122: {  	s3 =	rddreg [dreg:$0x2];
	[bflag:$0x3] =	sbarrier.arrive $0xFFFF;
	s2 =	simm.s32 @!p0 $0x1C03  }
0x123: {  	[timem:s3], [sflag:s2] =	dma.local @!p0 [hbm:s0], s1  }
0x124: {  	s0 =	simm.s32 @!p0 $0x3  }
0x125: {  	_ =	swait.ge @!p0 [sflag:s0], s1  }
0x126: {  	s1 =	ssub.s32 @!p0 $0x0, s1;
	[sflag:s0] =	ssyncset.done @!p0 $0x0  }
0x127: {  	[sflag:s0] =	ssyncadd.s32 @!p0 s1  }
0x128: {  	[bflag:$0x3] =	sbarrier.arrive $0xFFFF  }
0x129: {  	_ =	shalt  }

// kernel: kernel.17.cloned.1.call-start
scs
__scs_entry_jumppad:
0x0: {  	(pc) =	sbr.rel $0x88, $3  }
0x1: {  	(tag) =	ssettag $0x0;
	lr =	simm.s32 $0x1  }
0x2: {  	[smem:$0x3F99] =	sst lr;
	_ =	strace $0xD0000000  }
0x3: {  	_ = 	snop  }
0x4: {  	_ = 	snop  }
0x5: {  	_ = 	snop  }
0x6: {  	_ = 	snop  }
0x7: {  	_ = 	snop  }
__scs_overlays_trampoline_lowered:
0x8: {  	[smem:$0x3FA8] =	sst s0  }
0x9: {  	[smem:$0x3FA9] =	sst s1  }
0xa: {  	[smem:$0x3FAA] =	sst s2  }
0xb: {  	[smem:$0x3FAB] =	sst s3  }
0xc: {  	[smem:$0x3FAC] =	sst s4  }
0xd: {  	[smem:$0x3FAD] =	sst s5  }
0xe: {  	[smem:$0x3FAE] =	sst s6  }
0xf: {  	[smem:$0x3FAF] =	sst s7  }
0x10: {  	[smem:$0x3FB0] =	sst s8  }
0x11: {  	[smem:$0x3FB1] =	sst s9;
	s0 =	simm.s32 @!p0 $0x0  }
0x12: {  	s1 =	sld [smem:$0x3F97];
	s0 =	simm.s32 @p0 $0x1  }
0x13: {  	[smem:$0x3FB2] =	sst s0;
	s0 =	simm.s32 @!p1 $0x0  }
0x14: {  	s2 =	sld [smem:$0x3F96];
	s0 =	simm.s32 @p1 $0x1  }
0x15: {  	[smem:$0x3FB3] =	sst s0;
	s0 =	simm.s32 @!p2 $0x0  }
0x16: {  	s3 =	sld [smem:$0x3FDB];
	s0 =	simm.s32 @p2 $0x1  }
0x17: {  	s4 =	simm.s32 $0x1BF5;
	[smem:$0x3FB5] =	sst s0  }
0x18: {  	s0 =	sld [smem:$0x3F98];
	_ =	swait.ge [sflag:s4], $0x0  }
0x19: {  	s7 =	sld [smem:$0x3F99]  }
0x1a: {  	s8 =	sadd.s32 $0xFFFFE003, lr  }
0x1b: {  	s9 =	sadd.s32 $0xFFFFFEF7, lr;
	s5 =	simm.s32 $0xFFFFFFFF;
	p2 =	slt.u32 s8, $0xFFFFF086  }
0x1c: {  	p1 =	slt.u32 s9, $0xF7A;
	s5 =	simm.s32 @!p2 $0x0  }
0x1d: {  	s5 =	simm.s32 @p1 $0x1;
	p0 =	seq.s32 s7, s2  }
0x1e: {  	s7 =	smul.u32 @!p0 $0xF7A, s2;
	p2 =	seq.s32 @!p0 s5, $0x0  }
0x1f: {  	s9 =	smul.u32 $0xF7A, s1;
	s8 =	simm.s32 @!p0 $0x1BF5;
	p2 =	por !p2, p0  }
0x20: {  	[sflag:s8] =	ssyncset.s32 @!p0 $0xFFFFF086;
	s6 =	sadd.s32 @!p0 s3, s7;
	s7 =	simm.s32 @!p0 $0x108  }
0x21: {  	s3 =	sadd.s32 s3, s9;
	s6 =	sadd.s32 @!p0 $0x88, s6;
	s7 =	simm.s32 @p2 $0x1082  }
0x22: {  	[simem:s7], [sflag:s8] =	dma.local @!p0 [hbm:s6], $0xF7A  }
0x23: {  	s9 =	sor.u32 $0xD0000000, s2;
	s6 =	simm.s32 $0x108;
	_ =	swait.ge @!p0 [sflag:s8], $0x0  }
0x24: {  	s3 =	sadd.s32 $0x88, s3;
	s6 =	simm.s32 @!p1 $0x1082;
	[sflag:s4] =	ssyncset.s32 $0xFFFFF086  }
0x25: {  	[simem:s6], [sflag:s4] =	dma.local [hbm:s3], $0xF7A  }
0x26: {  	[smem:$0x3F99] =	sst s1;
	(tag) =	ssettag s2;
	_ =	strace s9  }
0x27: {  	s1 =	sld [smem:$0x3FA9]  }
0x28: {  	s2 =	sld [smem:$0x3FAA]  }
0x29: {  	s4 =	sld [smem:$0x3FAC]  }
0x2a: {  	p0 =	seq.s32 s5, $0x0;
	s5 =	sld [smem:$0x3FAD]  }
0x2b: {  	s6 =	sld [smem:$0x3FAE]  }
0x2c: {  	s7 =	sld [smem:$0x3FAF]  }
0x2d: {  	s3 =	simm.s32 $0x108;
	s8 =	sld [smem:$0x3FB0]  }
0x2e: {  	s3 =	simm.s32 @!p0 $0x1082;
	s9 =	sld [smem:$0x3FB1]  }
0x2f: {  	lr =	sadd.s32 s0, s3;
	s0 =	sld [smem:$0x3FA8]  }
0x30: {  	s3 =	sld [smem:$0x3FAB]  }
0x31: {  	[smem:$0x3FB4] =	sst s10  }
0x32: {  	s10 =	sld [smem:$0x3FB2];
	_ =	sdelay $0x3  }
0x33: {  	p0 =	seq.s32 s10, $0x1;
	s10 =	sld [smem:$0x3FB4];
	_ =	sdelay $0x3  }
0x34: {  	[smem:$0x3FB4] =	sst s10  }
0x35: {  	s10 =	sld [smem:$0x3FB3];
	_ =	sdelay $0x3  }
0x36: {  	p1 =	seq.s32 s10, $0x1;
	s10 =	sld [smem:$0x3FB4];
	_ =	sdelay $0x3  }
0x37: {  	[smem:$0x3FB4] =	sst s10  }
0x38: {  	s10 =	sld [smem:$0x3FB5]  }
0x39: {  	_ = 	snop;
	(pc) =	sbr.ind lr, $3  }
0x3a: {  	_ = 	snop  }
0x3b: {  	_ = 	snop  }
0x3c: {  	p2 =	seq.s32 s10, $0x1;
	s10 =	sld [smem:$0x3FB4]  }
0x3d: {  	_ =	shalt  }
0x3e: {  	_ =	shalt  }
0x3f: {  	_ =	shalt  }
0x40: {  	_ =	shalt  }
0x41: {  	_ =	shalt  }
0x42: {  	_ =	shalt  }
0x43: {  	_ =	shalt  }
0x44: {  	_ =	shalt  }
0x45: {  	_ =	shalt  }
0x46: {  	_ =	shalt  }
0x47: {  	_ =	shalt  }
0x48: {  	_ =	shalt  }
0x49: {  	_ =	shalt  }
0x4a: {  	_ =	shalt  }
0x4b: {  	_ =	shalt  }
0x4c: {  	_ =	shalt  }
0x4d: {  	_ =	shalt  }
0x4e: {  	_ =	shalt  }
0x4f: {  	_ =	shalt  }
0x50: {  	_ =	shalt  }
0x51: {  	_ =	shalt  }
0x52: {  	_ =	shalt  }
0x53: {  	_ =	shalt  }
0x54: {  	_ =	shalt  }
0x55: {  	_ =	shalt  }
0x56: {  	_ =	shalt  }
0x57: {  	_ =	shalt  }
0x58: {  	_ =	shalt  }
0x59: {  	_ =	shalt  }
0x5a: {  	_ =	shalt  }
0x5b: {  	_ =	shalt  }
0x5c: {  	_ =	shalt  }
0x5d: {  	_ =	shalt  }
0x5e: {  	_ =	shalt  }
0x5f: {  	_ =	shalt  }
0x60: {  	_ =	shalt  }
0x61: {  	_ =	shalt  }
0x62: {  	_ =	shalt  }
0x63: {  	_ =	shalt  }
0x64: {  	_ =	shalt  }
0x65: {  	_ =	shalt  }
0x66: {  	_ =	shalt  }
0x67: {  	_ =	shalt  }
0x68: {  	_ =	shalt  }
0x69: {  	_ =	shalt  }
0x6a: {  	_ =	shalt  }
0x6b: {  	_ =	shalt  }
0x6c: {  	_ =	shalt  }
0x6d: {  	_ =	shalt  }
0x6e: {  	_ =	shalt  }
0x6f: {  	_ =	shalt  }
0x70: {  	_ =	shalt  }
0x71: {  	_ =	shalt  }
0x72: {  	_ =	shalt  }
0x73: {  	_ =	shalt  }
0x74: {  	_ =	shalt  }
0x75: {  	_ =	shalt  }
0x76: {  	_ =	shalt  }
0x77: {  	_ =	shalt  }
0x78: {  	_ =	shalt  }
0x79: {  	_ =	shalt  }
0x7a: {  	_ =	shalt  }
0x7b: {  	_ =	shalt  }
0x7c: {  	_ =	shalt  }
0x7d: {  	_ =	shalt  }
0x7e: {  	_ =	shalt  }
0x7f: {  	_ =	shalt  }
0x80: {  	_ =	shalt  }
0x81: {  	_ =	shalt  }
0x82: {  	_ =	shalt  }
0x83: {  	_ =	shalt  }
0x84: {  	_ =	shalt  }
0x85: {  	_ =	shalt  }
0x86: {  	_ =	shalt  }
0x87: {  	_ =	shalt  }
.Lfunc_end0:
.L_simem_size_0:
called_computation.2_lowered:
.L_overlay_start_0:
0x88: {  	s2 =	sld [smem:$0x3FD9]  }
0x89: {  	s3 =	sld [smem:$0x3FFE];
	_ =	sdelay $0x1  }
0x8a: {  	s1 =	srdreg.scid  }
0x8b: {  	s0 =	sand.u32 $0x1, s1  }
0x8c: {  	s16 =	sshll.u32 s0, $0xA;
	s2 =	sadd.s32 s3, s2  }
0x8d: {  	s2 =	sadd.s32 s2, s16  }
0x8e: {  	[smem:$0x3FC0] =	sst s2  }
0x8f: {  	_ = 	snop  }
0x90: {  	(tm) =	ssettm $0x1  }
0x91: {  	s17 =	sld [smem:$0x3FFB];
	_ =	sdelay $0x3  }
0x92: {  	_ =	strace s17  }
0x93: {  	s2 =	sld [smem:$0x3FFC];
	_ =	sdelay $0x3  }
0x94: {  	_ =	strace s2  }
0x95: {  	s2 =	sld [smem:$0x3FFD];
	_ =	sdelay $0x3  }
0x96: {  	_ =	strace s2  }
0x97: {  	_ =	strace $0x8FFFFFFF  }
0x98: {  	s18 =	sld [smem:$0x3FDB];
	_ =	sdelay $0x1  }
0x99: {  	s19 =	simm.s32 $_scs_section_size  }
0x9a: {  	s4 =	simm.s32 $_size__tile_overlayer_lowered;
	s5 =	simm.s32 $_tile_overlayer_lowered  }
0x9b: {  	s22 =	simm.s32 $0x1BFF;
	s21 =	sshll.u32 s5, $0x1;
	s2 =	sadd.s32 s19, s18  }
0x9c: {  	s6 =	simm.s32 $0x0;
	s20 =	sshll.u32 s4, $0x1;
	s4 =	sadd.s32 s21, s2  }
0x9d: {  	[timem:s6], [sflag:s22] =	dma.local [hbm:s4], s20  }
0x9e: {  	_ =	swait.ge [sflag:s22], s20  }
0x9f: {  	s3 =	ssub.s32 $0x0, s20;
	[sflag:s22] =	ssyncset.done $0x0  }
0xa0: {  	[sflag:s22] =	ssyncadd.s32 s3;
	_ =	sdelay $0x1  }
0xa1: {  	s23 =	simm.s32 $0x1B8B  }
0xa2: {  	_ =	swait.ge [sflag:s23], $0x1  }
0xa3: {  	[sflag:s23] =	ssyncset.done $0x0  }
0xa4: {  	s25 =	simm.s32 $0x1B8E;
	s24 =	sld [smem:$0x3FFE];
	[sflag:s23] =	ssyncadd.s32 $0xFFFFFFFF  }
0xa5: {  	s26 =	simm.s32 $execute0_lowered;
	[smem:$0x3FD2] =	sst s25  }
0xa6: {  	s4 =	sshll.u32 s26, $0x1;
	_ =	strace $0x8000004C;
	[dreg:$0x1] =	wrdreg $0xFFFFFFFF  }
0xa7: {  	s28 =	simm.s32 $_size_execute0_lowered;
	s2 =	sadd.s32 s2, s4;
	[dreg:$0x0] =	wrdreg $0x0  }
0xa8: {  	s4 =	sshll.u32 s28, $0x1;
	[dreg:$0x2] =	wrdreg s2  }
0xa9: {  	[dreg:$0x3] =	wrdreg s4  }
0xaa: {  	[dreg:$0x4] =	wrdreg $0xC0  }
0xab: {  	_ =	task [dreg:s6], $0x5FFFF  }
0xac: {  	[dreg:$0x1] =	wrdreg $0xFFFFFFFF  }
0xad: {  	[dreg:$0x0] =	wrdreg $0x60  }
0xae: {  	[dreg:$0x2] =	wrdreg s24  }
0xaf: {  	[dreg:$0x3] =	wrdreg $0x88200  }
0xb0: {  	[dreg:$0x4] =	wrdreg $0xB0200  }
0xb1: {  	[dreg:$0x5] =	wrdreg $0x9  }
0xb2: {  	_ =	task.clear_ibuf [dreg:s6], $0x6FFFF;
	_ =	strace $0x9000004C  }
0xb3: {  	s29 =	simm.s32 $0x9;
	_ =	strace $0x8000004E  }
0xb4: {  	_ =	swait.ge [sflag:s29], $0x1  }
0xb5: {  	[sflag:s29] =	ssyncadd.s32 $0xFFFFFFFF  }
0xb6: {  	_ =	strace $0x9000004E  }
0xb7: {  	_ =	sfence  }
0xb8: {  	s30 =	sld [smem:$0x0];
	_ =	sdelay $0x2  }
0xb9: {  	s31 =	sshll.u32 s1, $0xD;
	s1 =	sshrl.u32 s1, $0x2  }
0xba: {  	s3 =	sand.u32 $0x4000, s31;
	s1 =	sadd.s32 s1, s30  }
0xbb: {  	s0 =	sor.u32 s3, s0;
	s1 =	sshll.u32 s1, $0x11  }
0xbc: {  	s0 =	sor.u32 s1, s0  }
0xbd: {  	s0 =	sadd.s32 $0x8F2B, s0  }
0xbe: {  	[sflag:s0] =	ssyncadd.remote.s32 $0x1  }
0xbf: {  	_ =	sfence.sel $0xFFFF  }
0xc0: {  	[dreg:$0x0] =	wrdreg $0xFFFFFFFF;
	(pc) =	sbr.abs _section_cstart, $3  }
0xc1: {  	[dreg:$0x1] =	wrdreg $0xFFFFFFFF  }
0xc2: {  	_ =	task.clear_ibuf [dreg:s6], $0x2FFFF;
	_ =	strace $0x9FFFFFFF  }
0xc3: {  	(tm) =	ssettm $0x7FFFFFFF  }
tec
execute0_lowered:
.L_overlay_start_1:
0x0: {  	(tag) =	ssettag $0x1  }
0x1: {  	s0 =	rddreg [dreg:$0x0]  }
0x2: {  	s2 =	rddreg [dreg:$0x1]  }
0x3: {  	s3 =	rddreg [dreg:$0x2]  }
0x4: {  	s6 =	stileid.u32;
	s1 =	srdreg.scid;
	s4 =	simm.s32 $0x0  }
0x5: {  	s19 =	simm.s32 $0x8020;
	s28 =	simm.s32 $0x5820;
	s30 =	simm.s32 $0x5D20  }
0x6: {  	s29 =	simm.s32 $0x2;
	s31 =	simm.s32 $0x1;
	s1 =	sand.u32 $0x1, s1  }
0x7: {  	s5 =	sshll.u32 s6, $0x1;
	s10 =	smul.u32 $0x2800, s6;
	[smem:$0x7FF] =	sst s4  }
0x8: {  	s5 =	sor.u32 s1, s5;
	s7 =	ssub.s32 $0x2, s1;
	s1 =	smul.u32 $0x28000, s1  }
0x9: {  	_ =	strace $0x8000004D;
	s5 =	smul.u32 $0x2710, s5;
	s6 =	sshrl.u32 s10, $0x3  }
0xa: {  	s20 =	sshrl.u32 s7, $0x1;
	s13 =	sadd.s32 $0x800, s10;
	s15 =	sadd.s32 $0x1000, s10  }
0xb: {  	s16 =	sadd.s32 $0x1800, s10;
	s17 =	sadd.s32 $0x2000, s10;
	s11 =	sadd.s32 s6, s0  }
0xc: {  	s18 =	ssub.s32 s7, s20;
	s6 =	sadd.s32 s13, s2;
	s7 =	sadd.s32 s15, s2  }
0xd: {  	s8 =	sadd.s32 s16, s2;
	s9 =	sadd.s32 s17, s2;
	s21 =	sadd.s32 s10, s1  }
0xe: {  	s22 =	sadd.s32 s1, s13;
	s25 =	sadd.s32 s1, s15;
	s26 =	sadd.s32 s1, s16  }
0xf: {  	s1 =	sadd.s32 s1, s17;
	s20 =	simm.s32 $0x3;
	s5 =	sshrl.u32 s5, $0x3  }
0x10: {  	s11 =	sadd.s32 $0x17400, s11;
	s24 =	sshrl.u32 s22, $0x3;
	s1 =	sshrl.u32 s1, $0x3  }
0x11: {  	s18 =	smax.u32 s18, $0x1;
	s12 =	sadd.s32 s5, s0;
	s0 =	sadd.s32 $0x1C400, s0  }
0x12: {  	s5 =	sadd.s32 s10, s2;
	s10 =	sadd.s32 s10, s3;
	[dreg:$0x6] =	wrdreg s11  }
0x13: {  	s14 =	sadd.s32 $0xD640, s12;
	s12 =	sadd.s32 $0x3A00, s12;
	s11 =	sadd.s32 s0, s24  }
0x14: {  	s17 =	sadd.s32 s0, s1;
	s22 =	sshrl.u32 s10, $0x3;
	[dreg:$0x4] =	wrdreg s14  }
0x15: {  	s24 =	simm.s32 $0x4E20;
	[dreg:$0x5] =	wrdreg s12;
	s12 =	sshrl.u32 s21, $0x3  }
0x16: {  	[dreg:$0x8] =	wrdreg s11;
	s11 =	sshrl.u32 s25, $0x3;
	s23 =	sadd.s32 s0, s12  }
0x17: {  	s21 =	simm.s32 $0x2710;
	s11 =	sadd.s32 s0, s11;
	[dreg:$0x7] =	wrdreg s23  }
0x18: {  	s25 =	simm.s32 $0x5320;
	s12 =	sshrl.u32 s26, $0x3;
	[dreg:$0x9] =	wrdreg s11  }
0x19: {  	v0 =	vimm.f32 $0.0e+00;
	s16 =	sadd.s32 s0, s12;
	s23 =	simm.s32 $0x50;
	s0 =	simm.s32 $0x6220  }
.LBB2_1:
0x1a: {  	s1 =	simm.s32 $0x40;
	s10 =	simm.s32 $0x0  }
.LBB2_2:
0x1b: {  	p0 =	sne.s32 s1, $0x1FC0;
	[tilespmem:s10+$0x8020] =	vst v0;
	s10 =	smov.u32 s1;
	s1 =	sadd.s32 $0x40, s1  }
.Ltmp0:
0x1c: {  	(pc) =	sbr.rel @p0 .LBB2_2-.Ltmp0, $2  }
0x1d: {  	_ =	sdelay $0x2  }
0x1e: {  	s10 =	sshra.s32 s10, $0x2  }
0x1f: {  	[tilespmem:s10+$0x8020] =	vst v0  }
0x20: {  	[spmem:s5] =	stream.linear.scatter [tilespmem:s19], [sflag:$0x3], $0x800, $0x38;
	[tilespmem:$0xD820] =	vst v63  }
0x21: {  	_ =	swait.ge [sflag:s20], $0x800  }
0x22: {  	[sflag:s20] =	ssyncset.done $0x0  }
0x23: {  	[sflag:s20] =	ssyncadd.s32 $0xFFFFF800  }
0x24: {  	[spmem:s6] =	stream.linear.scatter [tilespmem:s19], [sflag:$0x3], $0x800, $0x38;
	[tilespmem:$0xD820] =	vst v63  }
0x25: {  	_ =	swait.ge [sflag:s20], $0x800  }
0x26: {  	[sflag:s20] =	ssyncset.done $0x0  }
0x27: {  	[sflag:s20] =	ssyncadd.s32 $0xFFFFF800  }
0x28: {  	[spmem:s7] =	stream.linear.scatter [tilespmem:s19], [sflag:$0x3], $0x800, $0x38;
	[tilespmem:$0xD820] =	vst v63  }
0x29: {  	_ =	swait.ge [sflag:s20], $0x800  }
0x2a: {  	[sflag:s20] =	ssyncset.done $0x0  }
0x2b: {  	[sflag:s20] =	ssyncadd.s32 $0xFFFFF800  }
0x2c: {  	[spmem:s8] =	stream.linear.scatter [tilespmem:s19], [sflag:$0x3], $0x800, $0x38;
	[tilespmem:$0xD820] =	vst v63  }
0x2d: {  	_ =	swait.ge [sflag:s20], $0x800  }
0x2e: {  	[sflag:s20] =	ssyncset.done $0x0  }
0x2f: {  	[sflag:s20] =	ssyncadd.s32 $0xFFFFF800  }
0x30: {  	[spmem:s9] =	stream.linear.scatter [tilespmem:s19], [sflag:$0x3], $0x800, $0x38;
	[tilespmem:$0xD820] =	vst v63  }
0x31: {  	_ =	swait.ge [sflag:s20], $0x800  }
0x32: {  	[sflag:s20] =	ssyncset.done $0x0  }
0x33: {  	s1 =	simm.s32 $0x0;
	s12 =	rddreg [dreg:$0x4];
	[sflag:s20] =	ssyncadd.s32 $0xFFFFF800  }
0x34: {  	[tilespmem:s21], [sflag:$0x3] =	stream.linear.gather [hbm4b:s12+s1], $0x2710, $0x38;
	[tilespmem:$0xD820] =	vst v63  }
0x35: {  	_ =	swait.ge [sflag:s20], $0x2710  }
0x36: {  	[sflag:s20] =	ssyncset.done $0x0  }
0x37: {  	s13 =	rddreg [dreg:$0x5];
	[sflag:s20] =	ssyncadd.s32 $0xFFFFD8F0  }
0x38: {  	[tilespmem:s1], [sflag:$0x3] =	stream.linear.gather [hbm4b:s13+s1], $0x2710, $0x38;
	[tilespmem:$0xD820] =	vst v63  }
0x39: {  	s14 =	stileid.u32;
	_ =	swait.ge [sflag:s20], $0x2710  }
0x3a: {  	s10 =	sshll.u32 s14, $0x6;
	[sflag:s20] =	ssyncset.done $0x0  }
0x3b: {  	s26 =	sor.u32 $0x1C03, s10;
	s15 =	rddreg [dreg:$0x6];
	[sflag:s20] =	ssyncadd.s32 $0xFFFFD8F0  }
0x3c: {  	[spmem:s22], [sflag:s26] =	dma.local [hbm:s15], $0x500  }
0x3d: {  	_ =	swait.ge [sflag:s20], $0x500  }
0x3e: {  	[sflag:s20] =	ssyncset.done $0x0  }
0x3f: {  	[sflag:s20] =	ssyncadd.s32 $0xFFFFFB00  }
0x40: {  	[bflag:$0x0] =	sbarrier.arrive $0xFFFF  }
0x41: {  	[tilespmem:s24], [sflag:$0x1] =	stream.indirect.gather [spmem:s3], $0x10, s1, s23, $0xb8;
	[tilespmem:$0xD820] =	vst v63  }
0x42: {  	_ = 	snop  }
0x43: {  	[tilespmem:s25], [sflag:$0x1] =	stream.indirect.gather [spmem:s3], $0x10, s23, s23, $0xb8;
	[tilespmem:$0xD820] =	vst v63  }
0x44: {  	s11 =	simm.s32 $0xA0  }
0x45: {  	[tilespmem:s28], [sflag:$0x1] =	stream.indirect.gather [spmem:s3], $0x10, s11, s23, $0xb8;
	[tilespmem:$0xD820] =	vst v63  }
0x46: {  	s12 =	simm.s32 $0xF0  }
0x47: {  	[tilespmem:s30], [sflag:$0x1] =	stream.indirect.gather [spmem:s3], $0x10, s12, s23, $0xb8;
	[tilespmem:$0xD820] =	vst v63  }
0x48: {  	s13 =	simm.s32 $0x140  }
0x49: {  	[tilespmem:s0], [sflag:$0x1] =	stream.indirect.gather [spmem:s3], $0x10, s13, s23, $0xb8;
	[tilespmem:$0xD820] =	vst v63  }
0x4a: {  	s14 =	simm.s32 $0x190;
	s15 =	simm.s32 $0x6720  }
0x4b: {  	[tilespmem:s15], [sflag:$0x1] =	stream.indirect.gather [spmem:s3], $0x10, s14, s23, $0xb8;
	[tilespmem:$0xD820] =	vst v63  }
0x4c: {  	s10 =	simm.s32 $0x1E0;
	s11 =	simm.s32 $0x6C20  }
0x4d: {  	[tilespmem:s11], [sflag:$0x1] =	stream.indirect.gather [spmem:s3], $0x10, s10, s23, $0xb8;
	[tilespmem:$0xD820] =	vst v63  }
0x4e: {  	s12 =	simm.s32 $0x230;
	s13 =	simm.s32 $0x7120  }
0x4f: {  	[tilespmem:s13], [sflag:$0x1] =	stream.indirect.gather [spmem:s3], $0x10, s12, s23, $0xb8;
	[tilespmem:$0xD820] =	vst v63  }
0x50: {  	s14 =	simm.s32 $0x280;
	s15 =	simm.s32 $0x7620  }
0x51: {  	[tilespmem:s15], [sflag:$0x1] =	stream.indirect.gather [spmem:s3], $0x10, s14, s23, $0xb8;
	[tilespmem:$0xD820] =	vst v63  }
0x52: {  	s11 =	simm.s32 $0x2D0;
	s12 =	simm.s32 $0x7B20;
	s13 =	simm.s32 $0x1  }
0x53: {  	[tilespmem:s12], [sflag:$0x1] =	stream.indirect.gather [spmem:s3], $0x10, s11, s23, $0xb8;
	[tilespmem:$0xD820] =	vst v63  }
0x54: {  	_ =	swait.ge [sflag:s13], $0x500  }
0x55: {  	[sflag:s13] =	ssyncset.done $0x0  }
0x56: {  	[sflag:s13] =	ssyncadd.s32 $0xFFFFFB00  }
0x57: {  	_ =	swait.ge [sflag:s13], $0x500  }
0x58: {  	[sflag:s13] =	ssyncset.done $0x0  }
0x59: {  	[sflag:s13] =	ssyncadd.s32 $0xFFFFFB00  }
0x5a: {  	_ =	swait.ge [sflag:s13], $0x500  }
0x5b: {  	[sflag:s13] =	ssyncset.done $0x0  }
0x5c: {  	[sflag:s13] =	ssyncadd.s32 $0xFFFFFB00  }
0x5d: {  	_ =	swait.ge [sflag:s13], $0x500  }
0x5e: {  	[sflag:s13] =	ssyncset.done $0x0  }
0x5f: {  	[sflag:s13] =	ssyncadd.s32 $0xFFFFFB00  }
0x60: {  	_ =	swait.ge [sflag:s13], $0x500  }
0x61: {  	[sflag:s13] =	ssyncset.done $0x0  }
0x62: {  	[sflag:s13] =	ssyncadd.s32 $0xFFFFFB00  }
0x63: {  	[spmem:s2] =	stream.indirect.scatter.add.f32 [tilespmem:s24], [sflag:$0x2], $0x10, s21, s23, $0xb8;
	[tilespmem:$0xD820] =	vst v63  }
0x64: {  	s14 =	simm.s32 $0x2760  }
0x65: {  	[spmem:s2] =	stream.indirect.scatter.add.f32 [tilespmem:s25], [sflag:$0x2], $0x10, s14, s23, $0xb8;
	[tilespmem:$0xD820] =	vst v63  }
0x66: {  	s15 =	simm.s32 $0x27B0  }
0x67: {  	[spmem:s2] =	stream.indirect.scatter.add.f32 [tilespmem:s28], [sflag:$0x2], $0x10, s15, s23, $0xb8;
	[tilespmem:$0xD820] =	vst v63  }
0x68: {  	s11 =	simm.s32 $0x2800  }
0x69: {  	[spmem:s2] =	stream.indirect.scatter.add.f32 [tilespmem:s30], [sflag:$0x2], $0x10, s11, s23, $0xb8;
	[tilespmem:$0xD820] =	vst v63  }
0x6a: {  	s12 =	simm.s32 $0x2850  }
0x6b: {  	[spmem:s2] =	stream.indirect.scatter.add.f32 [tilespmem:s0], [sflag:$0x2], $0x10, s12, s23, $0xb8;
	[tilespmem:$0xD820] =	vst v63  }
0x6c: {  	_ =	swait.ge [sflag:s29], $0x500  }
0x6d: {  	[sflag:s29] =	ssyncset.done $0x0  }
0x6e: {  	[sflag:s29] =	ssyncadd.s32 $0xFFFFFB00  }
0x6f: {  	_ =	swait.ge [sflag:s29], $0x500  }
0x70: {  	[sflag:s29] =	ssyncset.done $0x0  }
0x71: {  	[sflag:s29] =	ssyncadd.s32 $0xFFFFFB00  }
0x72: {  	_ =	swait.ge [sflag:s29], $0x500  }
0x73: {  	[sflag:s29] =	ssyncset.done $0x0  }
0x74: {  	[sflag:s29] =	ssyncadd.s32 $0xFFFFFB00  }
0x75: {  	s1 =	sand.u32 $0x1, s13;
	_ =	swait.ge [sflag:s29], $0x500  }
0x76: {  	s13 =	sxor.u32 $0x1, s1;
	[sflag:s29] =	ssyncset.done $0x0  }
0x77: {  	s10 =	smul.u32 $0x6400, s13;
	[sflag:s29] =	ssyncadd.s32 $0xFFFFFB00  }
0x78: {  	_ =	swait.ge [sflag:s29], $0x500  }
0x79: {  	s10 =	sshrl.u32 s10, $0x2;
	[sflag:s29] =	ssyncset.done $0x0  }
0x7a: {  	s11 =	sadd.s32 $0x4E20, s10;
	s12 =	simm.s32 $0x320;
	[sflag:s29] =	ssyncadd.s32 $0xFFFFFB00  }
0x7b: {  	[tilespmem:s11], [sflag:$0x1] =	stream.indirect.gather [spmem:s3], $0x10, s12, s23, $0xb8;
	[tilespmem:$0xD820] =	vst v63  }
0x7c: {  	s14 =	sadd.s32 $0x5320, s10;
	s15 =	simm.s32 $0x370  }
0x7d: {  	[tilespmem:s14], [sflag:$0x1] =	stream.indirect.gather [spmem:s3], $0x10, s15, s23, $0xb8;
	[tilespmem:$0xD820] =	vst v63  }
0x7e: {  	s13 =	simm.s32 $0x3C0;
	s12 =	sadd.s32 $0x5820, s10  }
0x7f: {  	[tilespmem:s12], [sflag:$0x1] =	stream.indirect.gather [spmem:s3], $0x10, s13, s23, $0xb8;
	[tilespmem:$0xD820] =	vst v63  }
0x80: {  	s14 =	sadd.s32 $0x5D20, s10;
	s15 =	simm.s32 $0x410  }
0x81: {  	[tilespmem:s14], [sflag:$0x1] =	stream.indirect.gather [spmem:s3], $0x10, s15, s23, $0xb8;
	[tilespmem:$0xD820] =	vst v63  }
0x82: {  	s10 =	sadd.s32 $0x6220, s10;
	s12 =	simm.s32 $0x460  }
0x83: {  	[tilespmem:s10], [sflag:$0x1] =	stream.indirect.gather [spmem:s3], $0x10, s12, s23, $0xb8;
	[tilespmem:$0xD820] =	vst v63  }
0x84: {  	_ =	swait.ge [sflag:s31], $0x500  }
0x85: {  	[sflag:s31] =	ssyncset.done $0x0  }
0x86: {  	[sflag:s31] =	ssyncadd.s32 $0xFFFFFB00  }
0x87: {  	_ =	swait.ge [sflag:s31], $0x500  }
0x88: {  	[sflag:s31] =	ssyncset.done $0x0  }
0x89: {  	[sflag:s31] =	ssyncadd.s32 $0xFFFFFB00  }
0x8a: {  	_ =	swait.ge [sflag:s31], $0x500  }
0x8b: {  	[sflag:s31] =	ssyncset.done $0x0  }
0x8c: {  	[sflag:s31] =	ssyncadd.s32 $0xFFFFFB00  }
0x8d: {  	_ =	swait.ge [sflag:s31], $0x500  }
0x8e: {  	[sflag:s31] =	ssyncset.done $0x0  }
0x8f: {  	s1 =	smul.u32 $0x6400, s1;
	[sflag:s31] =	ssyncadd.s32 $0xFFFFFB00  }
0x90: {  	_ =	swait.ge [sflag:s31], $0x500  }
0x91: {  	s13 =	simm.s32 $0x28A0;
	s10 =	sshrl.u32 s1, $0x2;
	[sflag:s31] =	ssyncset.done $0x0  }
0x92: {  	s15 =	simm.s32 $0x28F0;
	s1 =	sadd.s32 $0x4E20, s10;
	[sflag:s31] =	ssyncadd.s32 $0xFFFFFB00  }
0x93: {  	[spmem:s2] =	stream.indirect.scatter.add.f32 [tilespmem:s1], [sflag:$0x2], $0x10, s13, s23, $0xb8;
	[tilespmem:$0xD820] =	vst v63  }
0x94: {  	s14 =	sadd.s32 $0x5320, s10;
	s12 =	sadd.s32 $0x5820, s10;
	s11 =	sadd.s32 $0x6220, s10  }
0x95: {  	[spmem:s2] =	stream.indirect.scatter.add.f32 [tilespmem:s14], [sflag:$0x2], $0x10, s15, s23, $0xb8;
	[tilespmem:$0xD820] =	vst v63  }
0x96: {  	s13 =	simm.s32 $0x2940;
	s1 =	simm.s32 $0x640;
	s14 =	sadd.s32 $0x5D20, s10  }
0x97: {  	[spmem:s2] =	stream.indirect.scatter.add.f32 [tilespmem:s12], [sflag:$0x2], $0x10, s13, s23, $0xb8;
	[tilespmem:$0xD820] =	vst v63  }
0x98: {  	s15 =	simm.s32 $0x2990;
	s10 =	simm.s32 $0x2;
	s12 =	simm.s32 $0x29E0  }
0x99: {  	[spmem:s2] =	stream.indirect.scatter.add.f32 [tilespmem:s14], [sflag:$0x2], $0x10, s15, s23, $0xb8;
	[tilespmem:$0xD820] =	vst v63  }
.LBB2_4:
0x9a: {  	[spmem:s2] =	stream.indirect.scatter.add.f32 [tilespmem:s11], [sflag:$0x2], $0x10, s12, s23, $0xb8;
	[tilespmem:$0xD820] =	vst v63  }
0x9b: {  	s12 =	smov.u32 s1  }
0x9c: {  	p0 =	sne.s32 s1, $0x8980;
	s1 =	sadd.s32 $0x640, s1;
	_ =	swait.ge [sflag:s29], $0x500  }
0x9d: {  	[sflag:s29] =	ssyncset.done $0x0  }
0x9e: {  	[sflag:s29] =	ssyncadd.s32 $0xFFFFFB00  }
0x9f: {  	_ =	swait.ge [sflag:s29], $0x500  }
0xa0: {  	[sflag:s29] =	ssyncset.done $0x0  }
0xa1: {  	[sflag:s29] =	ssyncadd.s32 $0xFFFFFB00  }
0xa2: {  	_ =	swait.ge [sflag:s29], $0x500  }
0xa3: {  	[sflag:s29] =	ssyncset.done $0x0  }
0xa4: {  	[sflag:s29] =	ssyncadd.s32 $0xFFFFFB00  }
0xa5: {  	s11 =	sand.u32 $0x1, s10;
	_ =	swait.ge [sflag:s29], $0x500  }
0xa6: {  	s13 =	sxor.u32 $0x1, s11;
	s11 =	smul.u32 $0x6400, s11;
	[sflag:s29] =	ssyncset.done $0x0  }
0xa7: {  	s13 =	smul.u32 $0x6400, s13;
	[sflag:s29] =	ssyncadd.s32 $0xFFFFFB00  }
0xa8: {  	s11 =	sshrl.u32 s11, $0x2;
	_ =	swait.ge [sflag:s29], $0x500  }
0xa9: {  	s12 =	sshra.s32 s12, $0x2;
	s13 =	sshrl.u32 s13, $0x2;
	[sflag:s29] =	ssyncset.done $0x0  }
0xaa: {  	s15 =	sadd.s32 $0x320, s12;
	s14 =	sadd.s32 $0x4E20, s13;
	[sflag:s29] =	ssyncadd.s32 $0xFFFFFB00  }
0xab: {  	[tilespmem:s14], [sflag:$0x1] =	stream.indirect.gather [spmem:s3], $0x10, s15, s23, $0xb8;
	[tilespmem:$0xD820] =	vst v63  }
0xac: {  	s14 =	sadd.s32 $0x5320, s13;
	s15 =	sadd.s32 $0x370, s12  }
0xad: {  	[tilespmem:s14], [sflag:$0x1] =	stream.indirect.gather [spmem:s3], $0x10, s15, s23, $0xb8;
	[tilespmem:$0xD820] =	vst v63  }
0xae: {  	s14 =	sadd.s32 $0x5820, s13;
	s15 =	sadd.s32 $0x3C0, s12  }
0xaf: {  	[tilespmem:s14], [sflag:$0x1] =	stream.indirect.gather [spmem:s3], $0x10, s15, s23, $0xb8;
	[tilespmem:$0xD820] =	vst v63  }
0xb0: {  	s14 =	sadd.s32 $0x5D20, s13;
	s15 =	sadd.s32 $0x410, s12  }
0xb1: {  	[tilespmem:s14], [sflag:$0x1] =	stream.indirect.gather [spmem:s3], $0x10, s15, s23, $0xb8;
	[tilespmem:$0xD820] =	vst v63  }
0xb2: {  	s13 =	sadd.s32 $0x6220, s13;
	s14 =	sadd.s32 $0x460, s12  }
0xb3: {  	[tilespmem:s13], [sflag:$0x1] =	stream.indirect.gather [spmem:s3], $0x10, s14, s23, $0xb8;
	[tilespmem:$0xD820] =	vst v63  }
0xb4: {  	_ =	swait.ge [sflag:s31], $0x500  }
0xb5: {  	[sflag:s31] =	ssyncset.done $0x0  }
0xb6: {  	[sflag:s31] =	ssyncadd.s32 $0xFFFFFB00  }
0xb7: {  	_ =	swait.ge [sflag:s31], $0x500  }
0xb8: {  	[sflag:s31] =	ssyncset.done $0x0  }
0xb9: {  	[sflag:s31] =	ssyncadd.s32 $0xFFFFFB00  }
0xba: {  	_ =	swait.ge [sflag:s31], $0x500  }
0xbb: {  	[sflag:s31] =	ssyncset.done $0x0  }
0xbc: {  	[sflag:s31] =	ssyncadd.s32 $0xFFFFFB00  }
0xbd: {  	_ =	swait.ge [sflag:s31], $0x500  }
0xbe: {  	[sflag:s31] =	ssyncset.done $0x0  }
0xbf: {  	[sflag:s31] =	ssyncadd.s32 $0xFFFFFB00  }
0xc0: {  	_ =	swait.ge [sflag:s31], $0x500  }
0xc1: {  	[sflag:s31] =	ssyncset.done $0x0  }
0xc2: {  	s13 =	sadd.s32 $0x4E20, s11;
	s14 =	sadd.s32 $0x28A0, s12;
	[sflag:s31] =	ssyncadd.s32 $0xFFFFFB00  }
0xc3: {  	[spmem:s2] =	stream.indirect.scatter.add.f32 [tilespmem:s13], [sflag:$0x2], $0x10, s14, s23, $0xb8;
	[tilespmem:$0xD820] =	vst v63  }
0xc4: {  	s13 =	sadd.s32 $0x5320, s11;
	s14 =	sadd.s32 $0x28F0, s12  }
0xc5: {  	[spmem:s2] =	stream.indirect.scatter.add.f32 [tilespmem:s13], [sflag:$0x2], $0x10, s14, s23, $0xb8;
	[tilespmem:$0xD820] =	vst v63  }
.Ltmp1:
0xc6: {  	s13 =	sadd.s32 $0x5820, s11;
	s14 =	sadd.s32 $0x2940, s12;
	(pc) =	sbr.rel @p0 .LBB2_4-.Ltmp1, $4  }
0xc7: {  	[spmem:s2] =	stream.indirect.scatter.add.f32 [tilespmem:s13], [sflag:$0x2], $0x10, s14, s23, $0xb8;
	[tilespmem:$0xD820] =	vst v63  }
0xc8: {  	s13 =	sadd.s32 $0x5D20, s11;
	s14 =	sadd.s32 $0x2990, s12  }
0xc9: {  	[spmem:s2] =	stream.indirect.scatter.add.f32 [tilespmem:s13], [sflag:$0x2], $0x10, s14, s23, $0xb8;
	[tilespmem:$0xD820] =	vst v63  }
0xca: {  	s10 =	sadd.s32 $0x1, s10;
	s11 =	sadd.s32 $0x6220, s11;
	s12 =	sadd.s32 $0x29E0, s12  }
0xcb: {  	[spmem:s2] =	stream.indirect.scatter.add.f32 [tilespmem:s11], [sflag:$0x2], $0x10, s12, s23, $0xb8;
	[tilespmem:$0xD820] =	vst v63  }
0xcc: {  	_ =	swait.ge [sflag:s29], $0x500  }
0xcd: {  	[sflag:s29] =	ssyncset.done $0x0  }
0xce: {  	[sflag:s29] =	ssyncadd.s32 $0xFFFFFB00  }
0xcf: {  	_ =	swait.ge [sflag:s29], $0x500  }
0xd0: {  	[sflag:s29] =	ssyncset.done $0x0  }
0xd1: {  	[sflag:s29] =	ssyncadd.s32 $0xFFFFFB00  }
0xd2: {  	_ =	swait.ge [sflag:s29], $0x500  }
0xd3: {  	[sflag:s29] =	ssyncset.done $0x0  }
0xd4: {  	[sflag:s29] =	ssyncadd.s32 $0xFFFFFB00  }
0xd5: {  	_ =	swait.ge [sflag:s29], $0x500  }
0xd6: {  	[sflag:s29] =	ssyncset.done $0x0  }
0xd7: {  	[sflag:s29] =	ssyncadd.s32 $0xFFFFFB00  }
0xd8: {  	_ =	swait.ge [sflag:s29], $0x500  }
0xd9: {  	[sflag:s29] =	ssyncset.done $0x0  }
0xda: {  	[sflag:s29] =	ssyncadd.s32 $0xFFFFFB00  }
0xdb: {  	_ =	swait.ge [sflag:s31], $0x500  }
0xdc: {  	[sflag:s31] =	ssyncset.done $0x0  }
0xdd: {  	[sflag:s31] =	ssyncadd.s32 $0xFFFFFB00  }
0xde: {  	_ =	swait.ge [sflag:s31], $0x500  }
0xdf: {  	[sflag:s31] =	ssyncset.done $0x0  }
0xe0: {  	[sflag:s31] =	ssyncadd.s32 $0xFFFFFB00  }
0xe1: {  	_ =	swait.ge [sflag:s31], $0x500  }
0xe2: {  	[sflag:s31] =	ssyncset.done $0x0  }
0xe3: {  	[sflag:s31] =	ssyncadd.s32 $0xFFFFFB00  }
0xe4: {  	_ =	swait.ge [sflag:s31], $0x500  }
0xe5: {  	[sflag:s31] =	ssyncset.done $0x0  }
0xe6: {  	[sflag:s31] =	ssyncadd.s32 $0xFFFFFB00  }
0xe7: {  	_ =	swait.ge [sflag:s31], $0x500  }
0xe8: {  	[sflag:s31] =	ssyncset.done $0x0  }
0xe9: {  	s1 =	simm.s32 $0x4C90;
	[sflag:s31] =	ssyncadd.s32 $0xFFFFFB00  }
0xea: {  	[spmem:s2] =	stream.indirect.scatter.add.f32 [tilespmem:s24], [sflag:$0x2], $0x10, s1, s23, $0xb8;
	[tilespmem:$0xD820] =	vst v63  }
0xeb: {  	s11 =	simm.s32 $0x4CE0  }
0xec: {  	[spmem:s2] =	stream.indirect.scatter.add.f32 [tilespmem:s25], [sflag:$0x2], $0x10, s11, s23, $0xb8;
	[tilespmem:$0xD820] =	vst v63  }
0xed: {  	s12 =	simm.s32 $0x4D30  }
0xee: {  	[spmem:s2] =	stream.indirect.scatter.add.f32 [tilespmem:s28], [sflag:$0x2], $0x10, s12, s23, $0xb8;
	[tilespmem:$0xD820] =	vst v63  }
0xef: {  	s13 =	simm.s32 $0x4D80  }
0xf0: {  	[spmem:s2] =	stream.indirect.scatter.add.f32 [tilespmem:s30], [sflag:$0x2], $0x10, s13, s23, $0xb8;
	[tilespmem:$0xD820] =	vst v63  }
0xf1: {  	s14 =	simm.s32 $0x4DD0  }
0xf2: {  	[spmem:s2] =	stream.indirect.scatter.add.f32 [tilespmem:s0], [sflag:$0x2], $0x10, s14, s23, $0xb8;
	[tilespmem:$0xD820] =	vst v63  }
0xf3: {  	_ =	swait.ge [sflag:s29], $0x500  }
0xf4: {  	[sflag:s29] =	ssyncset.done $0x0  }
0xf5: {  	[sflag:s29] =	ssyncadd.s32 $0xFFFFFB00  }
0xf6: {  	_ =	swait.ge [sflag:s29], $0x500  }
0xf7: {  	[sflag:s29] =	ssyncset.done $0x0  }
0xf8: {  	[sflag:s29] =	ssyncadd.s32 $0xFFFFFB00  }
0xf9: {  	_ =	swait.ge [sflag:s29], $0x500  }
0xfa: {  	[sflag:s29] =	ssyncset.done $0x0  }
0xfb: {  	[sflag:s29] =	ssyncadd.s32 $0xFFFFFB00  }
0xfc: {  	_ =	swait.ge [sflag:s29], $0x500  }
0xfd: {  	[sflag:s29] =	ssyncset.done $0x0  }
0xfe: {  	[sflag:s29] =	ssyncadd.s32 $0xFFFFFB00  }
0xff: {  	_ =	swait.ge [sflag:s29], $0x500  }
0x100: {  	[sflag:s29] =	ssyncset.done $0x0  }
0x101: {  	[sflag:s29] =	ssyncadd.s32 $0xFFFFFB00  }
0x102: {  	[bflag:$0x0] =	sbarrier.arrive $0xFFFF  }
0x103: {  	s15 =	sshrl.u32 s5, $0x3;
	s10 =	rddreg [dreg:$0x7]  }
0x104: {  	[hbm:s10], [sflag:s26] =	dma.local [spmem:s15], $0x100  }
0x105: {  	_ =	swait.ge [sflag:s20], $0x100  }
0x106: {  	[sflag:s20] =	ssyncset.done $0x0  }
0x107: {  	s10 =	sshrl.u32 s6, $0x3;
	s11 =	rddreg [dreg:$0x8];
	[sflag:s20] =	ssyncadd.s32 $0xFFFFFF00  }
0x108: {  	[hbm:s11], [sflag:s26] =	dma.local [spmem:s10], $0x100  }
0x109: {  	_ =	swait.ge [sflag:s20], $0x100  }
0x10a: {  	[sflag:s20] =	ssyncset.done $0x0  }
0x10b: {  	s12 =	sshrl.u32 s7, $0x3;
	s13 =	rddreg [dreg:$0x9];
	[sflag:s20] =	ssyncadd.s32 $0xFFFFFF00  }
0x10c: {  	[hbm:s13], [sflag:s26] =	dma.local [spmem:s12], $0x100  }
0x10d: {  	_ =	swait.ge [sflag:s20], $0x100  }
0x10e: {  	[sflag:s20] =	ssyncset.done $0x0  }
0x10f: {  	s14 =	sshrl.u32 s8, $0x3;
	[sflag:s20] =	ssyncadd.s32 $0xFFFFFF00  }
0x110: {  	[hbm:s16], [sflag:s26] =	dma.local [spmem:s14], $0x100  }
0x111: {  	s4 =	sadd.s32 $0x1, s4;
	_ =	swait.ge [sflag:s20], $0x100  }
0x112: {  	p0 =	sne.s32 s4, s18;
	[sflag:s20] =	ssyncset.done $0x0  }
.Ltmp2:
0x113: {  	s15 =	sshrl.u32 s9, $0x3;
	[sflag:s20] =	ssyncadd.s32 $0xFFFFFF00;
	(pc) =	sbr.rel @p0 .LBB2_1-.Ltmp2, $4  }
0x114: {  	[hbm:s17], [sflag:s26] =	dma.local [spmem:s15], $0x100  }
0x115: {  	_ =	swait.ge [sflag:s20], $0x100  }
0x116: {  	[sflag:s20] =	ssyncset.done $0x0  }
0x117: {  	[sflag:s20] =	ssyncadd.s32 $0xFFFFFF00  }
0x118: {  	_ =	sfence.sel $0x180000  }
0x119: {  	[bflag:$0x0] =	sbarrier.arrive $0xFFFF  }
0x11a: {  	_ =	strace $0x9000004D  }
0x11b: {  	s0 =	stileid.u32;
	[bflag:$0x2] =	sbarrier.arrive $0xFFFF  }
0x11c: {  	p0 =	sne.s32 s0, $0x0;
	s0 =	rddreg [dreg:$0x3]  }
0x11d: {  	s0 =	sadd.s32 @!p0 $0x100000, s0  }
0x11e: {  	[sflag:s0] =	ssyncadd.tile.s32 @!p0 $0x1;
	_ =	shalt  }
.Lfunc_end2:
_tile_overlayer_lowered:
.L_overlay_start_2:
0x11f: {  	(tag) =	ssettag $0x2  }
0x120: {  	s0 =	rddreg [dreg:$0x0];
	s2 =	stileid.u32  }
0x121: {  	s1 =	rddreg [dreg:$0x1];
	p0 =	sne.s32 s2, $0x0  }
0x122: {  	s3 =	rddreg [dreg:$0x2];
	[bflag:$0x3] =	sbarrier.arrive $0xFFFF;
	s2 =	simm.s32 @!p0 $0x1C03  }
0x123: {  	[timem:s3], [sflag:s2] =	dma.local @!p0 [hbm:s0], s1  }
0x124: {  	s0 =	simm.s32 @!p0 $0x3  }
0x125: {  	_ =	swait.ge @!p0 [sflag:s0], s1  }
0x126: {  	s1 =	ssub.s32 @!p0 $0x0, s1;
	[sflag:s0] =	ssyncset.done @!p0 $0x0  }
0x127: {  	[sflag:s0] =	ssyncadd.s32 @!p0 s1  }
0x128: {  	[bflag:$0x3] =	sbarrier.arrive $0xFFFF  }
0x129: {  	_ =	shalt  }

// kernel: kernel.20.cloned.1.call-start
scs
__scs_entry_jumppad:
0x0: {  	(pc) =	sbr.rel $0x88, $3  }
0x1: {  	(tag) =	ssettag $0x0;
	lr =	simm.s32 $0x1  }
0x2: {  	[smem:$0x3F99] =	sst lr;
	_ =	strace $0xD0000000  }
0x3: {  	_ = 	snop  }
0x4: {  	_ = 	snop  }
0x5: {  	_ = 	snop  }
0x6: {  	_ = 	snop  }
0x7: {  	_ = 	snop  }
__scs_overlays_trampoline_lowered:
0x8: {  	[smem:$0x3FA8] =	sst s0  }
0x9: {  	[smem:$0x3FA9] =	sst s1  }
0xa: {  	[smem:$0x3FAA] =	sst s2  }
0xb: {  	[smem:$0x3FAB] =	sst s3  }
0xc: {  	[smem:$0x3FAC] =	sst s4  }
0xd: {  	[smem:$0x3FAD] =	sst s5  }
0xe: {  	[smem:$0x3FAE] =	sst s6  }
0xf: {  	[smem:$0x3FAF] =	sst s7  }
0x10: {  	[smem:$0x3FB0] =	sst s8  }
0x11: {  	[smem:$0x3FB1] =	sst s9;
	s0 =	simm.s32 @!p0 $0x0  }
0x12: {  	s1 =	sld [smem:$0x3F97];
	s0 =	simm.s32 @p0 $0x1  }
0x13: {  	[smem:$0x3FB2] =	sst s0;
	s0 =	simm.s32 @!p1 $0x0  }
0x14: {  	s2 =	sld [smem:$0x3F96];
	s0 =	simm.s32 @p1 $0x1  }
0x15: {  	[smem:$0x3FB3] =	sst s0;
	s0 =	simm.s32 @!p2 $0x0  }
0x16: {  	s3 =	sld [smem:$0x3FDB];
	s0 =	simm.s32 @p2 $0x1  }
0x17: {  	s4 =	simm.s32 $0x1BF5;
	[smem:$0x3FB5] =	sst s0  }
0x18: {  	s0 =	sld [smem:$0x3F98];
	_ =	swait.ge [sflag:s4], $0x0  }
0x19: {  	s7 =	sld [smem:$0x3F99]  }
0x1a: {  	s8 =	sadd.s32 $0xFFFFE003, lr  }
0x1b: {  	s9 =	sadd.s32 $0xFFFFFEF7, lr;
	s5 =	simm.s32 $0xFFFFFFFF;
	p2 =	slt.u32 s8, $0xFFFFF086  }
0x1c: {  	p1 =	slt.u32 s9, $0xF7A;
	s5 =	simm.s32 @!p2 $0x0  }
0x1d: {  	s5 =	simm.s32 @p1 $0x1;
	p0 =	seq.s32 s7, s2  }
0x1e: {  	s7 =	smul.u32 @!p0 $0xF7A, s2;
	p2 =	seq.s32 @!p0 s5, $0x0  }
0x1f: {  	s9 =	smul.u32 $0xF7A, s1;
	s8 =	simm.s32 @!p0 $0x1BF5;
	p2 =	por !p2, p0  }
0x20: {  	[sflag:s8] =	ssyncset.s32 @!p0 $0xFFFFF086;
	s6 =	sadd.s32 @!p0 s3, s7;
	s7 =	simm.s32 @!p0 $0x108  }
0x21: {  	s3 =	sadd.s32 s3, s9;
	s6 =	sadd.s32 @!p0 $0x88, s6;
	s7 =	simm.s32 @p2 $0x1082  }
0x22: {  	[simem:s7], [sflag:s8] =	dma.local @!p0 [hbm:s6], $0xF7A  }
0x23: {  	s9 =	sor.u32 $0xD0000000, s2;
	s6 =	simm.s32 $0x108;
	_ =	swait.ge @!p0 [sflag:s8], $0x0  }
0x24: {  	s3 =	sadd.s32 $0x88, s3;
	s6 =	simm.s32 @!p1 $0x1082;
	[sflag:s4] =	ssyncset.s32 $0xFFFFF086  }
0x25: {  	[simem:s6], [sflag:s4] =	dma.local [hbm:s3], $0xF7A  }
0x26: {  	[smem:$0x3F99] =	sst s1;
	(tag) =	ssettag s2;
	_ =	strace s9  }
0x27: {  	s1 =	sld [smem:$0x3FA9]  }
0x28: {  	s2 =	sld [smem:$0x3FAA]  }
0x29: {  	s4 =	sld [smem:$0x3FAC]  }
0x2a: {  	p0 =	seq.s32 s5, $0x0;
	s5 =	sld [smem:$0x3FAD]  }
0x2b: {  	s6 =	sld [smem:$0x3FAE]  }
0x2c: {  	s7 =	sld [smem:$0x3FAF]  }
0x2d: {  	s3 =	simm.s32 $0x108;
	s8 =	sld [smem:$0x3FB0]  }
0x2e: {  	s3 =	simm.s32 @!p0 $0x1082;
	s9 =	sld [smem:$0x3FB1]  }
0x2f: {  	lr =	sadd.s32 s0, s3;
	s0 =	sld [smem:$0x3FA8]  }
0x30: {  	s3 =	sld [smem:$0x3FAB]  }
0x31: {  	[smem:$0x3FB4] =	sst s10  }
0x32: {  	s10 =	sld [smem:$0x3FB2];
	_ =	sdelay $0x3  }
0x33: {  	p0 =	seq.s32 s10, $0x1;
	s10 =	sld [smem:$0x3FB4];
	_ =	sdelay $0x3  }
0x34: {  	[smem:$0x3FB4] =	sst s10  }
0x35: {  	s10 =	sld [smem:$0x3FB3];
	_ =	sdelay $0x3  }
0x36: {  	p1 =	seq.s32 s10, $0x1;
	s10 =	sld [smem:$0x3FB4];
	_ =	sdelay $0x3  }
0x37: {  	[smem:$0x3FB4] =	sst s10  }
0x38: {  	s10 =	sld [smem:$0x3FB5]  }
0x39: {  	_ = 	snop;
	(pc) =	sbr.ind lr, $3  }
0x3a: {  	_ = 	snop  }
0x3b: {  	_ = 	snop  }
0x3c: {  	p2 =	seq.s32 s10, $0x1;
	s10 =	sld [smem:$0x3FB4]  }
0x3d: {  	_ =	shalt  }
0x3e: {  	_ =	shalt  }
0x3f: {  	_ =	shalt  }
0x40: {  	_ =	shalt  }
0x41: {  	_ =	shalt  }
0x42: {  	_ =	shalt  }
0x43: {  	_ =	shalt  }
0x44: {  	_ =	shalt  }
0x45: {  	_ =	shalt  }
0x46: {  	_ =	shalt  }
0x47: {  	_ =	shalt  }
0x48: {  	_ =	shalt  }
0x49: {  	_ =	shalt  }
0x4a: {  	_ =	shalt  }
0x4b: {  	_ =	shalt  }
0x4c: {  	_ =	shalt  }
0x4d: {  	_ =	shalt  }
0x4e: {  	_ =	shalt  }
0x4f: {  	_ =	shalt  }
0x50: {  	_ =	shalt  }
0x51: {  	_ =	shalt  }
0x52: {  	_ =	shalt  }
0x53: {  	_ =	shalt  }
0x54: {  	_ =	shalt  }
0x55: {  	_ =	shalt  }
0x56: {  	_ =	shalt  }
0x57: {  	_ =	shalt  }
0x58: {  	_ =	shalt  }
0x59: {  	_ =	shalt  }
0x5a: {  	_ =	shalt  }
0x5b: {  	_ =	shalt  }
0x5c: {  	_ =	shalt  }
0x5d: {  	_ =	shalt  }
0x5e: {  	_ =	shalt  }
0x5f: {  	_ =	shalt  }
0x60: {  	_ =	shalt  }
0x61: {  	_ =	shalt  }
0x62: {  	_ =	shalt  }
0x63: {  	_ =	shalt  }
0x64: {  	_ =	shalt  }
0x65: {  	_ =	shalt  }
0x66: {  	_ =	shalt  }
0x67: {  	_ =	shalt  }
0x68: {  	_ =	shalt  }
0x69: {  	_ =	shalt  }
0x6a: {  	_ =	shalt  }
0x6b: {  	_ =	shalt  }
0x6c: {  	_ =	shalt  }
0x6d: {  	_ =	shalt  }
0x6e: {  	_ =	shalt  }
0x6f: {  	_ =	shalt  }
0x70: {  	_ =	shalt  }
0x71: {  	_ =	shalt  }
0x72: {  	_ =	shalt  }
0x73: {  	_ =	shalt  }
0x74: {  	_ =	shalt  }
0x75: {  	_ =	shalt  }
0x76: {  	_ =	shalt  }
0x77: {  	_ =	shalt  }
0x78: {  	_ =	shalt  }
0x79: {  	_ =	shalt  }
0x7a: {  	_ =	shalt  }
0x7b: {  	_ =	shalt  }
0x7c: {  	_ =	shalt  }
0x7d: {  	_ =	shalt  }
0x7e: {  	_ =	shalt  }
0x7f: {  	_ =	shalt  }
0x80: {  	_ =	shalt  }
0x81: {  	_ =	shalt  }
0x82: {  	_ =	shalt  }
0x83: {  	_ =	shalt  }
0x84: {  	_ =	shalt  }
0x85: {  	_ =	shalt  }
0x86: {  	_ =	shalt  }
0x87: {  	_ =	shalt  }
.Lfunc_end0:
.L_simem_size_0:
called_computation.3_lowered:
.L_overlay_start_0:
0x88: {  	s2 =	sld [smem:$0x3FD9]  }
0x89: {  	s3 =	sld [smem:$0x3FFE];
	_ =	sdelay $0x1  }
0x8a: {  	s1 =	srdreg.scid  }
0x8b: {  	s0 =	sand.u32 $0x1, s1  }
0x8c: {  	s16 =	sshll.u32 s0, $0xA;
	s2 =	sadd.s32 s3, s2  }
0x8d: {  	s2 =	sadd.s32 s2, s16  }
0x8e: {  	[smem:$0x3FC0] =	sst s2  }
0x8f: {  	_ = 	snop  }
0x90: {  	(tm) =	ssettm $0x1  }
0x91: {  	s17 =	sld [smem:$0x3FFB];
	_ =	sdelay $0x3  }
0x92: {  	_ =	strace s17  }
0x93: {  	s2 =	sld [smem:$0x3FFC];
	_ =	sdelay $0x3  }
0x94: {  	_ =	strace s2  }
0x95: {  	s2 =	sld [smem:$0x3FFD];
	_ =	sdelay $0x3  }
0x96: {  	_ =	strace s2  }
0x97: {  	_ =	strace $0x8FFFFFFF  }
0x98: {  	s18 =	sld [smem:$0x3FDB];
	_ =	sdelay $0x1  }
0x99: {  	s19 =	simm.s32 $_scs_section_size  }
0x9a: {  	s4 =	simm.s32 $_size__tile_overlayer_lowered;
	s5 =	simm.s32 $_tile_overlayer_lowered  }
0x9b: {  	s22 =	simm.s32 $0x1BFF;
	s21 =	sshll.u32 s5, $0x1;
	s2 =	sadd.s32 s19, s18  }
0x9c: {  	s6 =	simm.s32 $0x0;
	s20 =	sshll.u32 s4, $0x1;
	s4 =	sadd.s32 s21, s2  }
0x9d: {  	[timem:s6], [sflag:s22] =	dma.local [hbm:s4], s20  }
0x9e: {  	_ =	swait.ge [sflag:s22], s20  }
0x9f: {  	s3 =	ssub.s32 $0x0, s20;
	[sflag:s22] =	ssyncset.done $0x0  }
0xa0: {  	[sflag:s22] =	ssyncadd.s32 s3;
	_ =	sdelay $0x1  }
0xa1: {  	s23 =	simm.s32 $0x1B8B  }
0xa2: {  	_ =	swait.ge [sflag:s23], $0x1  }
0xa3: {  	[sflag:s23] =	ssyncset.done $0x0  }
0xa4: {  	s25 =	simm.s32 $0x1B8E;
	s24 =	sld [smem:$0x3FFE];
	[sflag:s23] =	ssyncadd.s32 $0xFFFFFFFF  }
0xa5: {  	s26 =	simm.s32 $execute0_lowered;
	[smem:$0x3FD2] =	sst s25  }
0xa6: {  	s4 =	sshll.u32 s26, $0x1;
	_ =	strace $0x8000004F;
	[dreg:$0x1] =	wrdreg $0xFFFFFFFF  }
0xa7: {  	s28 =	simm.s32 $_size_execute0_lowered;
	s2 =	sadd.s32 s2, s4;
	[dreg:$0x0] =	wrdreg $0x0  }
0xa8: {  	s4 =	sshll.u32 s28, $0x1;
	[dreg:$0x2] =	wrdreg s2  }
0xa9: {  	[dreg:$0x3] =	wrdreg s4  }
0xaa: {  	[dreg:$0x4] =	wrdreg $0xC0  }
0xab: {  	_ =	task [dreg:s6], $0x5FFFF  }
0xac: {  	[dreg:$0x1] =	wrdreg $0xFFFFFFFF  }
0xad: {  	[dreg:$0x0] =	wrdreg $0x60  }
0xae: {  	[dreg:$0x2] =	wrdreg s24  }
0xaf: {  	[dreg:$0x3] =	wrdreg $0x88200  }
0xb0: {  	[dreg:$0x4] =	wrdreg $0xB0200  }
0xb1: {  	[dreg:$0x5] =	wrdreg $0x9  }
0xb2: {  	_ =	task.clear_ibuf [dreg:s6], $0x6FFFF;
	_ =	strace $0x9000004F  }
0xb3: {  	s29 =	simm.s32 $0x9;
	_ =	strace $0x80000051  }
0xb4: {  	_ =	swait.ge [sflag:s29], $0x1  }
0xb5: {  	[sflag:s29] =	ssyncadd.s32 $0xFFFFFFFF  }
0xb6: {  	_ =	strace $0x90000051  }
0xb7: {  	_ =	sfence  }
0xb8: {  	s30 =	sld [smem:$0x0];
	_ =	sdelay $0x2  }
0xb9: {  	s31 =	sshll.u32 s1, $0xD;
	s1 =	sshrl.u32 s1, $0x2  }
0xba: {  	s3 =	sand.u32 $0x4000, s31;
	s1 =	sadd.s32 s1, s30  }
0xbb: {  	s0 =	sor.u32 s3, s0;
	s1 =	sshll.u32 s1, $0x11  }
0xbc: {  	s0 =	sor.u32 s1, s0  }
0xbd: {  	s0 =	sadd.s32 $0x8F2B, s0  }
0xbe: {  	[sflag:s0] =	ssyncadd.remote.s32 $0x1  }
0xbf: {  	_ =	sfence.sel $0xFFFF  }
0xc0: {  	[dreg:$0x0] =	wrdreg $0xFFFFFFFF;
	(pc) =	sbr.abs _section_cstart, $3  }
0xc1: {  	[dreg:$0x1] =	wrdreg $0xFFFFFFFF  }
0xc2: {  	_ =	task.clear_ibuf [dreg:s6], $0x2FFFF;
	_ =	strace $0x9FFFFFFF  }
0xc3: {  	(tm) =	ssettm $0x7FFFFFFF  }
tec
execute0_lowered:
.L_overlay_start_1:
0x0: {  	(tag) =	ssettag $0x1  }
0x1: {  	s0 =	rddreg [dreg:$0x0]  }
0x2: {  	s2 =	rddreg [dreg:$0x1]  }
0x3: {  	s3 =	rddreg [dreg:$0x2]  }
0x4: {  	s6 =	stileid.u32;
	s1 =	srdreg.scid;
	s4 =	simm.s32 $0x0  }
0x5: {  	s19 =	simm.s32 $0x8020;
	s28 =	simm.s32 $0x5820;
	s30 =	simm.s32 $0x5D20  }
0x6: {  	s29 =	simm.s32 $0x2;
	s31 =	simm.s32 $0x1;
	s1 =	sand.u32 $0x1, s1  }
0x7: {  	s5 =	sshll.u32 s6, $0x1;
	s10 =	smul.u32 $0x2800, s6;
	[smem:$0x7FF] =	sst s4  }
0x8: {  	s5 =	sor.u32 s1, s5;
	s7 =	ssub.s32 $0x2, s1;
	s1 =	smul.u32 $0x28000, s1  }
0x9: {  	_ =	strace $0x80000050;
	s5 =	smul.u32 $0x2710, s5;
	s6 =	sshrl.u32 s10, $0x3  }
0xa: {  	s20 =	sshrl.u32 s7, $0x1;
	s13 =	sadd.s32 $0x800, s10;
	s15 =	sadd.s32 $0x1000, s10  }
0xb: {  	s16 =	sadd.s32 $0x1800, s10;
	s17 =	sadd.s32 $0x2000, s10;
	s11 =	sadd.s32 s6, s0  }
0xc: {  	s18 =	ssub.s32 s7, s20;
	s6 =	sadd.s32 s13, s2;
	s7 =	sadd.s32 s15, s2  }
0xd: {  	s8 =	sadd.s32 s16, s2;
	s9 =	sadd.s32 s17, s2;
	s21 =	sadd.s32 s10, s1  }
0xe: {  	s22 =	sadd.s32 s1, s13;
	s25 =	sadd.s32 s1, s15;
	s26 =	sadd.s32 s1, s16  }
0xf: {  	s1 =	sadd.s32 s1, s17;
	s20 =	simm.s32 $0x3;
	s5 =	sshrl.u32 s5, $0x3  }
0x10: {  	s11 =	sadd.s32 $0x17400, s11;
	s24 =	sshrl.u32 s22, $0x3;
	s1 =	sshrl.u32 s1, $0x3  }
0x11: {  	s18 =	smax.u32 s18, $0x1;
	s12 =	sadd.s32 s5, s0;
	s0 =	sadd.s32 $0x1C400, s0  }
0x12: {  	s5 =	sadd.s32 s10, s2;
	s10 =	sadd.s32 s10, s3;
	[dreg:$0x6] =	wrdreg s11  }
0x13: {  	s14 =	sadd.s32 $0xD640, s12;
	s12 =	sadd.s32 $0x3A00, s12;
	s11 =	sadd.s32 s0, s24  }
0x14: {  	s17 =	sadd.s32 s0, s1;
	s22 =	sshrl.u32 s10, $0x3;
	[dreg:$0x4] =	wrdreg s14  }
0x15: {  	s24 =	simm.s32 $0x4E20;
	[dreg:$0x5] =	wrdreg s12;
	s12 =	sshrl.u32 s21, $0x3  }
0x16: {  	[dreg:$0x8] =	wrdreg s11;
	s11 =	sshrl.u32 s25, $0x3;
	s23 =	sadd.s32 s0, s12  }
0x17: {  	s21 =	simm.s32 $0x2710;
	s11 =	sadd.s32 s0, s11;
	[dreg:$0x7] =	wrdreg s23  }
0x18: {  	s25 =	simm.s32 $0x5320;
	s12 =	sshrl.u32 s26, $0x3;
	[dreg:$0x9] =	wrdreg s11  }
0x19: {  	v0 =	vimm.f32 $0.0e+00;
	s16 =	sadd.s32 s0, s12;
	s23 =	simm.s32 $0x50;
	s0 =	simm.s32 $0x6220  }
.LBB2_1:
0x1a: {  	s1 =	simm.s32 $0x40;
	s10 =	simm.s32 $0x0  }
.LBB2_2:
0x1b: {  	p0 =	sne.s32 s1, $0x1FC0;
	[tilespmem:s10+$0x8020] =	vst v0;
	s10 =	smov.u32 s1;
	s1 =	sadd.s32 $0x40, s1  }
.Ltmp0:
0x1c: {  	(pc) =	sbr.rel @p0 .LBB2_2-.Ltmp0, $2  }
0x1d: {  	_ =	sdelay $0x2  }
0x1e: {  	s10 =	sshra.s32 s10, $0x2  }
0x1f: {  	[tilespmem:s10+$0x8020] =	vst v0  }
0x20: {  	[spmem:s5] =	stream.linear.scatter [tilespmem:s19], [sflag:$0x3], $0x800, $0x38;
	[tilespmem:$0xD820] =	vst v63  }
0x21: {  	_ =	swait.ge [sflag:s20], $0x800  }
0x22: {  	[sflag:s20] =	ssyncset.done $0x0  }
0x23: {  	[sflag:s20] =	ssyncadd.s32 $0xFFFFF800  }
0x24: {  	[spmem:s6] =	stream.linear.scatter [tilespmem:s19], [sflag:$0x3], $0x800, $0x38;
	[tilespmem:$0xD820] =	vst v63  }
0x25: {  	_ =	swait.ge [sflag:s20], $0x800  }
0x26: {  	[sflag:s20] =	ssyncset.done $0x0  }
0x27: {  	[sflag:s20] =	ssyncadd.s32 $0xFFFFF800  }
0x28: {  	[spmem:s7] =	stream.linear.scatter [tilespmem:s19], [sflag:$0x3], $0x800, $0x38;
	[tilespmem:$0xD820] =	vst v63  }
0x29: {  	_ =	swait.ge [sflag:s20], $0x800  }
0x2a: {  	[sflag:s20] =	ssyncset.done $0x0  }
0x2b: {  	[sflag:s20] =	ssyncadd.s32 $0xFFFFF800  }
0x2c: {  	[spmem:s8] =	stream.linear.scatter [tilespmem:s19], [sflag:$0x3], $0x800, $0x38;
	[tilespmem:$0xD820] =	vst v63  }
0x2d: {  	_ =	swait.ge [sflag:s20], $0x800  }
0x2e: {  	[sflag:s20] =	ssyncset.done $0x0  }
0x2f: {  	[sflag:s20] =	ssyncadd.s32 $0xFFFFF800  }
0x30: {  	[spmem:s9] =	stream.linear.scatter [tilespmem:s19], [sflag:$0x3], $0x800, $0x38;
	[tilespmem:$0xD820] =	vst v63  }
0x31: {  	_ =	swait.ge [sflag:s20], $0x800  }
0x32: {  	[sflag:s20] =	ssyncset.done $0x0  }
0x33: {  	s1 =	simm.s32 $0x0;
	s12 =	rddreg [dreg:$0x4];
	[sflag:s20] =	ssyncadd.s32 $0xFFFFF800  }
0x34: {  	[tilespmem:s21], [sflag:$0x3] =	stream.linear.gather [hbm4b:s12+s1], $0x2710, $0x38;
	[tilespmem:$0xD820] =	vst v63  }
0x35: {  	_ =	swait.ge [sflag:s20], $0x2710  }
0x36: {  	[sflag:s20] =	ssyncset.done $0x0  }
0x37: {  	s13 =	rddreg [dreg:$0x5];
	[sflag:s20] =	ssyncadd.s32 $0xFFFFD8F0  }
0x38: {  	[tilespmem:s1], [sflag:$0x3] =	stream.linear.gather [hbm4b:s13+s1], $0x2710, $0x38;
	[tilespmem:$0xD820] =	vst v63  }
0x39: {  	s14 =	stileid.u32;
	_ =	swait.ge [sflag:s20], $0x2710  }
0x3a: {  	s10 =	sshll.u32 s14, $0x6;
	[sflag:s20] =	ssyncset.done $0x0  }
0x3b: {  	s26 =	sor.u32 $0x1C03, s10;
	s15 =	rddreg [dreg:$0x6];
	[sflag:s20] =	ssyncadd.s32 $0xFFFFD8F0  }
0x3c: {  	[spmem:s22], [sflag:s26] =	dma.local [hbm:s15], $0x500  }
0x3d: {  	_ =	swait.ge [sflag:s20], $0x500  }
0x3e: {  	[sflag:s20] =	ssyncset.done $0x0  }
0x3f: {  	[sflag:s20] =	ssyncadd.s32 $0xFFFFFB00  }
0x40: {  	[bflag:$0x0] =	sbarrier.arrive $0xFFFF  }
0x41: {  	[tilespmem:s24], [sflag:$0x1] =	stream.indirect.gather [spmem:s3], $0x10, s1, s23, $0xb8;
	[tilespmem:$0xD820] =	vst v63  }
0x42: {  	_ = 	snop  }
0x43: {  	[tilespmem:s25], [sflag:$0x1] =	stream.indirect.gather [spmem:s3], $0x10, s23, s23, $0xb8;
	[tilespmem:$0xD820] =	vst v63  }
0x44: {  	s11 =	simm.s32 $0xA0  }
0x45: {  	[tilespmem:s28], [sflag:$0x1] =	stream.indirect.gather [spmem:s3], $0x10, s11, s23, $0xb8;
	[tilespmem:$0xD820] =	vst v63  }
0x46: {  	s12 =	simm.s32 $0xF0  }
0x47: {  	[tilespmem:s30], [sflag:$0x1] =	stream.indirect.gather [spmem:s3], $0x10, s12, s23, $0xb8;
	[tilespmem:$0xD820] =	vst v63  }
0x48: {  	s13 =	simm.s32 $0x140  }
0x49: {  	[tilespmem:s0], [sflag:$0x1] =	stream.indirect.gather [spmem:s3], $0x10, s13, s23, $0xb8;
	[tilespmem:$0xD820] =	vst v63  }
0x4a: {  	s14 =	simm.s32 $0x190;
	s15 =	simm.s32 $0x6720  }
0x4b: {  	[tilespmem:s15], [sflag:$0x1] =	stream.indirect.gather [spmem:s3], $0x10, s14, s23, $0xb8;
	[tilespmem:$0xD820] =	vst v63  }
0x4c: {  	s10 =	simm.s32 $0x1E0;
	s11 =	simm.s32 $0x6C20  }
0x4d: {  	[tilespmem:s11], [sflag:$0x1] =	stream.indirect.gather [spmem:s3], $0x10, s10, s23, $0xb8;
	[tilespmem:$0xD820] =	vst v63  }
0x4e: {  	s12 =	simm.s32 $0x230;
	s13 =	simm.s32 $0x7120  }
0x4f: {  	[tilespmem:s13], [sflag:$0x1] =	stream.indirect.gather [spmem:s3], $0x10, s12, s23, $0xb8;
	[tilespmem:$0xD820] =	vst v63  }
0x50: {  	s14 =	simm.s32 $0x280;
	s15 =	simm.s32 $0x7620  }
0x51: {  	[tilespmem:s15], [sflag:$0x1] =	stream.indirect.gather [spmem:s3], $0x10, s14, s23, $0xb8;
	[tilespmem:$0xD820] =	vst v63  }
0x52: {  	s11 =	simm.s32 $0x2D0;
	s12 =	simm.s32 $0x7B20;
	s13 =	simm.s32 $0x1  }
0x53: {  	[tilespmem:s12], [sflag:$0x1] =	stream.indirect.gather [spmem:s3], $0x10, s11, s23, $0xb8;
	[tilespmem:$0xD820] =	vst v63  }
0x54: {  	_ =	swait.ge [sflag:s13], $0x500  }
0x55: {  	[sflag:s13] =	ssyncset.done $0x0  }
0x56: {  	[sflag:s13] =	ssyncadd.s32 $0xFFFFFB00  }
0x57: {  	_ =	swait.ge [sflag:s13], $0x500  }
0x58: {  	[sflag:s13] =	ssyncset.done $0x0  }
0x59: {  	[sflag:s13] =	ssyncadd.s32 $0xFFFFFB00  }
0x5a: {  	_ =	swait.ge [sflag:s13], $0x500  }
0x5b: {  	[sflag:s13] =	ssyncset.done $0x0  }
0x5c: {  	[sflag:s13] =	ssyncadd.s32 $0xFFFFFB00  }
0x5d: {  	_ =	swait.ge [sflag:s13], $0x500  }
0x5e: {  	[sflag:s13] =	ssyncset.done $0x0  }
0x5f: {  	[sflag:s13] =	ssyncadd.s32 $0xFFFFFB00  }
0x60: {  	_ =	swait.ge [sflag:s13], $0x500  }
0x61: {  	[sflag:s13] =	ssyncset.done $0x0  }
0x62: {  	[sflag:s13] =	ssyncadd.s32 $0xFFFFFB00  }
0x63: {  	[spmem:s2] =	stream.indirect.scatter.add.f32 [tilespmem:s24], [sflag:$0x2], $0x10, s21, s23, $0xb8;
	[tilespmem:$0xD820] =	vst v63  }
0x64: {  	s14 =	simm.s32 $0x2760  }
0x65: {  	[spmem:s2] =	stream.indirect.scatter.add.f32 [tilespmem:s25], [sflag:$0x2], $0x10, s14, s23, $0xb8;
	[tilespmem:$0xD820] =	vst v63  }
0x66: {  	s15 =	simm.s32 $0x27B0  }
0x67: {  	[spmem:s2] =	stream.indirect.scatter.add.f32 [tilespmem:s28], [sflag:$0x2], $0x10, s15, s23, $0xb8;
	[tilespmem:$0xD820] =	vst v63  }
0x68: {  	s11 =	simm.s32 $0x2800  }
0x69: {  	[spmem:s2] =	stream.indirect.scatter.add.f32 [tilespmem:s30], [sflag:$0x2], $0x10, s11, s23, $0xb8;
	[tilespmem:$0xD820] =	vst v63  }
0x6a: {  	s12 =	simm.s32 $0x2850  }
0x6b: {  	[spmem:s2] =	stream.indirect.scatter.add.f32 [tilespmem:s0], [sflag:$0x2], $0x10, s12, s23, $0xb8;
	[tilespmem:$0xD820] =	vst v63  }
0x6c: {  	_ =	swait.ge [sflag:s29], $0x500  }
0x6d: {  	[sflag:s29] =	ssyncset.done $0x0  }
0x6e: {  	[sflag:s29] =	ssyncadd.s32 $0xFFFFFB00  }
0x6f: {  	_ =	swait.ge [sflag:s29], $0x500  }
0x70: {  	[sflag:s29] =	ssyncset.done $0x0  }
0x71: {  	[sflag:s29] =	ssyncadd.s32 $0xFFFFFB00  }
0x72: {  	_ =	swait.ge [sflag:s29], $0x500  }
0x73: {  	[sflag:s29] =	ssyncset.done $0x0  }
0x74: {  	[sflag:s29] =	ssyncadd.s32 $0xFFFFFB00  }
0x75: {  	s1 =	sand.u32 $0x1, s13;
	_ =	swait.ge [sflag:s29], $0x500  }
0x76: {  	s13 =	sxor.u32 $0x1, s1;
	[sflag:s29] =	ssyncset.done $0x0  }
0x77: {  	s10 =	smul.u32 $0x6400, s13;
	[sflag:s29] =	ssyncadd.s32 $0xFFFFFB00  }
0x78: {  	_ =	swait.ge [sflag:s29], $0x500  }
0x79: {  	s10 =	sshrl.u32 s10, $0x2;
	[sflag:s29] =	ssyncset.done $0x0  }
0x7a: {  	s11 =	sadd.s32 $0x4E20, s10;
	s12 =	simm.s32 $0x320;
	[sflag:s29] =	ssyncadd.s32 $0xFFFFFB00  }
0x7b: {  	[tilespmem:s11], [sflag:$0x1] =	stream.indirect.gather [spmem:s3], $0x10, s12, s23, $0xb8;
	[tilespmem:$0xD820] =	vst v63  }
0x7c: {  	s14 =	sadd.s32 $0x5320, s10;
	s15 =	simm.s32 $0x370  }
0x7d: {  	[tilespmem:s14], [sflag:$0x1] =	stream.indirect.gather [spmem:s3], $0x10, s15, s23, $0xb8;
	[tilespmem:$0xD820] =	vst v63  }
0x7e: {  	s13 =	simm.s32 $0x3C0;
	s12 =	sadd.s32 $0x5820, s10  }
0x7f: {  	[tilespmem:s12], [sflag:$0x1] =	stream.indirect.gather [spmem:s3], $0x10, s13, s23, $0xb8;
	[tilespmem:$0xD820] =	vst v63  }
0x80: {  	s14 =	sadd.s32 $0x5D20, s10;
	s15 =	simm.s32 $0x410  }
0x81: {  	[tilespmem:s14], [sflag:$0x1] =	stream.indirect.gather [spmem:s3], $0x10, s15, s23, $0xb8;
	[tilespmem:$0xD820] =	vst v63  }
0x82: {  	s10 =	sadd.s32 $0x6220, s10;
	s12 =	simm.s32 $0x460  }
0x83: {  	[tilespmem:s10], [sflag:$0x1] =	stream.indirect.gather [spmem:s3], $0x10, s12, s23, $0xb8;
	[tilespmem:$0xD820] =	vst v63  }
0x84: {  	_ =	swait.ge [sflag:s31], $0x500  }
0x85: {  	[sflag:s31] =	ssyncset.done $0x0  }
0x86: {  	[sflag:s31] =	ssyncadd.s32 $0xFFFFFB00  }
0x87: {  	_ =	swait.ge [sflag:s31], $0x500  }
0x88: {  	[sflag:s31] =	ssyncset.done $0x0  }
0x89: {  	[sflag:s31] =	ssyncadd.s32 $0xFFFFFB00  }
0x8a: {  	_ =	swait.ge [sflag:s31], $0x500  }
0x8b: {  	[sflag:s31] =	ssyncset.done $0x0  }
0x8c: {  	[sflag:s31] =	ssyncadd.s32 $0xFFFFFB00  }
0x8d: {  	_ =	swait.ge [sflag:s31], $0x500  }
0x8e: {  	[sflag:s31] =	ssyncset.done $0x0  }
0x8f: {  	s1 =	smul.u32 $0x6400, s1;
	[sflag:s31] =	ssyncadd.s32 $0xFFFFFB00  }
0x90: {  	_ =	swait.ge [sflag:s31], $0x500  }
0x91: {  	s13 =	simm.s32 $0x28A0;
	s10 =	sshrl.u32 s1, $0x2;
	[sflag:s31] =	ssyncset.done $0x0  }
0x92: {  	s15 =	simm.s32 $0x28F0;
	s1 =	sadd.s32 $0x4E20, s10;
	[sflag:s31] =	ssyncadd.s32 $0xFFFFFB00  }
0x93: {  	[spmem:s2] =	stream.indirect.scatter.add.f32 [tilespmem:s1], [sflag:$0x2], $0x10, s13, s23, $0xb8;
	[tilespmem:$0xD820] =	vst v63  }
0x94: {  	s14 =	sadd.s32 $0x5320, s10;
	s12 =	sadd.s32 $0x5820, s10;
	s11 =	sadd.s32 $0x6220, s10  }
0x95: {  	[spmem:s2] =	stream.indirect.scatter.add.f32 [tilespmem:s14], [sflag:$0x2], $0x10, s15, s23, $0xb8;
	[tilespmem:$0xD820] =	vst v63  }
0x96: {  	s13 =	simm.s32 $0x2940;
	s1 =	simm.s32 $0x640;
	s14 =	sadd.s32 $0x5D20, s10  }
0x97: {  	[spmem:s2] =	stream.indirect.scatter.add.f32 [tilespmem:s12], [sflag:$0x2], $0x10, s13, s23, $0xb8;
	[tilespmem:$0xD820] =	vst v63  }
0x98: {  	s15 =	simm.s32 $0x2990;
	s10 =	simm.s32 $0x2;
	s12 =	simm.s32 $0x29E0  }
0x99: {  	[spmem:s2] =	stream.indirect.scatter.add.f32 [tilespmem:s14], [sflag:$0x2], $0x10, s15, s23, $0xb8;
	[tilespmem:$0xD820] =	vst v63  }
.LBB2_4:
0x9a: {  	[spmem:s2] =	stream.indirect.scatter.add.f32 [tilespmem:s11], [sflag:$0x2], $0x10, s12, s23, $0xb8;
	[tilespmem:$0xD820] =	vst v63  }
0x9b: {  	s12 =	smov.u32 s1  }
0x9c: {  	p0 =	sne.s32 s1, $0x8980;
	s1 =	sadd.s32 $0x640, s1;
	_ =	swait.ge [sflag:s29], $0x500  }
0x9d: {  	[sflag:s29] =	ssyncset.done $0x0  }
0x9e: {  	[sflag:s29] =	ssyncadd.s32 $0xFFFFFB00  }
0x9f: {  	_ =	swait.ge [sflag:s29], $0x500  }
0xa0: {  	[sflag:s29] =	ssyncset.done $0x0  }
0xa1: {  	[sflag:s29] =	ssyncadd.s32 $0xFFFFFB00  }
0xa2: {  	_ =	swait.ge [sflag:s29], $0x500  }
0xa3: {  	[sflag:s29] =	ssyncset.done $0x0  }
0xa4: {  	[sflag:s29] =	ssyncadd.s32 $0xFFFFFB00  }
0xa5: {  	s11 =	sand.u32 $0x1, s10;
	_ =	swait.ge [sflag:s29], $0x500  }
0xa6: {  	s13 =	sxor.u32 $0x1, s11;
	s11 =	smul.u32 $0x6400, s11;
	[sflag:s29] =	ssyncset.done $0x0  }
0xa7: {  	s13 =	smul.u32 $0x6400, s13;
	[sflag:s29] =	ssyncadd.s32 $0xFFFFFB00  }
0xa8: {  	s11 =	sshrl.u32 s11, $0x2;
	_ =	swait.ge [sflag:s29], $0x500  }
0xa9: {  	s12 =	sshra.s32 s12, $0x2;
	s13 =	sshrl.u32 s13, $0x2;
	[sflag:s29] =	ssyncset.done $0x0  }
0xaa: {  	s15 =	sadd.s32 $0x320, s12;
	s14 =	sadd.s32 $0x4E20, s13;
	[sflag:s29] =	ssyncadd.s32 $0xFFFFFB00  }
0xab: {  	[tilespmem:s14], [sflag:$0x1] =	stream.indirect.gather [spmem:s3], $0x10, s15, s23, $0xb8;
	[tilespmem:$0xD820] =	vst v63  }
0xac: {  	s14 =	sadd.s32 $0x5320, s13;
	s15 =	sadd.s32 $0x370, s12  }
0xad: {  	[tilespmem:s14], [sflag:$0x1] =	stream.indirect.gather [spmem:s3], $0x10, s15, s23, $0xb8;
	[tilespmem:$0xD820] =	vst v63  }
0xae: {  	s14 =	sadd.s32 $0x5820, s13;
	s15 =	sadd.s32 $0x3C0, s12  }
0xaf: {  	[tilespmem:s14], [sflag:$0x1] =	stream.indirect.gather [spmem:s3], $0x10, s15, s23, $0xb8;
	[tilespmem:$0xD820] =	vst v63  }
0xb0: {  	s14 =	sadd.s32 $0x5D20, s13;
	s15 =	sadd.s32 $0x410, s12  }
0xb1: {  	[tilespmem:s14], [sflag:$0x1] =	stream.indirect.gather [spmem:s3], $0x10, s15, s23, $0xb8;
	[tilespmem:$0xD820] =	vst v63  }
0xb2: {  	s13 =	sadd.s32 $0x6220, s13;
	s14 =	sadd.s32 $0x460, s12  }
0xb3: {  	[tilespmem:s13], [sflag:$0x1] =	stream.indirect.gather [spmem:s3], $0x10, s14, s23, $0xb8;
	[tilespmem:$0xD820] =	vst v63  }
0xb4: {  	_ =	swait.ge [sflag:s31], $0x500  }
0xb5: {  	[sflag:s31] =	ssyncset.done $0x0  }
0xb6: {  	[sflag:s31] =	ssyncadd.s32 $0xFFFFFB00  }
0xb7: {  	_ =	swait.ge [sflag:s31], $0x500  }
0xb8: {  	[sflag:s31] =	ssyncset.done $0x0  }
0xb9: {  	[sflag:s31] =	ssyncadd.s32 $0xFFFFFB00  }
0xba: {  	_ =	swait.ge [sflag:s31], $0x500  }
0xbb: {  	[sflag:s31] =	ssyncset.done $0x0  }
0xbc: {  	[sflag:s31] =	ssyncadd.s32 $0xFFFFFB00  }
0xbd: {  	_ =	swait.ge [sflag:s31], $0x500  }
0xbe: {  	[sflag:s31] =	ssyncset.done $0x0  }
0xbf: {  	[sflag:s31] =	ssyncadd.s32 $0xFFFFFB00  }
0xc0: {  	_ =	swait.ge [sflag:s31], $0x500  }
0xc1: {  	[sflag:s31] =	ssyncset.done $0x0  }
0xc2: {  	s13 =	sadd.s32 $0x4E20, s11;
	s14 =	sadd.s32 $0x28A0, s12;
	[sflag:s31] =	ssyncadd.s32 $0xFFFFFB00  }
0xc3: {  	[spmem:s2] =	stream.indirect.scatter.add.f32 [tilespmem:s13], [sflag:$0x2], $0x10, s14, s23, $0xb8;
	[tilespmem:$0xD820] =	vst v63  }
0xc4: {  	s13 =	sadd.s32 $0x5320, s11;
	s14 =	sadd.s32 $0x28F0, s12  }
0xc5: {  	[spmem:s2] =	stream.indirect.scatter.add.f32 [tilespmem:s13], [sflag:$0x2], $0x10, s14, s23, $0xb8;
	[tilespmem:$0xD820] =	vst v63  }
.Ltmp1:
0xc6: {  	s13 =	sadd.s32 $0x5820, s11;
	s14 =	sadd.s32 $0x2940, s12;
	(pc) =	sbr.rel @p0 .LBB2_4-.Ltmp1, $4  }
0xc7: {  	[spmem:s2] =	stream.indirect.scatter.add.f32 [tilespmem:s13], [sflag:$0x2], $0x10, s14, s23, $0xb8;
	[tilespmem:$0xD820] =	vst v63  }
0xc8: {  	s13 =	sadd.s32 $0x5D20, s11;
	s14 =	sadd.s32 $0x2990, s12  }
0xc9: {  	[spmem:s2] =	stream.indirect.scatter.add.f32 [tilespmem:s13], [sflag:$0x2], $0x10, s14, s23, $0xb8;
	[tilespmem:$0xD820] =	vst v63  }
0xca: {  	s10 =	sadd.s32 $0x1, s10;
	s11 =	sadd.s32 $0x6220, s11;
	s12 =	sadd.s32 $0x29E0, s12  }
0xcb: {  	[spmem:s2] =	stream.indirect.scatter.add.f32 [tilespmem:s11], [sflag:$0x2], $0x10, s12, s23, $0xb8;
	[tilespmem:$0xD820] =	vst v63  }
0xcc: {  	_ =	swait.ge [sflag:s29], $0x500  }
0xcd: {  	[sflag:s29] =	ssyncset.done $0x0  }
0xce: {  	[sflag:s29] =	ssyncadd.s32 $0xFFFFFB00  }
0xcf: {  	_ =	swait.ge [sflag:s29], $0x500  }
0xd0: {  	[sflag:s29] =	ssyncset.done $0x0  }
0xd1: {  	[sflag:s29] =	ssyncadd.s32 $0xFFFFFB00  }
0xd2: {  	_ =	swait.ge [sflag:s29], $0x500  }
0xd3: {  	[sflag:s29] =	ssyncset.done $0x0  }
0xd4: {  	[sflag:s29] =	ssyncadd.s32 $0xFFFFFB00  }
0xd5: {  	_ =	swait.ge [sflag:s29], $0x500  }
0xd6: {  	[sflag:s29] =	ssyncset.done $0x0  }
0xd7: {  	[sflag:s29] =	ssyncadd.s32 $0xFFFFFB00  }
0xd8: {  	_ =	swait.ge [sflag:s29], $0x500  }
0xd9: {  	[sflag:s29] =	ssyncset.done $0x0  }
0xda: {  	[sflag:s29] =	ssyncadd.s32 $0xFFFFFB00  }
0xdb: {  	_ =	swait.ge [sflag:s31], $0x500  }
0xdc: {  	[sflag:s31] =	ssyncset.done $0x0  }
0xdd: {  	[sflag:s31] =	ssyncadd.s32 $0xFFFFFB00  }
0xde: {  	_ =	swait.ge [sflag:s31], $0x500  }
0xdf: {  	[sflag:s31] =	ssyncset.done $0x0  }
0xe0: {  	[sflag:s31] =	ssyncadd.s32 $0xFFFFFB00  }
0xe1: {  	_ =	swait.ge [sflag:s31], $0x500  }
0xe2: {  	[sflag:s31] =	ssyncset.done $0x0  }
0xe3: {  	[sflag:s31] =	ssyncadd.s32 $0xFFFFFB00  }
0xe4: {  	_ =	swait.ge [sflag:s31], $0x500  }
0xe5: {  	[sflag:s31] =	ssyncset.done $0x0  }
0xe6: {  	[sflag:s31] =	ssyncadd.s32 $0xFFFFFB00  }
0xe7: {  	_ =	swait.ge [sflag:s31], $0x500  }
0xe8: {  	[sflag:s31] =	ssyncset.done $0x0  }
0xe9: {  	s1 =	simm.s32 $0x4C90;
	[sflag:s31] =	ssyncadd.s32 $0xFFFFFB00  }
0xea: {  	[spmem:s2] =	stream.indirect.scatter.add.f32 [tilespmem:s24], [sflag:$0x2], $0x10, s1, s23, $0xb8;
	[tilespmem:$0xD820] =	vst v63  }
0xeb: {  	s11 =	simm.s32 $0x4CE0  }
0xec: {  	[spmem:s2] =	stream.indirect.scatter.add.f32 [tilespmem:s25], [sflag:$0x2], $0x10, s11, s23, $0xb8;
	[tilespmem:$0xD820] =	vst v63  }
0xed: {  	s12 =	simm.s32 $0x4D30  }
0xee: {  	[spmem:s2] =	stream.indirect.scatter.add.f32 [tilespmem:s28], [sflag:$0x2], $0x10, s12, s23, $0xb8;
	[tilespmem:$0xD820] =	vst v63  }
0xef: {  	s13 =	simm.s32 $0x4D80  }
0xf0: {  	[spmem:s2] =	stream.indirect.scatter.add.f32 [tilespmem:s30], [sflag:$0x2], $0x10, s13, s23, $0xb8;
	[tilespmem:$0xD820] =	vst v63  }
0xf1: {  	s14 =	simm.s32 $0x4DD0  }
0xf2: {  	[spmem:s2] =	stream.indirect.scatter.add.f32 [tilespmem:s0], [sflag:$0x2], $0x10, s14, s23, $0xb8;
	[tilespmem:$0xD820] =	vst v63  }
0xf3: {  	_ =	swait.ge [sflag:s29], $0x500  }
0xf4: {  	[sflag:s29] =	ssyncset.done $0x0  }
0xf5: {  	[sflag:s29] =	ssyncadd.s32 $0xFFFFFB00  }
0xf6: {  	_ =	swait.ge [sflag:s29], $0x500  }
0xf7: {  	[sflag:s29] =	ssyncset.done $0x0  }
0xf8: {  	[sflag:s29] =	ssyncadd.s32 $0xFFFFFB00  }
0xf9: {  	_ =	swait.ge [sflag:s29], $0x500  }
0xfa: {  	[sflag:s29] =	ssyncset.done $0x0  }
0xfb: {  	[sflag:s29] =	ssyncadd.s32 $0xFFFFFB00  }
0xfc: {  	_ =	swait.ge [sflag:s29], $0x500  }
0xfd: {  	[sflag:s29] =	ssyncset.done $0x0  }
0xfe: {  	[sflag:s29] =	ssyncadd.s32 $0xFFFFFB00  }
0xff: {  	_ =	swait.ge [sflag:s29], $0x500  }
0x100: {  	[sflag:s29] =	ssyncset.done $0x0  }
0x101: {  	[sflag:s29] =	ssyncadd.s32 $0xFFFFFB00  }
0x102: {  	[bflag:$0x0] =	sbarrier.arrive $0xFFFF  }
0x103: {  	s15 =	sshrl.u32 s5, $0x3;
	s10 =	rddreg [dreg:$0x7]  }
0x104: {  	[hbm:s10], [sflag:s26] =	dma.local [spmem:s15], $0x100  }
0x105: {  	_ =	swait.ge [sflag:s20], $0x100  }
0x106: {  	[sflag:s20] =	ssyncset.done $0x0  }
0x107: {  	s10 =	sshrl.u32 s6, $0x3;
	s11 =	rddreg [dreg:$0x8];
	[sflag:s20] =	ssyncadd.s32 $0xFFFFFF00  }
0x108: {  	[hbm:s11], [sflag:s26] =	dma.local [spmem:s10], $0x100  }
0x109: {  	_ =	swait.ge [sflag:s20], $0x100  }
0x10a: {  	[sflag:s20] =	ssyncset.done $0x0  }
0x10b: {  	s12 =	sshrl.u32 s7, $0x3;
	s13 =	rddreg [dreg:$0x9];
	[sflag:s20] =	ssyncadd.s32 $0xFFFFFF00  }
0x10c: {  	[hbm:s13], [sflag:s26] =	dma.local [spmem:s12], $0x100  }
0x10d: {  	_ =	swait.ge [sflag:s20], $0x100  }
0x10e: {  	[sflag:s20] =	ssyncset.done $0x0  }
0x10f: {  	s14 =	sshrl.u32 s8, $0x3;
	[sflag:s20] =	ssyncadd.s32 $0xFFFFFF00  }
0x110: {  	[hbm:s16], [sflag:s26] =	dma.local [spmem:s14], $0x100  }
0x111: {  	s4 =	sadd.s32 $0x1, s4;
	_ =	swait.ge [sflag:s20], $0x100  }
0x112: {  	p0 =	sne.s32 s4, s18;
	[sflag:s20] =	ssyncset.done $0x0  }
.Ltmp2:
0x113: {  	s15 =	sshrl.u32 s9, $0x3;
	[sflag:s20] =	ssyncadd.s32 $0xFFFFFF00;
	(pc) =	sbr.rel @p0 .LBB2_1-.Ltmp2, $4  }
0x114: {  	[hbm:s17], [sflag:s26] =	dma.local [spmem:s15], $0x100  }
0x115: {  	_ =	swait.ge [sflag:s20], $0x100  }
0x116: {  	[sflag:s20] =	ssyncset.done $0x0  }
0x117: {  	[sflag:s20] =	ssyncadd.s32 $0xFFFFFF00  }
0x118: {  	_ =	sfence.sel $0x180000  }
0x119: {  	[bflag:$0x0] =	sbarrier.arrive $0xFFFF  }
0x11a: {  	_ =	strace $0x90000050  }
0x11b: {  	s0 =	stileid.u32;
	[bflag:$0x2] =	sbarrier.arrive $0xFFFF  }
0x11c: {  	p0 =	sne.s32 s0, $0x0;
	s0 =	rddreg [dreg:$0x3]  }
0x11d: {  	s0 =	sadd.s32 @!p0 $0x100000, s0  }
0x11e: {  	[sflag:s0] =	ssyncadd.tile.s32 @!p0 $0x1;
	_ =	shalt  }
.Lfunc_end2:
_tile_overlayer_lowered:
.L_overlay_start_2:
0x11f: {  	(tag) =	ssettag $0x2  }
0x120: {  	s0 =	rddreg [dreg:$0x0];
	s2 =	stileid.u32  }
0x121: {  	s1 =	rddreg [dreg:$0x1];
	p0 =	sne.s32 s2, $0x0  }
0x122: {  	s3 =	rddreg [dreg:$0x2];
	[bflag:$0x3] =	sbarrier.arrive $0xFFFF;
	s2 =	simm.s32 @!p0 $0x1C03  }
0x123: {  	[timem:s3], [sflag:s2] =	dma.local @!p0 [hbm:s0], s1  }
0x124: {  	s0 =	simm.s32 @!p0 $0x3  }
0x125: {  	_ =	swait.ge @!p0 [sflag:s0], s1  }
0x126: {  	s1 =	ssub.s32 @!p0 $0x0, s1;
	[sflag:s0] =	ssyncset.done @!p0 $0x0  }
0x127: {  	[sflag:s0] =	ssyncadd.s32 @!p0 s1  }
0x128: {  	[bflag:$0x3] =	sbarrier.arrive $0xFFFF  }
0x129: {  	_ =	shalt  }

</sc_bundles>
